<compile_context>
chip_gen: v7x
topology: tpu7x:2x2x1
jax: 0.10.2.dev20260603
libtpu: 0.0.44.dev20260713+nightly
codegen_flags: <defaults>
</compile_context>

<pallas_src>
import functools

import jax
import jax.numpy as jnp
from jax import lax
from jax.experimental import pallas as pl
from jax.experimental.pallas import tpu as pltpu
from jax.experimental.pallas import tpu_sc as plsc

N = 50000
E = 800000
G = 256
D = 64
DH = 32
NCONV = 3

NC = 2
NS = 16
NW = NC * NS

PER_W = E // NW
CG = 200
PER_S = E // NS
CS = 200

BN_BLK = 2000
BE_BLK = 4000

_MESH = plsc.VectorSubcoreMesh(
    core_axis_name="c", subcore_axis_name="s", num_cores=NC, num_subcores=NS)


@functools.partial(
    pl.kernel,
    out_type=[jax.ShapeDtypeStruct((E, 2 * D), jnp.float32),
              jax.ShapeDtypeStruct((E, 2 * D), jnp.float32)],
    mesh=_MESH,
    scratch_types=[pltpu.VMEM((CG,), jnp.int32),
                   pltpu.VMEM((CG,), jnp.int32),
                   pltpu.VMEM((CG,), jnp.int32),
                   pltpu.VMEM((CG,), jnp.int32),
                   pltpu.VMEM((CG, 2 * D), jnp.float32),
                   pltpu.VMEM((CG, 2 * D), jnp.float32),
                   pltpu.VMEM((CG, 2 * D), jnp.float32),
                   pltpu.VMEM((CG, 2 * D), jnp.float32),
                   pltpu.SemaphoreType.DMA((NC,)),
                   pltpu.SemaphoreType.DMA((NC,))],
    compiler_params=pltpu.CompilerParams(use_tc_tiling_on_sc=True),
)
def _gather2(td_hbm, ts_hbm, dst_hbm, src_hbm, gd_hbm, gs_hbm,
             di_v0, di_v1, si_v0, si_v1, dr_v0, dr_v1, sr_v0, sr_v1,
             sem_d, sem_s):
    di_vs, si_vs = (di_v0, di_v1), (si_v0, si_v1)
    dr_vs, sr_vs = (dr_v0, dr_v1), (sr_v0, sr_v1)
    wid = lax.axis_index("s") * NC + lax.axis_index("c")
    base = wid * PER_W

    def fire(k, slot):
        b = pl.multiple_of(base + k * CG, 8)
        pltpu.sync_copy(dst_hbm.at[pl.ds(b, CG)], di_vs[slot])
        pltpu.sync_copy(src_hbm.at[pl.ds(b, CG)], si_vs[slot])
        pltpu.async_copy(td_hbm.at[di_vs[slot]], dr_vs[slot],
                         sem_d.at[slot])
        pltpu.async_copy(ts_hbm.at[si_vs[slot]], sr_vs[slot],
                         sem_s.at[slot])

    def drain(k, slot):
        b = pl.multiple_of(base + k * CG, 8)
        pltpu.make_async_copy(td_hbm.at[di_vs[slot]], dr_vs[slot],
                              sem_d.at[slot]).wait()
        pltpu.make_async_copy(ts_hbm.at[si_vs[slot]], sr_vs[slot],
                              sem_s.at[slot]).wait()
        pltpu.sync_copy(dr_vs[slot], gd_hbm.at[pl.ds(b, CG)])
        pltpu.sync_copy(sr_vs[slot], gs_hbm.at[pl.ds(b, CG)])

    fire(0, 0)

    @pl.loop(0, (PER_W // CG - 1) // 2)
    def _(it):
        k0 = 1 + 2 * it
        fire(k0, 1)
        drain(k0 - 1, 0)
        fire(k0 + 1, 0)
        drain(k0, 1)

    drain(PER_W // CG - 1, 0)


@functools.partial(
    pl.kernel,
    out_type=jax.ShapeDtypeStruct((NC, N, DH), jnp.float32),
    mesh=_MESH,
    scratch_types=[pltpu.VMEM((CS,), jnp.int32),
                   pltpu.VMEM((CS,), jnp.int32),
                   pltpu.VMEM((CS, DH), jnp.float32),
                   pltpu.VMEM((CS, DH), jnp.float32),
                   pltpu.VMEM_SHARED((N, DH), jnp.float32),
                   pltpu.SemaphoreType.DMA((NC,)),
                   pltpu.SemaphoreType.DMA((NC,))],
    compiler_params=pltpu.CompilerParams(use_tc_tiling_on_sc=False),
)
def _scatter_add(msg_hbm, dst_hbm, zero_hbm, agg_hbm, idx_v0, idx_v1,
                 m_v0, m_v1, acc_sh, sem_i, sem_m):
    idx_vs = (idx_v0, idx_v1)
    m_vs = (m_v0, m_v1)
    c = lax.axis_index("c")
    s = lax.axis_index("s")

    @pl.when(s == 0)
    def _():
        pltpu.sync_copy(zero_hbm, acc_sh)

    plsc.subcore_barrier()
    base = s * PER_S

    def fire(k, slot):
        b = pl.multiple_of(base + k * CS, 8)
        pltpu.async_copy(dst_hbm.at[pl.ds(b, CS)], idx_vs[slot],
                         sem_i.at[slot])
        pltpu.async_copy(msg_hbm.at[pl.ds(b, CS), pl.ds(DH * c, DH)],
                         m_vs[slot], sem_m.at[slot])

    def add(k, slot):
        b = pl.multiple_of(base + k * CS, 8)
        pltpu.make_async_copy(dst_hbm.at[pl.ds(b, CS)], idx_vs[slot],
                              sem_i.at[slot]).wait()
        pltpu.make_async_copy(msg_hbm.at[pl.ds(b, CS), pl.ds(DH * c, DH)],
                              m_vs[slot], sem_m.at[slot]).wait()
        pltpu.sync_copy(m_vs[slot], acc_sh.at[idx_vs[slot]], add=True)

    fire(0, 0)

    @pl.loop(0, PER_S // CS // 2)
    def _(it):
        k0 = 2 * it

        @pl.when(k0 + 1 < PER_S // CS)
        def _():
            fire(k0 + 1, 1)

        add(k0, 0)

        @pl.when(k0 + 2 < PER_S // CS)
        def _():
            fire(k0 + 2, 0)

        @pl.when(k0 + 1 < PER_S // CS)
        def _():
            add(k0 + 1, 1)

    plsc.subcore_barrier()
    n_chunks = N // 400

    @pl.loop(0, (n_chunks + NS - 1) // NS)
    def _(k):
        chunk = s + k * NS

        @pl.when(chunk < n_chunks)
        def _():
            r0 = pl.multiple_of(chunk * 400, 8)
            pltpu.sync_copy(acc_sh.at[pl.ds(r0, 400)],
                            agg_hbm.at[c, pl.ds(r0, 400)])


def _node_proj_body(x_ref, w_ref, b_ref, h_ref, st_ref):
    h = jax.nn.softplus(
        jnp.dot(x_ref[...], w_ref[...], preferred_element_type=jnp.float32)
        + b_ref[...])
    h_ref[...] = h
    contrib = jnp.sum(h, axis=0, keepdims=True)

    @pl.when(pl.program_id(0) == 0)
    def _():
        st_ref[...] = contrib

    @pl.when(pl.program_id(0) != 0)
    def _():
        st_ref[...] += contrib


def _node_proj(x, w, b):
    nb = N // BN_BLK
    return pl.pallas_call(
        _node_proj_body,
        grid=(nb,),
        in_specs=[pl.BlockSpec((BN_BLK, x.shape[1]), lambda i: (i, 0)),
                  pl.BlockSpec(w.shape, lambda i: (0, 0)),
                  pl.BlockSpec(b.shape, lambda i: (0, 0))],
        out_specs=[pl.BlockSpec((BN_BLK, D), lambda i: (i, 0)),
                   pl.BlockSpec((1, D), lambda i: (0, 0))],
        out_shape=[jax.ShapeDtypeStruct((N, D), jnp.float32),
                   jax.ShapeDtypeStruct((1, D), jnp.float32)],
    )(x, w, b)


def _add_stats_body(h_ref, agg_ref, hn_ref, st_ref):
    a = agg_ref[...]
    hn = h_ref[...] + jnp.concatenate([a[0], a[1]], axis=-1)
    hn_ref[...] = hn
    contrib = jnp.sum(hn, axis=0, keepdims=True)

    @pl.when(pl.program_id(0) == 0)
    def _():
        st_ref[...] = contrib

    @pl.when(pl.program_id(0) != 0)
    def _():
        st_ref[...] += contrib


def _add_stats(h, agg):
    nb = N // BN_BLK
    return pl.pallas_call(
        _add_stats_body,
        grid=(nb,),
        in_specs=[pl.BlockSpec((BN_BLK, D), lambda i: (i, 0)),
                  pl.BlockSpec((NC, BN_BLK, DH), lambda i: (0, i, 0))],
        out_specs=[pl.BlockSpec((BN_BLK, D), lambda i: (i, 0)),
                   pl.BlockSpec((1, D), lambda i: (0, 0))],
        out_shape=[jax.ShapeDtypeStruct((N, D), jnp.float32),
                   jax.ShapeDtypeStruct((1, D), jnp.float32)],
    )(h, agg)


def _var_body(h_ref, mu_ref, st_ref):
    d = h_ref[...] - mu_ref[...]
    contrib = jnp.sum(d * d, axis=0, keepdims=True)

    @pl.when(pl.program_id(0) == 0)
    def _():
        st_ref[...] = contrib

    @pl.when(pl.program_id(0) != 0)
    def _():
        st_ref[...] += contrib


def _var_pass(h, mu):
    nb = N // BN_BLK
    return pl.pallas_call(
        _var_body,
        grid=(nb,),
        in_specs=[pl.BlockSpec((BN_BLK, D), lambda i: (i, 0)),
                  pl.BlockSpec((1, D), lambda i: (0, 0))],
        out_specs=pl.BlockSpec((1, D), lambda i: (0, 0)),
        out_shape=jax.ShapeDtypeStruct((1, D), jnp.float32),
    )(h, mu)


def _affine_proj_body(h_ref, g_ref, b_ref, mu_ref, den_ref, wd_ref, ws_ref,
                      o_ref, td_ref, ts_ref):
    hh = g_ref[...] * (h_ref[...] - mu_ref[...]) / den_ref[...] + b_ref[...]
    o_ref[...] = hh
    td_ref[...] = jnp.dot(hh, wd_ref[...], preferred_element_type=jnp.float32)
    ts_ref[...] = jnp.dot(hh, ws_ref[...], preferred_element_type=jnp.float32)


def _affine_proj(h, g, b, mu, den, wd, ws):
    nb = N // BN_BLK
    return pl.pallas_call(
        _affine_proj_body,
        grid=(nb,),
        in_specs=[pl.BlockSpec((BN_BLK, D), lambda i: (i, 0)),
                  pl.BlockSpec((1, D), lambda i: (0, 0)),
                  pl.BlockSpec((1, D), lambda i: (0, 0)),
                  pl.BlockSpec((1, D), lambda i: (0, 0)),
                  pl.BlockSpec((1, D), lambda i: (0, 0)),
                  pl.BlockSpec(wd.shape, lambda i: (0, 0)),
                  pl.BlockSpec(ws.shape, lambda i: (0, 0))],
        out_specs=[pl.BlockSpec((BN_BLK, D), lambda i: (i, 0)),
                   pl.BlockSpec((BN_BLK, 2 * D), lambda i: (i, 0)),
                   pl.BlockSpec((BN_BLK, 2 * D), lambda i: (i, 0))],
        out_shape=[jax.ShapeDtypeStruct((N, D), jnp.float32),
                   jax.ShapeDtypeStruct((N, 2 * D), jnp.float32),
                   jax.ShapeDtypeStruct((N, 2 * D), jnp.float32)],
        compiler_params=pltpu.CompilerParams(
            dimension_semantics=("parallel",)),
    )(h, g, b, mu, den, wd, ws)


def _affine_body(h_ref, g_ref, b_ref, mu_ref, den_ref, o_ref):
    o_ref[...] = (g_ref[...] * (h_ref[...] - mu_ref[...]) / den_ref[...]
                  + b_ref[...])


def _affine(h, g, b, mu, den):
    nb = N // BN_BLK
    return pl.pallas_call(
        _affine_body,
        grid=(nb,),
        in_specs=[pl.BlockSpec((BN_BLK, D), lambda i: (i, 0)),
                  pl.BlockSpec((1, D), lambda i: (0, 0)),
                  pl.BlockSpec((1, D), lambda i: (0, 0)),
                  pl.BlockSpec((1, D), lambda i: (0, 0)),
                  pl.BlockSpec((1, D), lambda i: (0, 0))],
        out_specs=pl.BlockSpec((BN_BLK, D), lambda i: (i, 0)),
        out_shape=jax.ShapeDtypeStruct((N, D), jnp.float32),
    )(h, g, b, mu, den)


def _edge_body(gd_ref, gs_ref, ea0_ref, ea1_ref, wept_ref, bept_ref,
               wfe_ref, bf_ref, wse_ref, bs_ref, msg_ref):
    r = lambda v: v.astype(jnp.bfloat16).astype(jnp.float32)
    a0 = r(ea0_ref[0])
    a1 = r(ea1_ref[0])
    wept = wept_ref[...]
    e_t = jax.nn.softplus(r(wept[:, 0:1]) * a0 + r(wept[:, 1:2]) * a1
                          + bept_ref[...])
    g = gd_ref[...] + gs_ref[...]
    dotT = lambda et, w: lax.dot_general(
        et, w, dimension_numbers=(((0,), (0,)), ((), ())),
        preferred_element_type=jnp.float32)
    zf = g[:, :D] + dotT(e_t, wfe_ref[...]) + bf_ref[...]
    zs = g[:, D:] + dotT(e_t, wse_ref[...]) + bs_ref[...]
    m = jax.nn.sigmoid(zf) * jax.nn.softplus(zs)
    msg_ref[...] = jnp.concatenate([m, m], axis=-1)


def _edge_compute(gd, gs, ea0, ea1, wept, bept, wfe, bf_l, wse, bs_l):
    nb = E // BE_BLK
    return pl.pallas_call(
        _edge_body,
        grid=(nb,),
        in_specs=[pl.BlockSpec((BE_BLK, 2 * D), lambda i: (i, 0)),
                  pl.BlockSpec((BE_BLK, 2 * D), lambda i: (i, 0)),
                  pl.BlockSpec((1, 1, BE_BLK), lambda i: (i, 0, 0)),
                  pl.BlockSpec((1, 1, BE_BLK), lambda i: (i, 0, 0)),
                  pl.BlockSpec(wept.shape, lambda i: (0, 0)),
                  pl.BlockSpec(bept.shape, lambda i: (0, 0)),
                  pl.BlockSpec(wfe.shape, lambda i: (0, 0)),
                  pl.BlockSpec((1, D), lambda i: (0, 0)),
                  pl.BlockSpec(wse.shape, lambda i: (0, 0)),
                  pl.BlockSpec((1, D), lambda i: (0, 0))],
        out_specs=pl.BlockSpec((BE_BLK, 2 * D), lambda i: (i, 0)),
        out_shape=jax.ShapeDtypeStruct((E, 2 * D), jnp.float32),
        compiler_params=pltpu.CompilerParams(
            dimension_semantics=("parallel",)),
    )(gd, gs, ea0, ea1, wept, bept, wfe, bf_l, wse, bs_l)


def _pool_body(h_ref, bat_ref, w1_ref, b1_ref, w2_ref, b2_ref,
               wo_ref, bo_ref, o_ref, acc_ref):
    bids = bat_ref[0, 0, :]
    oneh_t = (lax.broadcasted_iota(jnp.int32, (G, BN_BLK), 0)
              == bids[None, :]).astype(jnp.float32)
    h = h_ref[...]
    hb = jnp.concatenate([h, jnp.ones((BN_BLK, 1), jnp.float32)], axis=-1)
    contrib = jnp.dot(oneh_t, hb, preferred_element_type=jnp.float32,
                      precision=lax.Precision.HIGHEST)

    @pl.when(pl.program_id(0) == 0)
    def _():
        acc_ref[...] = contrib

    @pl.when(pl.program_id(0) != 0)
    def _():
        acc_ref[...] += contrib

    @pl.when(pl.program_id(0) == pl.num_programs(0) - 1)
    def _():
        acc = acc_ref[...]
        pooled = acc[:, :D] / jnp.maximum(acc[:, D:D + 1], 1.0)
        f = jax.nn.softplus(
            jnp.dot(pooled, w1_ref[...], preferred_element_type=jnp.float32)
            + b1_ref[...])
        f = jax.nn.softplus(
            jnp.dot(f, w2_ref[...], preferred_element_type=jnp.float32)
            + b2_ref[...])
        o_ref[...] = (jnp.dot(f, wo_ref[...],
                              preferred_element_type=jnp.float32)
                      + bo_ref[...])


def _pool_mlp(h, bat3, w1, b1, w2, b2, wo, bo):
    nb = N // BN_BLK
    hdim = w1.shape[1]
    return pl.pallas_call(
        _pool_body,
        grid=(nb,),
        in_specs=[pl.BlockSpec((BN_BLK, D), lambda i: (i, 0)),
                  pl.BlockSpec((1, 1, BN_BLK), lambda i: (i, 0, 0)),
                  pl.BlockSpec(w1.shape, lambda i: (0, 0)),
                  pl.BlockSpec(b1.shape, lambda i: (0, 0)),
                  pl.BlockSpec(w2.shape, lambda i: (0, 0)),
                  pl.BlockSpec(b2.shape, lambda i: (0, 0)),
                  pl.BlockSpec(wo.shape, lambda i: (0, 0)),
                  pl.BlockSpec(bo.shape, lambda i: (0, 0))],
        out_specs=pl.BlockSpec((G, wo.shape[1]), lambda i: (0, 0)),
        out_shape=jax.ShapeDtypeStruct((G, wo.shape[1]), jnp.float32),
        scratch_shapes=[pltpu.VMEM((G, D + 1), jnp.float32)],
    )(h, bat3, w1, b1, w2, b2, wo, bo)


def _bn_stats(h, s1):
    mu = s1 / N
    var = _var_pass(h, mu) / N
    den = jnp.sqrt(var + 1e-5)
    return mu, den


def kernel(x, edge_index, edge_attr, batch, W_np, b_np, bn0_g, bn0_b,
           W_ep, b_ep, Wf, bf, Ws, bs, bn_g, bn_b, W1, b1, W2, b2,
           W_sh, b_sh, W_bk, b_bk, W_yg, b_yg):
    src = edge_index[0]
    dst = edge_index[1]

    hn, s1 = _node_proj(x, W_np, b_np.reshape(1, D))
    mu, den = _bn_stats(hn, s1)
    g_l, b_l = bn0_g.reshape(1, D), bn0_b.reshape(1, D)

    zero = jnp.zeros((N, DH), jnp.float32)
    nbe = E // BE_BLK
    ea0 = edge_attr[:, 0].reshape(nbe, 1, BE_BLK)
    ea1 = edge_attr[:, 1].reshape(nbe, 1, BE_BLK)
    wept = W_ep.T
    bept = b_ep.reshape(-1, 1)
    for l in range(NCONV):
        wd_l = jnp.concatenate([Wf[l][:D], Ws[l][:D]], axis=1)
        wsrc_l = jnp.concatenate([Wf[l][D:2 * D], Ws[l][D:2 * D]], axis=1)
        h, td, ts = _affine_proj(hn, g_l, b_l, mu, den, wd_l, wsrc_l)
        gd, gs = _gather2(td, ts, dst, src)
        msg = _edge_compute(gd, gs, ea0, ea1, wept, bept,
                            Wf[l][2 * D:], bf[l].reshape(1, D),
                            Ws[l][2 * D:], bs[l].reshape(1, D))
        agg = _scatter_add(msg, dst, zero)
        hn, s1 = _add_stats(h, agg)
        mu, den = _bn_stats(hn, s1)
        g_l, b_l = bn_g[l].reshape(1, D), bn_b[l].reshape(1, D)
    h = _affine(hn, g_l, b_l, mu, den)

    wo = jnp.concatenate([W_sh, W_bk, W_yg], axis=1)
    bo = jnp.stack([b_sh[0], b_bk[0], b_yg[0]]).reshape(1, 3)
    out3 = _pool_mlp(h, batch.reshape(N // BN_BLK, 1, BN_BLK),
                     W1, b1.reshape(1, -1), W2, b2.reshape(1, -1), wo, bo)
    return out3[:, 0], out3[:, 1], out3[:, 2]

# --- scband reference (transcript-rebuilt; emitter-appended) ---
"""Pipeline reference for scband-cgcnn-elastic-73632919322662 (READ-ONLY COPY).

The authoritative reference and input builder live on the scoring server;
editing this copy changes nothing except your own understanding.
"""

import jax, jax.numpy as jnp
import numpy as np

N = 50000
E = 800000
G = 256
D_IN = 13
E_IN = 2
D = 64
DE = 32
H = 128
NCONV = 3


def _bn(h, g, b):
    mu = h.mean(axis=0)
    var = h.var(axis=0)
    return g * (h - mu) / jnp.sqrt(var + 1e-5) + b


def setup_inputs(seed: int = 0) -> dict:
    key = jax.random.key(seed)
    ks = jax.random.split(key, 16)
    w = lambda k, s: (jax.random.normal(k, s, dtype=jnp.float32) * 0.05)
    Z = 2 * D + DE
    inp = {}
    inp['x'] = jax.random.normal(ks[0], (N, D_IN), dtype=jnp.float32)
    inp['edge_index'] = jax.random.randint(ks[1], (2, E), 0, N, dtype=jnp.int32)
    inp['edge_attr'] = jax.random.uniform(ks[2], (E, E_IN), dtype=jnp.float32)
    inp['batch'] = jnp.sort(jax.random.randint(ks[3], (N,), 0, G, dtype=jnp.int32))
    inp['W_np'] = w(ks[4], (D_IN, D)); inp['b_np'] = jnp.zeros((D,), jnp.float32)
    inp['bn0_g'] = jnp.ones((D,), jnp.float32); inp['bn0_b'] = jnp.zeros((D,), jnp.float32)
    inp['W_ep'] = w(ks[5], (E_IN, DE)); inp['b_ep'] = jnp.zeros((DE,), jnp.float32)
    inp['Wf'] = w(ks[6], (NCONV, Z, D)); inp['bf'] = jnp.zeros((NCONV, D), jnp.float32)
    inp['Ws'] = w(ks[7], (NCONV, Z, D)); inp['bs'] = jnp.zeros((NCONV, D), jnp.float32)
    inp['bn_g'] = jnp.ones((NCONV, D), jnp.float32); inp['bn_b'] = jnp.zeros((NCONV, D), jnp.float32)
    inp['W1'] = w(ks[8], (D, H)); inp['b1'] = jnp.zeros((H,), jnp.float32)
    inp['W2'] = w(ks[9], (H, H)); inp['b2'] = jnp.zeros((H,), jnp.float32)
    inp['W_sh'] = w(ks[10], (H, 1)); inp['b_sh'] = jnp.zeros((1,), jnp.float32)
    inp['W_bk'] = w(ks[11], (H, 1)); inp['b_bk'] = jnp.zeros((1,), jnp.float32)
    inp['W_yg'] = w(ks[12], (H, 1)); inp['b_yg'] = jnp.zeros((1,), jnp.float32)
    return inp


def reference(x, edge_index, edge_attr, batch, W_np, b_np, bn0_g, bn0_b, W_ep, b_ep,
              Wf, bf, Ws, bs, bn_g, bn_b, W1, b1, W2, b2,
              W_sh, b_sh, W_bk, b_bk, W_yg, b_yg):
    # node projection: Linear -> Softplus -> BatchNorm1d
    h = jax.nn.softplus(x @ W_np + b_np)
    h = _bn(h, bn0_g, bn0_b)
    # edge projection: Linear -> Softplus
    e = jax.nn.softplus(edge_attr @ W_ep + b_ep)
    src = edge_index[0]
    dst = edge_index[1]
    for l in range(NCONV):
        # CGConv-style gated message passing: z = [x_dst, x_src, e]
        z = jnp.concatenate([h[dst], h[src], e], axis=-1)
        gate = jax.nn.sigmoid(z @ Wf[l] + bf[l])
        core = jax.nn.softplus(z @ Ws[l] + bs[l])
        agg = jax.ops.segment_sum(gate * core, dst, num_segments=N)
        h = h + agg
        h = _bn(h, bn_g[l], bn_b[l])
    # global mean pool over graphs
    sums = jax.ops.segment_sum(h, batch, num_segments=G)
    cnt = jax.ops.segment_sum(jnp.ones((h.shape[0], 1), h.dtype), batch, num_segments=G)
    pooled = sums / jnp.clip(cnt, 1.0)
    # shared MLP (dropout = identity in eval)
    f = jax.nn.softplus(pooled @ W1 + b1)
    f = jax.nn.softplus(f @ W2 + b2)
    shear = (f @ W_sh + b_sh)[:, 0]
    bulk = (f @ W_bk + b_bk)[:, 0]
    youngs = (f @ W_yg + b_yg)[:, 0]
    return (shear, bulk, youngs)

if __name__ == "__main__":
    import jax
    _d = setup_inputs()
    print(jax.jit(kernel)(*tuple(_d.values())))

</pallas_src>

<mosaic_0001>
#map = affine_map<(d0, d1) -> (0, 0)>
#map1 = affine_map<(d0, d1) -> (0)>
#map2 = affine_map<(d0, d1) -> (0, 0, 0)>
module attributes {stable_mosaic.version = 14 : i64} {
  func.func @_scatter_add(%arg0: i32, %arg1: i32, %arg2: memref<800000x128xf32, #tpu.memory_space<hbm>>, %arg3: memref<800000xi32, #tpu.memory_space<hbm>>, %arg4: memref<50000x32xf32, #tpu.memory_space<hbm>>, %arg5: memref<2x50000x32xf32, #tpu.memory_space<hbm>>, %arg6: memref<200xi32, #tpu.memory_space<vmem>>, %arg7: memref<200xi32, #tpu.memory_space<vmem>>, %arg8: memref<200x32xf32, #tpu.memory_space<vmem>>, %arg9: memref<200x32xf32, #tpu.memory_space<vmem>>, %arg10: memref<50000x32xf32, #tpu.memory_space<vmem_shared>>, %arg11: memref<2x!tpu.dma_semaphore, #tpu.memory_space<semaphore_mem>>, %arg12: memref<2x!tpu.dma_semaphore, #tpu.memory_space<semaphore_mem>>) attributes {dimension_semantics = [#tpu.dimension_semantics<core_parallel>, #tpu.dimension_semantics<subcore_parallel>], iteration_bounds = array<i64: 2, 16>, scalar_prefetch = 0 : i64, scratch_operands = 7 : i64, tpu.core_type = #tpu.core_type<sc_vector_subcore>, window_params = [{transform_indices = #map}, {transform_indices = #map1}, {transform_indices = #map}, {transform_indices = #map2}]} {
    %eq3A = arith.constant 0 : i32
    %eq3A_0 = arith.cmpi eq, %arg1, %eq3A : i32
    %convert_element_type3A = arith.extui %eq3A_0 : i1 to i32
    %cond3A = arith.constant 0 : i32
    %cond3A_1 = arith.cmpi ne, %convert_element_type3A, %cond3A : i32
    scf.if %cond3A_1 {
      "tpu.region"() ({
        %run_scoped3A = tpu.sem_alloc : memref<!tpu.dma_semaphore, #tpu.memory_space<semaphore_mem>>
        tpu.enqueue_dma source(%arg4 : memref<50000x32xf32, #tpu.memory_space<hbm>>) target(%arg10 : memref<50000x32xf32, #tpu.memory_space<vmem_shared>>) target_semaphore(%run_scoped3A : memref<!tpu.dma_semaphore, #tpu.memory_space<semaphore_mem>>)
        tpu.wait_dma2 semaphore(%run_scoped3A : memref<!tpu.dma_semaphore, #tpu.memory_space<semaphore_mem>>) src(%arg4 : memref<50000x32xf32, #tpu.memory_space<hbm>>) dst(%arg10 : memref<50000x32xf32, #tpu.memory_space<vmem_shared>>)
        tpu.yield
      }) : () -> ()
    } else {
    }
    %barrier3A = arith.constant 0 : index
    tpu.barrier barrier_id(%barrier3A)
    %mul3A = arith.constant 50000 : i32
    %mul3A_2 = arith.muli %arg1, %mul3A : i32
    %add3A = arith.constant 0 : i32
    %add3A_3 = arith.addi %mul3A_2, %add3A : i32
    %multiple_of3A = tpu.assume_multiple %add3A_3, 8 : i32
    %dma_start3A = arith.constant 0 : i32
    %dma_start3A_4 = tpu.memref_slice %arg3[%multiple_of3A] : memref<800000xi32, #tpu.memory_space<hbm>> -> memref<200xi32, #tpu.memory_space<hbm>>
    %dma_start3A_5 = tpu.memref_slice %arg11[%dma_start3A] : memref<2x!tpu.dma_semaphore, #tpu.memory_space<semaphore_mem>> -> memref<1x!tpu.dma_semaphore, #tpu.memory_space<semaphore_mem>>
    %dma_start3A_6 = tpu.memref_squeeze %dma_start3A_5 : memref<1x!tpu.dma_semaphore, #tpu.memory_space<semaphore_mem>> -> memref<!tpu.dma_semaphore, #tpu.memory_space<semaphore_mem>>
    %dma_start3A_7 = tpu.memref_slice %arg3[%multiple_of3A] : memref<800000xi32, #tpu.memory_space<hbm>> -> memref<200xi32, #tpu.memory_space<hbm>>
    tpu.enqueue_dma source(%dma_start3A_7 : memref<200xi32, #tpu.memory_space<hbm>>) target(%arg6 : memref<200xi32, #tpu.memory_space<vmem>>) target_semaphore(%dma_start3A_6 : memref<!tpu.dma_semaphore, #tpu.memory_space<semaphore_mem>>)
    %mul3A_8 = arith.constant 32 : i32
    %mul3A_9 = arith.muli %mul3A_8, %arg0 : i32
    %dma_start3A_10 = arith.constant 0 : i32
    %dma_start3A_11 = tpu.memref_slice %arg2[%multiple_of3A, %mul3A_9] : memref<800000x128xf32, #tpu.memory_space<hbm>> -> memref<200x32xf32, #tpu.memory_space<hbm>>
    %dma_start3A_12 = tpu.memref_slice %arg12[%dma_start3A_10] : memref<2x!tpu.dma_semaphore, #tpu.memory_space<semaphore_mem>> -> memref<1x!tpu.dma_semaphore, #tpu.memory_space<semaphore_mem>>
    %dma_start3A_13 = tpu.memref_squeeze %dma_start3A_12 : memref<1x!tpu.dma_semaphore, #tpu.memory_space<semaphore_mem>> -> memref<!tpu.dma_semaphore, #tpu.memory_space<semaphore_mem>>
    %dma_start3A_14 = tpu.memref_slice %arg2[%multiple_of3A, %mul3A_9] : memref<800000x128xf32, #tpu.memory_space<hbm>> -> memref<200x32xf32, #tpu.memory_space<hbm>>
    tpu.enqueue_dma source(%dma_start3A_14 : memref<200x32xf32, #tpu.memory_space<hbm>>) target(%arg8 : memref<200x32xf32, #tpu.memory_space<vmem>>) target_semaphore(%dma_start3A_13 : memref<!tpu.dma_semaphore, #tpu.memory_space<semaphore_mem>>)
    %scan3A = arith.constant 0 : i32
    %scan3A_15 = arith.constant 125 : i32
    %scan3A_16 = arith.addi %scan3A, %scan3A_15 : i32
    %scan3A_17 = arith.constant 1 : i32
    scf.for %scan3A_25 = %scan3A to %scan3A_16 step %scan3A_17  : i32 {
      %mul3A_26 = arith.constant 1 : i32
      %mul3A_27 = arith.muli %scan3A_25, %mul3A_26 : i32
      %add3A_28 = arith.constant 0 : i32
      %add3A_29 = arith.addi %add3A_28, %mul3A_27 : i32
      %mul3A_30 = arith.constant 2 : i32
      %mul3A_31 = arith.muli %mul3A_30, %add3A_29 : i32
      %add3A_32 = arith.constant 1 : i32
      %add3A_33 = arith.addi %mul3A_31, %add3A_32 : i32
      %lt3A = arith.constant 250 : i32
      %lt3A_34 = arith.cmpi slt, %add3A_33, %lt3A : i32
      %convert_element_type3A_35 = arith.extui %lt3A_34 : i1 to i32
      %cond3A_36 = arith.constant 0 : i32
      %cond3A_37 = arith.cmpi ne, %convert_element_type3A_35, %cond3A_36 : i32
      scf.if %cond3A_37 {
        %add3A_67 = arith.constant 1 : i32
        %add3A_68 = arith.addi %mul3A_31, %add3A_67 : i32
        %mul3A_69 = arith.constant 200 : i32
        %mul3A_70 = arith.muli %add3A_68, %mul3A_69 : i32
        %add3A_71 = arith.addi %mul3A_2, %mul3A_70 : i32
        %multiple_of3A_72 = tpu.assume_multiple %add3A_71, 8 : i32
        %dma_start3A_73 = arith.constant 1 : i32
        %dma_start3A_74 = tpu.memref_slice %arg3[%multiple_of3A_72] : memref<800000xi32, #tpu.memory_space<hbm>> -> memref<200xi32, #tpu.memory_space<hbm>>
        %dma_start3A_75 = tpu.memref_slice %arg11[%dma_start3A_73] : memref<2x!tpu.dma_semaphore, #tpu.memory_space<semaphore_mem>> -> memref<1x!tpu.dma_semaphore, #tpu.memory_space<semaphore_mem>>
        %dma_start3A_76 = tpu.memref_squeeze %dma_start3A_75 : memref<1x!tpu.dma_semaphore, #tpu.memory_space<semaphore_mem>> -> memref<!tpu.dma_semaphore, #tpu.memory_space<semaphore_mem>>
        %dma_start3A_77 = tpu.memref_slice %arg3[%multiple_of3A_72] : memref<800000xi32, #tpu.memory_space<hbm>> -> memref<200xi32, #tpu.memory_space<hbm>>
        tpu.enqueue_dma source(%dma_start3A_77 : memref<200xi32, #tpu.memory_space<hbm>>) target(%arg7 : memref<200xi32, #tpu.memory_space<vmem>>) target_semaphore(%dma_start3A_76 : memref<!tpu.dma_semaphore, #tpu.memory_space<semaphore_mem>>)
        %mul3A_78 = arith.constant 32 : i32
        %mul3A_79 = arith.muli %mul3A_78, %arg0 : i32
        %dma_start3A_80 = arith.constant 1 : i32
        %dma_start3A_81 = tpu.memref_slice %arg2[%multiple_of3A_72, %mul3A_79] : memref<800000x128xf32, #tpu.memory_space<hbm>> -> memref<200x32xf32, #tpu.memory_space<hbm>>
        %dma_start3A_82 = tpu.memref_slice %arg12[%dma_start3A_80] : memref<2x!tpu.dma_semaphore, #tpu.memory_space<semaphore_mem>> -> memref<1x!tpu.dma_semaphore, #tpu.memory_space<semaphore_mem>>
        %dma_start3A_83 = tpu.memref_squeeze %dma_start3A_82 : memref<1x!tpu.dma_semaphore, #tpu.memory_space<semaphore_mem>> -> memref<!tpu.dma_semaphore, #tpu.memory_space<semaphore_mem>>
        %dma_start3A_84 = tpu.memref_slice %arg2[%multiple_of3A_72, %mul3A_79] : memref<800000x128xf32, #tpu.memory_space<hbm>> -> memref<200x32xf32, #tpu.memory_space<hbm>>
        tpu.enqueue_dma source(%dma_start3A_84 : memref<200x32xf32, #tpu.memory_space<hbm>>) target(%arg9 : memref<200x32xf32, #tpu.memory_space<vmem>>) target_semaphore(%dma_start3A_83 : memref<!tpu.dma_semaphore, #tpu.memory_space<semaphore_mem>>)
      } else {
      }
      %mul3A_38 = arith.constant 200 : i32
      %mul3A_39 = arith.muli %mul3A_31, %mul3A_38 : i32
      %add3A_40 = arith.addi %mul3A_2, %mul3A_39 : i32
      %multiple_of3A_41 = tpu.assume_multiple %add3A_40, 8 : i32
      %dma_wait3A = arith.constant 0 : i32
      %dma_wait3A_42 = tpu.memref_slice %arg3[%multiple_of3A_41] : memref<800000xi32, #tpu.memory_space<hbm>> -> memref<200xi32, #tpu.memory_space<hbm>>
      %dma_wait3A_43 = tpu.memref_slice %arg11[%dma_wait3A] : memref<2x!tpu.dma_semaphore, #tpu.memory_space<semaphore_mem>> -> memref<1x!tpu.dma_semaphore, #tpu.memory_space<semaphore_mem>>
      %dma_wait3A_44 = tpu.memref_squeeze %dma_wait3A_43 : memref<1x!tpu.dma_semaphore, #tpu.memory_space<semaphore_mem>> -> memref<!tpu.dma_semaphore, #tpu.memory_space<semaphore_mem>>
      %dma_wait3A_45 = tpu.memref_slice %arg3[%multiple_of3A_41] : memref<800000xi32, #tpu.memory_space<hbm>> -> memref<200xi32, #tpu.memory_space<hbm>>
      tpu.wait_dma2 semaphore(%dma_wait3A_44 : memref<!tpu.dma_semaphore, #tpu.memory_space<semaphore_mem>>) src(%dma_wait3A_45 : memref<200xi32, #tpu.memory_space<hbm>>) dst(%arg6 : memref<200xi32, #tpu.memory_space<vmem>>)
      %mul3A_46 = arith.constant 32 : i32
      %mul3A_47 = arith.muli %mul3A_46, %arg0 : i32
      %dma_wait3A_48 = arith.constant 0 : i32
      %dma_wait3A_49 = tpu.memref_slice %arg2[%multiple_of3A_41, %mul3A_47] : memref<800000x128xf32, #tpu.memory_space<hbm>> -> memref<200x32xf32, #tpu.memory_space<hbm>>
      %dma_wait3A_50 = tpu.memref_slice %arg12[%dma_wait3A_48] : memref<2x!tpu.dma_semaphore, #tpu.memory_space<semaphore_mem>> -> memref<1x!tpu.dma_semaphore, #tpu.memory_space<semaphore_mem>>
      %dma_wait3A_51 = tpu.memref_squeeze %dma_wait3A_50 : memref<1x!tpu.dma_semaphore, #tpu.memory_space<semaphore_mem>> -> memref<!tpu.dma_semaphore, #tpu.memory_space<semaphore_mem>>
      %dma_wait3A_52 = tpu.memref_slice %arg2[%multiple_of3A_41, %mul3A_47] : memref<800000x128xf32, #tpu.memory_space<hbm>> -> memref<200x32xf32, #tpu.memory_space<hbm>>
      tpu.wait_dma2 semaphore(%dma_wait3A_51 : memref<!tpu.dma_semaphore, #tpu.memory_space<semaphore_mem>>) src(%dma_wait3A_52 : memref<200x32xf32, #tpu.memory_space<hbm>>) dst(%arg8 : memref<200x32xf32, #tpu.memory_space<vmem>>)
      "tpu.region"() ({
        %run_scoped3A = tpu.sem_alloc : memref<!tpu.dma_semaphore, #tpu.memory_space<semaphore_mem>>
        %dma_start3A_67 = arith.constant 0 : i32
        %dma_start3A_68 = arith.constant 0 : i32
        %dma_start3A_69 = tpu.memref_slice %arg10[%dma_start3A_67, %dma_start3A_68] : memref<50000x32xf32, #tpu.memory_space<vmem_shared>> -> memref<50000x32xf32, #tpu.memory_space<vmem_shared>>
        tpu.enqueue_indirect_dma source(%arg8 : memref<200x32xf32, #tpu.memory_space<vmem>>) target(%dma_start3A_69 : memref<50000x32xf32, #tpu.memory_space<vmem_shared>>) offsets(%arg6 : memref<200xi32, #tpu.memory_space<vmem>>) semaphore(%run_scoped3A : memref<!tpu.dma_semaphore, #tpu.memory_space<semaphore_mem>>) {add = true}
        %dma_wait3A_70 = arith.constant 0 : i32
        %dma_wait3A_71 = arith.constant 0 : i32
        %dma_wait3A_72 = tpu.memref_slice %arg10[%dma_wait3A_70, %dma_wait3A_71] : memref<50000x32xf32, #tpu.memory_space<vmem_shared>> -> memref<50000x32xf32, #tpu.memory_space<vmem_shared>>
        tpu.wait_indirect_dma semaphore(%run_scoped3A : memref<!tpu.dma_semaphore, #tpu.memory_space<semaphore_mem>>) src(%arg8 : memref<200x32xf32, #tpu.memory_space<vmem>>) dst(%dma_wait3A_72 : memref<50000x32xf32, #tpu.memory_space<vmem_shared>>)
        tpu.yield
      }) : () -> ()
      %add3A_53 = arith.constant 2 : i32
      %add3A_54 = arith.addi %mul3A_31, %add3A_53 : i32
      %lt3A_55 = arith.constant 250 : i32
      %lt3A_56 = arith.cmpi slt, %add3A_54, %lt3A_55 : i32
      %convert_element_type3A_57 = arith.extui %lt3A_56 : i1 to i32
      %cond3A_58 = arith.constant 0 : i32
      %cond3A_59 = arith.cmpi ne, %convert_element_type3A_57, %cond3A_58 : i32
      scf.if %cond3A_59 {
        %add3A_67 = arith.constant 2 : i32
        %add3A_68 = arith.addi %mul3A_31, %add3A_67 : i32
        %mul3A_69 = arith.constant 200 : i32
        %mul3A_70 = arith.muli %add3A_68, %mul3A_69 : i32
        %add3A_71 = arith.addi %mul3A_2, %mul3A_70 : i32
        %multiple_of3A_72 = tpu.assume_multiple %add3A_71, 8 : i32
        %dma_start3A_73 = arith.constant 0 : i32
        %dma_start3A_74 = tpu.memref_slice %arg3[%multiple_of3A_72] : memref<800000xi32, #tpu.memory_space<hbm>> -> memref<200xi32, #tpu.memory_space<hbm>>
        %dma_start3A_75 = tpu.memref_slice %arg11[%dma_start3A_73] : memref<2x!tpu.dma_semaphore, #tpu.memory_space<semaphore_mem>> -> memref<1x!tpu.dma_semaphore, #tpu.memory_space<semaphore_mem>>
        %dma_start3A_76 = tpu.memref_squeeze %dma_start3A_75 : memref<1x!tpu.dma_semaphore, #tpu.memory_space<semaphore_mem>> -> memref<!tpu.dma_semaphore, #tpu.memory_space<semaphore_mem>>
        %dma_start3A_77 = tpu.memref_slice %arg3[%multiple_of3A_72] : memref<800000xi32, #tpu.memory_space<hbm>> -> memref<200xi32, #tpu.memory_space<hbm>>
        tpu.enqueue_dma source(%dma_start3A_77 : memref<200xi32, #tpu.memory_space<hbm>>) target(%arg6 : memref<200xi32, #tpu.memory_space<vmem>>) target_semaphore(%dma_start3A_76 : memref<!tpu.dma_semaphore, #tpu.memory_space<semaphore_mem>>)
        %mul3A_78 = arith.constant 32 : i32
        %mul3A_79 = arith.muli %mul3A_78, %arg0 : i32
        %dma_start3A_80 = arith.constant 0 : i32
        %dma_start3A_81 = tpu.memref_slice %arg2[%multiple_of3A_72, %mul3A_79] : memref<800000x128xf32, #tpu.memory_space<hbm>> -> memref<200x32xf32, #tpu.memory_space<hbm>>
        %dma_start3A_82 = tpu.memref_slice %arg12[%dma_start3A_80] : memref<2x!tpu.dma_semaphore, #tpu.memory_space<semaphore_mem>> -> memref<1x!tpu.dma_semaphore, #tpu.memory_space<semaphore_mem>>
        %dma_start3A_83 = tpu.memref_squeeze %dma_start3A_82 : memref<1x!tpu.dma_semaphore, #tpu.memory_space<semaphore_mem>> -> memref<!tpu.dma_semaphore, #tpu.memory_space<semaphore_mem>>
        %dma_start3A_84 = tpu.memref_slice %arg2[%multiple_of3A_72, %mul3A_79] : memref<800000x128xf32, #tpu.memory_space<hbm>> -> memref<200x32xf32, #tpu.memory_space<hbm>>
        tpu.enqueue_dma source(%dma_start3A_84 : memref<200x32xf32, #tpu.memory_space<hbm>>) target(%arg8 : memref<200x32xf32, #tpu.memory_space<vmem>>) target_semaphore(%dma_start3A_83 : memref<!tpu.dma_semaphore, #tpu.memory_space<semaphore_mem>>)
      } else {
      }
      %add3A_60 = arith.constant 1 : i32
      %add3A_61 = arith.addi %mul3A_31, %add3A_60 : i32
      %lt3A_62 = arith.constant 250 : i32
      %lt3A_63 = arith.cmpi slt, %add3A_61, %lt3A_62 : i32
      %convert_element_type3A_64 = arith.extui %lt3A_63 : i1 to i32
      %cond3A_65 = arith.constant 0 : i32
      %cond3A_66 = arith.cmpi ne, %convert_element_type3A_64, %cond3A_65 : i32
      scf.if %cond3A_66 {
        %add3A_67 = arith.constant 1 : i32
        %add3A_68 = arith.addi %mul3A_31, %add3A_67 : i32
        %mul3A_69 = arith.constant 200 : i32
        %mul3A_70 = arith.muli %add3A_68, %mul3A_69 : i32
        %add3A_71 = arith.addi %mul3A_2, %mul3A_70 : i32
        %multiple_of3A_72 = tpu.assume_multiple %add3A_71, 8 : i32
        %dma_wait3A_73 = arith.constant 1 : i32
        %dma_wait3A_74 = tpu.memref_slice %arg3[%multiple_of3A_72] : memref<800000xi32, #tpu.memory_space<hbm>> -> memref<200xi32, #tpu.memory_space<hbm>>
        %dma_wait3A_75 = tpu.memref_slice %arg11[%dma_wait3A_73] : memref<2x!tpu.dma_semaphore, #tpu.memory_space<semaphore_mem>> -> memref<1x!tpu.dma_semaphore, #tpu.memory_space<semaphore_mem>>
        %dma_wait3A_76 = tpu.memref_squeeze %dma_wait3A_75 : memref<1x!tpu.dma_semaphore, #tpu.memory_space<semaphore_mem>> -> memref<!tpu.dma_semaphore, #tpu.memory_space<semaphore_mem>>
        %dma_wait3A_77 = tpu.memref_slice %arg3[%multiple_of3A_72] : memref<800000xi32, #tpu.memory_space<hbm>> -> memref<200xi32, #tpu.memory_space<hbm>>
        tpu.wait_dma2 semaphore(%dma_wait3A_76 : memref<!tpu.dma_semaphore, #tpu.memory_space<semaphore_mem>>) src(%dma_wait3A_77 : memref<200xi32, #tpu.memory_space<hbm>>) dst(%arg7 : memref<200xi32, #tpu.memory_space<vmem>>)
        %mul3A_78 = arith.constant 32 : i32
        %mul3A_79 = arith.muli %mul3A_78, %arg0 : i32
        %dma_wait3A_80 = arith.constant 1 : i32
        %dma_wait3A_81 = tpu.memref_slice %arg2[%multiple_of3A_72, %mul3A_79] : memref<800000x128xf32, #tpu.memory_space<hbm>> -> memref<200x32xf32, #tpu.memory_space<hbm>>
        %dma_wait3A_82 = tpu.memref_slice %arg12[%dma_wait3A_80] : memref<2x!tpu.dma_semaphore, #tpu.memory_space<semaphore_mem>> -> memref<1x!tpu.dma_semaphore, #tpu.memory_space<semaphore_mem>>
        %dma_wait3A_83 = tpu.memref_squeeze %dma_wait3A_82 : memref<1x!tpu.dma_semaphore, #tpu.memory_space<semaphore_mem>> -> memref<!tpu.dma_semaphore, #tpu.memory_space<semaphore_mem>>
        %dma_wait3A_84 = tpu.memref_slice %arg2[%multiple_of3A_72, %mul3A_79] : memref<800000x128xf32, #tpu.memory_space<hbm>> -> memref<200x32xf32, #tpu.memory_space<hbm>>
        tpu.wait_dma2 semaphore(%dma_wait3A_83 : memref<!tpu.dma_semaphore, #tpu.memory_space<semaphore_mem>>) src(%dma_wait3A_84 : memref<200x32xf32, #tpu.memory_space<hbm>>) dst(%arg9 : memref<200x32xf32, #tpu.memory_space<vmem>>)
        "tpu.region"() ({
          %run_scoped3A = tpu.sem_alloc : memref<!tpu.dma_semaphore, #tpu.memory_space<semaphore_mem>>
          %dma_start3A_85 = arith.constant 0 : i32
          %dma_start3A_86 = arith.constant 0 : i32
          %dma_start3A_87 = tpu.memref_slice %arg10[%dma_start3A_85, %dma_start3A_86] : memref<50000x32xf32, #tpu.memory_space<vmem_shared>> -> memref<50000x32xf32, #tpu.memory_space<vmem_shared>>
          tpu.enqueue_indirect_dma source(%arg9 : memref<200x32xf32, #tpu.memory_space<vmem>>) target(%dma_start3A_87 : memref<50000x32xf32, #tpu.memory_space<vmem_shared>>) offsets(%arg7 : memref<200xi32, #tpu.memory_space<vmem>>) semaphore(%run_scoped3A : memref<!tpu.dma_semaphore, #tpu.memory_space<semaphore_mem>>) {add = true}
          %dma_wait3A_88 = arith.constant 0 : i32
          %dma_wait3A_89 = arith.constant 0 : i32
          %dma_wait3A_90 = tpu.memref_slice %arg10[%dma_wait3A_88, %dma_wait3A_89] : memref<50000x32xf32, #tpu.memory_space<vmem_shared>> -> memref<50000x32xf32, #tpu.memory_space<vmem_shared>>
          tpu.wait_indirect_dma semaphore(%run_scoped3A : memref<!tpu.dma_semaphore, #tpu.memory_space<semaphore_mem>>) src(%arg9 : memref<200x32xf32, #tpu.memory_space<vmem>>) dst(%dma_wait3A_90 : memref<50000x32xf32, #tpu.memory_space<vmem_shared>>)
          tpu.yield
        }) : () -> ()
      } else {
      }
    }
    %scan3A_18 = arith.constant 125 : i32
    %barrier3A_19 = arith.constant 0 : index
    tpu.barrier barrier_id(%barrier3A_19)
    %scan3A_20 = arith.constant 0 : i32
    %scan3A_21 = arith.constant 8 : i32
    %scan3A_22 = arith.addi %scan3A_20, %scan3A_21 : i32
    %scan3A_23 = arith.constant 1 : i32
    scf.for %scan3A_25 = %scan3A_20 to %scan3A_22 step %scan3A_23  : i32 {
      %mul3A_26 = arith.constant 1 : i32
      %mul3A_27 = arith.muli %scan3A_25, %mul3A_26 : i32
      %add3A_28 = arith.constant 0 : i32
      %add3A_29 = arith.addi %add3A_28, %mul3A_27 : i32
      %mul3A_30 = arith.constant 16 : i32
      %mul3A_31 = arith.muli %add3A_29, %mul3A_30 : i32
      %add3A_32 = arith.addi %arg1, %mul3A_31 : i32
      %lt3A = arith.constant 125 : i32
      %lt3A_33 = arith.cmpi slt, %add3A_32, %lt3A : i32
      %convert_element_type3A_34 = arith.extui %lt3A_33 : i1 to i32
      %cond3A_35 = arith.constant 0 : i32
      %cond3A_36 = arith.cmpi ne, %convert_element_type3A_34, %cond3A_35 : i32
      scf.if %cond3A_36 {
        %mul3A_37 = arith.constant 400 : i32
        %mul3A_38 = arith.muli %add3A_32, %mul3A_37 : i32
        %multiple_of3A_39 = tpu.assume_multiple %mul3A_38, 8 : i32
        "tpu.region"() ({
          %run_scoped3A = tpu.sem_alloc : memref<!tpu.dma_semaphore, #tpu.memory_space<semaphore_mem>>
          %dma_start3A_40 = arith.constant 0 : i32
          %dma_start3A_41 = tpu.memref_slice %arg5[%arg0, %multiple_of3A_39, %dma_start3A_40] : memref<2x50000x32xf32, #tpu.memory_space<hbm>> -> memref<1x400x32xf32, #tpu.memory_space<hbm>>
          %dma_start3A_42 = tpu.memref_squeeze %dma_start3A_41 : memref<1x400x32xf32, #tpu.memory_space<hbm>> -> memref<400x32xf32, #tpu.memory_space<hbm>>
          %dma_start3A_43 = arith.constant 0 : i32
          %dma_start3A_44 = tpu.memref_slice %arg10[%multiple_of3A_39, %dma_start3A_43] : memref<50000x32xf32, #tpu.memory_space<vmem_shared>> -> memref<400x32xf32, #tpu.memory_space<vmem_shared>>
          tpu.enqueue_dma source(%dma_start3A_44 : memref<400x32xf32, #tpu.memory_space<vmem_shared>>) target(%dma_start3A_42 : memref<400x32xf32, #tpu.memory_space<hbm>>) target_semaphore(%run_scoped3A : memref<!tpu.dma_semaphore, #tpu.memory_space<semaphore_mem>>)
          %dma_wait3A = arith.constant 0 : i32
          %dma_wait3A_45 = tpu.memref_slice %arg5[%arg0, %multiple_of3A_39, %dma_wait3A] : memref<2x50000x32xf32, #tpu.memory_space<hbm>> -> memref<1x400x32xf32, #tpu.memory_space<hbm>>
          %dma_wait3A_46 = tpu.memref_squeeze %dma_wait3A_45 : memref<1x400x32xf32, #tpu.memory_space<hbm>> -> memref<400x32xf32, #tpu.memory_space<hbm>>
          %dma_wait3A_47 = arith.constant 0 : i32
          %dma_wait3A_48 = tpu.memref_slice %arg10[%multiple_of3A_39, %dma_wait3A_47] : memref<50000x32xf32, #tpu.memory_space<vmem_shared>> -> memref<400x32xf32, #tpu.memory_space<vmem_shared>>
          tpu.wait_dma2 semaphore(%run_scoped3A : memref<!tpu.dma_semaphore, #tpu.memory_space<semaphore_mem>>) src(%dma_wait3A_48 : memref<400x32xf32, #tpu.memory_space<vmem_shared>>) dst(%dma_wait3A_46 : memref<400x32xf32, #tpu.memory_space<hbm>>)
          tpu.yield
        }) : () -> ()
      } else {
      }
    }
    %scan3A_24 = arith.constant 8 : i32
    return
  }
}

#map = affine_map<(d0, d1) -> (0, 0)>
#map1 = affine_map<(d0, d1) -> (0)>
module attributes {stable_mosaic.version = 14 : i64} {
  func.func @_gather2(%arg0: i32, %arg1: i32, %arg2: memref<50000x128xf32, #tpu.memory_space<hbm>>, %arg3: memref<50000x128xf32, #tpu.memory_space<hbm>>, %arg4: memref<800000xi32, #tpu.memory_space<hbm>>, %arg5: memref<800000xi32, #tpu.memory_space<hbm>>, %arg6: memref<800000x128xf32, #tpu.memory_space<hbm>>, %arg7: memref<800000x128xf32, #tpu.memory_space<hbm>>, %arg8: memref<200xi32, #tpu.memory_space<vmem>>, %arg9: memref<200xi32, #tpu.memory_space<vmem>>, %arg10: memref<200xi32, #tpu.memory_space<vmem>>, %arg11: memref<200xi32, #tpu.memory_space<vmem>>, %arg12: memref<200x128xf32, #tpu.memory_space<vmem>>, %arg13: memref<200x128xf32, #tpu.memory_space<vmem>>, %arg14: memref<200x128xf32, #tpu.memory_space<vmem>>, %arg15: memref<200x128xf32, #tpu.memory_space<vmem>>, %arg16: memref<2x!tpu.dma_semaphore, #tpu.memory_space<semaphore_mem>>, %arg17: memref<2x!tpu.dma_semaphore, #tpu.memory_space<semaphore_mem>>) attributes {dimension_semantics = [#tpu.dimension_semantics<core_parallel>, #tpu.dimension_semantics<subcore_parallel>], iteration_bounds = array<i64: 2, 16>, scalar_prefetch = 0 : i64, scratch_operands = 10 : i64, tpu.core_type = #tpu.core_type<sc_vector_subcore>, window_params = [{transform_indices = #map}, {transform_indices = #map}, {transform_indices = #map1}, {transform_indices = #map1}, {transform_indices = #map}, {transform_indices = #map}]} {
    %mul3A = arith.constant 2 : i32
    %mul3A_0 = arith.muli %arg1, %mul3A : i32
    %add3A = arith.addi %mul3A_0, %arg0 : i32
    %mul3A_1 = arith.constant 25000 : i32
    %mul3A_2 = arith.muli %add3A, %mul3A_1 : i32
    %add3A_3 = arith.constant 0 : i32
    %add3A_4 = arith.addi %mul3A_2, %add3A_3 : i32
    %multiple_of3A = tpu.assume_multiple %add3A_4, 8 : i32
    "tpu.region"() ({
      %run_scoped3A = tpu.sem_alloc : memref<!tpu.dma_semaphore, #tpu.memory_space<semaphore_mem>>
      %dma_start3A_34 = tpu.memref_slice %arg4[%multiple_of3A] : memref<800000xi32, #tpu.memory_space<hbm>> -> memref<200xi32, #tpu.memory_space<hbm>>
      %dma_start3A_35 = tpu.memref_slice %arg4[%multiple_of3A] : memref<800000xi32, #tpu.memory_space<hbm>> -> memref<200xi32, #tpu.memory_space<hbm>>
      tpu.enqueue_dma source(%dma_start3A_35 : memref<200xi32, #tpu.memory_space<hbm>>) target(%arg8 : memref<200xi32, #tpu.memory_space<vmem>>) target_semaphore(%run_scoped3A : memref<!tpu.dma_semaphore, #tpu.memory_space<semaphore_mem>>)
      %dma_wait3A_36 = tpu.memref_slice %arg4[%multiple_of3A] : memref<800000xi32, #tpu.memory_space<hbm>> -> memref<200xi32, #tpu.memory_space<hbm>>
      %dma_wait3A_37 = tpu.memref_slice %arg4[%multiple_of3A] : memref<800000xi32, #tpu.memory_space<hbm>> -> memref<200xi32, #tpu.memory_space<hbm>>
      tpu.wait_dma2 semaphore(%run_scoped3A : memref<!tpu.dma_semaphore, #tpu.memory_space<semaphore_mem>>) src(%dma_wait3A_37 : memref<200xi32, #tpu.memory_space<hbm>>) dst(%arg8 : memref<200xi32, #tpu.memory_space<vmem>>)
      tpu.yield
    }) : () -> ()
    "tpu.region"() ({
      %run_scoped3A = tpu.sem_alloc : memref<!tpu.dma_semaphore, #tpu.memory_space<semaphore_mem>>
      %dma_start3A_34 = tpu.memref_slice %arg5[%multiple_of3A] : memref<800000xi32, #tpu.memory_space<hbm>> -> memref<200xi32, #tpu.memory_space<hbm>>
      %dma_start3A_35 = tpu.memref_slice %arg5[%multiple_of3A] : memref<800000xi32, #tpu.memory_space<hbm>> -> memref<200xi32, #tpu.memory_space<hbm>>
      tpu.enqueue_dma source(%dma_start3A_35 : memref<200xi32, #tpu.memory_space<hbm>>) target(%arg10 : memref<200xi32, #tpu.memory_space<vmem>>) target_semaphore(%run_scoped3A : memref<!tpu.dma_semaphore, #tpu.memory_space<semaphore_mem>>)
      %dma_wait3A_36 = tpu.memref_slice %arg5[%multiple_of3A] : memref<800000xi32, #tpu.memory_space<hbm>> -> memref<200xi32, #tpu.memory_space<hbm>>
      %dma_wait3A_37 = tpu.memref_slice %arg5[%multiple_of3A] : memref<800000xi32, #tpu.memory_space<hbm>> -> memref<200xi32, #tpu.memory_space<hbm>>
      tpu.wait_dma2 semaphore(%run_scoped3A : memref<!tpu.dma_semaphore, #tpu.memory_space<semaphore_mem>>) src(%dma_wait3A_37 : memref<200xi32, #tpu.memory_space<hbm>>) dst(%arg10 : memref<200xi32, #tpu.memory_space<vmem>>)
      tpu.yield
    }) : () -> ()
    %dma_start3A = arith.constant 0 : i32
    %dma_start3A_5 = arith.constant 0 : i32
    %dma_start3A_6 = arith.constant 0 : i32
    %dma_start3A_7 = tpu.memref_slice %arg2[%dma_start3A_5, %dma_start3A_6] : memref<50000x128xf32, #tpu.memory_space<hbm>> -> memref<50000x128xf32, #tpu.memory_space<hbm>>
    %dma_start3A_8 = tpu.memref_slice %arg16[%dma_start3A] : memref<2x!tpu.dma_semaphore, #tpu.memory_space<semaphore_mem>> -> memref<1x!tpu.dma_semaphore, #tpu.memory_space<semaphore_mem>>
    %dma_start3A_9 = tpu.memref_squeeze %dma_start3A_8 : memref<1x!tpu.dma_semaphore, #tpu.memory_space<semaphore_mem>> -> memref<!tpu.dma_semaphore, #tpu.memory_space<semaphore_mem>>
    tpu.enqueue_indirect_dma source(%dma_start3A_7 : memref<50000x128xf32, #tpu.memory_space<hbm>>) target(%arg12 : memref<200x128xf32, #tpu.memory_space<vmem>>) offsets(%arg8 : memref<200xi32, #tpu.memory_space<vmem>>) semaphore(%dma_start3A_9 : memref<!tpu.dma_semaphore, #tpu.memory_space<semaphore_mem>>)
    %dma_start3A_10 = arith.constant 0 : i32
    %dma_start3A_11 = arith.constant 0 : i32
    %dma_start3A_12 = arith.constant 0 : i32
    %dma_start3A_13 = tpu.memref_slice %arg3[%dma_start3A_11, %dma_start3A_12] : memref<50000x128xf32, #tpu.memory_space<hbm>> -> memref<50000x128xf32, #tpu.memory_space<hbm>>
    %dma_start3A_14 = tpu.memref_slice %arg17[%dma_start3A_10] : memref<2x!tpu.dma_semaphore, #tpu.memory_space<semaphore_mem>> -> memref<1x!tpu.dma_semaphore, #tpu.memory_space<semaphore_mem>>
    %dma_start3A_15 = tpu.memref_squeeze %dma_start3A_14 : memref<1x!tpu.dma_semaphore, #tpu.memory_space<semaphore_mem>> -> memref<!tpu.dma_semaphore, #tpu.memory_space<semaphore_mem>>
    tpu.enqueue_indirect_dma source(%dma_start3A_13 : memref<50000x128xf32, #tpu.memory_space<hbm>>) target(%arg14 : memref<200x128xf32, #tpu.memory_space<vmem>>) offsets(%arg10 : memref<200xi32, #tpu.memory_space<vmem>>) semaphore(%dma_start3A_15 : memref<!tpu.dma_semaphore, #tpu.memory_space<semaphore_mem>>)
    %scan3A = arith.constant 0 : i32
    %scan3A_16 = arith.constant 62 : i32
    %scan3A_17 = arith.addi %scan3A, %scan3A_16 : i32
    %scan3A_18 = arith.constant 1 : i32
    scf.for %scan3A_34 = %scan3A to %scan3A_17 step %scan3A_18  : i32 {
      %mul3A_35 = arith.constant 1 : i32
      %mul3A_36 = arith.muli %scan3A_34, %mul3A_35 : i32
      %add3A_37 = arith.constant 0 : i32
      %add3A_38 = arith.addi %add3A_37, %mul3A_36 : i32
      %mul3A_39 = arith.constant 2 : i32
      %mul3A_40 = arith.muli %mul3A_39, %add3A_38 : i32
      %add3A_41 = arith.constant 1 : i32
      %add3A_42 = arith.addi %add3A_41, %mul3A_40 : i32
      %mul3A_43 = arith.constant 200 : i32
      %mul3A_44 = arith.muli %add3A_42, %mul3A_43 : i32
      %add3A_45 = arith.addi %mul3A_2, %mul3A_44 : i32
      %multiple_of3A_46 = tpu.assume_multiple %add3A_45, 8 : i32
      "tpu.region"() ({
        %run_scoped3A = tpu.sem_alloc : memref<!tpu.dma_semaphore, #tpu.memory_space<semaphore_mem>>
        %dma_start3A_110 = tpu.memref_slice %arg4[%multiple_of3A_46] : memref<800000xi32, #tpu.memory_space<hbm>> -> memref<200xi32, #tpu.memory_space<hbm>>
        %dma_start3A_111 = tpu.memref_slice %arg4[%multiple_of3A_46] : memref<800000xi32, #tpu.memory_space<hbm>> -> memref<200xi32, #tpu.memory_space<hbm>>
        tpu.enqueue_dma source(%dma_start3A_111 : memref<200xi32, #tpu.memory_space<hbm>>) target(%arg9 : memref<200xi32, #tpu.memory_space<vmem>>) target_semaphore(%run_scoped3A : memref<!tpu.dma_semaphore, #tpu.memory_space<semaphore_mem>>)
        %dma_wait3A_112 = tpu.memref_slice %arg4[%multiple_of3A_46] : memref<800000xi32, #tpu.memory_space<hbm>> -> memref<200xi32, #tpu.memory_space<hbm>>
        %dma_wait3A_113 = tpu.memref_slice %arg4[%multiple_of3A_46] : memref<800000xi32, #tpu.memory_space<hbm>> -> memref<200xi32, #tpu.memory_space<hbm>>
        tpu.wait_dma2 semaphore(%run_scoped3A : memref<!tpu.dma_semaphore, #tpu.memory_space<semaphore_mem>>) src(%dma_wait3A_113 : memref<200xi32, #tpu.memory_space<hbm>>) dst(%arg9 : memref<200xi32, #tpu.memory_space<vmem>>)
        tpu.yield
      }) : () -> ()
      "tpu.region"() ({
        %run_scoped3A = tpu.sem_alloc : memref<!tpu.dma_semaphore, #tpu.memory_space<semaphore_mem>>
        %dma_start3A_110 = tpu.memref_slice %arg5[%multiple_of3A_46] : memref<800000xi32, #tpu.memory_space<hbm>> -> memref<200xi32, #tpu.memory_space<hbm>>
        %dma_start3A_111 = tpu.memref_slice %arg5[%multiple_of3A_46] : memref<800000xi32, #tpu.memory_space<hbm>> -> memref<200xi32, #tpu.memory_space<hbm>>
        tpu.enqueue_dma source(%dma_start3A_111 : memref<200xi32, #tpu.memory_space<hbm>>) target(%arg11 : memref<200xi32, #tpu.memory_space<vmem>>) target_semaphore(%run_scoped3A : memref<!tpu.dma_semaphore, #tpu.memory_space<semaphore_mem>>)
        %dma_wait3A_112 = tpu.memref_slice %arg5[%multiple_of3A_46] : memref<800000xi32, #tpu.memory_space<hbm>> -> memref<200xi32, #tpu.memory_space<hbm>>
        %dma_wait3A_113 = tpu.memref_slice %arg5[%multiple_of3A_46] : memref<800000xi32, #tpu.memory_space<hbm>> -> memref<200xi32, #tpu.memory_space<hbm>>
        tpu.wait_dma2 semaphore(%run_scoped3A : memref<!tpu.dma_semaphore, #tpu.memory_space<semaphore_mem>>) src(%dma_wait3A_113 : memref<200xi32, #tpu.memory_space<hbm>>) dst(%arg11 : memref<200xi32, #tpu.memory_space<vmem>>)
        tpu.yield
      }) : () -> ()
      %dma_start3A_47 = arith.constant 1 : i32
      %dma_start3A_48 = arith.constant 0 : i32
      %dma_start3A_49 = arith.constant 0 : i32
      %dma_start3A_50 = tpu.memref_slice %arg2[%dma_start3A_48, %dma_start3A_49] : memref<50000x128xf32, #tpu.memory_space<hbm>> -> memref<50000x128xf32, #tpu.memory_space<hbm>>
      %dma_start3A_51 = tpu.memref_slice %arg16[%dma_start3A_47] : memref<2x!tpu.dma_semaphore, #tpu.memory_space<semaphore_mem>> -> memref<1x!tpu.dma_semaphore, #tpu.memory_space<semaphore_mem>>
      %dma_start3A_52 = tpu.memref_squeeze %dma_start3A_51 : memref<1x!tpu.dma_semaphore, #tpu.memory_space<semaphore_mem>> -> memref<!tpu.dma_semaphore, #tpu.memory_space<semaphore_mem>>
      tpu.enqueue_indirect_dma source(%dma_start3A_50 : memref<50000x128xf32, #tpu.memory_space<hbm>>) target(%arg13 : memref<200x128xf32, #tpu.memory_space<vmem>>) offsets(%arg9 : memref<200xi32, #tpu.memory_space<vmem>>) semaphore(%dma_start3A_52 : memref<!tpu.dma_semaphore, #tpu.memory_space<semaphore_mem>>)
      %dma_start3A_53 = arith.constant 1 : i32
      %dma_start3A_54 = arith.constant 0 : i32
      %dma_start3A_55 = arith.constant 0 : i32
      %dma_start3A_56 = tpu.memref_slice %arg3[%dma_start3A_54, %dma_start3A_55] : memref<50000x128xf32, #tpu.memory_space<hbm>> -> memref<50000x128xf32, #tpu.memory_space<hbm>>
      %dma_start3A_57 = tpu.memref_slice %arg17[%dma_start3A_53] : memref<2x!tpu.dma_semaphore, #tpu.memory_space<semaphore_mem>> -> memref<1x!tpu.dma_semaphore, #tpu.memory_space<semaphore_mem>>
      %dma_start3A_58 = tpu.memref_squeeze %dma_start3A_57 : memref<1x!tpu.dma_semaphore, #tpu.memory_space<semaphore_mem>> -> memref<!tpu.dma_semaphore, #tpu.memory_space<semaphore_mem>>
      tpu.enqueue_indirect_dma source(%dma_start3A_56 : memref<50000x128xf32, #tpu.memory_space<hbm>>) target(%arg15 : memref<200x128xf32, #tpu.memory_space<vmem>>) offsets(%arg11 : memref<200xi32, #tpu.memory_space<vmem>>) semaphore(%dma_start3A_58 : memref<!tpu.dma_semaphore, #tpu.memory_space<semaphore_mem>>)
      %sub3A = arith.constant 1 : i32
      %sub3A_59 = arith.subi %add3A_42, %sub3A : i32
      %mul3A_60 = arith.constant 200 : i32
      %mul3A_61 = arith.muli %sub3A_59, %mul3A_60 : i32
      %add3A_62 = arith.addi %mul3A_2, %mul3A_61 : i32
      %multiple_of3A_63 = tpu.assume_multiple %add3A_62, 8 : i32
      %dma_wait3A_64 = arith.constant 0 : i32
      %dma_wait3A_65 = arith.constant 0 : i32
      %dma_wait3A_66 = arith.constant 0 : i32
      %dma_wait3A_67 = tpu.memref_slice %arg2[%dma_wait3A_65, %dma_wait3A_66] : memref<50000x128xf32, #tpu.memory_space<hbm>> -> memref<50000x128xf32, #tpu.memory_space<hbm>>
      %dma_wait3A_68 = tpu.memref_slice %arg16[%dma_wait3A_64] : memref<2x!tpu.dma_semaphore, #tpu.memory_space<semaphore_mem>> -> memref<1x!tpu.dma_semaphore, #tpu.memory_space<semaphore_mem>>
      %dma_wait3A_69 = tpu.memref_squeeze %dma_wait3A_68 : memref<1x!tpu.dma_semaphore, #tpu.memory_space<semaphore_mem>> -> memref<!tpu.dma_semaphore, #tpu.memory_space<semaphore_mem>>
      tpu.wait_indirect_dma semaphore(%dma_wait3A_69 : memref<!tpu.dma_semaphore, #tpu.memory_space<semaphore_mem>>) src(%dma_wait3A_67 : memref<50000x128xf32, #tpu.memory_space<hbm>>) dst(%arg12 : memref<200x128xf32, #tpu.memory_space<vmem>>)
      %dma_wait3A_70 = arith.constant 0 : i32
      %dma_wait3A_71 = arith.constant 0 : i32
      %dma_wait3A_72 = arith.constant 0 : i32
      %dma_wait3A_73 = tpu.memref_slice %arg3[%dma_wait3A_71, %dma_wait3A_72] : memref<50000x128xf32, #tpu.memory_space<hbm>> -> memref<50000x128xf32, #tpu.memory_space<hbm>>
      %dma_wait3A_74 = tpu.memref_slice %arg17[%dma_wait3A_70] : memref<2x!tpu.dma_semaphore, #tpu.memory_space<semaphore_mem>> -> memref<1x!tpu.dma_semaphore, #tpu.memory_space<semaphore_mem>>
      %dma_wait3A_75 = tpu.memref_squeeze %dma_wait3A_74 : memref<1x!tpu.dma_semaphore, #tpu.memory_space<semaphore_mem>> -> memref<!tpu.dma_semaphore, #tpu.memory_space<semaphore_mem>>
      tpu.wait_indirect_dma semaphore(%dma_wait3A_75 : memref<!tpu.dma_semaphore, #tpu.memory_space<semaphore_mem>>) src(%dma_wait3A_73 : memref<50000x128xf32, #tpu.memory_space<hbm>>) dst(%arg14 : memref<200x128xf32, #tpu.memory_space<vmem>>)
      "tpu.region"() ({
        %run_scoped3A = tpu.sem_alloc : memref<!tpu.dma_semaphore, #tpu.memory_space<semaphore_mem>>
        %dma_start3A_110 = arith.constant 0 : i32
        %dma_start3A_111 = tpu.memref_slice %arg6[%multiple_of3A_63, %dma_start3A_110] : memref<800000x128xf32, #tpu.memory_space<hbm>> -> memref<200x128xf32, #tpu.memory_space<hbm>>
        %dma_start3A_112 = arith.constant 0 : i32
        %dma_start3A_113 = tpu.memref_slice %arg6[%multiple_of3A_63, %dma_start3A_112] : memref<800000x128xf32, #tpu.memory_space<hbm>> -> memref<200x128xf32, #tpu.memory_space<hbm>>
        tpu.enqueue_dma source(%arg12 : memref<200x128xf32, #tpu.memory_space<vmem>>) target(%dma_start3A_113 : memref<200x128xf32, #tpu.memory_space<hbm>>) target_semaphore(%run_scoped3A : memref<!tpu.dma_semaphore, #tpu.memory_space<semaphore_mem>>)
        %dma_wait3A_114 = arith.constant 0 : i32
        %dma_wait3A_115 = tpu.memref_slice %arg6[%multiple_of3A_63, %dma_wait3A_114] : memref<800000x128xf32, #tpu.memory_space<hbm>> -> memref<200x128xf32, #tpu.memory_space<hbm>>
        %dma_wait3A_116 = arith.constant 0 : i32
        %dma_wait3A_117 = tpu.memref_slice %arg6[%multiple_of3A_63, %dma_wait3A_116] : memref<800000x128xf32, #tpu.memory_space<hbm>> -> memref<200x128xf32, #tpu.memory_space<hbm>>
        tpu.wait_dma2 semaphore(%run_scoped3A : memref<!tpu.dma_semaphore, #tpu.memory_space<semaphore_mem>>) src(%arg12 : memref<200x128xf32, #tpu.memory_space<vmem>>) dst(%dma_wait3A_117 : memref<200x128xf32, #tpu.memory_space<hbm>>)
        tpu.yield
      }) : () -> ()
      "tpu.region"() ({
        %run_scoped3A = tpu.sem_alloc : memref<!tpu.dma_semaphore, #tpu.memory_space<semaphore_mem>>
        %dma_start3A_110 = arith.constant 0 : i32
        %dma_start3A_111 = tpu.memref_slice %arg7[%multiple_of3A_63, %dma_start3A_110] : memref<800000x128xf32, #tpu.memory_space<hbm>> -> memref<200x128xf32, #tpu.memory_space<hbm>>
        %dma_start3A_112 = arith.constant 0 : i32
        %dma_start3A_113 = tpu.memref_slice %arg7[%multiple_of3A_63, %dma_start3A_112] : memref<800000x128xf32, #tpu.memory_space<hbm>> -> memref<200x128xf32, #tpu.memory_space<hbm>>
        tpu.enqueue_dma source(%arg14 : memref<200x128xf32, #tpu.memory_space<vmem>>) target(%dma_start3A_113 : memref<200x128xf32, #tpu.memory_space<hbm>>) target_semaphore(%run_scoped3A : memref<!tpu.dma_semaphore, #tpu.memory_space<semaphore_mem>>)
        %dma_wait3A_114 = arith.constant 0 : i32
        %dma_wait3A_115 = tpu.memref_slice %arg7[%multiple_of3A_63, %dma_wait3A_114] : memref<800000x128xf32, #tpu.memory_space<hbm>> -> memref<200x128xf32, #tpu.memory_space<hbm>>
        %dma_wait3A_116 = arith.constant 0 : i32
        %dma_wait3A_117 = tpu.memref_slice %arg7[%multiple_of3A_63, %dma_wait3A_116] : memref<800000x128xf32, #tpu.memory_space<hbm>> -> memref<200x128xf32, #tpu.memory_space<hbm>>
        tpu.wait_dma2 semaphore(%run_scoped3A : memref<!tpu.dma_semaphore, #tpu.memory_space<semaphore_mem>>) src(%arg14 : memref<200x128xf32, #tpu.memory_space<vmem>>) dst(%dma_wait3A_117 : memref<200x128xf32, #tpu.memory_space<hbm>>)
        tpu.yield
      }) : () -> ()
      %add3A_76 = arith.constant 1 : i32
      %add3A_77 = arith.addi %add3A_42, %add3A_76 : i32
      %mul3A_78 = arith.constant 200 : i32
      %mul3A_79 = arith.muli %add3A_77, %mul3A_78 : i32
      %add3A_80 = arith.addi %mul3A_2, %mul3A_79 : i32
      %multiple_of3A_81 = tpu.assume_multiple %add3A_80, 8 : i32
      "tpu.region"() ({
        %run_scoped3A = tpu.sem_alloc : memref<!tpu.dma_semaphore, #tpu.memory_space<semaphore_mem>>
        %dma_start3A_110 = tpu.memref_slice %arg4[%multiple_of3A_81] : memref<800000xi32, #tpu.memory_space<hbm>> -> memref<200xi32, #tpu.memory_space<hbm>>
        %dma_start3A_111 = tpu.memref_slice %arg4[%multiple_of3A_81] : memref<800000xi32, #tpu.memory_space<hbm>> -> memref<200xi32, #tpu.memory_space<hbm>>
        tpu.enqueue_dma source(%dma_start3A_111 : memref<200xi32, #tpu.memory_space<hbm>>) target(%arg8 : memref<200xi32, #tpu.memory_space<vmem>>) target_semaphore(%run_scoped3A : memref<!tpu.dma_semaphore, #tpu.memory_space<semaphore_mem>>)
        %dma_wait3A_112 = tpu.memref_slice %arg4[%multiple_of3A_81] : memref<800000xi32, #tpu.memory_space<hbm>> -> memref<200xi32, #tpu.memory_space<hbm>>
        %dma_wait3A_113 = tpu.memref_slice %arg4[%multiple_of3A_81] : memref<800000xi32, #tpu.memory_space<hbm>> -> memref<200xi32, #tpu.memory_space<hbm>>
        tpu.wait_dma2 semaphore(%run_scoped3A : memref<!tpu.dma_semaphore, #tpu.memory_space<semaphore_mem>>) src(%dma_wait3A_113 : memref<200xi32, #tpu.memory_space<hbm>>) dst(%arg8 : memref<200xi32, #tpu.memory_space<vmem>>)
        tpu.yield
      }) : () -> ()
      "tpu.region"() ({
        %run_scoped3A = tpu.sem_alloc : memref<!tpu.dma_semaphore, #tpu.memory_space<semaphore_mem>>
        %dma_start3A_110 = tpu.memref_slice %arg5[%multiple_of3A_81] : memref<800000xi32, #tpu.memory_space<hbm>> -> memref<200xi32, #tpu.memory_space<hbm>>
        %dma_start3A_111 = tpu.memref_slice %arg5[%multiple_of3A_81] : memref<800000xi32, #tpu.memory_space<hbm>> -> memref<200xi32, #tpu.memory_space<hbm>>
        tpu.enqueue_dma source(%dma_start3A_111 : memref<200xi32, #tpu.memory_space<hbm>>) target(%arg10 : memref<200xi32, #tpu.memory_space<vmem>>) target_semaphore(%run_scoped3A : memref<!tpu.dma_semaphore, #tpu.memory_space<semaphore_mem>>)
        %dma_wait3A_112 = tpu.memref_slice %arg5[%multiple_of3A_81] : memref<800000xi32, #tpu.memory_space<hbm>> -> memref<200xi32, #tpu.memory_space<hbm>>
        %dma_wait3A_113 = tpu.memref_slice %arg5[%multiple_of3A_81] : memref<800000xi32, #tpu.memory_space<hbm>> -> memref<200xi32, #tpu.memory_space<hbm>>
        tpu.wait_dma2 semaphore(%run_scoped3A : memref<!tpu.dma_semaphore, #tpu.memory_space<semaphore_mem>>) src(%dma_wait3A_113 : memref<200xi32, #tpu.memory_space<hbm>>) dst(%arg10 : memref<200xi32, #tpu.memory_space<vmem>>)
        tpu.yield
      }) : () -> ()
      %dma_start3A_82 = arith.constant 0 : i32
      %dma_start3A_83 = arith.constant 0 : i32
      %dma_start3A_84 = arith.constant 0 : i32
      %dma_start3A_85 = tpu.memref_slice %arg2[%dma_start3A_83, %dma_start3A_84] : memref<50000x128xf32, #tpu.memory_space<hbm>> -> memref<50000x128xf32, #tpu.memory_space<hbm>>
      %dma_start3A_86 = tpu.memref_slice %arg16[%dma_start3A_82] : memref<2x!tpu.dma_semaphore, #tpu.memory_space<semaphore_mem>> -> memref<1x!tpu.dma_semaphore, #tpu.memory_space<semaphore_mem>>
      %dma_start3A_87 = tpu.memref_squeeze %dma_start3A_86 : memref<1x!tpu.dma_semaphore, #tpu.memory_space<semaphore_mem>> -> memref<!tpu.dma_semaphore, #tpu.memory_space<semaphore_mem>>
      tpu.enqueue_indirect_dma source(%dma_start3A_85 : memref<50000x128xf32, #tpu.memory_space<hbm>>) target(%arg12 : memref<200x128xf32, #tpu.memory_space<vmem>>) offsets(%arg8 : memref<200xi32, #tpu.memory_space<vmem>>) semaphore(%dma_start3A_87 : memref<!tpu.dma_semaphore, #tpu.memory_space<semaphore_mem>>)
      %dma_start3A_88 = arith.constant 0 : i32
      %dma_start3A_89 = arith.constant 0 : i32
      %dma_start3A_90 = arith.constant 0 : i32
      %dma_start3A_91 = tpu.memref_slice %arg3[%dma_start3A_89, %dma_start3A_90] : memref<50000x128xf32, #tpu.memory_space<hbm>> -> memref<50000x128xf32, #tpu.memory_space<hbm>>
      %dma_start3A_92 = tpu.memref_slice %arg17[%dma_start3A_88] : memref<2x!tpu.dma_semaphore, #tpu.memory_space<semaphore_mem>> -> memref<1x!tpu.dma_semaphore, #tpu.memory_space<semaphore_mem>>
      %dma_start3A_93 = tpu.memref_squeeze %dma_start3A_92 : memref<1x!tpu.dma_semaphore, #tpu.memory_space<semaphore_mem>> -> memref<!tpu.dma_semaphore, #tpu.memory_space<semaphore_mem>>
      tpu.enqueue_indirect_dma source(%dma_start3A_91 : memref<50000x128xf32, #tpu.memory_space<hbm>>) target(%arg14 : memref<200x128xf32, #tpu.memory_space<vmem>>) offsets(%arg10 : memref<200xi32, #tpu.memory_space<vmem>>) semaphore(%dma_start3A_93 : memref<!tpu.dma_semaphore, #tpu.memory_space<semaphore_mem>>)
      %mul3A_94 = arith.constant 200 : i32
      %mul3A_95 = arith.muli %add3A_42, %mul3A_94 : i32
      %add3A_96 = arith.addi %mul3A_2, %mul3A_95 : i32
      %multiple_of3A_97 = tpu.assume_multiple %add3A_96, 8 : i32
      %dma_wait3A_98 = arith.constant 1 : i32
      %dma_wait3A_99 = arith.constant 0 : i32
      %dma_wait3A_100 = arith.constant 0 : i32
      %dma_wait3A_101 = tpu.memref_slice %arg2[%dma_wait3A_99, %dma_wait3A_100] : memref<50000x128xf32, #tpu.memory_space<hbm>> -> memref<50000x128xf32, #tpu.memory_space<hbm>>
      %dma_wait3A_102 = tpu.memref_slice %arg16[%dma_wait3A_98] : memref<2x!tpu.dma_semaphore, #tpu.memory_space<semaphore_mem>> -> memref<1x!tpu.dma_semaphore, #tpu.memory_space<semaphore_mem>>
      %dma_wait3A_103 = tpu.memref_squeeze %dma_wait3A_102 : memref<1x!tpu.dma_semaphore, #tpu.memory_space<semaphore_mem>> -> memref<!tpu.dma_semaphore, #tpu.memory_space<semaphore_mem>>
      tpu.wait_indirect_dma semaphore(%dma_wait3A_103 : memref<!tpu.dma_semaphore, #tpu.memory_space<semaphore_mem>>) src(%dma_wait3A_101 : memref<50000x128xf32, #tpu.memory_space<hbm>>) dst(%arg13 : memref<200x128xf32, #tpu.memory_space<vmem>>)
      %dma_wait3A_104 = arith.constant 1 : i32
      %dma_wait3A_105 = arith.constant 0 : i32
      %dma_wait3A_106 = arith.constant 0 : i32
      %dma_wait3A_107 = tpu.memref_slice %arg3[%dma_wait3A_105, %dma_wait3A_106] : memref<50000x128xf32, #tpu.memory_space<hbm>> -> memref<50000x128xf32, #tpu.memory_space<hbm>>
      %dma_wait3A_108 = tpu.memref_slice %arg17[%dma_wait3A_104] : memref<2x!tpu.dma_semaphore, #tpu.memory_space<semaphore_mem>> -> memref<1x!tpu.dma_semaphore, #tpu.memory_space<semaphore_mem>>
      %dma_wait3A_109 = tpu.memref_squeeze %dma_wait3A_108 : memref<1x!tpu.dma_semaphore, #tpu.memory_space<semaphore_mem>> -> memref<!tpu.dma_semaphore, #tpu.memory_space<semaphore_mem>>
      tpu.wait_indirect_dma semaphore(%dma_wait3A_109 : memref<!tpu.dma_semaphore, #tpu.memory_space<semaphore_mem>>) src(%dma_wait3A_107 : memref<50000x128xf32, #tpu.memory_space<hbm>>) dst(%arg15 : memref<200x128xf32, #tpu.memory_space<vmem>>)
      "tpu.region"() ({
        %run_scoped3A = tpu.sem_alloc : memref<!tpu.dma_semaphore, #tpu.memory_space<semaphore_mem>>
        %dma_start3A_110 = arith.constant 0 : i32
        %dma_start3A_111 = tpu.memref_slice %arg6[%multiple_of3A_97, %dma_start3A_110] : memref<800000x128xf32, #tpu.memory_space<hbm>> -> memref<200x128xf32, #tpu.memory_space<hbm>>
        %dma_start3A_112 = arith.constant 0 : i32
        %dma_start3A_113 = tpu.memref_slice %arg6[%multiple_of3A_97, %dma_start3A_112] : memref<800000x128xf32, #tpu.memory_space<hbm>> -> memref<200x128xf32, #tpu.memory_space<hbm>>
        tpu.enqueue_dma source(%arg13 : memref<200x128xf32, #tpu.memory_space<vmem>>) target(%dma_start3A_113 : memref<200x128xf32, #tpu.memory_space<hbm>>) target_semaphore(%run_scoped3A : memref<!tpu.dma_semaphore, #tpu.memory_space<semaphore_mem>>)
        %dma_wait3A_114 = arith.constant 0 : i32
        %dma_wait3A_115 = tpu.memref_slice %arg6[%multiple_of3A_97, %dma_wait3A_114] : memref<800000x128xf32, #tpu.memory_space<hbm>> -> memref<200x128xf32, #tpu.memory_space<hbm>>
        %dma_wait3A_116 = arith.constant 0 : i32
        %dma_wait3A_117 = tpu.memref_slice %arg6[%multiple_of3A_97, %dma_wait3A_116] : memref<800000x128xf32, #tpu.memory_space<hbm>> -> memref<200x128xf32, #tpu.memory_space<hbm>>
        tpu.wait_dma2 semaphore(%run_scoped3A : memref<!tpu.dma_semaphore, #tpu.memory_space<semaphore_mem>>) src(%arg13 : memref<200x128xf32, #tpu.memory_space<vmem>>) dst(%dma_wait3A_117 : memref<200x128xf32, #tpu.memory_space<hbm>>)
        tpu.yield
      }) : () -> ()
      "tpu.region"() ({
        %run_scoped3A = tpu.sem_alloc : memref<!tpu.dma_semaphore, #tpu.memory_space<semaphore_mem>>
        %dma_start3A_110 = arith.constant 0 : i32
        %dma_start3A_111 = tpu.memref_slice %arg7[%multiple_of3A_97, %dma_start3A_110] : memref<800000x128xf32, #tpu.memory_space<hbm>> -> memref<200x128xf32, #tpu.memory_space<hbm>>
        %dma_start3A_112 = arith.constant 0 : i32
        %dma_start3A_113 = tpu.memref_slice %arg7[%multiple_of3A_97, %dma_start3A_112] : memref<800000x128xf32, #tpu.memory_space<hbm>> -> memref<200x128xf32, #tpu.memory_space<hbm>>
        tpu.enqueue_dma source(%arg15 : memref<200x128xf32, #tpu.memory_space<vmem>>) target(%dma_start3A_113 : memref<200x128xf32, #tpu.memory_space<hbm>>) target_semaphore(%run_scoped3A : memref<!tpu.dma_semaphore, #tpu.memory_space<semaphore_mem>>)
        %dma_wait3A_114 = arith.constant 0 : i32
        %dma_wait3A_115 = tpu.memref_slice %arg7[%multiple_of3A_97, %dma_wait3A_114] : memref<800000x128xf32, #tpu.memory_space<hbm>> -> memref<200x128xf32, #tpu.memory_space<hbm>>
        %dma_wait3A_116 = arith.constant 0 : i32
        %dma_wait3A_117 = tpu.memref_slice %arg7[%multiple_of3A_97, %dma_wait3A_116] : memref<800000x128xf32, #tpu.memory_space<hbm>> -> memref<200x128xf32, #tpu.memory_space<hbm>>
        tpu.wait_dma2 semaphore(%run_scoped3A : memref<!tpu.dma_semaphore, #tpu.memory_space<semaphore_mem>>) src(%arg15 : memref<200x128xf32, #tpu.memory_space<vmem>>) dst(%dma_wait3A_117 : memref<200x128xf32, #tpu.memory_space<hbm>>)
        tpu.yield
      }) : () -> ()
    }
    %scan3A_19 = arith.constant 62 : i32
    %add3A_20 = arith.constant 24800 : i32
    %add3A_21 = arith.addi %mul3A_2, %add3A_20 : i32
    %multiple_of3A_22 = tpu.assume_multiple %add3A_21, 8 : i32
    %dma_wait3A = arith.constant 0 : i32
    %dma_wait3A_23 = arith.constant 0 : i32
    %dma_wait3A_24 = arith.constant 0 : i32
    %dma_wait3A_25 = tpu.memref_slice %arg2[%dma_wait3A_23, %dma_wait3A_24] : memref<50000x128xf32, #tpu.memory_space<hbm>> -> memref<50000x128xf32, #tpu.memory_space<hbm>>
    %dma_wait3A_26 = tpu.memref_slice %arg16[%dma_wait3A] : memref<2x!tpu.dma_semaphore, #tpu.memory_space<semaphore_mem>> -> memref<1x!tpu.dma_semaphore, #tpu.memory_space<semaphore_mem>>
    %dma_wait3A_27 = tpu.memref_squeeze %dma_wait3A_26 : memref<1x!tpu.dma_semaphore, #tpu.memory_space<semaphore_mem>> -> memref<!tpu.dma_semaphore, #tpu.memory_space<semaphore_mem>>
    tpu.wait_indirect_dma semaphore(%dma_wait3A_27 : memref<!tpu.dma_semaphore, #tpu.memory_space<semaphore_mem>>) src(%dma_wait3A_25 : memref<50000x128xf32, #tpu.memory_space<hbm>>) dst(%arg12 : memref<200x128xf32, #tpu.memory_space<vmem>>)
    %dma_wait3A_28 = arith.constant 0 : i32
    %dma_wait3A_29 = arith.constant 0 : i32
    %dma_wait3A_30 = arith.constant 0 : i32
    %dma_wait3A_31 = tpu.memref_slice %arg3[%dma_wait3A_29, %dma_wait3A_30] : memref<50000x128xf32, #tpu.memory_space<hbm>> -> memref<50000x128xf32, #tpu.memory_space<hbm>>
    %dma_wait3A_32 = tpu.memref_slice %arg17[%dma_wait3A_28] : memref<2x!tpu.dma_semaphore, #tpu.memory_space<semaphore_mem>> -> memref<1x!tpu.dma_semaphore, #tpu.memory_space<semaphore_mem>>
    %dma_wait3A_33 = tpu.memref_squeeze %dma_wait3A_32 : memref<1x!tpu.dma_semaphore, #tpu.memory_space<semaphore_mem>> -> memref<!tpu.dma_semaphore, #tpu.memory_space<semaphore_mem>>
    tpu.wait_indirect_dma semaphore(%dma_wait3A_33 : memref<!tpu.dma_semaphore, #tpu.memory_space<semaphore_mem>>) src(%dma_wait3A_31 : memref<50000x128xf32, #tpu.memory_space<hbm>>) dst(%arg14 : memref<200x128xf32, #tpu.memory_space<vmem>>)
    "tpu.region"() ({
      %run_scoped3A = tpu.sem_alloc : memref<!tpu.dma_semaphore, #tpu.memory_space<semaphore_mem>>
      %dma_start3A_34 = arith.constant 0 : i32
      %dma_start3A_35 = tpu.memref_slice %arg6[%multiple_of3A_22, %dma_start3A_34] : memref<800000x128xf32, #tpu.memory_space<hbm>> -> memref<200x128xf32, #tpu.memory_space<hbm>>
      %dma_start3A_36 = arith.constant 0 : i32
      %dma_start3A_37 = tpu.memref_slice %arg6[%multiple_of3A_22, %dma_start3A_36] : memref<800000x128xf32, #tpu.memory_space<hbm>> -> memref<200x128xf32, #tpu.memory_space<hbm>>
      tpu.enqueue_dma source(%arg12 : memref<200x128xf32, #tpu.memory_space<vmem>>) target(%dma_start3A_37 : memref<200x128xf32, #tpu.memory_space<hbm>>) target_semaphore(%run_scoped3A : memref<!tpu.dma_semaphore, #tpu.memory_space<semaphore_mem>>)
      %dma_wait3A_38 = arith.constant 0 : i32
      %dma_wait3A_39 = tpu.memref_slice %arg6[%multiple_of3A_22, %dma_wait3A_38] : memref<800000x128xf32, #tpu.memory_space<hbm>> -> memref<200x128xf32, #tpu.memory_space<hbm>>
      %dma_wait3A_40 = arith.constant 0 : i32
      %dma_wait3A_41 = tpu.memref_slice %arg6[%multiple_of3A_22, %dma_wait3A_40] : memref<800000x128xf32, #tpu.memory_space<hbm>> -> memref<200x128xf32, #tpu.memory_space<hbm>>
      tpu.wait_dma2 semaphore(%run_scoped3A : memref<!tpu.dma_semaphore, #tpu.memory_space<semaphore_mem>>) src(%arg12 : memref<200x128xf32, #tpu.memory_space<vmem>>) dst(%dma_wait3A_41 : memref<200x128xf32, #tpu.memory_space<hbm>>)
      tpu.yield
    }) : () -> ()
    "tpu.region"() ({
      %run_scoped3A = tpu.sem_alloc : memref<!tpu.dma_semaphore, #tpu.memory_space<semaphore_mem>>
      %dma_start3A_34 = arith.constant 0 : i32
      %dma_start3A_35 = tpu.memref_slice %arg7[%multiple_of3A_22, %dma_start3A_34] : memref<800000x128xf32, #tpu.memory_space<hbm>> -> memref<200x128xf32, #tpu.memory_space<hbm>>
      %dma_start3A_36 = arith.constant 0 : i32
      %dma_start3A_37 = tpu.memref_slice %arg7[%multiple_of3A_22, %dma_start3A_36] : memref<800000x128xf32, #tpu.memory_space<hbm>> -> memref<200x128xf32, #tpu.memory_space<hbm>>
      tpu.enqueue_dma source(%arg14 : memref<200x128xf32, #tpu.memory_space<vmem>>) target(%dma_start3A_37 : memref<200x128xf32, #tpu.memory_space<hbm>>) target_semaphore(%run_scoped3A : memref<!tpu.dma_semaphore, #tpu.memory_space<semaphore_mem>>)
      %dma_wait3A_38 = arith.constant 0 : i32
      %dma_wait3A_39 = tpu.memref_slice %arg7[%multiple_of3A_22, %dma_wait3A_38] : memref<800000x128xf32, #tpu.memory_space<hbm>> -> memref<200x128xf32, #tpu.memory_space<hbm>>
      %dma_wait3A_40 = arith.constant 0 : i32
      %dma_wait3A_41 = tpu.memref_slice %arg7[%multiple_of3A_22, %dma_wait3A_40] : memref<800000x128xf32, #tpu.memory_space<hbm>> -> memref<200x128xf32, #tpu.memory_space<hbm>>
      tpu.wait_dma2 semaphore(%run_scoped3A : memref<!tpu.dma_semaphore, #tpu.memory_space<semaphore_mem>>) src(%arg14 : memref<200x128xf32, #tpu.memory_space<vmem>>) dst(%dma_wait3A_41 : memref<200x128xf32, #tpu.memory_space<hbm>>)
      tpu.yield
    }) : () -> ()
    return
  }
}

#map = affine_map<(d0, d1) -> (0, 0)>
#map1 = affine_map<(d0, d1) -> (0)>
#map2 = affine_map<(d0, d1) -> (0, 0, 0)>
module attributes {stable_mosaic.version = 14 : i64} {
  func.func @_scatter_add(%arg0: i32, %arg1: i32, %arg2: memref<800000x128xf32, #tpu.memory_space<hbm>>, %arg3: memref<800000xi32, #tpu.memory_space<hbm>>, %arg4: memref<50000x32xf32, #tpu.memory_space<hbm>>, %arg5: memref<2x50000x32xf32, #tpu.memory_space<hbm>>, %arg6: memref<200xi32, #tpu.memory_space<vmem>>, %arg7: memref<200xi32, #tpu.memory_space<vmem>>, %arg8: memref<200x32xf32, #tpu.memory_space<vmem>>, %arg9: memref<200x32xf32, #tpu.memory_space<vmem>>, %arg10: memref<50000x32xf32, #tpu.memory_space<vmem_shared>>, %arg11: memref<2x!tpu.dma_semaphore, #tpu.memory_space<semaphore_mem>>, %arg12: memref<2x!tpu.dma_semaphore, #tpu.memory_space<semaphore_mem>>) attributes {dimension_semantics = [#tpu.dimension_semantics<core_parallel>, #tpu.dimension_semantics<subcore_parallel>], iteration_bounds = array<i64: 2, 16>, scalar_prefetch = 0 : i64, scratch_operands = 7 : i64, tpu.core_type = #tpu.core_type<sc_vector_subcore>, window_params = [{transform_indices = #map}, {transform_indices = #map1}, {transform_indices = #map}, {transform_indices = #map2}]} {
    %eq3A = arith.constant 0 : i32
    %eq3A_0 = arith.cmpi eq, %arg1, %eq3A : i32
    %convert_element_type3A = arith.extui %eq3A_0 : i1 to i32
    %cond3A = arith.constant 0 : i32
    %cond3A_1 = arith.cmpi ne, %convert_element_type3A, %cond3A : i32
    scf.if %cond3A_1 {
      "tpu.region"() ({
        %run_scoped3A = tpu.sem_alloc : memref<!tpu.dma_semaphore, #tpu.memory_space<semaphore_mem>>
        tpu.enqueue_dma source(%arg4 : memref<50000x32xf32, #tpu.memory_space<hbm>>) target(%arg10 : memref<50000x32xf32, #tpu.memory_space<vmem_shared>>) target_semaphore(%run_scoped3A : memref<!tpu.dma_semaphore, #tpu.memory_space<semaphore_mem>>)
        tpu.wait_dma2 semaphore(%run_scoped3A : memref<!tpu.dma_semaphore, #tpu.memory_space<semaphore_mem>>) src(%arg4 : memref<50000x32xf32, #tpu.memory_space<hbm>>) dst(%arg10 : memref<50000x32xf32, #tpu.memory_space<vmem_shared>>)
        tpu.yield
      }) : () -> ()
    } else {
    }
    %barrier3A = arith.constant 0 : index
    tpu.barrier barrier_id(%barrier3A)
    %mul3A = arith.constant 50000 : i32
    %mul3A_2 = arith.muli %arg1, %mul3A : i32
    %add3A = arith.constant 0 : i32
    %add3A_3 = arith.addi %mul3A_2, %add3A : i32
    %multiple_of3A = tpu.assume_multiple %add3A_3, 8 : i32
    %dma_start3A = arith.constant 0 : i32
    %dma_start3A_4 = tpu.memref_slice %arg3[%multiple_of3A] : memref<800000xi32, #tpu.memory_space<hbm>> -> memref<200xi32, #tpu.memory_space<hbm>>
    %dma_start3A_5 = tpu.memref_slice %arg11[%dma_start3A] : memref<2x!tpu.dma_semaphore, #tpu.memory_space<semaphore_mem>> -> memref<1x!tpu.dma_semaphore, #tpu.memory_space<semaphore_mem>>
    %dma_start3A_6 = tpu.memref_squeeze %dma_start3A_5 : memref<1x!tpu.dma_semaphore, #tpu.memory_space<semaphore_mem>> -> memref<!tpu.dma_semaphore, #tpu.memory_space<semaphore_mem>>
    %dma_start3A_7 = tpu.memref_slice %arg3[%multiple_of3A] : memref<800000xi32, #tpu.memory_space<hbm>> -> memref<200xi32, #tpu.memory_space<hbm>>
    tpu.enqueue_dma source(%dma_start3A_7 : memref<200xi32, #tpu.memory_space<hbm>>) target(%arg6 : memref<200xi32, #tpu.memory_space<vmem>>) target_semaphore(%dma_start3A_6 : memref<!tpu.dma_semaphore, #tpu.memory_space<semaphore_mem>>)
    %mul3A_8 = arith.constant 32 : i32
    %mul3A_9 = arith.muli %mul3A_8, %arg0 : i32
    %dma_start3A_10 = arith.constant 0 : i32
    %dma_start3A_11 = tpu.memref_slice %arg2[%multiple_of3A, %mul3A_9] : memref<800000x128xf32, #tpu.memory_space<hbm>> -> memref<200x32xf32, #tpu.memory_space<hbm>>
    %dma_start3A_12 = tpu.memref_slice %arg12[%dma_start3A_10] : memref<2x!tpu.dma_semaphore, #tpu.memory_space<semaphore_mem>> -> memref<1x!tpu.dma_semaphore, #tpu.memory_space<semaphore_mem>>
    %dma_start3A_13 = tpu.memref_squeeze %dma_start3A_12 : memref<1x!tpu.dma_semaphore, #tpu.memory_space<semaphore_mem>> -> memref<!tpu.dma_semaphore, #tpu.memory_space<semaphore_mem>>
    %dma_start3A_14 = tpu.memref_slice %arg2[%multiple_of3A, %mul3A_9] : memref<800000x128xf32, #tpu.memory_space<hbm>> -> memref<200x32xf32, #tpu.memory_space<hbm>>
    tpu.enqueue_dma source(%dma_start3A_14 : memref<200x32xf32, #tpu.memory_space<hbm>>) target(%arg8 : memref<200x32xf32, #tpu.memory_space<vmem>>) target_semaphore(%dma_start3A_13 : memref<!tpu.dma_semaphore, #tpu.memory_space<semaphore_mem>>)
    %scan3A = arith.constant 0 : i32
    %scan3A_15 = arith.constant 125 : i32
    %scan3A_16 = arith.addi %scan3A, %scan3A_15 : i32
    %scan3A_17 = arith.constant 1 : i32
    scf.for %scan3A_25 = %scan3A to %scan3A_16 step %scan3A_17  : i32 {
      %mul3A_26 = arith.constant 1 : i32
      %mul3A_27 = arith.muli %scan3A_25, %mul3A_26 : i32
      %add3A_28 = arith.constant 0 : i32
      %add3A_29 = arith.addi %add3A_28, %mul3A_27 : i32
      %mul3A_30 = arith.constant 2 : i32
      %mul3A_31 = arith.muli %mul3A_30, %add3A_29 : i32
      %add3A_32 = arith.constant 1 : i32
      %add3A_33 = arith.addi %mul3A_31, %add3A_32 : i32
      %lt3A = arith.constant 250 : i32
      %lt3A_34 = arith.cmpi slt, %add3A_33, %lt3A : i32
      %convert_element_type3A_35 = arith.extui %lt3A_34 : i1 to i32
      %cond3A_36 = arith.constant 0 : i32
      %cond3A_37 = arith.cmpi ne, %convert_element_type3A_35, %cond3A_36 : i32
      scf.if %cond3A_37 {
        %add3A_67 = arith.constant 1 : i32
        %add3A_68 = arith.addi %mul3A_31, %add3A_67 : i32
        %mul3A_69 = arith.constant 200 : i32
        %mul3A_70 = arith.muli %add3A_68, %mul3A_69 : i32
        %add3A_71 = arith.addi %mul3A_2, %mul3A_70 : i32
        %multiple_of3A_72 = tpu.assume_multiple %add3A_71, 8 : i32
        %dma_start3A_73 = arith.constant 1 : i32
        %dma_start3A_74 = tpu.memref_slice %arg3[%multiple_of3A_72] : memref<800000xi32, #tpu.memory_space<hbm>> -> memref<200xi32, #tpu.memory_space<hbm>>
        %dma_start3A_75 = tpu.memref_slice %arg11[%dma_start3A_73] : memref<2x!tpu.dma_semaphore, #tpu.memory_space<semaphore_mem>> -> memref<1x!tpu.dma_semaphore, #tpu.memory_space<semaphore_mem>>
        %dma_start3A_76 = tpu.memref_squeeze %dma_start3A_75 : memref<1x!tpu.dma_semaphore, #tpu.memory_space<semaphore_mem>> -> memref<!tpu.dma_semaphore, #tpu.memory_space<semaphore_mem>>
        %dma_start3A_77 = tpu.memref_slice %arg3[%multiple_of3A_72] : memref<800000xi32, #tpu.memory_space<hbm>> -> memref<200xi32, #tpu.memory_space<hbm>>
        tpu.enqueue_dma source(%dma_start3A_77 : memref<200xi32, #tpu.memory_space<hbm>>) target(%arg7 : memref<200xi32, #tpu.memory_space<vmem>>) target_semaphore(%dma_start3A_76 : memref<!tpu.dma_semaphore, #tpu.memory_space<semaphore_mem>>)
        %mul3A_78 = arith.constant 32 : i32
        %mul3A_79 = arith.muli %mul3A_78, %arg0 : i32
        %dma_start3A_80 = arith.constant 1 : i32
        %dma_start3A_81 = tpu.memref_slice %arg2[%multiple_of3A_72, %mul3A_79] : memref<800000x128xf32, #tpu.memory_space<hbm>> -> memref<200x32xf32, #tpu.memory_space<hbm>>
        %dma_start3A_82 = tpu.memref_slice %arg12[%dma_start3A_80] : memref<2x!tpu.dma_semaphore, #tpu.memory_space<semaphore_mem>> -> memref<1x!tpu.dma_semaphore, #tpu.memory_space<semaphore_mem>>
        %dma_start3A_83 = tpu.memref_squeeze %dma_start3A_82 : memref<1x!tpu.dma_semaphore, #tpu.memory_space<semaphore_mem>> -> memref<!tpu.dma_semaphore, #tpu.memory_space<semaphore_mem>>
        %dma_start3A_84 = tpu.memref_slice %arg2[%multiple_of3A_72, %mul3A_79] : memref<800000x128xf32, #tpu.memory_space<hbm>> -> memref<200x32xf32, #tpu.memory_space<hbm>>
        tpu.enqueue_dma source(%dma_start3A_84 : memref<200x32xf32, #tpu.memory_space<hbm>>) target(%arg9 : memref<200x32xf32, #tpu.memory_space<vmem>>) target_semaphore(%dma_start3A_83 : memref<!tpu.dma_semaphore, #tpu.memory_space<semaphore_mem>>)
      } else {
      }
      %mul3A_38 = arith.constant 200 : i32
      %mul3A_39 = arith.muli %mul3A_31, %mul3A_38 : i32
      %add3A_40 = arith.addi %mul3A_2, %mul3A_39 : i32
      %multiple_of3A_41 = tpu.assume_multiple %add3A_40, 8 : i32
      %dma_wait3A = arith.constant 0 : i32
      %dma_wait3A_42 = tpu.memref_slice %arg3[%multiple_of3A_41] : memref<800000xi32, #tpu.memory_space<hbm>> -> memref<200xi32, #tpu.memory_space<hbm>>
      %dma_wait3A_43 = tpu.memref_slice %arg11[%dma_wait3A] : memref<2x!tpu.dma_semaphore, #tpu.memory_space<semaphore_mem>> -> memref<1x!tpu.dma_semaphore, #tpu.memory_space<semaphore_mem>>
      %dma_wait3A_44 = tpu.memref_squeeze %dma_wait3A_43 : memref<1x!tpu.dma_semaphore, #tpu.memory_space<semaphore_mem>> -> memref<!tpu.dma_semaphore, #tpu.memory_space<semaphore_mem>>
      %dma_wait3A_45 = tpu.memref_slice %arg3[%multiple_of3A_41] : memref<800000xi32, #tpu.memory_space<hbm>> -> memref<200xi32, #tpu.memory_space<hbm>>
      tpu.wait_dma2 semaphore(%dma_wait3A_44 : memref<!tpu.dma_semaphore, #tpu.memory_space<semaphore_mem>>) src(%dma_wait3A_45 : memref<200xi32, #tpu.memory_space<hbm>>) dst(%arg6 : memref<200xi32, #tpu.memory_space<vmem>>)
      %mul3A_46 = arith.constant 32 : i32
      %mul3A_47 = arith.muli %mul3A_46, %arg0 : i32
      %dma_wait3A_48 = arith.constant 0 : i32
      %dma_wait3A_49 = tpu.memref_slice %arg2[%multiple_of3A_41, %mul3A_47] : memref<800000x128xf32, #tpu.memory_space<hbm>> -> memref<200x32xf32, #tpu.memory_space<hbm>>
      %dma_wait3A_50 = tpu.memref_slice %arg12[%dma_wait3A_48] : memref<2x!tpu.dma_semaphore, #tpu.memory_space<semaphore_mem>> -> memref<1x!tpu.dma_semaphore, #tpu.memory_space<semaphore_mem>>
      %dma_wait3A_51 = tpu.memref_squeeze %dma_wait3A_50 : memref<1x!tpu.dma_semaphore, #tpu.memory_space<semaphore_mem>> -> memref<!tpu.dma_semaphore, #tpu.memory_space<semaphore_mem>>
      %dma_wait3A_52 = tpu.memref_slice %arg2[%multiple_of3A_41, %mul3A_47] : memref<800000x128xf32, #tpu.memory_space<hbm>> -> memref<200x32xf32, #tpu.memory_space<hbm>>
      tpu.wait_dma2 semaphore(%dma_wait3A_51 : memref<!tpu.dma_semaphore, #tpu.memory_space<semaphore_mem>>) src(%dma_wait3A_52 : memref<200x32xf32, #tpu.memory_space<hbm>>) dst(%arg8 : memref<200x32xf32, #tpu.memory_space<vmem>>)
      "tpu.region"() ({
        %run_scoped3A = tpu.sem_alloc : memref<!tpu.dma_semaphore, #tpu.memory_space<semaphore_mem>>
        %dma_start3A_67 = arith.constant 0 : i32
        %dma_start3A_68 = arith.constant 0 : i32
        %dma_start3A_69 = tpu.memref_slice %arg10[%dma_start3A_67, %dma_start3A_68] : memref<50000x32xf32, #tpu.memory_space<vmem_shared>> -> memref<50000x32xf32, #tpu.memory_space<vmem_shared>>
        tpu.enqueue_indirect_dma source(%arg8 : memref<200x32xf32, #tpu.memory_space<vmem>>) target(%dma_start3A_69 : memref<50000x32xf32, #tpu.memory_space<vmem_shared>>) offsets(%arg6 : memref<200xi32, #tpu.memory_space<vmem>>) semaphore(%run_scoped3A : memref<!tpu.dma_semaphore, #tpu.memory_space<semaphore_mem>>) {add = true}
        %dma_wait3A_70 = arith.constant 0 : i32
        %dma_wait3A_71 = arith.constant 0 : i32
        %dma_wait3A_72 = tpu.memref_slice %arg10[%dma_wait3A_70, %dma_wait3A_71] : memref<50000x32xf32, #tpu.memory_space<vmem_shared>> -> memref<50000x32xf32, #tpu.memory_space<vmem_shared>>
        tpu.wait_indirect_dma semaphore(%run_scoped3A : memref<!tpu.dma_semaphore, #tpu.memory_space<semaphore_mem>>) src(%arg8 : memref<200x32xf32, #tpu.memory_space<vmem>>) dst(%dma_wait3A_72 : memref<50000x32xf32, #tpu.memory_space<vmem_shared>>)
        tpu.yield
      }) : () -> ()
      %add3A_53 = arith.constant 2 : i32
      %add3A_54 = arith.addi %mul3A_31, %add3A_53 : i32
      %lt3A_55 = arith.constant 250 : i32
      %lt3A_56 = arith.cmpi slt, %add3A_54, %lt3A_55 : i32
      %convert_element_type3A_57 = arith.extui %lt3A_56 : i1 to i32
      %cond3A_58 = arith.constant 0 : i32
      %cond3A_59 = arith.cmpi ne, %convert_element_type3A_57, %cond3A_58 : i32
      scf.if %cond3A_59 {
        %add3A_67 = arith.constant 2 : i32
        %add3A_68 = arith.addi %mul3A_31, %add3A_67 : i32
        %mul3A_69 = arith.constant 200 : i32
        %mul3A_70 = arith.muli %add3A_68, %mul3A_69 : i32
        %add3A_71 = arith.addi %mul3A_2, %mul3A_70 : i32
        %multiple_of3A_72 = tpu.assume_multiple %add3A_71, 8 : i32
        %dma_start3A_73 = arith.constant 0 : i32
        %dma_start3A_74 = tpu.memref_slice %arg3[%multiple_of3A_72] : memref<800000xi32, #tpu.memory_space<hbm>> -> memref<200xi32, #tpu.memory_space<hbm>>
        %dma_start3A_75 = tpu.memref_slice %arg11[%dma_start3A_73] : memref<2x!tpu.dma_semaphore, #tpu.memory_space<semaphore_mem>> -> memref<1x!tpu.dma_semaphore, #tpu.memory_space<semaphore_mem>>
        %dma_start3A_76 = tpu.memref_squeeze %dma_start3A_75 : memref<1x!tpu.dma_semaphore, #tpu.memory_space<semaphore_mem>> -> memref<!tpu.dma_semaphore, #tpu.memory_space<semaphore_mem>>
        %dma_start3A_77 = tpu.memref_slice %arg3[%multiple_of3A_72] : memref<800000xi32, #tpu.memory_space<hbm>> -> memref<200xi32, #tpu.memory_space<hbm>>
        tpu.enqueue_dma source(%dma_start3A_77 : memref<200xi32, #tpu.memory_space<hbm>>) target(%arg6 : memref<200xi32, #tpu.memory_space<vmem>>) target_semaphore(%dma_start3A_76 : memref<!tpu.dma_semaphore, #tpu.memory_space<semaphore_mem>>)
        %mul3A_78 = arith.constant 32 : i32
        %mul3A_79 = arith.muli %mul3A_78, %arg0 : i32
        %dma_start3A_80 = arith.constant 0 : i32
        %dma_start3A_81 = tpu.memref_slice %arg2[%multiple_of3A_72, %mul3A_79] : memref<800000x128xf32, #tpu.memory_space<hbm>> -> memref<200x32xf32, #tpu.memory_space<hbm>>
        %dma_start3A_82 = tpu.memref_slice %arg12[%dma_start3A_80] : memref<2x!tpu.dma_semaphore, #tpu.memory_space<semaphore_mem>> -> memref<1x!tpu.dma_semaphore, #tpu.memory_space<semaphore_mem>>
        %dma_start3A_83 = tpu.memref_squeeze %dma_start3A_82 : memref<1x!tpu.dma_semaphore, #tpu.memory_space<semaphore_mem>> -> memref<!tpu.dma_semaphore, #tpu.memory_space<semaphore_mem>>
        %dma_start3A_84 = tpu.memref_slice %arg2[%multiple_of3A_72, %mul3A_79] : memref<800000x128xf32, #tpu.memory_space<hbm>> -> memref<200x32xf32, #tpu.memory_space<hbm>>
        tpu.enqueue_dma source(%dma_start3A_84 : memref<200x32xf32, #tpu.memory_space<hbm>>) target(%arg8 : memref<200x32xf32, #tpu.memory_space<vmem>>) target_semaphore(%dma_start3A_83 : memref<!tpu.dma_semaphore, #tpu.memory_space<semaphore_mem>>)
      } else {
      }
      %add3A_60 = arith.constant 1 : i32
      %add3A_61 = arith.addi %mul3A_31, %add3A_60 : i32
      %lt3A_62 = arith.constant 250 : i32
      %lt3A_63 = arith.cmpi slt, %add3A_61, %lt3A_62 : i32
      %convert_element_type3A_64 = arith.extui %lt3A_63 : i1 to i32
      %cond3A_65 = arith.constant 0 : i32
      %cond3A_66 = arith.cmpi ne, %convert_element_type3A_64, %cond3A_65 : i32
      scf.if %cond3A_66 {
        %add3A_67 = arith.constant 1 : i32
        %add3A_68 = arith.addi %mul3A_31, %add3A_67 : i32
        %mul3A_69 = arith.constant 200 : i32
        %mul3A_70 = arith.muli %add3A_68, %mul3A_69 : i32
        %add3A_71 = arith.addi %mul3A_2, %mul3A_70 : i32
        %multiple_of3A_72 = tpu.assume_multiple %add3A_71, 8 : i32
        %dma_wait3A_73 = arith.constant 1 : i32
        %dma_wait3A_74 = tpu.memref_slice %arg3[%multiple_of3A_72] : memref<800000xi32, #tpu.memory_space<hbm>> -> memref<200xi32, #tpu.memory_space<hbm>>
        %dma_wait3A_75 = tpu.memref_slice %arg11[%dma_wait3A_73] : memref<2x!tpu.dma_semaphore, #tpu.memory_space<semaphore_mem>> -> memref<1x!tpu.dma_semaphore, #tpu.memory_space<semaphore_mem>>
        %dma_wait3A_76 = tpu.memref_squeeze %dma_wait3A_75 : memref<1x!tpu.dma_semaphore, #tpu.memory_space<semaphore_mem>> -> memref<!tpu.dma_semaphore, #tpu.memory_space<semaphore_mem>>
        %dma_wait3A_77 = tpu.memref_slice %arg3[%multiple_of3A_72] : memref<800000xi32, #tpu.memory_space<hbm>> -> memref<200xi32, #tpu.memory_space<hbm>>
        tpu.wait_dma2 semaphore(%dma_wait3A_76 : memref<!tpu.dma_semaphore, #tpu.memory_space<semaphore_mem>>) src(%dma_wait3A_77 : memref<200xi32, #tpu.memory_space<hbm>>) dst(%arg7 : memref<200xi32, #tpu.memory_space<vmem>>)
        %mul3A_78 = arith.constant 32 : i32
        %mul3A_79 = arith.muli %mul3A_78, %arg0 : i32
        %dma_wait3A_80 = arith.constant 1 : i32
        %dma_wait3A_81 = tpu.memref_slice %arg2[%multiple_of3A_72, %mul3A_79] : memref<800000x128xf32, #tpu.memory_space<hbm>> -> memref<200x32xf32, #tpu.memory_space<hbm>>
        %dma_wait3A_82 = tpu.memref_slice %arg12[%dma_wait3A_80] : memref<2x!tpu.dma_semaphore, #tpu.memory_space<semaphore_mem>> -> memref<1x!tpu.dma_semaphore, #tpu.memory_space<semaphore_mem>>
        %dma_wait3A_83 = tpu.memref_squeeze %dma_wait3A_82 : memref<1x!tpu.dma_semaphore, #tpu.memory_space<semaphore_mem>> -> memref<!tpu.dma_semaphore, #tpu.memory_space<semaphore_mem>>
        %dma_wait3A_84 = tpu.memref_slice %arg2[%multiple_of3A_72, %mul3A_79] : memref<800000x128xf32, #tpu.memory_space<hbm>> -> memref<200x32xf32, #tpu.memory_space<hbm>>
        tpu.wait_dma2 semaphore(%dma_wait3A_83 : memref<!tpu.dma_semaphore, #tpu.memory_space<semaphore_mem>>) src(%dma_wait3A_84 : memref<200x32xf32, #tpu.memory_space<hbm>>) dst(%arg9 : memref<200x32xf32, #tpu.memory_space<vmem>>)
        "tpu.region"() ({
          %run_scoped3A = tpu.sem_alloc : memref<!tpu.dma_semaphore, #tpu.memory_space<semaphore_mem>>
          %dma_start3A_85 = arith.constant 0 : i32
          %dma_start3A_86 = arith.constant 0 : i32
          %dma_start3A_87 = tpu.memref_slice %arg10[%dma_start3A_85, %dma_start3A_86] : memref<50000x32xf32, #tpu.memory_space<vmem_shared>> -> memref<50000x32xf32, #tpu.memory_space<vmem_shared>>
          tpu.enqueue_indirect_dma source(%arg9 : memref<200x32xf32, #tpu.memory_space<vmem>>) target(%dma_start3A_87 : memref<50000x32xf32, #tpu.memory_space<vmem_shared>>) offsets(%arg7 : memref<200xi32, #tpu.memory_space<vmem>>) semaphore(%run_scoped3A : memref<!tpu.dma_semaphore, #tpu.memory_space<semaphore_mem>>) {add = true}
          %dma_wait3A_88 = arith.constant 0 : i32
          %dma_wait3A_89 = arith.constant 0 : i32
          %dma_wait3A_90 = tpu.memref_slice %arg10[%dma_wait3A_88, %dma_wait3A_89] : memref<50000x32xf32, #tpu.memory_space<vmem_shared>> -> memref<50000x32xf32, #tpu.memory_space<vmem_shared>>
          tpu.wait_indirect_dma semaphore(%run_scoped3A : memref<!tpu.dma_semaphore, #tpu.memory_space<semaphore_mem>>) src(%arg9 : memref<200x32xf32, #tpu.memory_space<vmem>>) dst(%dma_wait3A_90 : memref<50000x32xf32, #tpu.memory_space<vmem_shared>>)
          tpu.yield
        }) : () -> ()
      } else {
      }
    }
    %scan3A_18 = arith.constant 125 : i32
    %barrier3A_19 = arith.constant 0 : index
    tpu.barrier barrier_id(%barrier3A_19)
    %scan3A_20 = arith.constant 0 : i32
    %scan3A_21 = arith.constant 8 : i32
    %scan3A_22 = arith.addi %scan3A_20, %scan3A_21 : i32
    %scan3A_23 = arith.constant 1 : i32
    scf.for %scan3A_25 = %scan3A_20 to %scan3A_22 step %scan3A_23  : i32 {
      %mul3A_26 = arith.constant 1 : i32
      %mul3A_27 = arith.muli %scan3A_25, %mul3A_26 : i32
      %add3A_28 = arith.constant 0 : i32
      %add3A_29 = arith.addi %add3A_28, %mul3A_27 : i32
      %mul3A_30 = arith.constant 16 : i32
      %mul3A_31 = arith.muli %add3A_29, %mul3A_30 : i32
      %add3A_32 = arith.addi %arg1, %mul3A_31 : i32
      %lt3A = arith.constant 125 : i32
      %lt3A_33 = arith.cmpi slt, %add3A_32, %lt3A : i32
      %convert_element_type3A_34 = arith.extui %lt3A_33 : i1 to i32
      %cond3A_35 = arith.constant 0 : i32
      %cond3A_36 = arith.cmpi ne, %convert_element_type3A_34, %cond3A_35 : i32
      scf.if %cond3A_36 {
        %mul3A_37 = arith.constant 400 : i32
        %mul3A_38 = arith.muli %add3A_32, %mul3A_37 : i32
        %multiple_of3A_39 = tpu.assume_multiple %mul3A_38, 8 : i32
        "tpu.region"() ({
          %run_scoped3A = tpu.sem_alloc : memref<!tpu.dma_semaphore, #tpu.memory_space<semaphore_mem>>
          %dma_start3A_40 = arith.constant 0 : i32
          %dma_start3A_41 = tpu.memref_slice %arg5[%arg0, %multiple_of3A_39, %dma_start3A_40] : memref<2x50000x32xf32, #tpu.memory_space<hbm>> -> memref<1x400x32xf32, #tpu.memory_space<hbm>>
          %dma_start3A_42 = tpu.memref_squeeze %dma_start3A_41 : memref<1x400x32xf32, #tpu.memory_space<hbm>> -> memref<400x32xf32, #tpu.memory_space<hbm>>
          %dma_start3A_43 = arith.constant 0 : i32
          %dma_start3A_44 = tpu.memref_slice %arg10[%multiple_of3A_39, %dma_start3A_43] : memref<50000x32xf32, #tpu.memory_space<vmem_shared>> -> memref<400x32xf32, #tpu.memory_space<vmem_shared>>
          tpu.enqueue_dma source(%dma_start3A_44 : memref<400x32xf32, #tpu.memory_space<vmem_shared>>) target(%dma_start3A_42 : memref<400x32xf32, #tpu.memory_space<hbm>>) target_semaphore(%run_scoped3A : memref<!tpu.dma_semaphore, #tpu.memory_space<semaphore_mem>>)
          %dma_wait3A = arith.constant 0 : i32
          %dma_wait3A_45 = tpu.memref_slice %arg5[%arg0, %multiple_of3A_39, %dma_wait3A] : memref<2x50000x32xf32, #tpu.memory_space<hbm>> -> memref<1x400x32xf32, #tpu.memory_space<hbm>>
          %dma_wait3A_46 = tpu.memref_squeeze %dma_wait3A_45 : memref<1x400x32xf32, #tpu.memory_space<hbm>> -> memref<400x32xf32, #tpu.memory_space<hbm>>
          %dma_wait3A_47 = arith.constant 0 : i32
          %dma_wait3A_48 = tpu.memref_slice %arg10[%multiple_of3A_39, %dma_wait3A_47] : memref<50000x32xf32, #tpu.memory_space<vmem_shared>> -> memref<400x32xf32, #tpu.memory_space<vmem_shared>>
          tpu.wait_dma2 semaphore(%run_scoped3A : memref<!tpu.dma_semaphore, #tpu.memory_space<semaphore_mem>>) src(%dma_wait3A_48 : memref<400x32xf32, #tpu.memory_space<vmem_shared>>) dst(%dma_wait3A_46 : memref<400x32xf32, #tpu.memory_space<hbm>>)
          tpu.yield
        }) : () -> ()
      } else {
      }
    }
    %scan3A_24 = arith.constant 8 : i32
    return
  }
}

#map = affine_map<(d0, d1) -> (0, 0)>
#map1 = affine_map<(d0, d1) -> (0)>
module attributes {stable_mosaic.version = 14 : i64} {
  func.func @_gather2(%arg0: i32, %arg1: i32, %arg2: memref<50000x128xf32, #tpu.memory_space<hbm>>, %arg3: memref<50000x128xf32, #tpu.memory_space<hbm>>, %arg4: memref<800000xi32, #tpu.memory_space<hbm>>, %arg5: memref<800000xi32, #tpu.memory_space<hbm>>, %arg6: memref<800000x128xf32, #tpu.memory_space<hbm>>, %arg7: memref<800000x128xf32, #tpu.memory_space<hbm>>, %arg8: memref<200xi32, #tpu.memory_space<vmem>>, %arg9: memref<200xi32, #tpu.memory_space<vmem>>, %arg10: memref<200xi32, #tpu.memory_space<vmem>>, %arg11: memref<200xi32, #tpu.memory_space<vmem>>, %arg12: memref<200x128xf32, #tpu.memory_space<vmem>>, %arg13: memref<200x128xf32, #tpu.memory_space<vmem>>, %arg14: memref<200x128xf32, #tpu.memory_space<vmem>>, %arg15: memref<200x128xf32, #tpu.memory_space<vmem>>, %arg16: memref<2x!tpu.dma_semaphore, #tpu.memory_space<semaphore_mem>>, %arg17: memref<2x!tpu.dma_semaphore, #tpu.memory_space<semaphore_mem>>) attributes {dimension_semantics = [#tpu.dimension_semantics<core_parallel>, #tpu.dimension_semantics<subcore_parallel>], iteration_bounds = array<i64: 2, 16>, scalar_prefetch = 0 : i64, scratch_operands = 10 : i64, tpu.core_type = #tpu.core_type<sc_vector_subcore>, window_params = [{transform_indices = #map}, {transform_indices = #map}, {transform_indices = #map1}, {transform_indices = #map1}, {transform_indices = #map}, {transform_indices = #map}]} {
    %mul3A = arith.constant 2 : i32
    %mul3A_0 = arith.muli %arg1, %mul3A : i32
    %add3A = arith.addi %mul3A_0, %arg0 : i32
    %mul3A_1 = arith.constant 25000 : i32
    %mul3A_2 = arith.muli %add3A, %mul3A_1 : i32
    %add3A_3 = arith.constant 0 : i32
    %add3A_4 = arith.addi %mul3A_2, %add3A_3 : i32
    %multiple_of3A = tpu.assume_multiple %add3A_4, 8 : i32
    "tpu.region"() ({
      %run_scoped3A = tpu.sem_alloc : memref<!tpu.dma_semaphore, #tpu.memory_space<semaphore_mem>>
      %dma_start3A_34 = tpu.memref_slice %arg4[%multiple_of3A] : memref<800000xi32, #tpu.memory_space<hbm>> -> memref<200xi32, #tpu.memory_space<hbm>>
      %dma_start3A_35 = tpu.memref_slice %arg4[%multiple_of3A] : memref<800000xi32, #tpu.memory_space<hbm>> -> memref<200xi32, #tpu.memory_space<hbm>>
      tpu.enqueue_dma source(%dma_start3A_35 : memref<200xi32, #tpu.memory_space<hbm>>) target(%arg8 : memref<200xi32, #tpu.memory_space<vmem>>) target_semaphore(%run_scoped3A : memref<!tpu.dma_semaphore, #tpu.memory_space<semaphore_mem>>)
      %dma_wait3A_36 = tpu.memref_slice %arg4[%multiple_of3A] : memref<800000xi32, #tpu.memory_space<hbm>> -> memref<200xi32, #tpu.memory_space<hbm>>
      %dma_wait3A_37 = tpu.memref_slice %arg4[%multiple_of3A] : memref<800000xi32, #tpu.memory_space<hbm>> -> memref<200xi32, #tpu.memory_space<hbm>>
      tpu.wait_dma2 semaphore(%run_scoped3A : memref<!tpu.dma_semaphore, #tpu.memory_space<semaphore_mem>>) src(%dma_wait3A_37 : memref<200xi32, #tpu.memory_space<hbm>>) dst(%arg8 : memref<200xi32, #tpu.memory_space<vmem>>)
      tpu.yield
    }) : () -> ()
    "tpu.region"() ({
      %run_scoped3A = tpu.sem_alloc : memref<!tpu.dma_semaphore, #tpu.memory_space<semaphore_mem>>
      %dma_start3A_34 = tpu.memref_slice %arg5[%multiple_of3A] : memref<800000xi32, #tpu.memory_space<hbm>> -> memref<200xi32, #tpu.memory_space<hbm>>
      %dma_start3A_35 = tpu.memref_slice %arg5[%multiple_of3A] : memref<800000xi32, #tpu.memory_space<hbm>> -> memref<200xi32, #tpu.memory_space<hbm>>
      tpu.enqueue_dma source(%dma_start3A_35 : memref<200xi32, #tpu.memory_space<hbm>>) target(%arg10 : memref<200xi32, #tpu.memory_space<vmem>>) target_semaphore(%run_scoped3A : memref<!tpu.dma_semaphore, #tpu.memory_space<semaphore_mem>>)
      %dma_wait3A_36 = tpu.memref_slice %arg5[%multiple_of3A] : memref<800000xi32, #tpu.memory_space<hbm>> -> memref<200xi32, #tpu.memory_space<hbm>>
      %dma_wait3A_37 = tpu.memref_slice %arg5[%multiple_of3A] : memref<800000xi32, #tpu.memory_space<hbm>> -> memref<200xi32, #tpu.memory_space<hbm>>
      tpu.wait_dma2 semaphore(%run_scoped3A : memref<!tpu.dma_semaphore, #tpu.memory_space<semaphore_mem>>) src(%dma_wait3A_37 : memref<200xi32, #tpu.memory_space<hbm>>) dst(%arg10 : memref<200xi32, #tpu.memory_space<vmem>>)
      tpu.yield
    }) : () -> ()
    %dma_start3A = arith.constant 0 : i32
    %dma_start3A_5 = arith.constant 0 : i32
    %dma_start3A_6 = arith.constant 0 : i32
    %dma_start3A_7 = tpu.memref_slice %arg2[%dma_start3A_5, %dma_start3A_6] : memref<50000x128xf32, #tpu.memory_space<hbm>> -> memref<50000x128xf32, #tpu.memory_space<hbm>>
    %dma_start3A_8 = tpu.memref_slice %arg16[%dma_start3A] : memref<2x!tpu.dma_semaphore, #tpu.memory_space<semaphore_mem>> -> memref<1x!tpu.dma_semaphore, #tpu.memory_space<semaphore_mem>>
    %dma_start3A_9 = tpu.memref_squeeze %dma_start3A_8 : memref<1x!tpu.dma_semaphore, #tpu.memory_space<semaphore_mem>> -> memref<!tpu.dma_semaphore, #tpu.memory_space<semaphore_mem>>
    tpu.enqueue_indirect_dma source(%dma_start3A_7 : memref<50000x128xf32, #tpu.memory_space<hbm>>) target(%arg12 : memref<200x128xf32, #tpu.memory_space<vmem>>) offsets(%arg8 : memref<200xi32, #tpu.memory_space<vmem>>) semaphore(%dma_start3A_9 : memref<!tpu.dma_semaphore, #tpu.memory_space<semaphore_mem>>)
    %dma_start3A_10 = arith.constant 0 : i32
    %dma_start3A_11 = arith.constant 0 : i32
    %dma_start3A_12 = arith.constant 0 : i32
    %dma_start3A_13 = tpu.memref_slice %arg3[%dma_start3A_11, %dma_start3A_12] : memref<50000x128xf32, #tpu.memory_space<hbm>> -> memref<50000x128xf32, #tpu.memory_space<hbm>>
    %dma_start3A_14 = tpu.memref_slice %arg17[%dma_start3A_10] : memref<2x!tpu.dma_semaphore, #tpu.memory_space<semaphore_mem>> -> memref<1x!tpu.dma_semaphore, #tpu.memory_space<semaphore_mem>>
    %dma_start3A_15 = tpu.memref_squeeze %dma_start3A_14 : memref<1x!tpu.dma_semaphore, #tpu.memory_space<semaphore_mem>> -> memref<!tpu.dma_semaphore, #tpu.memory_space<semaphore_mem>>
    tpu.enqueue_indirect_dma source(%dma_start3A_13 : memref<50000x128xf32, #tpu.memory_space<hbm>>) target(%arg14 : memref<200x128xf32, #tpu.memory_space<vmem>>) offsets(%arg10 : memref<200xi32, #tpu.memory_space<vmem>>) semaphore(%dma_start3A_15 : memref<!tpu.dma_semaphore, #tpu.memory_space<semaphore_mem>>)
    %scan3A = arith.constant 0 : i32
    %scan3A_16 = arith.constant 62 : i32
    %scan3A_17 = arith.addi %scan3A, %scan3A_16 : i32
    %scan3A_18 = arith.constant 1 : i32
    scf.for %scan3A_34 = %scan3A to %scan3A_17 step %scan3A_18  : i32 {
      %mul3A_35 = arith.constant 1 : i32
      %mul3A_36 = arith.muli %scan3A_34, %mul3A_35 : i32
      %add3A_37 = arith.constant 0 : i32
      %add3A_38 = arith.addi %add3A_37, %mul3A_36 : i32
      %mul3A_39 = arith.constant 2 : i32
      %mul3A_40 = arith.muli %mul3A_39, %add3A_38 : i32
      %add3A_41 = arith.constant 1 : i32
      %add3A_42 = arith.addi %add3A_41, %mul3A_40 : i32
      %mul3A_43 = arith.constant 200 : i32
      %mul3A_44 = arith.muli %add3A_42, %mul3A_43 : i32
      %add3A_45 = arith.addi %mul3A_2, %mul3A_44 : i32
      %multiple_of3A_46 = tpu.assume_multiple %add3A_45, 8 : i32
      "tpu.region"() ({
        %run_scoped3A = tpu.sem_alloc : memref<!tpu.dma_semaphore, #tpu.memory_space<semaphore_mem>>
        %dma_start3A_110 = tpu.memref_slice %arg4[%multiple_of3A_46] : memref<800000xi32, #tpu.memory_space<hbm>> -> memref<200xi32, #tpu.memory_space<hbm>>
        %dma_start3A_111 = tpu.memref_slice %arg4[%multiple_of3A_46] : memref<800000xi32, #tpu.memory_space<hbm>> -> memref<200xi32, #tpu.memory_space<hbm>>
        tpu.enqueue_dma source(%dma_start3A_111 : memref<200xi32, #tpu.memory_space<hbm>>) target(%arg9 : memref<200xi32, #tpu.memory_space<vmem>>) target_semaphore(%run_scoped3A : memref<!tpu.dma_semaphore, #tpu.memory_space<semaphore_mem>>)
        %dma_wait3A_112 = tpu.memref_slice %arg4[%multiple_of3A_46] : memref<800000xi32, #tpu.memory_space<hbm>> -> memref<200xi32, #tpu.memory_space<hbm>>
        %dma_wait3A_113 = tpu.memref_slice %arg4[%multiple_of3A_46] : memref<800000xi32, #tpu.memory_space<hbm>> -> memref<200xi32, #tpu.memory_space<hbm>>
        tpu.wait_dma2 semaphore(%run_scoped3A : memref<!tpu.dma_semaphore, #tpu.memory_space<semaphore_mem>>) src(%dma_wait3A_113 : memref<200xi32, #tpu.memory_space<hbm>>) dst(%arg9 : memref<200xi32, #tpu.memory_space<vmem>>)
        tpu.yield
      }) : () -> ()
      "tpu.region"() ({
        %run_scoped3A = tpu.sem_alloc : memref<!tpu.dma_semaphore, #tpu.memory_space<semaphore_mem>>
        %dma_start3A_110 = tpu.memref_slice %arg5[%multiple_of3A_46] : memref<800000xi32, #tpu.memory_space<hbm>> -> memref<200xi32, #tpu.memory_space<hbm>>
        %dma_start3A_111 = tpu.memref_slice %arg5[%multiple_of3A_46] : memref<800000xi32, #tpu.memory_space<hbm>> -> memref<200xi32, #tpu.memory_space<hbm>>
        tpu.enqueue_dma source(%dma_start3A_111 : memref<200xi32, #tpu.memory_space<hbm>>) target(%arg11 : memref<200xi32, #tpu.memory_space<vmem>>) target_semaphore(%run_scoped3A : memref<!tpu.dma_semaphore, #tpu.memory_space<semaphore_mem>>)
        %dma_wait3A_112 = tpu.memref_slice %arg5[%multiple_of3A_46] : memref<800000xi32, #tpu.memory_space<hbm>> -> memref<200xi32, #tpu.memory_space<hbm>>
        %dma_wait3A_113 = tpu.memref_slice %arg5[%multiple_of3A_46] : memref<800000xi32, #tpu.memory_space<hbm>> -> memref<200xi32, #tpu.memory_space<hbm>>
        tpu.wait_dma2 semaphore(%run_scoped3A : memref<!tpu.dma_semaphore, #tpu.memory_space<semaphore_mem>>) src(%dma_wait3A_113 : memref<200xi32, #tpu.memory_space<hbm>>) dst(%arg11 : memref<200xi32, #tpu.memory_space<vmem>>)
        tpu.yield
      }) : () -> ()
      %dma_start3A_47 = arith.constant 1 : i32
      %dma_start3A_48 = arith.constant 0 : i32
      %dma_start3A_49 = arith.constant 0 : i32
      %dma_start3A_50 = tpu.memref_slice %arg2[%dma_start3A_48, %dma_start3A_49] : memref<50000x128xf32, #tpu.memory_space<hbm>> -> memref<50000x128xf32, #tpu.memory_space<hbm>>
      %dma_start3A_51 = tpu.memref_slice %arg16[%dma_start3A_47] : memref<2x!tpu.dma_semaphore, #tpu.memory_space<semaphore_mem>> -> memref<1x!tpu.dma_semaphore, #tpu.memory_space<semaphore_mem>>
      %dma_start3A_52 = tpu.memref_squeeze %dma_start3A_51 : memref<1x!tpu.dma_semaphore, #tpu.memory_space<semaphore_mem>> -> memref<!tpu.dma_semaphore, #tpu.memory_space<semaphore_mem>>
      tpu.enqueue_indirect_dma source(%dma_start3A_50 : memref<50000x128xf32, #tpu.memory_space<hbm>>) target(%arg13 : memref<200x128xf32, #tpu.memory_space<vmem>>) offsets(%arg9 : memref<200xi32, #tpu.memory_space<vmem>>) semaphore(%dma_start3A_52 : memref<!tpu.dma_semaphore, #tpu.memory_space<semaphore_mem>>)
      %dma_start3A_53 = arith.constant 1 : i32
      %dma_start3A_54 = arith.constant 0 : i32
      %dma_start3A_55 = arith.constant 0 : i32
      %dma_start3A_56 = tpu.memref_slice %arg3[%dma_start3A_54, %dma_start3A_55] : memref<50000x128xf32, #tpu.memory_space<hbm>> -> memref<50000x128xf32, #tpu.memory_space<hbm>>
      %dma_start3A_57 = tpu.memref_slice %arg17[%dma_start3A_53] : memref<2x!tpu.dma_semaphore, #tpu.memory_space<semaphore_mem>> -> memref<1x!tpu.dma_semaphore, #tpu.memory_space<semaphore_mem>>
      %dma_start3A_58 = tpu.memref_squeeze %dma_start3A_57 : memref<1x!tpu.dma_semaphore, #tpu.memory_space<semaphore_mem>> -> memref<!tpu.dma_semaphore, #tpu.memory_space<semaphore_mem>>
      tpu.enqueue_indirect_dma source(%dma_start3A_56 : memref<50000x128xf32, #tpu.memory_space<hbm>>) target(%arg15 : memref<200x128xf32, #tpu.memory_space<vmem>>) offsets(%arg11 : memref<200xi32, #tpu.memory_space<vmem>>) semaphore(%dma_start3A_58 : memref<!tpu.dma_semaphore, #tpu.memory_space<semaphore_mem>>)
      %sub3A = arith.constant 1 : i32
      %sub3A_59 = arith.subi %add3A_42, %sub3A : i32
      %mul3A_60 = arith.constant 200 : i32
      %mul3A_61 = arith.muli %sub3A_59, %mul3A_60 : i32
      %add3A_62 = arith.addi %mul3A_2, %mul3A_61 : i32
      %multiple_of3A_63 = tpu.assume_multiple %add3A_62, 8 : i32
      %dma_wait3A_64 = arith.constant 0 : i32
      %dma_wait3A_65 = arith.constant 0 : i32
      %dma_wait3A_66 = arith.constant 0 : i32
      %dma_wait3A_67 = tpu.memref_slice %arg2[%dma_wait3A_65, %dma_wait3A_66] : memref<50000x128xf32, #tpu.memory_space<hbm>> -> memref<50000x128xf32, #tpu.memory_space<hbm>>
      %dma_wait3A_68 = tpu.memref_slice %arg16[%dma_wait3A_64] : memref<2x!tpu.dma_semaphore, #tpu.memory_space<semaphore_mem>> -> memref<1x!tpu.dma_semaphore, #tpu.memory_space<semaphore_mem>>
      %dma_wait3A_69 = tpu.memref_squeeze %dma_wait3A_68 : memref<1x!tpu.dma_semaphore, #tpu.memory_space<semaphore_mem>> -> memref<!tpu.dma_semaphore, #tpu.memory_space<semaphore_mem>>
      tpu.wait_indirect_dma semaphore(%dma_wait3A_69 : memref<!tpu.dma_semaphore, #tpu.memory_space<semaphore_mem>>) src(%dma_wait3A_67 : memref<50000x128xf32, #tpu.memory_space<hbm>>) dst(%arg12 : memref<200x128xf32, #tpu.memory_space<vmem>>)
      %dma_wait3A_70 = arith.constant 0 : i32
      %dma_wait3A_71 = arith.constant 0 : i32
      %dma_wait3A_72 = arith.constant 0 : i32
      %dma_wait3A_73 = tpu.memref_slice %arg3[%dma_wait3A_71, %dma_wait3A_72] : memref<50000x128xf32, #tpu.memory_space<hbm>> -> memref<50000x128xf32, #tpu.memory_space<hbm>>
      %dma_wait3A_74 = tpu.memref_slice %arg17[%dma_wait3A_70] : memref<2x!tpu.dma_semaphore, #tpu.memory_space<semaphore_mem>> -> memref<1x!tpu.dma_semaphore, #tpu.memory_space<semaphore_mem>>
      %dma_wait3A_75 = tpu.memref_squeeze %dma_wait3A_74 : memref<1x!tpu.dma_semaphore, #tpu.memory_space<semaphore_mem>> -> memref<!tpu.dma_semaphore, #tpu.memory_space<semaphore_mem>>
      tpu.wait_indirect_dma semaphore(%dma_wait3A_75 : memref<!tpu.dma_semaphore, #tpu.memory_space<semaphore_mem>>) src(%dma_wait3A_73 : memref<50000x128xf32, #tpu.memory_space<hbm>>) dst(%arg14 : memref<200x128xf32, #tpu.memory_space<vmem>>)
      "tpu.region"() ({
        %run_scoped3A = tpu.sem_alloc : memref<!tpu.dma_semaphore, #tpu.memory_space<semaphore_mem>>
        %dma_start3A_110 = arith.constant 0 : i32
        %dma_start3A_111 = tpu.memref_slice %arg6[%multiple_of3A_63, %dma_start3A_110] : memref<800000x128xf32, #tpu.memory_space<hbm>> -> memref<200x128xf32, #tpu.memory_space<hbm>>
        %dma_start3A_112 = arith.constant 0 : i32
        %dma_start3A_113 = tpu.memref_slice %arg6[%multiple_of3A_63, %dma_start3A_112] : memref<800000x128xf32, #tpu.memory_space<hbm>> -> memref<200x128xf32, #tpu.memory_space<hbm>>
        tpu.enqueue_dma source(%arg12 : memref<200x128xf32, #tpu.memory_space<vmem>>) target(%dma_start3A_113 : memref<200x128xf32, #tpu.memory_space<hbm>>) target_semaphore(%run_scoped3A : memref<!tpu.dma_semaphore, #tpu.memory_space<semaphore_mem>>)
        %dma_wait3A_114 = arith.constant 0 : i32
        %dma_wait3A_115 = tpu.memref_slice %arg6[%multiple_of3A_63, %dma_wait3A_114] : memref<800000x128xf32, #tpu.memory_space<hbm>> -> memref<200x128xf32, #tpu.memory_space<hbm>>
        %dma_wait3A_116 = arith.constant 0 : i32
        %dma_wait3A_117 = tpu.memref_slice %arg6[%multiple_of3A_63, %dma_wait3A_116] : memref<800000x128xf32, #tpu.memory_space<hbm>> -> memref<200x128xf32, #tpu.memory_space<hbm>>
        tpu.wait_dma2 semaphore(%run_scoped3A : memref<!tpu.dma_semaphore, #tpu.memory_space<semaphore_mem>>) src(%arg12 : memref<200x128xf32, #tpu.memory_space<vmem>>) dst(%dma_wait3A_117 : memref<200x128xf32, #tpu.memory_space<hbm>>)
        tpu.yield
      }) : () -> ()
      "tpu.region"() ({
        %run_scoped3A = tpu.sem_alloc : memref<!tpu.dma_semaphore, #tpu.memory_space<semaphore_mem>>
        %dma_start3A_110 = arith.constant 0 : i32
        %dma_start3A_111 = tpu.memref_slice %arg7[%multiple_of3A_63, %dma_start3A_110] : memref<800000x128xf32, #tpu.memory_space<hbm>> -> memref<200x128xf32, #tpu.memory_space<hbm>>
        %dma_start3A_112 = arith.constant 0 : i32
        %dma_start3A_113 = tpu.memref_slice %arg7[%multiple_of3A_63, %dma_start3A_112] : memref<800000x128xf32, #tpu.memory_space<hbm>> -> memref<200x128xf32, #tpu.memory_space<hbm>>
        tpu.enqueue_dma source(%arg14 : memref<200x128xf32, #tpu.memory_space<vmem>>) target(%dma_start3A_113 : memref<200x128xf32, #tpu.memory_space<hbm>>) target_semaphore(%run_scoped3A : memref<!tpu.dma_semaphore, #tpu.memory_space<semaphore_mem>>)
        %dma_wait3A_114 = arith.constant 0 : i32
        %dma_wait3A_115 = tpu.memref_slice %arg7[%multiple_of3A_63, %dma_wait3A_114] : memref<800000x128xf32, #tpu.memory_space<hbm>> -> memref<200x128xf32, #tpu.memory_space<hbm>>
        %dma_wait3A_116 = arith.constant 0 : i32
        %dma_wait3A_117 = tpu.memref_slice %arg7[%multiple_of3A_63, %dma_wait3A_116] : memref<800000x128xf32, #tpu.memory_space<hbm>> -> memref<200x128xf32, #tpu.memory_space<hbm>>
        tpu.wait_dma2 semaphore(%run_scoped3A : memref<!tpu.dma_semaphore, #tpu.memory_space<semaphore_mem>>) src(%arg14 : memref<200x128xf32, #tpu.memory_space<vmem>>) dst(%dma_wait3A_117 : memref<200x128xf32, #tpu.memory_space<hbm>>)
        tpu.yield
      }) : () -> ()
      %add3A_76 = arith.constant 1 : i32
      %add3A_77 = arith.addi %add3A_42, %add3A_76 : i32
      %mul3A_78 = arith.constant 200 : i32
      %mul3A_79 = arith.muli %add3A_77, %mul3A_78 : i32
      %add3A_80 = arith.addi %mul3A_2, %mul3A_79 : i32
      %multiple_of3A_81 = tpu.assume_multiple %add3A_80, 8 : i32
      "tpu.region"() ({
        %run_scoped3A = tpu.sem_alloc : memref<!tpu.dma_semaphore, #tpu.memory_space<semaphore_mem>>
        %dma_start3A_110 = tpu.memref_slice %arg4[%multiple_of3A_81] : memref<800000xi32, #tpu.memory_space<hbm>> -> memref<200xi32, #tpu.memory_space<hbm>>
        %dma_start3A_111 = tpu.memref_slice %arg4[%multiple_of3A_81] : memref<800000xi32, #tpu.memory_space<hbm>> -> memref<200xi32, #tpu.memory_space<hbm>>
        tpu.enqueue_dma source(%dma_start3A_111 : memref<200xi32, #tpu.memory_space<hbm>>) target(%arg8 : memref<200xi32, #tpu.memory_space<vmem>>) target_semaphore(%run_scoped3A : memref<!tpu.dma_semaphore, #tpu.memory_space<semaphore_mem>>)
        %dma_wait3A_112 = tpu.memref_slice %arg4[%multiple_of3A_81] : memref<800000xi32, #tpu.memory_space<hbm>> -> memref<200xi32, #tpu.memory_space<hbm>>
        %dma_wait3A_113 = tpu.memref_slice %arg4[%multiple_of3A_81] : memref<800000xi32, #tpu.memory_space<hbm>> -> memref<200xi32, #tpu.memory_space<hbm>>
        tpu.wait_dma2 semaphore(%run_scoped3A : memref<!tpu.dma_semaphore, #tpu.memory_space<semaphore_mem>>) src(%dma_wait3A_113 : memref<200xi32, #tpu.memory_space<hbm>>) dst(%arg8 : memref<200xi32, #tpu.memory_space<vmem>>)
        tpu.yield
      }) : () -> ()
      "tpu.region"() ({
        %run_scoped3A = tpu.sem_alloc : memref<!tpu.dma_semaphore, #tpu.memory_space<semaphore_mem>>
        %dma_start3A_110 = tpu.memref_slice %arg5[%multiple_of3A_81] : memref<800000xi32, #tpu.memory_space<hbm>> -> memref<200xi32, #tpu.memory_space<hbm>>
        %dma_start3A_111 = tpu.memref_slice %arg5[%multiple_of3A_81] : memref<800000xi32, #tpu.memory_space<hbm>> -> memref<200xi32, #tpu.memory_space<hbm>>
        tpu.enqueue_dma source(%dma_start3A_111 : memref<200xi32, #tpu.memory_space<hbm>>) target(%arg10 : memref<200xi32, #tpu.memory_space<vmem>>) target_semaphore(%run_scoped3A : memref<!tpu.dma_semaphore, #tpu.memory_space<semaphore_mem>>)
        %dma_wait3A_112 = tpu.memref_slice %arg5[%multiple_of3A_81] : memref<800000xi32, #tpu.memory_space<hbm>> -> memref<200xi32, #tpu.memory_space<hbm>>
        %dma_wait3A_113 = tpu.memref_slice %arg5[%multiple_of3A_81] : memref<800000xi32, #tpu.memory_space<hbm>> -> memref<200xi32, #tpu.memory_space<hbm>>
        tpu.wait_dma2 semaphore(%run_scoped3A : memref<!tpu.dma_semaphore, #tpu.memory_space<semaphore_mem>>) src(%dma_wait3A_113 : memref<200xi32, #tpu.memory_space<hbm>>) dst(%arg10 : memref<200xi32, #tpu.memory_space<vmem>>)
        tpu.yield
      }) : () -> ()
      %dma_start3A_82 = arith.constant 0 : i32
      %dma_start3A_83 = arith.constant 0 : i32
      %dma_start3A_84 = arith.constant 0 : i32
      %dma_start3A_85 = tpu.memref_slice %arg2[%dma_start3A_83, %dma_start3A_84] : memref<50000x128xf32, #tpu.memory_space<hbm>> -> memref<50000x128xf32, #tpu.memory_space<hbm>>
      %dma_start3A_86 = tpu.memref_slice %arg16[%dma_start3A_82] : memref<2x!tpu.dma_semaphore, #tpu.memory_space<semaphore_mem>> -> memref<1x!tpu.dma_semaphore, #tpu.memory_space<semaphore_mem>>
      %dma_start3A_87 = tpu.memref_squeeze %dma_start3A_86 : memref<1x!tpu.dma_semaphore, #tpu.memory_space<semaphore_mem>> -> memref<!tpu.dma_semaphore, #tpu.memory_space<semaphore_mem>>
      tpu.enqueue_indirect_dma source(%dma_start3A_85 : memref<50000x128xf32, #tpu.memory_space<hbm>>) target(%arg12 : memref<200x128xf32, #tpu.memory_space<vmem>>) offsets(%arg8 : memref<200xi32, #tpu.memory_space<vmem>>) semaphore(%dma_start3A_87 : memref<!tpu.dma_semaphore, #tpu.memory_space<semaphore_mem>>)
      %dma_start3A_88 = arith.constant 0 : i32
      %dma_start3A_89 = arith.constant 0 : i32
      %dma_start3A_90 = arith.constant 0 : i32
      %dma_start3A_91 = tpu.memref_slice %arg3[%dma_start3A_89, %dma_start3A_90] : memref<50000x128xf32, #tpu.memory_space<hbm>> -> memref<50000x128xf32, #tpu.memory_space<hbm>>
      %dma_start3A_92 = tpu.memref_slice %arg17[%dma_start3A_88] : memref<2x!tpu.dma_semaphore, #tpu.memory_space<semaphore_mem>> -> memref<1x!tpu.dma_semaphore, #tpu.memory_space<semaphore_mem>>
      %dma_start3A_93 = tpu.memref_squeeze %dma_start3A_92 : memref<1x!tpu.dma_semaphore, #tpu.memory_space<semaphore_mem>> -> memref<!tpu.dma_semaphore, #tpu.memory_space<semaphore_mem>>
      tpu.enqueue_indirect_dma source(%dma_start3A_91 : memref<50000x128xf32, #tpu.memory_space<hbm>>) target(%arg14 : memref<200x128xf32, #tpu.memory_space<vmem>>) offsets(%arg10 : memref<200xi32, #tpu.memory_space<vmem>>) semaphore(%dma_start3A_93 : memref<!tpu.dma_semaphore, #tpu.memory_space<semaphore_mem>>)
      %mul3A_94 = arith.constant 200 : i32
      %mul3A_95 = arith.muli %add3A_42, %mul3A_94 : i32
      %add3A_96 = arith.addi %mul3A_2, %mul3A_95 : i32
      %multiple_of3A_97 = tpu.assume_multiple %add3A_96, 8 : i32
      %dma_wait3A_98 = arith.constant 1 : i32
      %dma_wait3A_99 = arith.constant 0 : i32
      %dma_wait3A_100 = arith.constant 0 : i32
      %dma_wait3A_101 = tpu.memref_slice %arg2[%dma_wait3A_99, %dma_wait3A_100] : memref<50000x128xf32, #tpu.memory_space<hbm>> -> memref<50000x128xf32, #tpu.memory_space<hbm>>
      %dma_wait3A_102 = tpu.memref_slice %arg16[%dma_wait3A_98] : memref<2x!tpu.dma_semaphore, #tpu.memory_space<semaphore_mem>> -> memref<1x!tpu.dma_semaphore, #tpu.memory_space<semaphore_mem>>
      %dma_wait3A_103 = tpu.memref_squeeze %dma_wait3A_102 : memref<1x!tpu.dma_semaphore, #tpu.memory_space<semaphore_mem>> -> memref<!tpu.dma_semaphore, #tpu.memory_space<semaphore_mem>>
      tpu.wait_indirect_dma semaphore(%dma_wait3A_103 : memref<!tpu.dma_semaphore, #tpu.memory_space<semaphore_mem>>) src(%dma_wait3A_101 : memref<50000x128xf32, #tpu.memory_space<hbm>>) dst(%arg13 : memref<200x128xf32, #tpu.memory_space<vmem>>)
      %dma_wait3A_104 = arith.constant 1 : i32
      %dma_wait3A_105 = arith.constant 0 : i32
      %dma_wait3A_106 = arith.constant 0 : i32
      %dma_wait3A_107 = tpu.memref_slice %arg3[%dma_wait3A_105, %dma_wait3A_106] : memref<50000x128xf32, #tpu.memory_space<hbm>> -> memref<50000x128xf32, #tpu.memory_space<hbm>>
      %dma_wait3A_108 = tpu.memref_slice %arg17[%dma_wait3A_104] : memref<2x!tpu.dma_semaphore, #tpu.memory_space<semaphore_mem>> -> memref<1x!tpu.dma_semaphore, #tpu.memory_space<semaphore_mem>>
      %dma_wait3A_109 = tpu.memref_squeeze %dma_wait3A_108 : memref<1x!tpu.dma_semaphore, #tpu.memory_space<semaphore_mem>> -> memref<!tpu.dma_semaphore, #tpu.memory_space<semaphore_mem>>
      tpu.wait_indirect_dma semaphore(%dma_wait3A_109 : memref<!tpu.dma_semaphore, #tpu.memory_space<semaphore_mem>>) src(%dma_wait3A_107 : memref<50000x128xf32, #tpu.memory_space<hbm>>) dst(%arg15 : memref<200x128xf32, #tpu.memory_space<vmem>>)
      "tpu.region"() ({
        %run_scoped3A = tpu.sem_alloc : memref<!tpu.dma_semaphore, #tpu.memory_space<semaphore_mem>>
        %dma_start3A_110 = arith.constant 0 : i32
        %dma_start3A_111 = tpu.memref_slice %arg6[%multiple_of3A_97, %dma_start3A_110] : memref<800000x128xf32, #tpu.memory_space<hbm>> -> memref<200x128xf32, #tpu.memory_space<hbm>>
        %dma_start3A_112 = arith.constant 0 : i32
        %dma_start3A_113 = tpu.memref_slice %arg6[%multiple_of3A_97, %dma_start3A_112] : memref<800000x128xf32, #tpu.memory_space<hbm>> -> memref<200x128xf32, #tpu.memory_space<hbm>>
        tpu.enqueue_dma source(%arg13 : memref<200x128xf32, #tpu.memory_space<vmem>>) target(%dma_start3A_113 : memref<200x128xf32, #tpu.memory_space<hbm>>) target_semaphore(%run_scoped3A : memref<!tpu.dma_semaphore, #tpu.memory_space<semaphore_mem>>)
        %dma_wait3A_114 = arith.constant 0 : i32
        %dma_wait3A_115 = tpu.memref_slice %arg6[%multiple_of3A_97, %dma_wait3A_114] : memref<800000x128xf32, #tpu.memory_space<hbm>> -> memref<200x128xf32, #tpu.memory_space<hbm>>
        %dma_wait3A_116 = arith.constant 0 : i32
        %dma_wait3A_117 = tpu.memref_slice %arg6[%multiple_of3A_97, %dma_wait3A_116] : memref<800000x128xf32, #tpu.memory_space<hbm>> -> memref<200x128xf32, #tpu.memory_space<hbm>>
        tpu.wait_dma2 semaphore(%run_scoped3A : memref<!tpu.dma_semaphore, #tpu.memory_space<semaphore_mem>>) src(%arg13 : memref<200x128xf32, #tpu.memory_space<vmem>>) dst(%dma_wait3A_117 : memref<200x128xf32, #tpu.memory_space<hbm>>)
        tpu.yield
      }) : () -> ()
      "tpu.region"() ({
        %run_scoped3A = tpu.sem_alloc : memref<!tpu.dma_semaphore, #tpu.memory_space<semaphore_mem>>
        %dma_start3A_110 = arith.constant 0 : i32
        %dma_start3A_111 = tpu.memref_slice %arg7[%multiple_of3A_97, %dma_start3A_110] : memref<800000x128xf32, #tpu.memory_space<hbm>> -> memref<200x128xf32, #tpu.memory_space<hbm>>
        %dma_start3A_112 = arith.constant 0 : i32
        %dma_start3A_113 = tpu.memref_slice %arg7[%multiple_of3A_97, %dma_start3A_112] : memref<800000x128xf32, #tpu.memory_space<hbm>> -> memref<200x128xf32, #tpu.memory_space<hbm>>
        tpu.enqueue_dma source(%arg15 : memref<200x128xf32, #tpu.memory_space<vmem>>) target(%dma_start3A_113 : memref<200x128xf32, #tpu.memory_space<hbm>>) target_semaphore(%run_scoped3A : memref<!tpu.dma_semaphore, #tpu.memory_space<semaphore_mem>>)
        %dma_wait3A_114 = arith.constant 0 : i32
        %dma_wait3A_115 = tpu.memref_slice %arg7[%multiple_of3A_97, %dma_wait3A_114] : memref<800000x128xf32, #tpu.memory_space<hbm>> -> memref<200x128xf32, #tpu.memory_space<hbm>>
        %dma_wait3A_116 = arith.constant 0 : i32
        %dma_wait3A_117 = tpu.memref_slice %arg7[%multiple_of3A_97, %dma_wait3A_116] : memref<800000x128xf32, #tpu.memory_space<hbm>> -> memref<200x128xf32, #tpu.memory_space<hbm>>
        tpu.wait_dma2 semaphore(%run_scoped3A : memref<!tpu.dma_semaphore, #tpu.memory_space<semaphore_mem>>) src(%arg15 : memref<200x128xf32, #tpu.memory_space<vmem>>) dst(%dma_wait3A_117 : memref<200x128xf32, #tpu.memory_space<hbm>>)
        tpu.yield
      }) : () -> ()
    }
    %scan3A_19 = arith.constant 62 : i32
    %add3A_20 = arith.constant 24800 : i32
    %add3A_21 = arith.addi %mul3A_2, %add3A_20 : i32
    %multiple_of3A_22 = tpu.assume_multiple %add3A_21, 8 : i32
    %dma_wait3A = arith.constant 0 : i32
    %dma_wait3A_23 = arith.constant 0 : i32
    %dma_wait3A_24 = arith.constant 0 : i32
    %dma_wait3A_25 = tpu.memref_slice %arg2[%dma_wait3A_23, %dma_wait3A_24] : memref<50000x128xf32, #tpu.memory_space<hbm>> -> memref<50000x128xf32, #tpu.memory_space<hbm>>
    %dma_wait3A_26 = tpu.memref_slice %arg16[%dma_wait3A] : memref<2x!tpu.dma_semaphore, #tpu.memory_space<semaphore_mem>> -> memref<1x!tpu.dma_semaphore, #tpu.memory_space<semaphore_mem>>
    %dma_wait3A_27 = tpu.memref_squeeze %dma_wait3A_26 : memref<1x!tpu.dma_semaphore, #tpu.memory_space<semaphore_mem>> -> memref<!tpu.dma_semaphore, #tpu.memory_space<semaphore_mem>>
    tpu.wait_indirect_dma semaphore(%dma_wait3A_27 : memref<!tpu.dma_semaphore, #tpu.memory_space<semaphore_mem>>) src(%dma_wait3A_25 : memref<50000x128xf32, #tpu.memory_space<hbm>>) dst(%arg12 : memref<200x128xf32, #tpu.memory_space<vmem>>)
    %dma_wait3A_28 = arith.constant 0 : i32
    %dma_wait3A_29 = arith.constant 0 : i32
    %dma_wait3A_30 = arith.constant 0 : i32
    %dma_wait3A_31 = tpu.memref_slice %arg3[%dma_wait3A_29, %dma_wait3A_30] : memref<50000x128xf32, #tpu.memory_space<hbm>> -> memref<50000x128xf32, #tpu.memory_space<hbm>>
    %dma_wait3A_32 = tpu.memref_slice %arg17[%dma_wait3A_28] : memref<2x!tpu.dma_semaphore, #tpu.memory_space<semaphore_mem>> -> memref<1x!tpu.dma_semaphore, #tpu.memory_space<semaphore_mem>>
    %dma_wait3A_33 = tpu.memref_squeeze %dma_wait3A_32 : memref<1x!tpu.dma_semaphore, #tpu.memory_space<semaphore_mem>> -> memref<!tpu.dma_semaphore, #tpu.memory_space<semaphore_mem>>
    tpu.wait_indirect_dma semaphore(%dma_wait3A_33 : memref<!tpu.dma_semaphore, #tpu.memory_space<semaphore_mem>>) src(%dma_wait3A_31 : memref<50000x128xf32, #tpu.memory_space<hbm>>) dst(%arg14 : memref<200x128xf32, #tpu.memory_space<vmem>>)
    "tpu.region"() ({
      %run_scoped3A = tpu.sem_alloc : memref<!tpu.dma_semaphore, #tpu.memory_space<semaphore_mem>>
      %dma_start3A_34 = arith.constant 0 : i32
      %dma_start3A_35 = tpu.memref_slice %arg6[%multiple_of3A_22, %dma_start3A_34] : memref<800000x128xf32, #tpu.memory_space<hbm>> -> memref<200x128xf32, #tpu.memory_space<hbm>>
      %dma_start3A_36 = arith.constant 0 : i32
      %dma_start3A_37 = tpu.memref_slice %arg6[%multiple_of3A_22, %dma_start3A_36] : memref<800000x128xf32, #tpu.memory_space<hbm>> -> memref<200x128xf32, #tpu.memory_space<hbm>>
      tpu.enqueue_dma source(%arg12 : memref<200x128xf32, #tpu.memory_space<vmem>>) target(%dma_start3A_37 : memref<200x128xf32, #tpu.memory_space<hbm>>) target_semaphore(%run_scoped3A : memref<!tpu.dma_semaphore, #tpu.memory_space<semaphore_mem>>)
      %dma_wait3A_38 = arith.constant 0 : i32
      %dma_wait3A_39 = tpu.memref_slice %arg6[%multiple_of3A_22, %dma_wait3A_38] : memref<800000x128xf32, #tpu.memory_space<hbm>> -> memref<200x128xf32, #tpu.memory_space<hbm>>
      %dma_wait3A_40 = arith.constant 0 : i32
      %dma_wait3A_41 = tpu.memref_slice %arg6[%multiple_of3A_22, %dma_wait3A_40] : memref<800000x128xf32, #tpu.memory_space<hbm>> -> memref<200x128xf32, #tpu.memory_space<hbm>>
      tpu.wait_dma2 semaphore(%run_scoped3A : memref<!tpu.dma_semaphore, #tpu.memory_space<semaphore_mem>>) src(%arg12 : memref<200x128xf32, #tpu.memory_space<vmem>>) dst(%dma_wait3A_41 : memref<200x128xf32, #tpu.memory_space<hbm>>)
      tpu.yield
    }) : () -> ()
    "tpu.region"() ({
      %run_scoped3A = tpu.sem_alloc : memref<!tpu.dma_semaphore, #tpu.memory_space<semaphore_mem>>
      %dma_start3A_34 = arith.constant 0 : i32
      %dma_start3A_35 = tpu.memref_slice %arg7[%multiple_of3A_22, %dma_start3A_34] : memref<800000x128xf32, #tpu.memory_space<hbm>> -> memref<200x128xf32, #tpu.memory_space<hbm>>
      %dma_start3A_36 = arith.constant 0 : i32
      %dma_start3A_37 = tpu.memref_slice %arg7[%multiple_of3A_22, %dma_start3A_36] : memref<800000x128xf32, #tpu.memory_space<hbm>> -> memref<200x128xf32, #tpu.memory_space<hbm>>
      tpu.enqueue_dma source(%arg14 : memref<200x128xf32, #tpu.memory_space<vmem>>) target(%dma_start3A_37 : memref<200x128xf32, #tpu.memory_space<hbm>>) target_semaphore(%run_scoped3A : memref<!tpu.dma_semaphore, #tpu.memory_space<semaphore_mem>>)
      %dma_wait3A_38 = arith.constant 0 : i32
      %dma_wait3A_39 = tpu.memref_slice %arg7[%multiple_of3A_22, %dma_wait3A_38] : memref<800000x128xf32, #tpu.memory_space<hbm>> -> memref<200x128xf32, #tpu.memory_space<hbm>>
      %dma_wait3A_40 = arith.constant 0 : i32
      %dma_wait3A_41 = tpu.memref_slice %arg7[%multiple_of3A_22, %dma_wait3A_40] : memref<800000x128xf32, #tpu.memory_space<hbm>> -> memref<200x128xf32, #tpu.memory_space<hbm>>
      tpu.wait_dma2 semaphore(%run_scoped3A : memref<!tpu.dma_semaphore, #tpu.memory_space<semaphore_mem>>) src(%arg14 : memref<200x128xf32, #tpu.memory_space<vmem>>) dst(%dma_wait3A_41 : memref<200x128xf32, #tpu.memory_space<hbm>>)
      tpu.yield
    }) : () -> ()
    return
  }
}

#map = affine_map<(d0, d1) -> (0, 0)>
#map1 = affine_map<(d0, d1) -> (0)>
module attributes {stable_mosaic.version = 14 : i64} {
  func.func @_gather2(%arg0: i32, %arg1: i32, %arg2: memref<50000x128xf32, #tpu.memory_space<hbm>>, %arg3: memref<50000x128xf32, #tpu.memory_space<hbm>>, %arg4: memref<800000xi32, #tpu.memory_space<hbm>>, %arg5: memref<800000xi32, #tpu.memory_space<hbm>>, %arg6: memref<800000x128xf32, #tpu.memory_space<hbm>>, %arg7: memref<800000x128xf32, #tpu.memory_space<hbm>>, %arg8: memref<200xi32, #tpu.memory_space<vmem>>, %arg9: memref<200xi32, #tpu.memory_space<vmem>>, %arg10: memref<200xi32, #tpu.memory_space<vmem>>, %arg11: memref<200xi32, #tpu.memory_space<vmem>>, %arg12: memref<200x128xf32, #tpu.memory_space<vmem>>, %arg13: memref<200x128xf32, #tpu.memory_space<vmem>>, %arg14: memref<200x128xf32, #tpu.memory_space<vmem>>, %arg15: memref<200x128xf32, #tpu.memory_space<vmem>>, %arg16: memref<2x!tpu.dma_semaphore, #tpu.memory_space<semaphore_mem>>, %arg17: memref<2x!tpu.dma_semaphore, #tpu.memory_space<semaphore_mem>>) attributes {dimension_semantics = [#tpu.dimension_semantics<core_parallel>, #tpu.dimension_semantics<subcore_parallel>], iteration_bounds = array<i64: 2, 16>, scalar_prefetch = 0 : i64, scratch_operands = 10 : i64, tpu.core_type = #tpu.core_type<sc_vector_subcore>, window_params = [{transform_indices = #map}, {transform_indices = #map}, {transform_indices = #map1}, {transform_indices = #map1}, {transform_indices = #map}, {transform_indices = #map}]} {
    %mul3A = arith.constant 2 : i32
    %mul3A_0 = arith.muli %arg1, %mul3A : i32
    %add3A = arith.addi %mul3A_0, %arg0 : i32
    %mul3A_1 = arith.constant 25000 : i32
    %mul3A_2 = arith.muli %add3A, %mul3A_1 : i32
    %add3A_3 = arith.constant 0 : i32
    %add3A_4 = arith.addi %mul3A_2, %add3A_3 : i32
    %multiple_of3A = tpu.assume_multiple %add3A_4, 8 : i32
    "tpu.region"() ({
      %run_scoped3A = tpu.sem_alloc : memref<!tpu.dma_semaphore, #tpu.memory_space<semaphore_mem>>
      %dma_start3A_34 = tpu.memref_slice %arg4[%multiple_of3A] : memref<800000xi32, #tpu.memory_space<hbm>> -> memref<200xi32, #tpu.memory_space<hbm>>
      %dma_start3A_35 = tpu.memref_slice %arg4[%multiple_of3A] : memref<800000xi32, #tpu.memory_space<hbm>> -> memref<200xi32, #tpu.memory_space<hbm>>
      tpu.enqueue_dma source(%dma_start3A_35 : memref<200xi32, #tpu.memory_space<hbm>>) target(%arg8 : memref<200xi32, #tpu.memory_space<vmem>>) target_semaphore(%run_scoped3A : memref<!tpu.dma_semaphore, #tpu.memory_space<semaphore_mem>>)
      %dma_wait3A_36 = tpu.memref_slice %arg4[%multiple_of3A] : memref<800000xi32, #tpu.memory_space<hbm>> -> memref<200xi32, #tpu.memory_space<hbm>>
      %dma_wait3A_37 = tpu.memref_slice %arg4[%multiple_of3A] : memref<800000xi32, #tpu.memory_space<hbm>> -> memref<200xi32, #tpu.memory_space<hbm>>
      tpu.wait_dma2 semaphore(%run_scoped3A : memref<!tpu.dma_semaphore, #tpu.memory_space<semaphore_mem>>) src(%dma_wait3A_37 : memref<200xi32, #tpu.memory_space<hbm>>) dst(%arg8 : memref<200xi32, #tpu.memory_space<vmem>>)
      tpu.yield
    }) : () -> ()
    "tpu.region"() ({
      %run_scoped3A = tpu.sem_alloc : memref<!tpu.dma_semaphore, #tpu.memory_space<semaphore_mem>>
      %dma_start3A_34 = tpu.memref_slice %arg5[%multiple_of3A] : memref<800000xi32, #tpu.memory_space<hbm>> -> memref<200xi32, #tpu.memory_space<hbm>>
      %dma_start3A_35 = tpu.memref_slice %arg5[%multiple_of3A] : memref<800000xi32, #tpu.memory_space<hbm>> -> memref<200xi32, #tpu.memory_space<hbm>>
      tpu.enqueue_dma source(%dma_start3A_35 : memref<200xi32, #tpu.memory_space<hbm>>) target(%arg10 : memref<200xi32, #tpu.memory_space<vmem>>) target_semaphore(%run_scoped3A : memref<!tpu.dma_semaphore, #tpu.memory_space<semaphore_mem>>)
      %dma_wait3A_36 = tpu.memref_slice %arg5[%multiple_of3A] : memref<800000xi32, #tpu.memory_space<hbm>> -> memref<200xi32, #tpu.memory_space<hbm>>
      %dma_wait3A_37 = tpu.memref_slice %arg5[%multiple_of3A] : memref<800000xi32, #tpu.memory_space<hbm>> -> memref<200xi32, #tpu.memory_space<hbm>>
      tpu.wait_dma2 semaphore(%run_scoped3A : memref<!tpu.dma_semaphore, #tpu.memory_space<semaphore_mem>>) src(%dma_wait3A_37 : memref<200xi32, #tpu.memory_space<hbm>>) dst(%arg10 : memref<200xi32, #tpu.memory_space<vmem>>)
      tpu.yield
    }) : () -> ()
    %dma_start3A = arith.constant 0 : i32
    %dma_start3A_5 = arith.constant 0 : i32
    %dma_start3A_6 = arith.constant 0 : i32
    %dma_start3A_7 = tpu.memref_slice %arg2[%dma_start3A_5, %dma_start3A_6] : memref<50000x128xf32, #tpu.memory_space<hbm>> -> memref<50000x128xf32, #tpu.memory_space<hbm>>
    %dma_start3A_8 = tpu.memref_slice %arg16[%dma_start3A] : memref<2x!tpu.dma_semaphore, #tpu.memory_space<semaphore_mem>> -> memref<1x!tpu.dma_semaphore, #tpu.memory_space<semaphore_mem>>
    %dma_start3A_9 = tpu.memref_squeeze %dma_start3A_8 : memref<1x!tpu.dma_semaphore, #tpu.memory_space<semaphore_mem>> -> memref<!tpu.dma_semaphore, #tpu.memory_space<semaphore_mem>>
    tpu.enqueue_indirect_dma source(%dma_start3A_7 : memref<50000x128xf32, #tpu.memory_space<hbm>>) target(%arg12 : memref<200x128xf32, #tpu.memory_space<vmem>>) offsets(%arg8 : memref<200xi32, #tpu.memory_space<vmem>>) semaphore(%dma_start3A_9 : memref<!tpu.dma_semaphore, #tpu.memory_space<semaphore_mem>>)
    %dma_start3A_10 = arith.constant 0 : i32
    %dma_start3A_11 = arith.constant 0 : i32
    %dma_start3A_12 = arith.constant 0 : i32
    %dma_start3A_13 = tpu.memref_slice %arg3[%dma_start3A_11, %dma_start3A_12] : memref<50000x128xf32, #tpu.memory_space<hbm>> -> memref<50000x128xf32, #tpu.memory_space<hbm>>
    %dma_start3A_14 = tpu.memref_slice %arg17[%dma_start3A_10] : memref<2x!tpu.dma_semaphore, #tpu.memory_space<semaphore_mem>> -> memref<1x!tpu.dma_semaphore, #tpu.memory_space<semaphore_mem>>
    %dma_start3A_15 = tpu.memref_squeeze %dma_start3A_14 : memref<1x!tpu.dma_semaphore, #tpu.memory_space<semaphore_mem>> -> memref<!tpu.dma_semaphore, #tpu.memory_space<semaphore_mem>>
    tpu.enqueue_indirect_dma source(%dma_start3A_13 : memref<50000x128xf32, #tpu.memory_space<hbm>>) target(%arg14 : memref<200x128xf32, #tpu.memory_space<vmem>>) offsets(%arg10 : memref<200xi32, #tpu.memory_space<vmem>>) semaphore(%dma_start3A_15 : memref<!tpu.dma_semaphore, #tpu.memory_space<semaphore_mem>>)
    %scan3A = arith.constant 0 : i32
    %scan3A_16 = arith.constant 62 : i32
    %scan3A_17 = arith.addi %scan3A, %scan3A_16 : i32
    %scan3A_18 = arith.constant 1 : i32
    scf.for %scan3A_34 = %scan3A to %scan3A_17 step %scan3A_18  : i32 {
      %mul3A_35 = arith.constant 1 : i32
      %mul3A_36 = arith.muli %scan3A_34, %mul3A_35 : i32
      %add3A_37 = arith.constant 0 : i32
      %add3A_38 = arith.addi %add3A_37, %mul3A_36 : i32
      %mul3A_39 = arith.constant 2 : i32
      %mul3A_40 = arith.muli %mul3A_39, %add3A_38 : i32
      %add3A_41 = arith.constant 1 : i32
      %add3A_42 = arith.addi %add3A_41, %mul3A_40 : i32
      %mul3A_43 = arith.constant 200 : i32
      %mul3A_44 = arith.muli %add3A_42, %mul3A_43 : i32
      %add3A_45 = arith.addi %mul3A_2, %mul3A_44 : i32
      %multiple_of3A_46 = tpu.assume_multiple %add3A_45, 8 : i32
      "tpu.region"() ({
        %run_scoped3A = tpu.sem_alloc : memref<!tpu.dma_semaphore, #tpu.memory_space<semaphore_mem>>
        %dma_start3A_110 = tpu.memref_slice %arg4[%multiple_of3A_46] : memref<800000xi32, #tpu.memory_space<hbm>> -> memref<200xi32, #tpu.memory_space<hbm>>
        %dma_start3A_111 = tpu.memref_slice %arg4[%multiple_of3A_46] : memref<800000xi32, #tpu.memory_space<hbm>> -> memref<200xi32, #tpu.memory_space<hbm>>
        tpu.enqueue_dma source(%dma_start3A_111 : memref<200xi32, #tpu.memory_space<hbm>>) target(%arg9 : memref<200xi32, #tpu.memory_space<vmem>>) target_semaphore(%run_scoped3A : memref<!tpu.dma_semaphore, #tpu.memory_space<semaphore_mem>>)
        %dma_wait3A_112 = tpu.memref_slice %arg4[%multiple_of3A_46] : memref<800000xi32, #tpu.memory_space<hbm>> -> memref<200xi32, #tpu.memory_space<hbm>>
        %dma_wait3A_113 = tpu.memref_slice %arg4[%multiple_of3A_46] : memref<800000xi32, #tpu.memory_space<hbm>> -> memref<200xi32, #tpu.memory_space<hbm>>
        tpu.wait_dma2 semaphore(%run_scoped3A : memref<!tpu.dma_semaphore, #tpu.memory_space<semaphore_mem>>) src(%dma_wait3A_113 : memref<200xi32, #tpu.memory_space<hbm>>) dst(%arg9 : memref<200xi32, #tpu.memory_space<vmem>>)
        tpu.yield
      }) : () -> ()
      "tpu.region"() ({
        %run_scoped3A = tpu.sem_alloc : memref<!tpu.dma_semaphore, #tpu.memory_space<semaphore_mem>>
        %dma_start3A_110 = tpu.memref_slice %arg5[%multiple_of3A_46] : memref<800000xi32, #tpu.memory_space<hbm>> -> memref<200xi32, #tpu.memory_space<hbm>>
        %dma_start3A_111 = tpu.memref_slice %arg5[%multiple_of3A_46] : memref<800000xi32, #tpu.memory_space<hbm>> -> memref<200xi32, #tpu.memory_space<hbm>>
        tpu.enqueue_dma source(%dma_start3A_111 : memref<200xi32, #tpu.memory_space<hbm>>) target(%arg11 : memref<200xi32, #tpu.memory_space<vmem>>) target_semaphore(%run_scoped3A : memref<!tpu.dma_semaphore, #tpu.memory_space<semaphore_mem>>)
        %dma_wait3A_112 = tpu.memref_slice %arg5[%multiple_of3A_46] : memref<800000xi32, #tpu.memory_space<hbm>> -> memref<200xi32, #tpu.memory_space<hbm>>
        %dma_wait3A_113 = tpu.memref_slice %arg5[%multiple_of3A_46] : memref<800000xi32, #tpu.memory_space<hbm>> -> memref<200xi32, #tpu.memory_space<hbm>>
        tpu.wait_dma2 semaphore(%run_scoped3A : memref<!tpu.dma_semaphore, #tpu.memory_space<semaphore_mem>>) src(%dma_wait3A_113 : memref<200xi32, #tpu.memory_space<hbm>>) dst(%arg11 : memref<200xi32, #tpu.memory_space<vmem>>)
        tpu.yield
      }) : () -> ()
      %dma_start3A_47 = arith.constant 1 : i32
      %dma_start3A_48 = arith.constant 0 : i32
      %dma_start3A_49 = arith.constant 0 : i32
      %dma_start3A_50 = tpu.memref_slice %arg2[%dma_start3A_48, %dma_start3A_49] : memref<50000x128xf32, #tpu.memory_space<hbm>> -> memref<50000x128xf32, #tpu.memory_space<hbm>>
      %dma_start3A_51 = tpu.memref_slice %arg16[%dma_start3A_47] : memref<2x!tpu.dma_semaphore, #tpu.memory_space<semaphore_mem>> -> memref<1x!tpu.dma_semaphore, #tpu.memory_space<semaphore_mem>>
      %dma_start3A_52 = tpu.memref_squeeze %dma_start3A_51 : memref<1x!tpu.dma_semaphore, #tpu.memory_space<semaphore_mem>> -> memref<!tpu.dma_semaphore, #tpu.memory_space<semaphore_mem>>
      tpu.enqueue_indirect_dma source(%dma_start3A_50 : memref<50000x128xf32, #tpu.memory_space<hbm>>) target(%arg13 : memref<200x128xf32, #tpu.memory_space<vmem>>) offsets(%arg9 : memref<200xi32, #tpu.memory_space<vmem>>) semaphore(%dma_start3A_52 : memref<!tpu.dma_semaphore, #tpu.memory_space<semaphore_mem>>)
      %dma_start3A_53 = arith.constant 1 : i32
      %dma_start3A_54 = arith.constant 0 : i32
      %dma_start3A_55 = arith.constant 0 : i32
      %dma_start3A_56 = tpu.memref_slice %arg3[%dma_start3A_54, %dma_start3A_55] : memref<50000x128xf32, #tpu.memory_space<hbm>> -> memref<50000x128xf32, #tpu.memory_space<hbm>>
      %dma_start3A_57 = tpu.memref_slice %arg17[%dma_start3A_53] : memref<2x!tpu.dma_semaphore, #tpu.memory_space<semaphore_mem>> -> memref<1x!tpu.dma_semaphore, #tpu.memory_space<semaphore_mem>>
      %dma_start3A_58 = tpu.memref_squeeze %dma_start3A_57 : memref<1x!tpu.dma_semaphore, #tpu.memory_space<semaphore_mem>> -> memref<!tpu.dma_semaphore, #tpu.memory_space<semaphore_mem>>
      tpu.enqueue_indirect_dma source(%dma_start3A_56 : memref<50000x128xf32, #tpu.memory_space<hbm>>) target(%arg15 : memref<200x128xf32, #tpu.memory_space<vmem>>) offsets(%arg11 : memref<200xi32, #tpu.memory_space<vmem>>) semaphore(%dma_start3A_58 : memref<!tpu.dma_semaphore, #tpu.memory_space<semaphore_mem>>)
      %sub3A = arith.constant 1 : i32
      %sub3A_59 = arith.subi %add3A_42, %sub3A : i32
      %mul3A_60 = arith.constant 200 : i32
      %mul3A_61 = arith.muli %sub3A_59, %mul3A_60 : i32
      %add3A_62 = arith.addi %mul3A_2, %mul3A_61 : i32
      %multiple_of3A_63 = tpu.assume_multiple %add3A_62, 8 : i32
      %dma_wait3A_64 = arith.constant 0 : i32
      %dma_wait3A_65 = arith.constant 0 : i32
      %dma_wait3A_66 = arith.constant 0 : i32
      %dma_wait3A_67 = tpu.memref_slice %arg2[%dma_wait3A_65, %dma_wait3A_66] : memref<50000x128xf32, #tpu.memory_space<hbm>> -> memref<50000x128xf32, #tpu.memory_space<hbm>>
      %dma_wait3A_68 = tpu.memref_slice %arg16[%dma_wait3A_64] : memref<2x!tpu.dma_semaphore, #tpu.memory_space<semaphore_mem>> -> memref<1x!tpu.dma_semaphore, #tpu.memory_space<semaphore_mem>>
      %dma_wait3A_69 = tpu.memref_squeeze %dma_wait3A_68 : memref<1x!tpu.dma_semaphore, #tpu.memory_space<semaphore_mem>> -> memref<!tpu.dma_semaphore, #tpu.memory_space<semaphore_mem>>
      tpu.wait_indirect_dma semaphore(%dma_wait3A_69 : memref<!tpu.dma_semaphore, #tpu.memory_space<semaphore_mem>>) src(%dma_wait3A_67 : memref<50000x128xf32, #tpu.memory_space<hbm>>) dst(%arg12 : memref<200x128xf32, #tpu.memory_space<vmem>>)
      %dma_wait3A_70 = arith.constant 0 : i32
      %dma_wait3A_71 = arith.constant 0 : i32
      %dma_wait3A_72 = arith.constant 0 : i32
      %dma_wait3A_73 = tpu.memref_slice %arg3[%dma_wait3A_71, %dma_wait3A_72] : memref<50000x128xf32, #tpu.memory_space<hbm>> -> memref<50000x128xf32, #tpu.memory_space<hbm>>
      %dma_wait3A_74 = tpu.memref_slice %arg17[%dma_wait3A_70] : memref<2x!tpu.dma_semaphore, #tpu.memory_space<semaphore_mem>> -> memref<1x!tpu.dma_semaphore, #tpu.memory_space<semaphore_mem>>
      %dma_wait3A_75 = tpu.memref_squeeze %dma_wait3A_74 : memref<1x!tpu.dma_semaphore, #tpu.memory_space<semaphore_mem>> -> memref<!tpu.dma_semaphore, #tpu.memory_space<semaphore_mem>>
      tpu.wait_indirect_dma semaphore(%dma_wait3A_75 : memref<!tpu.dma_semaphore, #tpu.memory_space<semaphore_mem>>) src(%dma_wait3A_73 : memref<50000x128xf32, #tpu.memory_space<hbm>>) dst(%arg14 : memref<200x128xf32, #tpu.memory_space<vmem>>)
      "tpu.region"() ({
        %run_scoped3A = tpu.sem_alloc : memref<!tpu.dma_semaphore, #tpu.memory_space<semaphore_mem>>
        %dma_start3A_110 = arith.constant 0 : i32
        %dma_start3A_111 = tpu.memref_slice %arg6[%multiple_of3A_63, %dma_start3A_110] : memref<800000x128xf32, #tpu.memory_space<hbm>> -> memref<200x128xf32, #tpu.memory_space<hbm>>
        %dma_start3A_112 = arith.constant 0 : i32
        %dma_start3A_113 = tpu.memref_slice %arg6[%multiple_of3A_63, %dma_start3A_112] : memref<800000x128xf32, #tpu.memory_space<hbm>> -> memref<200x128xf32, #tpu.memory_space<hbm>>
        tpu.enqueue_dma source(%arg12 : memref<200x128xf32, #tpu.memory_space<vmem>>) target(%dma_start3A_113 : memref<200x128xf32, #tpu.memory_space<hbm>>) target_semaphore(%run_scoped3A : memref<!tpu.dma_semaphore, #tpu.memory_space<semaphore_mem>>)
        %dma_wait3A_114 = arith.constant 0 : i32
        %dma_wait3A_115 = tpu.memref_slice %arg6[%multiple_of3A_63, %dma_wait3A_114] : memref<800000x128xf32, #tpu.memory_space<hbm>> -> memref<200x128xf32, #tpu.memory_space<hbm>>
        %dma_wait3A_116 = arith.constant 0 : i32
        %dma_wait3A_117 = tpu.memref_slice %arg6[%multiple_of3A_63, %dma_wait3A_116] : memref<800000x128xf32, #tpu.memory_space<hbm>> -> memref<200x128xf32, #tpu.memory_space<hbm>>
        tpu.wait_dma2 semaphore(%run_scoped3A : memref<!tpu.dma_semaphore, #tpu.memory_space<semaphore_mem>>) src(%arg12 : memref<200x128xf32, #tpu.memory_space<vmem>>) dst(%dma_wait3A_117 : memref<200x128xf32, #tpu.memory_space<hbm>>)
        tpu.yield
      }) : () -> ()
      "tpu.region"() ({
        %run_scoped3A = tpu.sem_alloc : memref<!tpu.dma_semaphore, #tpu.memory_space<semaphore_mem>>
        %dma_start3A_110 = arith.constant 0 : i32
        %dma_start3A_111 = tpu.memref_slice %arg7[%multiple_of3A_63, %dma_start3A_110] : memref<800000x128xf32, #tpu.memory_space<hbm>> -> memref<200x128xf32, #tpu.memory_space<hbm>>
        %dma_start3A_112 = arith.constant 0 : i32
        %dma_start3A_113 = tpu.memref_slice %arg7[%multiple_of3A_63, %dma_start3A_112] : memref<800000x128xf32, #tpu.memory_space<hbm>> -> memref<200x128xf32, #tpu.memory_space<hbm>>
        tpu.enqueue_dma source(%arg14 : memref<200x128xf32, #tpu.memory_space<vmem>>) target(%dma_start3A_113 : memref<200x128xf32, #tpu.memory_space<hbm>>) target_semaphore(%run_scoped3A : memref<!tpu.dma_semaphore, #tpu.memory_space<semaphore_mem>>)
        %dma_wait3A_114 = arith.constant 0 : i32
        %dma_wait3A_115 = tpu.memref_slice %arg7[%multiple_of3A_63, %dma_wait3A_114] : memref<800000x128xf32, #tpu.memory_space<hbm>> -> memref<200x128xf32, #tpu.memory_space<hbm>>
        %dma_wait3A_116 = arith.constant 0 : i32
        %dma_wait3A_117 = tpu.memref_slice %arg7[%multiple_of3A_63, %dma_wait3A_116] : memref<800000x128xf32, #tpu.memory_space<hbm>> -> memref<200x128xf32, #tpu.memory_space<hbm>>
        tpu.wait_dma2 semaphore(%run_scoped3A : memref<!tpu.dma_semaphore, #tpu.memory_space<semaphore_mem>>) src(%arg14 : memref<200x128xf32, #tpu.memory_space<vmem>>) dst(%dma_wait3A_117 : memref<200x128xf32, #tpu.memory_space<hbm>>)
        tpu.yield
      }) : () -> ()
      %add3A_76 = arith.constant 1 : i32
      %add3A_77 = arith.addi %add3A_42, %add3A_76 : i32
      %mul3A_78 = arith.constant 200 : i32
      %mul3A_79 = arith.muli %add3A_77, %mul3A_78 : i32
      %add3A_80 = arith.addi %mul3A_2, %mul3A_79 : i32
      %multiple_of3A_81 = tpu.assume_multiple %add3A_80, 8 : i32
      "tpu.region"() ({
        %run_scoped3A = tpu.sem_alloc : memref<!tpu.dma_semaphore, #tpu.memory_space<semaphore_mem>>
        %dma_start3A_110 = tpu.memref_slice %arg4[%multiple_of3A_81] : memref<800000xi32, #tpu.memory_space<hbm>> -> memref<200xi32, #tpu.memory_space<hbm>>
        %dma_start3A_111 = tpu.memref_slice %arg4[%multiple_of3A_81] : memref<800000xi32, #tpu.memory_space<hbm>> -> memref<200xi32, #tpu.memory_space<hbm>>
        tpu.enqueue_dma source(%dma_start3A_111 : memref<200xi32, #tpu.memory_space<hbm>>) target(%arg8 : memref<200xi32, #tpu.memory_space<vmem>>) target_semaphore(%run_scoped3A : memref<!tpu.dma_semaphore, #tpu.memory_space<semaphore_mem>>)
        %dma_wait3A_112 = tpu.memref_slice %arg4[%multiple_of3A_81] : memref<800000xi32, #tpu.memory_space<hbm>> -> memref<200xi32, #tpu.memory_space<hbm>>
        %dma_wait3A_113 = tpu.memref_slice %arg4[%multiple_of3A_81] : memref<800000xi32, #tpu.memory_space<hbm>> -> memref<200xi32, #tpu.memory_space<hbm>>
        tpu.wait_dma2 semaphore(%run_scoped3A : memref<!tpu.dma_semaphore, #tpu.memory_space<semaphore_mem>>) src(%dma_wait3A_113 : memref<200xi32, #tpu.memory_space<hbm>>) dst(%arg8 : memref<200xi32, #tpu.memory_space<vmem>>)
        tpu.yield
      }) : () -> ()
      "tpu.region"() ({
        %run_scoped3A = tpu.sem_alloc : memref<!tpu.dma_semaphore, #tpu.memory_space<semaphore_mem>>
        %dma_start3A_110 = tpu.memref_slice %arg5[%multiple_of3A_81] : memref<800000xi32, #tpu.memory_space<hbm>> -> memref<200xi32, #tpu.memory_space<hbm>>
        %dma_start3A_111 = tpu.memref_slice %arg5[%multiple_of3A_81] : memref<800000xi32, #tpu.memory_space<hbm>> -> memref<200xi32, #tpu.memory_space<hbm>>
        tpu.enqueue_dma source(%dma_start3A_111 : memref<200xi32, #tpu.memory_space<hbm>>) target(%arg10 : memref<200xi32, #tpu.memory_space<vmem>>) target_semaphore(%run_scoped3A : memref<!tpu.dma_semaphore, #tpu.memory_space<semaphore_mem>>)
        %dma_wait3A_112 = tpu.memref_slice %arg5[%multiple_of3A_81] : memref<800000xi32, #tpu.memory_space<hbm>> -> memref<200xi32, #tpu.memory_space<hbm>>
        %dma_wait3A_113 = tpu.memref_slice %arg5[%multiple_of3A_81] : memref<800000xi32, #tpu.memory_space<hbm>> -> memref<200xi32, #tpu.memory_space<hbm>>
        tpu.wait_dma2 semaphore(%run_scoped3A : memref<!tpu.dma_semaphore, #tpu.memory_space<semaphore_mem>>) src(%dma_wait3A_113 : memref<200xi32, #tpu.memory_space<hbm>>) dst(%arg10 : memref<200xi32, #tpu.memory_space<vmem>>)
        tpu.yield
      }) : () -> ()
      %dma_start3A_82 = arith.constant 0 : i32
      %dma_start3A_83 = arith.constant 0 : i32
      %dma_start3A_84 = arith.constant 0 : i32
      %dma_start3A_85 = tpu.memref_slice %arg2[%dma_start3A_83, %dma_start3A_84] : memref<50000x128xf32, #tpu.memory_space<hbm>> -> memref<50000x128xf32, #tpu.memory_space<hbm>>
      %dma_start3A_86 = tpu.memref_slice %arg16[%dma_start3A_82] : memref<2x!tpu.dma_semaphore, #tpu.memory_space<semaphore_mem>> -> memref<1x!tpu.dma_semaphore, #tpu.memory_space<semaphore_mem>>
      %dma_start3A_87 = tpu.memref_squeeze %dma_start3A_86 : memref<1x!tpu.dma_semaphore, #tpu.memory_space<semaphore_mem>> -> memref<!tpu.dma_semaphore, #tpu.memory_space<semaphore_mem>>
      tpu.enqueue_indirect_dma source(%dma_start3A_85 : memref<50000x128xf32, #tpu.memory_space<hbm>>) target(%arg12 : memref<200x128xf32, #tpu.memory_space<vmem>>) offsets(%arg8 : memref<200xi32, #tpu.memory_space<vmem>>) semaphore(%dma_start3A_87 : memref<!tpu.dma_semaphore, #tpu.memory_space<semaphore_mem>>)
      %dma_start3A_88 = arith.constant 0 : i32
      %dma_start3A_89 = arith.constant 0 : i32
      %dma_start3A_90 = arith.constant 0 : i32
      %dma_start3A_91 = tpu.memref_slice %arg3[%dma_start3A_89, %dma_start3A_90] : memref<50000x128xf32, #tpu.memory_space<hbm>> -> memref<50000x128xf32, #tpu.memory_space<hbm>>
      %dma_start3A_92 = tpu.memref_slice %arg17[%dma_start3A_88] : memref<2x!tpu.dma_semaphore, #tpu.memory_space<semaphore_mem>> -> memref<1x!tpu.dma_semaphore, #tpu.memory_space<semaphore_mem>>
      %dma_start3A_93 = tpu.memref_squeeze %dma_start3A_92 : memref<1x!tpu.dma_semaphore, #tpu.memory_space<semaphore_mem>> -> memref<!tpu.dma_semaphore, #tpu.memory_space<semaphore_mem>>
      tpu.enqueue_indirect_dma source(%dma_start3A_91 : memref<50000x128xf32, #tpu.memory_space<hbm>>) target(%arg14 : memref<200x128xf32, #tpu.memory_space<vmem>>) offsets(%arg10 : memref<200xi32, #tpu.memory_space<vmem>>) semaphore(%dma_start3A_93 : memref<!tpu.dma_semaphore, #tpu.memory_space<semaphore_mem>>)
      %mul3A_94 = arith.constant 200 : i32
      %mul3A_95 = arith.muli %add3A_42, %mul3A_94 : i32
      %add3A_96 = arith.addi %mul3A_2, %mul3A_95 : i32
      %multiple_of3A_97 = tpu.assume_multiple %add3A_96, 8 : i32
      %dma_wait3A_98 = arith.constant 1 : i32
      %dma_wait3A_99 = arith.constant 0 : i32
      %dma_wait3A_100 = arith.constant 0 : i32
      %dma_wait3A_101 = tpu.memref_slice %arg2[%dma_wait3A_99, %dma_wait3A_100] : memref<50000x128xf32, #tpu.memory_space<hbm>> -> memref<50000x128xf32, #tpu.memory_space<hbm>>
      %dma_wait3A_102 = tpu.memref_slice %arg16[%dma_wait3A_98] : memref<2x!tpu.dma_semaphore, #tpu.memory_space<semaphore_mem>> -> memref<1x!tpu.dma_semaphore, #tpu.memory_space<semaphore_mem>>
      %dma_wait3A_103 = tpu.memref_squeeze %dma_wait3A_102 : memref<1x!tpu.dma_semaphore, #tpu.memory_space<semaphore_mem>> -> memref<!tpu.dma_semaphore, #tpu.memory_space<semaphore_mem>>
      tpu.wait_indirect_dma semaphore(%dma_wait3A_103 : memref<!tpu.dma_semaphore, #tpu.memory_space<semaphore_mem>>) src(%dma_wait3A_101 : memref<50000x128xf32, #tpu.memory_space<hbm>>) dst(%arg13 : memref<200x128xf32, #tpu.memory_space<vmem>>)
      %dma_wait3A_104 = arith.constant 1 : i32
      %dma_wait3A_105 = arith.constant 0 : i32
      %dma_wait3A_106 = arith.constant 0 : i32
      %dma_wait3A_107 = tpu.memref_slice %arg3[%dma_wait3A_105, %dma_wait3A_106] : memref<50000x128xf32, #tpu.memory_space<hbm>> -> memref<50000x128xf32, #tpu.memory_space<hbm>>
      %dma_wait3A_108 = tpu.memref_slice %arg17[%dma_wait3A_104] : memref<2x!tpu.dma_semaphore, #tpu.memory_space<semaphore_mem>> -> memref<1x!tpu.dma_semaphore, #tpu.memory_space<semaphore_mem>>
      %dma_wait3A_109 = tpu.memref_squeeze %dma_wait3A_108 : memref<1x!tpu.dma_semaphore, #tpu.memory_space<semaphore_mem>> -> memref<!tpu.dma_semaphore, #tpu.memory_space<semaphore_mem>>
      tpu.wait_indirect_dma semaphore(%dma_wait3A_109 : memref<!tpu.dma_semaphore, #tpu.memory_space<semaphore_mem>>) src(%dma_wait3A_107 : memref<50000x128xf32, #tpu.memory_space<hbm>>) dst(%arg15 : memref<200x128xf32, #tpu.memory_space<vmem>>)
      "tpu.region"() ({
        %run_scoped3A = tpu.sem_alloc : memref<!tpu.dma_semaphore, #tpu.memory_space<semaphore_mem>>
        %dma_start3A_110 = arith.constant 0 : i32
        %dma_start3A_111 = tpu.memref_slice %arg6[%multiple_of3A_97, %dma_start3A_110] : memref<800000x128xf32, #tpu.memory_space<hbm>> -> memref<200x128xf32, #tpu.memory_space<hbm>>
        %dma_start3A_112 = arith.constant 0 : i32
        %dma_start3A_113 = tpu.memref_slice %arg6[%multiple_of3A_97, %dma_start3A_112] : memref<800000x128xf32, #tpu.memory_space<hbm>> -> memref<200x128xf32, #tpu.memory_space<hbm>>
        tpu.enqueue_dma source(%arg13 : memref<200x128xf32, #tpu.memory_space<vmem>>) target(%dma_start3A_113 : memref<200x128xf32, #tpu.memory_space<hbm>>) target_semaphore(%run_scoped3A : memref<!tpu.dma_semaphore, #tpu.memory_space<semaphore_mem>>)
        %dma_wait3A_114 = arith.constant 0 : i32
        %dma_wait3A_115 = tpu.memref_slice %arg6[%multiple_of3A_97, %dma_wait3A_114] : memref<800000x128xf32, #tpu.memory_space<hbm>> -> memref<200x128xf32, #tpu.memory_space<hbm>>
        %dma_wait3A_116 = arith.constant 0 : i32
        %dma_wait3A_117 = tpu.memref_slice %arg6[%multiple_of3A_97, %dma_wait3A_116] : memref<800000x128xf32, #tpu.memory_space<hbm>> -> memref<200x128xf32, #tpu.memory_space<hbm>>
        tpu.wait_dma2 semaphore(%run_scoped3A : memref<!tpu.dma_semaphore, #tpu.memory_space<semaphore_mem>>) src(%arg13 : memref<200x128xf32, #tpu.memory_space<vmem>>) dst(%dma_wait3A_117 : memref<200x128xf32, #tpu.memory_space<hbm>>)
        tpu.yield
      }) : () -> ()
      "tpu.region"() ({
        %run_scoped3A = tpu.sem_alloc : memref<!tpu.dma_semaphore, #tpu.memory_space<semaphore_mem>>
        %dma_start3A_110 = arith.constant 0 : i32
        %dma_start3A_111 = tpu.memref_slice %arg7[%multiple_of3A_97, %dma_start3A_110] : memref<800000x128xf32, #tpu.memory_space<hbm>> -> memref<200x128xf32, #tpu.memory_space<hbm>>
        %dma_start3A_112 = arith.constant 0 : i32
        %dma_start3A_113 = tpu.memref_slice %arg7[%multiple_of3A_97, %dma_start3A_112] : memref<800000x128xf32, #tpu.memory_space<hbm>> -> memref<200x128xf32, #tpu.memory_space<hbm>>
        tpu.enqueue_dma source(%arg15 : memref<200x128xf32, #tpu.memory_space<vmem>>) target(%dma_start3A_113 : memref<200x128xf32, #tpu.memory_space<hbm>>) target_semaphore(%run_scoped3A : memref<!tpu.dma_semaphore, #tpu.memory_space<semaphore_mem>>)
        %dma_wait3A_114 = arith.constant 0 : i32
        %dma_wait3A_115 = tpu.memref_slice %arg7[%multiple_of3A_97, %dma_wait3A_114] : memref<800000x128xf32, #tpu.memory_space<hbm>> -> memref<200x128xf32, #tpu.memory_space<hbm>>
        %dma_wait3A_116 = arith.constant 0 : i32
        %dma_wait3A_117 = tpu.memref_slice %arg7[%multiple_of3A_97, %dma_wait3A_116] : memref<800000x128xf32, #tpu.memory_space<hbm>> -> memref<200x128xf32, #tpu.memory_space<hbm>>
        tpu.wait_dma2 semaphore(%run_scoped3A : memref<!tpu.dma_semaphore, #tpu.memory_space<semaphore_mem>>) src(%arg15 : memref<200x128xf32, #tpu.memory_space<vmem>>) dst(%dma_wait3A_117 : memref<200x128xf32, #tpu.memory_space<hbm>>)
        tpu.yield
      }) : () -> ()
    }
    %scan3A_19 = arith.constant 62 : i32
    %add3A_20 = arith.constant 24800 : i32
    %add3A_21 = arith.addi %mul3A_2, %add3A_20 : i32
    %multiple_of3A_22 = tpu.assume_multiple %add3A_21, 8 : i32
    %dma_wait3A = arith.constant 0 : i32
    %dma_wait3A_23 = arith.constant 0 : i32
    %dma_wait3A_24 = arith.constant 0 : i32
    %dma_wait3A_25 = tpu.memref_slice %arg2[%dma_wait3A_23, %dma_wait3A_24] : memref<50000x128xf32, #tpu.memory_space<hbm>> -> memref<50000x128xf32, #tpu.memory_space<hbm>>
    %dma_wait3A_26 = tpu.memref_slice %arg16[%dma_wait3A] : memref<2x!tpu.dma_semaphore, #tpu.memory_space<semaphore_mem>> -> memref<1x!tpu.dma_semaphore, #tpu.memory_space<semaphore_mem>>
    %dma_wait3A_27 = tpu.memref_squeeze %dma_wait3A_26 : memref<1x!tpu.dma_semaphore, #tpu.memory_space<semaphore_mem>> -> memref<!tpu.dma_semaphore, #tpu.memory_space<semaphore_mem>>
    tpu.wait_indirect_dma semaphore(%dma_wait3A_27 : memref<!tpu.dma_semaphore, #tpu.memory_space<semaphore_mem>>) src(%dma_wait3A_25 : memref<50000x128xf32, #tpu.memory_space<hbm>>) dst(%arg12 : memref<200x128xf32, #tpu.memory_space<vmem>>)
    %dma_wait3A_28 = arith.constant 0 : i32
    %dma_wait3A_29 = arith.constant 0 : i32
    %dma_wait3A_30 = arith.constant 0 : i32
    %dma_wait3A_31 = tpu.memref_slice %arg3[%dma_wait3A_29, %dma_wait3A_30] : memref<50000x128xf32, #tpu.memory_space<hbm>> -> memref<50000x128xf32, #tpu.memory_space<hbm>>
    %dma_wait3A_32 = tpu.memref_slice %arg17[%dma_wait3A_28] : memref<2x!tpu.dma_semaphore, #tpu.memory_space<semaphore_mem>> -> memref<1x!tpu.dma_semaphore, #tpu.memory_space<semaphore_mem>>
    %dma_wait3A_33 = tpu.memref_squeeze %dma_wait3A_32 : memref<1x!tpu.dma_semaphore, #tpu.memory_space<semaphore_mem>> -> memref<!tpu.dma_semaphore, #tpu.memory_space<semaphore_mem>>
    tpu.wait_indirect_dma semaphore(%dma_wait3A_33 : memref<!tpu.dma_semaphore, #tpu.memory_space<semaphore_mem>>) src(%dma_wait3A_31 : memref<50000x128xf32, #tpu.memory_space<hbm>>) dst(%arg14 : memref<200x128xf32, #tpu.memory_space<vmem>>)
    "tpu.region"() ({
      %run_scoped3A = tpu.sem_alloc : memref<!tpu.dma_semaphore, #tpu.memory_space<semaphore_mem>>
      %dma_start3A_34 = arith.constant 0 : i32
      %dma_start3A_35 = tpu.memref_slice %arg6[%multiple_of3A_22, %dma_start3A_34] : memref<800000x128xf32, #tpu.memory_space<hbm>> -> memref<200x128xf32, #tpu.memory_space<hbm>>
      %dma_start3A_36 = arith.constant 0 : i32
      %dma_start3A_37 = tpu.memref_slice %arg6[%multiple_of3A_22, %dma_start3A_36] : memref<800000x128xf32, #tpu.memory_space<hbm>> -> memref<200x128xf32, #tpu.memory_space<hbm>>
      tpu.enqueue_dma source(%arg12 : memref<200x128xf32, #tpu.memory_space<vmem>>) target(%dma_start3A_37 : memref<200x128xf32, #tpu.memory_space<hbm>>) target_semaphore(%run_scoped3A : memref<!tpu.dma_semaphore, #tpu.memory_space<semaphore_mem>>)
      %dma_wait3A_38 = arith.constant 0 : i32
      %dma_wait3A_39 = tpu.memref_slice %arg6[%multiple_of3A_22, %dma_wait3A_38] : memref<800000x128xf32, #tpu.memory_space<hbm>> -> memref<200x128xf32, #tpu.memory_space<hbm>>
      %dma_wait3A_40 = arith.constant 0 : i32
      %dma_wait3A_41 = tpu.memref_slice %arg6[%multiple_of3A_22, %dma_wait3A_40] : memref<800000x128xf32, #tpu.memory_space<hbm>> -> memref<200x128xf32, #tpu.memory_space<hbm>>
      tpu.wait_dma2 semaphore(%run_scoped3A : memref<!tpu.dma_semaphore, #tpu.memory_space<semaphore_mem>>) src(%arg12 : memref<200x128xf32, #tpu.memory_space<vmem>>) dst(%dma_wait3A_41 : memref<200x128xf32, #tpu.memory_space<hbm>>)
      tpu.yield
    }) : () -> ()
    "tpu.region"() ({
      %run_scoped3A = tpu.sem_alloc : memref<!tpu.dma_semaphore, #tpu.memory_space<semaphore_mem>>
      %dma_start3A_34 = arith.constant 0 : i32
      %dma_start3A_35 = tpu.memref_slice %arg7[%multiple_of3A_22, %dma_start3A_34] : memref<800000x128xf32, #tpu.memory_space<hbm>> -> memref<200x128xf32, #tpu.memory_space<hbm>>
      %dma_start3A_36 = arith.constant 0 : i32
      %dma_start3A_37 = tpu.memref_slice %arg7[%multiple_of3A_22, %dma_start3A_36] : memref<800000x128xf32, #tpu.memory_space<hbm>> -> memref<200x128xf32, #tpu.memory_space<hbm>>
      tpu.enqueue_dma source(%arg14 : memref<200x128xf32, #tpu.memory_space<vmem>>) target(%dma_start3A_37 : memref<200x128xf32, #tpu.memory_space<hbm>>) target_semaphore(%run_scoped3A : memref<!tpu.dma_semaphore, #tpu.memory_space<semaphore_mem>>)
      %dma_wait3A_38 = arith.constant 0 : i32
      %dma_wait3A_39 = tpu.memref_slice %arg7[%multiple_of3A_22, %dma_wait3A_38] : memref<800000x128xf32, #tpu.memory_space<hbm>> -> memref<200x128xf32, #tpu.memory_space<hbm>>
      %dma_wait3A_40 = arith.constant 0 : i32
      %dma_wait3A_41 = tpu.memref_slice %arg7[%multiple_of3A_22, %dma_wait3A_40] : memref<800000x128xf32, #tpu.memory_space<hbm>> -> memref<200x128xf32, #tpu.memory_space<hbm>>
      tpu.wait_dma2 semaphore(%run_scoped3A : memref<!tpu.dma_semaphore, #tpu.memory_space<semaphore_mem>>) src(%arg14 : memref<200x128xf32, #tpu.memory_space<vmem>>) dst(%dma_wait3A_41 : memref<200x128xf32, #tpu.memory_space<hbm>>)
      tpu.yield
    }) : () -> ()
    return
  }
}

#map = affine_map<(d0, d1) -> (0, 0)>
#map1 = affine_map<(d0, d1) -> (0)>
#map2 = affine_map<(d0, d1) -> (0, 0, 0)>
module attributes {stable_mosaic.version = 14 : i64} {
  func.func @_scatter_add(%arg0: i32, %arg1: i32, %arg2: memref<800000x128xf32, #tpu.memory_space<hbm>>, %arg3: memref<800000xi32, #tpu.memory_space<hbm>>, %arg4: memref<50000x32xf32, #tpu.memory_space<hbm>>, %arg5: memref<2x50000x32xf32, #tpu.memory_space<hbm>>, %arg6: memref<200xi32, #tpu.memory_space<vmem>>, %arg7: memref<200xi32, #tpu.memory_space<vmem>>, %arg8: memref<200x32xf32, #tpu.memory_space<vmem>>, %arg9: memref<200x32xf32, #tpu.memory_space<vmem>>, %arg10: memref<50000x32xf32, #tpu.memory_space<vmem_shared>>, %arg11: memref<2x!tpu.dma_semaphore, #tpu.memory_space<semaphore_mem>>, %arg12: memref<2x!tpu.dma_semaphore, #tpu.memory_space<semaphore_mem>>) attributes {dimension_semantics = [#tpu.dimension_semantics<core_parallel>, #tpu.dimension_semantics<subcore_parallel>], iteration_bounds = array<i64: 2, 16>, scalar_prefetch = 0 : i64, scratch_operands = 7 : i64, tpu.core_type = #tpu.core_type<sc_vector_subcore>, window_params = [{transform_indices = #map}, {transform_indices = #map1}, {transform_indices = #map}, {transform_indices = #map2}]} {
    %eq3A = arith.constant 0 : i32
    %eq3A_0 = arith.cmpi eq, %arg1, %eq3A : i32
    %convert_element_type3A = arith.extui %eq3A_0 : i1 to i32
    %cond3A = arith.constant 0 : i32
    %cond3A_1 = arith.cmpi ne, %convert_element_type3A, %cond3A : i32
    scf.if %cond3A_1 {
      "tpu.region"() ({
        %run_scoped3A = tpu.sem_alloc : memref<!tpu.dma_semaphore, #tpu.memory_space<semaphore_mem>>
        tpu.enqueue_dma source(%arg4 : memref<50000x32xf32, #tpu.memory_space<hbm>>) target(%arg10 : memref<50000x32xf32, #tpu.memory_space<vmem_shared>>) target_semaphore(%run_scoped3A : memref<!tpu.dma_semaphore, #tpu.memory_space<semaphore_mem>>)
        tpu.wait_dma2 semaphore(%run_scoped3A : memref<!tpu.dma_semaphore, #tpu.memory_space<semaphore_mem>>) src(%arg4 : memref<50000x32xf32, #tpu.memory_space<hbm>>) dst(%arg10 : memref<50000x32xf32, #tpu.memory_space<vmem_shared>>)
        tpu.yield
      }) : () -> ()
    } else {
    }
    %barrier3A = arith.constant 0 : index
    tpu.barrier barrier_id(%barrier3A)
    %mul3A = arith.constant 50000 : i32
    %mul3A_2 = arith.muli %arg1, %mul3A : i32
    %add3A = arith.constant 0 : i32
    %add3A_3 = arith.addi %mul3A_2, %add3A : i32
    %multiple_of3A = tpu.assume_multiple %add3A_3, 8 : i32
    %dma_start3A = arith.constant 0 : i32
    %dma_start3A_4 = tpu.memref_slice %arg3[%multiple_of3A] : memref<800000xi32, #tpu.memory_space<hbm>> -> memref<200xi32, #tpu.memory_space<hbm>>
    %dma_start3A_5 = tpu.memref_slice %arg11[%dma_start3A] : memref<2x!tpu.dma_semaphore, #tpu.memory_space<semaphore_mem>> -> memref<1x!tpu.dma_semaphore, #tpu.memory_space<semaphore_mem>>
    %dma_start3A_6 = tpu.memref_squeeze %dma_start3A_5 : memref<1x!tpu.dma_semaphore, #tpu.memory_space<semaphore_mem>> -> memref<!tpu.dma_semaphore, #tpu.memory_space<semaphore_mem>>
    %dma_start3A_7 = tpu.memref_slice %arg3[%multiple_of3A] : memref<800000xi32, #tpu.memory_space<hbm>> -> memref<200xi32, #tpu.memory_space<hbm>>
    tpu.enqueue_dma source(%dma_start3A_7 : memref<200xi32, #tpu.memory_space<hbm>>) target(%arg6 : memref<200xi32, #tpu.memory_space<vmem>>) target_semaphore(%dma_start3A_6 : memref<!tpu.dma_semaphore, #tpu.memory_space<semaphore_mem>>)
    %mul3A_8 = arith.constant 32 : i32
    %mul3A_9 = arith.muli %mul3A_8, %arg0 : i32
    %dma_start3A_10 = arith.constant 0 : i32
    %dma_start3A_11 = tpu.memref_slice %arg2[%multiple_of3A, %mul3A_9] : memref<800000x128xf32, #tpu.memory_space<hbm>> -> memref<200x32xf32, #tpu.memory_space<hbm>>
    %dma_start3A_12 = tpu.memref_slice %arg12[%dma_start3A_10] : memref<2x!tpu.dma_semaphore, #tpu.memory_space<semaphore_mem>> -> memref<1x!tpu.dma_semaphore, #tpu.memory_space<semaphore_mem>>
    %dma_start3A_13 = tpu.memref_squeeze %dma_start3A_12 : memref<1x!tpu.dma_semaphore, #tpu.memory_space<semaphore_mem>> -> memref<!tpu.dma_semaphore, #tpu.memory_space<semaphore_mem>>
    %dma_start3A_14 = tpu.memref_slice %arg2[%multiple_of3A, %mul3A_9] : memref<800000x128xf32, #tpu.memory_space<hbm>> -> memref<200x32xf32, #tpu.memory_space<hbm>>
    tpu.enqueue_dma source(%dma_start3A_14 : memref<200x32xf32, #tpu.memory_space<hbm>>) target(%arg8 : memref<200x32xf32, #tpu.memory_space<vmem>>) target_semaphore(%dma_start3A_13 : memref<!tpu.dma_semaphore, #tpu.memory_space<semaphore_mem>>)
    %scan3A = arith.constant 0 : i32
    %scan3A_15 = arith.constant 125 : i32
    %scan3A_16 = arith.addi %scan3A, %scan3A_15 : i32
    %scan3A_17 = arith.constant 1 : i32
    scf.for %scan3A_25 = %scan3A to %scan3A_16 step %scan3A_17  : i32 {
      %mul3A_26 = arith.constant 1 : i32
      %mul3A_27 = arith.muli %scan3A_25, %mul3A_26 : i32
      %add3A_28 = arith.constant 0 : i32
      %add3A_29 = arith.addi %add3A_28, %mul3A_27 : i32
      %mul3A_30 = arith.constant 2 : i32
      %mul3A_31 = arith.muli %mul3A_30, %add3A_29 : i32
      %add3A_32 = arith.constant 1 : i32
      %add3A_33 = arith.addi %mul3A_31, %add3A_32 : i32
      %lt3A = arith.constant 250 : i32
      %lt3A_34 = arith.cmpi slt, %add3A_33, %lt3A : i32
      %convert_element_type3A_35 = arith.extui %lt3A_34 : i1 to i32
      %cond3A_36 = arith.constant 0 : i32
      %cond3A_37 = arith.cmpi ne, %convert_element_type3A_35, %cond3A_36 : i32
      scf.if %cond3A_37 {
        %add3A_67 = arith.constant 1 : i32
        %add3A_68 = arith.addi %mul3A_31, %add3A_67 : i32
        %mul3A_69 = arith.constant 200 : i32
        %mul3A_70 = arith.muli %add3A_68, %mul3A_69 : i32
        %add3A_71 = arith.addi %mul3A_2, %mul3A_70 : i32
        %multiple_of3A_72 = tpu.assume_multiple %add3A_71, 8 : i32
        %dma_start3A_73 = arith.constant 1 : i32
        %dma_start3A_74 = tpu.memref_slice %arg3[%multiple_of3A_72] : memref<800000xi32, #tpu.memory_space<hbm>> -> memref<200xi32, #tpu.memory_space<hbm>>
        %dma_start3A_75 = tpu.memref_slice %arg11[%dma_start3A_73] : memref<2x!tpu.dma_semaphore, #tpu.memory_space<semaphore_mem>> -> memref<1x!tpu.dma_semaphore, #tpu.memory_space<semaphore_mem>>
        %dma_start3A_76 = tpu.memref_squeeze %dma_start3A_75 : memref<1x!tpu.dma_semaphore, #tpu.memory_space<semaphore_mem>> -> memref<!tpu.dma_semaphore, #tpu.memory_space<semaphore_mem>>
        %dma_start3A_77 = tpu.memref_slice %arg3[%multiple_of3A_72] : memref<800000xi32, #tpu.memory_space<hbm>> -> memref<200xi32, #tpu.memory_space<hbm>>
        tpu.enqueue_dma source(%dma_start3A_77 : memref<200xi32, #tpu.memory_space<hbm>>) target(%arg7 : memref<200xi32, #tpu.memory_space<vmem>>) target_semaphore(%dma_start3A_76 : memref<!tpu.dma_semaphore, #tpu.memory_space<semaphore_mem>>)
        %mul3A_78 = arith.constant 32 : i32
        %mul3A_79 = arith.muli %mul3A_78, %arg0 : i32
        %dma_start3A_80 = arith.constant 1 : i32
        %dma_start3A_81 = tpu.memref_slice %arg2[%multiple_of3A_72, %mul3A_79] : memref<800000x128xf32, #tpu.memory_space<hbm>> -> memref<200x32xf32, #tpu.memory_space<hbm>>
        %dma_start3A_82 = tpu.memref_slice %arg12[%dma_start3A_80] : memref<2x!tpu.dma_semaphore, #tpu.memory_space<semaphore_mem>> -> memref<1x!tpu.dma_semaphore, #tpu.memory_space<semaphore_mem>>
        %dma_start3A_83 = tpu.memref_squeeze %dma_start3A_82 : memref<1x!tpu.dma_semaphore, #tpu.memory_space<semaphore_mem>> -> memref<!tpu.dma_semaphore, #tpu.memory_space<semaphore_mem>>
        %dma_start3A_84 = tpu.memref_slice %arg2[%multiple_of3A_72, %mul3A_79] : memref<800000x128xf32, #tpu.memory_space<hbm>> -> memref<200x32xf32, #tpu.memory_space<hbm>>
        tpu.enqueue_dma source(%dma_start3A_84 : memref<200x32xf32, #tpu.memory_space<hbm>>) target(%arg9 : memref<200x32xf32, #tpu.memory_space<vmem>>) target_semaphore(%dma_start3A_83 : memref<!tpu.dma_semaphore, #tpu.memory_space<semaphore_mem>>)
      } else {
      }
      %mul3A_38 = arith.constant 200 : i32
      %mul3A_39 = arith.muli %mul3A_31, %mul3A_38 : i32
      %add3A_40 = arith.addi %mul3A_2, %mul3A_39 : i32
      %multiple_of3A_41 = tpu.assume_multiple %add3A_40, 8 : i32
      %dma_wait3A = arith.constant 0 : i32
      %dma_wait3A_42 = tpu.memref_slice %arg3[%multiple_of3A_41] : memref<800000xi32, #tpu.memory_space<hbm>> -> memref<200xi32, #tpu.memory_space<hbm>>
      %dma_wait3A_43 = tpu.memref_slice %arg11[%dma_wait3A] : memref<2x!tpu.dma_semaphore, #tpu.memory_space<semaphore_mem>> -> memref<1x!tpu.dma_semaphore, #tpu.memory_space<semaphore_mem>>
      %dma_wait3A_44 = tpu.memref_squeeze %dma_wait3A_43 : memref<1x!tpu.dma_semaphore, #tpu.memory_space<semaphore_mem>> -> memref<!tpu.dma_semaphore, #tpu.memory_space<semaphore_mem>>
      %dma_wait3A_45 = tpu.memref_slice %arg3[%multiple_of3A_41] : memref<800000xi32, #tpu.memory_space<hbm>> -> memref<200xi32, #tpu.memory_space<hbm>>
      tpu.wait_dma2 semaphore(%dma_wait3A_44 : memref<!tpu.dma_semaphore, #tpu.memory_space<semaphore_mem>>) src(%dma_wait3A_45 : memref<200xi32, #tpu.memory_space<hbm>>) dst(%arg6 : memref<200xi32, #tpu.memory_space<vmem>>)
      %mul3A_46 = arith.constant 32 : i32
      %mul3A_47 = arith.muli %mul3A_46, %arg0 : i32
      %dma_wait3A_48 = arith.constant 0 : i32
      %dma_wait3A_49 = tpu.memref_slice %arg2[%multiple_of3A_41, %mul3A_47] : memref<800000x128xf32, #tpu.memory_space<hbm>> -> memref<200x32xf32, #tpu.memory_space<hbm>>
      %dma_wait3A_50 = tpu.memref_slice %arg12[%dma_wait3A_48] : memref<2x!tpu.dma_semaphore, #tpu.memory_space<semaphore_mem>> -> memref<1x!tpu.dma_semaphore, #tpu.memory_space<semaphore_mem>>
      %dma_wait3A_51 = tpu.memref_squeeze %dma_wait3A_50 : memref<1x!tpu.dma_semaphore, #tpu.memory_space<semaphore_mem>> -> memref<!tpu.dma_semaphore, #tpu.memory_space<semaphore_mem>>
      %dma_wait3A_52 = tpu.memref_slice %arg2[%multiple_of3A_41, %mul3A_47] : memref<800000x128xf32, #tpu.memory_space<hbm>> -> memref<200x32xf32, #tpu.memory_space<hbm>>
      tpu.wait_dma2 semaphore(%dma_wait3A_51 : memref<!tpu.dma_semaphore, #tpu.memory_space<semaphore_mem>>) src(%dma_wait3A_52 : memref<200x32xf32, #tpu.memory_space<hbm>>) dst(%arg8 : memref<200x32xf32, #tpu.memory_space<vmem>>)
      "tpu.region"() ({
        %run_scoped3A = tpu.sem_alloc : memref<!tpu.dma_semaphore, #tpu.memory_space<semaphore_mem>>
        %dma_start3A_67 = arith.constant 0 : i32
        %dma_start3A_68 = arith.constant 0 : i32
        %dma_start3A_69 = tpu.memref_slice %arg10[%dma_start3A_67, %dma_start3A_68] : memref<50000x32xf32, #tpu.memory_space<vmem_shared>> -> memref<50000x32xf32, #tpu.memory_space<vmem_shared>>
        tpu.enqueue_indirect_dma source(%arg8 : memref<200x32xf32, #tpu.memory_space<vmem>>) target(%dma_start3A_69 : memref<50000x32xf32, #tpu.memory_space<vmem_shared>>) offsets(%arg6 : memref<200xi32, #tpu.memory_space<vmem>>) semaphore(%run_scoped3A : memref<!tpu.dma_semaphore, #tpu.memory_space<semaphore_mem>>) {add = true}
        %dma_wait3A_70 = arith.constant 0 : i32
        %dma_wait3A_71 = arith.constant 0 : i32
        %dma_wait3A_72 = tpu.memref_slice %arg10[%dma_wait3A_70, %dma_wait3A_71] : memref<50000x32xf32, #tpu.memory_space<vmem_shared>> -> memref<50000x32xf32, #tpu.memory_space<vmem_shared>>
        tpu.wait_indirect_dma semaphore(%run_scoped3A : memref<!tpu.dma_semaphore, #tpu.memory_space<semaphore_mem>>) src(%arg8 : memref<200x32xf32, #tpu.memory_space<vmem>>) dst(%dma_wait3A_72 : memref<50000x32xf32, #tpu.memory_space<vmem_shared>>)
        tpu.yield
      }) : () -> ()
      %add3A_53 = arith.constant 2 : i32
      %add3A_54 = arith.addi %mul3A_31, %add3A_53 : i32
      %lt3A_55 = arith.constant 250 : i32
      %lt3A_56 = arith.cmpi slt, %add3A_54, %lt3A_55 : i32
      %convert_element_type3A_57 = arith.extui %lt3A_56 : i1 to i32
      %cond3A_58 = arith.constant 0 : i32
      %cond3A_59 = arith.cmpi ne, %convert_element_type3A_57, %cond3A_58 : i32
      scf.if %cond3A_59 {
        %add3A_67 = arith.constant 2 : i32
        %add3A_68 = arith.addi %mul3A_31, %add3A_67 : i32
        %mul3A_69 = arith.constant 200 : i32
        %mul3A_70 = arith.muli %add3A_68, %mul3A_69 : i32
        %add3A_71 = arith.addi %mul3A_2, %mul3A_70 : i32
        %multiple_of3A_72 = tpu.assume_multiple %add3A_71, 8 : i32
        %dma_start3A_73 = arith.constant 0 : i32
        %dma_start3A_74 = tpu.memref_slice %arg3[%multiple_of3A_72] : memref<800000xi32, #tpu.memory_space<hbm>> -> memref<200xi32, #tpu.memory_space<hbm>>
        %dma_start3A_75 = tpu.memref_slice %arg11[%dma_start3A_73] : memref<2x!tpu.dma_semaphore, #tpu.memory_space<semaphore_mem>> -> memref<1x!tpu.dma_semaphore, #tpu.memory_space<semaphore_mem>>
        %dma_start3A_76 = tpu.memref_squeeze %dma_start3A_75 : memref<1x!tpu.dma_semaphore, #tpu.memory_space<semaphore_mem>> -> memref<!tpu.dma_semaphore, #tpu.memory_space<semaphore_mem>>
        %dma_start3A_77 = tpu.memref_slice %arg3[%multiple_of3A_72] : memref<800000xi32, #tpu.memory_space<hbm>> -> memref<200xi32, #tpu.memory_space<hbm>>
        tpu.enqueue_dma source(%dma_start3A_77 : memref<200xi32, #tpu.memory_space<hbm>>) target(%arg6 : memref<200xi32, #tpu.memory_space<vmem>>) target_semaphore(%dma_start3A_76 : memref<!tpu.dma_semaphore, #tpu.memory_space<semaphore_mem>>)
        %mul3A_78 = arith.constant 32 : i32
        %mul3A_79 = arith.muli %mul3A_78, %arg0 : i32
        %dma_start3A_80 = arith.constant 0 : i32
        %dma_start3A_81 = tpu.memref_slice %arg2[%multiple_of3A_72, %mul3A_79] : memref<800000x128xf32, #tpu.memory_space<hbm>> -> memref<200x32xf32, #tpu.memory_space<hbm>>
        %dma_start3A_82 = tpu.memref_slice %arg12[%dma_start3A_80] : memref<2x!tpu.dma_semaphore, #tpu.memory_space<semaphore_mem>> -> memref<1x!tpu.dma_semaphore, #tpu.memory_space<semaphore_mem>>
        %dma_start3A_83 = tpu.memref_squeeze %dma_start3A_82 : memref<1x!tpu.dma_semaphore, #tpu.memory_space<semaphore_mem>> -> memref<!tpu.dma_semaphore, #tpu.memory_space<semaphore_mem>>
        %dma_start3A_84 = tpu.memref_slice %arg2[%multiple_of3A_72, %mul3A_79] : memref<800000x128xf32, #tpu.memory_space<hbm>> -> memref<200x32xf32, #tpu.memory_space<hbm>>
        tpu.enqueue_dma source(%dma_start3A_84 : memref<200x32xf32, #tpu.memory_space<hbm>>) target(%arg8 : memref<200x32xf32, #tpu.memory_space<vmem>>) target_semaphore(%dma_start3A_83 : memref<!tpu.dma_semaphore, #tpu.memory_space<semaphore_mem>>)
      } else {
      }
      %add3A_60 = arith.constant 1 : i32
      %add3A_61 = arith.addi %mul3A_31, %add3A_60 : i32
      %lt3A_62 = arith.constant 250 : i32
      %lt3A_63 = arith.cmpi slt, %add3A_61, %lt3A_62 : i32
      %convert_element_type3A_64 = arith.extui %lt3A_63 : i1 to i32
      %cond3A_65 = arith.constant 0 : i32
      %cond3A_66 = arith.cmpi ne, %convert_element_type3A_64, %cond3A_65 : i32
      scf.if %cond3A_66 {
        %add3A_67 = arith.constant 1 : i32
        %add3A_68 = arith.addi %mul3A_31, %add3A_67 : i32
        %mul3A_69 = arith.constant 200 : i32
        %mul3A_70 = arith.muli %add3A_68, %mul3A_69 : i32
        %add3A_71 = arith.addi %mul3A_2, %mul3A_70 : i32
        %multiple_of3A_72 = tpu.assume_multiple %add3A_71, 8 : i32
        %dma_wait3A_73 = arith.constant 1 : i32
        %dma_wait3A_74 = tpu.memref_slice %arg3[%multiple_of3A_72] : memref<800000xi32, #tpu.memory_space<hbm>> -> memref<200xi32, #tpu.memory_space<hbm>>
        %dma_wait3A_75 = tpu.memref_slice %arg11[%dma_wait3A_73] : memref<2x!tpu.dma_semaphore, #tpu.memory_space<semaphore_mem>> -> memref<1x!tpu.dma_semaphore, #tpu.memory_space<semaphore_mem>>
        %dma_wait3A_76 = tpu.memref_squeeze %dma_wait3A_75 : memref<1x!tpu.dma_semaphore, #tpu.memory_space<semaphore_mem>> -> memref<!tpu.dma_semaphore, #tpu.memory_space<semaphore_mem>>
        %dma_wait3A_77 = tpu.memref_slice %arg3[%multiple_of3A_72] : memref<800000xi32, #tpu.memory_space<hbm>> -> memref<200xi32, #tpu.memory_space<hbm>>
        tpu.wait_dma2 semaphore(%dma_wait3A_76 : memref<!tpu.dma_semaphore, #tpu.memory_space<semaphore_mem>>) src(%dma_wait3A_77 : memref<200xi32, #tpu.memory_space<hbm>>) dst(%arg7 : memref<200xi32, #tpu.memory_space<vmem>>)
        %mul3A_78 = arith.constant 32 : i32
        %mul3A_79 = arith.muli %mul3A_78, %arg0 : i32
        %dma_wait3A_80 = arith.constant 1 : i32
        %dma_wait3A_81 = tpu.memref_slice %arg2[%multiple_of3A_72, %mul3A_79] : memref<800000x128xf32, #tpu.memory_space<hbm>> -> memref<200x32xf32, #tpu.memory_space<hbm>>
        %dma_wait3A_82 = tpu.memref_slice %arg12[%dma_wait3A_80] : memref<2x!tpu.dma_semaphore, #tpu.memory_space<semaphore_mem>> -> memref<1x!tpu.dma_semaphore, #tpu.memory_space<semaphore_mem>>
        %dma_wait3A_83 = tpu.memref_squeeze %dma_wait3A_82 : memref<1x!tpu.dma_semaphore, #tpu.memory_space<semaphore_mem>> -> memref<!tpu.dma_semaphore, #tpu.memory_space<semaphore_mem>>
        %dma_wait3A_84 = tpu.memref_slice %arg2[%multiple_of3A_72, %mul3A_79] : memref<800000x128xf32, #tpu.memory_space<hbm>> -> memref<200x32xf32, #tpu.memory_space<hbm>>
        tpu.wait_dma2 semaphore(%dma_wait3A_83 : memref<!tpu.dma_semaphore, #tpu.memory_space<semaphore_mem>>) src(%dma_wait3A_84 : memref<200x32xf32, #tpu.memory_space<hbm>>) dst(%arg9 : memref<200x32xf32, #tpu.memory_space<vmem>>)
        "tpu.region"() ({
          %run_scoped3A = tpu.sem_alloc : memref<!tpu.dma_semaphore, #tpu.memory_space<semaphore_mem>>
          %dma_start3A_85 = arith.constant 0 : i32
          %dma_start3A_86 = arith.constant 0 : i32
          %dma_start3A_87 = tpu.memref_slice %arg10[%dma_start3A_85, %dma_start3A_86] : memref<50000x32xf32, #tpu.memory_space<vmem_shared>> -> memref<50000x32xf32, #tpu.memory_space<vmem_shared>>
          tpu.enqueue_indirect_dma source(%arg9 : memref<200x32xf32, #tpu.memory_space<vmem>>) target(%dma_start3A_87 : memref<50000x32xf32, #tpu.memory_space<vmem_shared>>) offsets(%arg7 : memref<200xi32, #tpu.memory_space<vmem>>) semaphore(%run_scoped3A : memref<!tpu.dma_semaphore, #tpu.memory_space<semaphore_mem>>) {add = true}
          %dma_wait3A_88 = arith.constant 0 : i32
          %dma_wait3A_89 = arith.constant 0 : i32
          %dma_wait3A_90 = tpu.memref_slice %arg10[%dma_wait3A_88, %dma_wait3A_89] : memref<50000x32xf32, #tpu.memory_space<vmem_shared>> -> memref<50000x32xf32, #tpu.memory_space<vmem_shared>>
          tpu.wait_indirect_dma semaphore(%run_scoped3A : memref<!tpu.dma_semaphore, #tpu.memory_space<semaphore_mem>>) src(%arg9 : memref<200x32xf32, #tpu.memory_space<vmem>>) dst(%dma_wait3A_90 : memref<50000x32xf32, #tpu.memory_space<vmem_shared>>)
          tpu.yield
        }) : () -> ()
      } else {
      }
    }
    %scan3A_18 = arith.constant 125 : i32
    %barrier3A_19 = arith.constant 0 : index
    tpu.barrier barrier_id(%barrier3A_19)
    %scan3A_20 = arith.constant 0 : i32
    %scan3A_21 = arith.constant 8 : i32
    %scan3A_22 = arith.addi %scan3A_20, %scan3A_21 : i32
    %scan3A_23 = arith.constant 1 : i32
    scf.for %scan3A_25 = %scan3A_20 to %scan3A_22 step %scan3A_23  : i32 {
      %mul3A_26 = arith.constant 1 : i32
      %mul3A_27 = arith.muli %scan3A_25, %mul3A_26 : i32
      %add3A_28 = arith.constant 0 : i32
      %add3A_29 = arith.addi %add3A_28, %mul3A_27 : i32
      %mul3A_30 = arith.constant 16 : i32
      %mul3A_31 = arith.muli %add3A_29, %mul3A_30 : i32
      %add3A_32 = arith.addi %arg1, %mul3A_31 : i32
      %lt3A = arith.constant 125 : i32
      %lt3A_33 = arith.cmpi slt, %add3A_32, %lt3A : i32
      %convert_element_type3A_34 = arith.extui %lt3A_33 : i1 to i32
      %cond3A_35 = arith.constant 0 : i32
      %cond3A_36 = arith.cmpi ne, %convert_element_type3A_34, %cond3A_35 : i32
      scf.if %cond3A_36 {
        %mul3A_37 = arith.constant 400 : i32
        %mul3A_38 = arith.muli %add3A_32, %mul3A_37 : i32
        %multiple_of3A_39 = tpu.assume_multiple %mul3A_38, 8 : i32
        "tpu.region"() ({
          %run_scoped3A = tpu.sem_alloc : memref<!tpu.dma_semaphore, #tpu.memory_space<semaphore_mem>>
          %dma_start3A_40 = arith.constant 0 : i32
          %dma_start3A_41 = tpu.memref_slice %arg5[%arg0, %multiple_of3A_39, %dma_start3A_40] : memref<2x50000x32xf32, #tpu.memory_space<hbm>> -> memref<1x400x32xf32, #tpu.memory_space<hbm>>
          %dma_start3A_42 = tpu.memref_squeeze %dma_start3A_41 : memref<1x400x32xf32, #tpu.memory_space<hbm>> -> memref<400x32xf32, #tpu.memory_space<hbm>>
          %dma_start3A_43 = arith.constant 0 : i32
          %dma_start3A_44 = tpu.memref_slice %arg10[%multiple_of3A_39, %dma_start3A_43] : memref<50000x32xf32, #tpu.memory_space<vmem_shared>> -> memref<400x32xf32, #tpu.memory_space<vmem_shared>>
          tpu.enqueue_dma source(%dma_start3A_44 : memref<400x32xf32, #tpu.memory_space<vmem_shared>>) target(%dma_start3A_42 : memref<400x32xf32, #tpu.memory_space<hbm>>) target_semaphore(%run_scoped3A : memref<!tpu.dma_semaphore, #tpu.memory_space<semaphore_mem>>)
          %dma_wait3A = arith.constant 0 : i32
          %dma_wait3A_45 = tpu.memref_slice %arg5[%arg0, %multiple_of3A_39, %dma_wait3A] : memref<2x50000x32xf32, #tpu.memory_space<hbm>> -> memref<1x400x32xf32, #tpu.memory_space<hbm>>
          %dma_wait3A_46 = tpu.memref_squeeze %dma_wait3A_45 : memref<1x400x32xf32, #tpu.memory_space<hbm>> -> memref<400x32xf32, #tpu.memory_space<hbm>>
          %dma_wait3A_47 = arith.constant 0 : i32
          %dma_wait3A_48 = tpu.memref_slice %arg10[%multiple_of3A_39, %dma_wait3A_47] : memref<50000x32xf32, #tpu.memory_space<vmem_shared>> -> memref<400x32xf32, #tpu.memory_space<vmem_shared>>
          tpu.wait_dma2 semaphore(%run_scoped3A : memref<!tpu.dma_semaphore, #tpu.memory_space<semaphore_mem>>) src(%dma_wait3A_48 : memref<400x32xf32, #tpu.memory_space<vmem_shared>>) dst(%dma_wait3A_46 : memref<400x32xf32, #tpu.memory_space<hbm>>)
          tpu.yield
        }) : () -> ()
      } else {
      }
    }
    %scan3A_24 = arith.constant 8 : i32
    return
  }
}

module attributes {stable_mosaic.version = 14 : i64} {
  func.func @_node_proj_body(%arg0: i32, %arg1: memref<2000x13xf32, #tpu.memory_space<vmem>>, %arg2: memref<13x64xf32, #tpu.memory_space<vmem>>, %arg3: memref<1x64xf32, #tpu.memory_space<vmem>>, %arg4: memref<2000x64xf32, #tpu.memory_space<vmem>>, %arg5: memref<1x64xf32, #tpu.memory_space<vmem>>) attributes {dimension_semantics = [#tpu.dimension_semantics<arbitrary>], iteration_bounds = array<i64: 25>, scalar_prefetch = 0 : i64, scratch_operands = 0 : i64, tpu.core_type = #tpu.core_type<tc>, window_params = [{transform_indices = @transform_0, window_bounds = array<i64: 2000, 13>}, {pipeline_mode = #tpu.pipeline_mode<synchronous>, transform_indices = @transform_1, window_bounds = array<i64: 13, 64>}, {pipeline_mode = #tpu.pipeline_mode<synchronous>, transform_indices = @transform_2, window_bounds = array<i64: 1, 64>}, {transform_indices = @transform_3, window_bounds = array<i64: 2000, 64>}, {pipeline_mode = #tpu.pipeline_mode<synchronous>, transform_indices = @transform_4, window_bounds = array<i64: 1, 64>}]} {
    %get3A = arith.constant 0 : index
    %get3A_0 = arith.constant 0 : index
    %get3A_1 = vector.load %arg1[%get3A, %get3A_0] : memref<2000x13xf32, #tpu.memory_space<vmem>>, vector<2000x13xf32>
    %get3A_2 = arith.constant 0 : index
    %get3A_3 = arith.constant 0 : index
    %get3A_4 = vector.load %arg2[%get3A_2, %get3A_3] : memref<13x64xf32, #tpu.memory_space<vmem>>, vector<13x64xf32>
    %dot_general3A = arith.constant dense<0.000000e+00> : vector<2000x64xf32>
    %dot_general3A_5 = tpu.matmul %get3A_1, %get3A_4, %dot_general3A {dimension_numbers = #tpu.dot_dimension_numbers<[1], [0], [0], [1], [0, 0, 1, 1], [], []>, transpose_lhs_hint = false} : vector<2000x13xf32>, vector<13x64xf32>, vector<2000x64xf32> -> vector<2000x64xf32>
    %get3A_6 = arith.constant 0 : index
    %get3A_7 = arith.constant 0 : index
    %get3A_8 = vector.load %arg3[%get3A_6, %get3A_7] : memref<1x64xf32, #tpu.memory_space<vmem>>, vector<1x64xf32>
    %add3A = vector.broadcast %get3A_8 : vector<1x64xf32> to vector<2000x64xf32>
    %add3A_9 = arith.addf %dot_general3A_5, %add3A : vector<2000x64xf32>
    %custom_jvp_call3A = arith.constant 0.000000e+00 : f32
    %max3A = vector.broadcast %custom_jvp_call3A : f32 to vector<2000x64xf32>
    %max3A_10 = arith.maximumf %add3A_9, %max3A : vector<2000x64xf32>
    %sub3A = vector.broadcast %custom_jvp_call3A : f32 to vector<2000x64xf32>
    %sub3A_11 = arith.subf %add3A_9, %sub3A : vector<2000x64xf32>
    %ne3A = arith.cmpf one, %sub3A_11, %sub3A_11 : vector<2000x64xf32>
    %add3A_12 = vector.broadcast %custom_jvp_call3A : f32 to vector<2000x64xf32>
    %add3A_13 = arith.addf %add3A_9, %add3A_12 : vector<2000x64xf32>
    %abs3A = math.absf %sub3A_11 : vector<2000x64xf32>
    %neg3A = arith.constant 0.000000e+00 : f32
    %neg3A_14 = vector.broadcast %neg3A : f32 to vector<2000x64xf32>
    %neg3A_15 = arith.subf %neg3A_14, %abs3A : vector<2000x64xf32>
    %exp3A = math.exp %neg3A_15 : vector<2000x64xf32>
    %log1p3A = math.log1p %exp3A : vector<2000x64xf32>
    %add3A_16 = arith.addf %max3A_10, %log1p3A : vector<2000x64xf32>
    %select_n3A = arith.select %ne3A, %add3A_13, %add3A_16 : vector<2000x64xi1>, vector<2000x64xf32>
    %swap3A = arith.constant 0 : index
    %swap3A_17 = arith.constant 0 : index
    %swap3A_18 = vector.load %arg4[%swap3A, %swap3A_17] : memref<2000x64xf32, #tpu.memory_space<vmem>>, vector<2000x64xf32>
    tpu.vector_store %arg4[%swap3A, %swap3A_17], %select_n3A {strides = array<i32>} : memref<2000x64xf32, #tpu.memory_space<vmem>>, vector<2000x64xf32>,
    %reduce_sum3A = arith.constant dense<0.000000e+00> : vector<64xf32>
    %reduce_sum3A_19 = vector.multi_reduction <add>, %select_n3A, %reduce_sum3A [0] : vector<2000x64xf32> to vector<64xf32>
    %broadcast_in_dim3A = vector.shape_cast %reduce_sum3A_19 : vector<64xf32> to vector<1x64xf32>
    %eq3A = arith.constant 0 : i32
    %eq3A_20 = arith.cmpi eq, %arg0, %eq3A : i32
    %convert_element_type3A = arith.extui %eq3A_20 : i1 to i32
    %cond3A = arith.constant 0 : i32
    %cond3A_21 = arith.cmpi ne, %convert_element_type3A, %cond3A : i32
    scf.if %cond3A_21 {
      %swap3A_27 = arith.constant 0 : index
      %swap3A_28 = arith.constant 0 : index
      %swap3A_29 = vector.load %arg5[%swap3A_27, %swap3A_28] : memref<1x64xf32, #tpu.memory_space<vmem>>, vector<1x64xf32>
      tpu.vector_store %arg5[%swap3A_27, %swap3A_28], %broadcast_in_dim3A {strides = array<i32>} : memref<1x64xf32, #tpu.memory_space<vmem>>, vector<1x64xf32>,
    } else {
    }
    %ne3A_22 = arith.constant 0 : i32
    %ne3A_23 = arith.cmpi ne, %arg0, %ne3A_22 : i32
    %convert_element_type3A_24 = arith.extui %ne3A_23 : i1 to i32
    %cond3A_25 = arith.constant 0 : i32
    %cond3A_26 = arith.cmpi ne, %convert_element_type3A_24, %cond3A_25 : i32
    scf.if %cond3A_26 {
      %get3A_27 = arith.constant 0 : index
      %get3A_28 = arith.constant 0 : index
      %get3A_29 = vector.load %arg5[%get3A_27, %get3A_28] : memref<1x64xf32, #tpu.memory_space<vmem>>, vector<1x64xf32>
      %add3A_30 = arith.addf %get3A_29, %broadcast_in_dim3A : vector<1x64xf32>
      %swap3A_31 = arith.constant 0 : index
      %swap3A_32 = arith.constant 0 : index
      %swap3A_33 = vector.load %arg5[%swap3A_31, %swap3A_32] : memref<1x64xf32, #tpu.memory_space<vmem>>, vector<1x64xf32>
      tpu.vector_store %arg5[%swap3A_31, %swap3A_32], %add3A_30 {strides = array<i32>} : memref<1x64xf32, #tpu.memory_space<vmem>>, vector<1x64xf32>,
    } else {
    }
    return
  }
  func.func @transform_0(%arg0: i32) -> (i32, i32) {
    %c0_i32 = arith.constant 0 : i32
    %c0_i32_0 = arith.constant 0 : i32
    return %arg0, %c0_i32 : i32, i32
  }
  func.func @transform_1(%arg0: i32) -> (i32, i32) {
    %c0_i32 = arith.constant 0 : i32
    %c0_i32_0 = arith.constant 0 : i32
    %c0_i32_1 = arith.constant 0 : i32
    return %c0_i32, %c0_i32_0 : i32, i32
  }
  func.func @transform_2(%arg0: i32) -> (i32, i32) {
    %c0_i32 = arith.constant 0 : i32
    %c0_i32_0 = arith.constant 0 : i32
    %c0_i32_1 = arith.constant 0 : i32
    return %c0_i32, %c0_i32_0 : i32, i32
  }
  func.func @transform_3(%arg0: i32) -> (i32, i32) {
    %c0_i32 = arith.constant 0 : i32
    %c0_i32_0 = arith.constant 0 : i32
    return %arg0, %c0_i32 : i32, i32
  }
  func.func @transform_4(%arg0: i32) -> (i32, i32) {
    %c0_i32 = arith.constant 0 : i32
    %c0_i32_0 = arith.constant 0 : i32
    %c0_i32_1 = arith.constant 0 : i32
    return %c0_i32, %c0_i32_0 : i32, i32
  }
}

module attributes {stable_mosaic.version = 14 : i64} {
  func.func @_var_body(%arg0: i32, %arg1: memref<2000x64xf32, #tpu.memory_space<vmem>>, %arg2: memref<1x64xf32, #tpu.memory_space<vmem>>, %arg3: memref<1x64xf32, #tpu.memory_space<vmem>>) attributes {dimension_semantics = [#tpu.dimension_semantics<arbitrary>], iteration_bounds = array<i64: 25>, scalar_prefetch = 0 : i64, scratch_operands = 0 : i64, tpu.core_type = #tpu.core_type<tc>, window_params = [{transform_indices = @transform_0, window_bounds = array<i64: 2000, 64>}, {pipeline_mode = #tpu.pipeline_mode<synchronous>, transform_indices = @transform_1, window_bounds = array<i64: 1, 64>}, {pipeline_mode = #tpu.pipeline_mode<synchronous>, transform_indices = @transform_2, window_bounds = array<i64: 1, 64>}]} {
    %get3A = arith.constant 0 : index
    %get3A_0 = arith.constant 0 : index
    %get3A_1 = vector.load %arg1[%get3A, %get3A_0] : memref<2000x64xf32, #tpu.memory_space<vmem>>, vector<2000x64xf32>
    %get3A_2 = arith.constant 0 : index
    %get3A_3 = arith.constant 0 : index
    %get3A_4 = vector.load %arg2[%get3A_2, %get3A_3] : memref<1x64xf32, #tpu.memory_space<vmem>>, vector<1x64xf32>
    %sub3A = vector.broadcast %get3A_4 : vector<1x64xf32> to vector<2000x64xf32>
    %sub3A_5 = arith.subf %get3A_1, %sub3A : vector<2000x64xf32>
    %mul3A = arith.mulf %sub3A_5, %sub3A_5 : vector<2000x64xf32>
    %reduce_sum3A = arith.constant dense<0.000000e+00> : vector<64xf32>
    %reduce_sum3A_6 = vector.multi_reduction <add>, %mul3A, %reduce_sum3A [0] : vector<2000x64xf32> to vector<64xf32>
    %broadcast_in_dim3A = vector.shape_cast %reduce_sum3A_6 : vector<64xf32> to vector<1x64xf32>
    %eq3A = arith.constant 0 : i32
    %eq3A_7 = arith.cmpi eq, %arg0, %eq3A : i32
    %convert_element_type3A = arith.extui %eq3A_7 : i1 to i32
    %cond3A = arith.constant 0 : i32
    %cond3A_8 = arith.cmpi ne, %convert_element_type3A, %cond3A : i32
    scf.if %cond3A_8 {
      %swap3A = arith.constant 0 : index
      %swap3A_13 = arith.constant 0 : index
      %swap3A_14 = vector.load %arg3[%swap3A, %swap3A_13] : memref<1x64xf32, #tpu.memory_space<vmem>>, vector<1x64xf32>
      tpu.vector_store %arg3[%swap3A, %swap3A_13], %broadcast_in_dim3A {strides = array<i32>} : memref<1x64xf32, #tpu.memory_space<vmem>>, vector<1x64xf32>,
    } else {
    }
    %ne3A = arith.constant 0 : i32
    %ne3A_9 = arith.cmpi ne, %arg0, %ne3A : i32
    %convert_element_type3A_10 = arith.extui %ne3A_9 : i1 to i32
    %cond3A_11 = arith.constant 0 : i32
    %cond3A_12 = arith.cmpi ne, %convert_element_type3A_10, %cond3A_11 : i32
    scf.if %cond3A_12 {
      %get3A_13 = arith.constant 0 : index
      %get3A_14 = arith.constant 0 : index
      %get3A_15 = vector.load %arg3[%get3A_13, %get3A_14] : memref<1x64xf32, #tpu.memory_space<vmem>>, vector<1x64xf32>
      %add3A = arith.addf %get3A_15, %broadcast_in_dim3A : vector<1x64xf32>
      %swap3A = arith.constant 0 : index
      %swap3A_16 = arith.constant 0 : index
      %swap3A_17 = vector.load %arg3[%swap3A, %swap3A_16] : memref<1x64xf32, #tpu.memory_space<vmem>>, vector<1x64xf32>
      tpu.vector_store %arg3[%swap3A, %swap3A_16], %add3A {strides = array<i32>} : memref<1x64xf32, #tpu.memory_space<vmem>>, vector<1x64xf32>,
    } else {
    }
    return
  }
  func.func @transform_0(%arg0: i32) -> (i32, i32) {
    %c0_i32 = arith.constant 0 : i32
    %c0_i32_0 = arith.constant 0 : i32
    return %arg0, %c0_i32 : i32, i32
  }
  func.func @transform_1(%arg0: i32) -> (i32, i32) {
    %c0_i32 = arith.constant 0 : i32
    %c0_i32_0 = arith.constant 0 : i32
    %c0_i32_1 = arith.constant 0 : i32
    return %c0_i32, %c0_i32_0 : i32, i32
  }
  func.func @transform_2(%arg0: i32) -> (i32, i32) {
    %c0_i32 = arith.constant 0 : i32
    %c0_i32_0 = arith.constant 0 : i32
    %c0_i32_1 = arith.constant 0 : i32
    return %c0_i32, %c0_i32_0 : i32, i32
  }
}

module attributes {stable_mosaic.version = 14 : i64} {
  func.func @_affine_proj_body(%arg0: i32, %arg1: memref<2000x64xf32, #tpu.memory_space<vmem>>, %arg2: memref<1x64xf32, #tpu.memory_space<vmem>>, %arg3: memref<1x64xf32, #tpu.memory_space<vmem>>, %arg4: memref<1x64xf32, #tpu.memory_space<vmem>>, %arg5: memref<1x64xf32, #tpu.memory_space<vmem>>, %arg6: memref<64x128xf32, #tpu.memory_space<vmem>>, %arg7: memref<64x128xf32, #tpu.memory_space<vmem>>, %arg8: memref<2000x64xf32, #tpu.memory_space<vmem>>, %arg9: memref<2000x128xf32, #tpu.memory_space<vmem>>, %arg10: memref<2000x128xf32, #tpu.memory_space<vmem>>) attributes {dimension_semantics = [#tpu.dimension_semantics<parallel>], iteration_bounds = array<i64: 25>, scalar_prefetch = 0 : i64, scratch_operands = 0 : i64, tpu.core_type = #tpu.core_type<tc>, window_params = [{transform_indices = @transform_0, window_bounds = array<i64: 2000, 64>}, {pipeline_mode = #tpu.pipeline_mode<synchronous>, transform_indices = @transform_1, window_bounds = array<i64: 1, 64>}, {pipeline_mode = #tpu.pipeline_mode<synchronous>, transform_indices = @transform_2, window_bounds = array<i64: 1, 64>}, {pipeline_mode = #tpu.pipeline_mode<synchronous>, transform_indices = @transform_3, window_bounds = array<i64: 1, 64>}, {pipeline_mode = #tpu.pipeline_mode<synchronous>, transform_indices = @transform_4, window_bounds = array<i64: 1, 64>}, {pipeline_mode = #tpu.pipeline_mode<synchronous>, transform_indices = @transform_5, window_bounds = array<i64: 64, 128>}, {pipeline_mode = #tpu.pipeline_mode<synchronous>, transform_indices = @transform_6, window_bounds = array<i64: 64, 128>}, {transform_indices = @transform_7, window_bounds = array<i64: 2000, 64>}, {transform_indices = @transform_8, window_bounds = array<i64: 2000, 128>}, {transform_indices = @transform_9, window_bounds = array<i64: 2000, 128>}]} {
    %get3A = arith.constant 0 : index
    %get3A_0 = arith.constant 0 : index
    %get3A_1 = vector.load %arg2[%get3A, %get3A_0] : memref<1x64xf32, #tpu.memory_space<vmem>>, vector<1x64xf32>
    %get3A_2 = arith.constant 0 : index
    %get3A_3 = arith.constant 0 : index
    %get3A_4 = vector.load %arg1[%get3A_2, %get3A_3] : memref<2000x64xf32, #tpu.memory_space<vmem>>, vector<2000x64xf32>
    %get3A_5 = arith.constant 0 : index
    %get3A_6 = arith.constant 0 : index
    %get3A_7 = vector.load %arg4[%get3A_5, %get3A_6] : memref<1x64xf32, #tpu.memory_space<vmem>>, vector<1x64xf32>
    %sub3A = vector.broadcast %get3A_7 : vector<1x64xf32> to vector<2000x64xf32>
    %sub3A_8 = arith.subf %get3A_4, %sub3A : vector<2000x64xf32>
    %mul3A = vector.broadcast %get3A_1 : vector<1x64xf32> to vector<2000x64xf32>
    %mul3A_9 = arith.mulf %mul3A, %sub3A_8 : vector<2000x64xf32>
    %get3A_10 = arith.constant 0 : index
    %get3A_11 = arith.constant 0 : index
    %get3A_12 = vector.load %arg5[%get3A_10, %get3A_11] : memref<1x64xf32, #tpu.memory_space<vmem>>, vector<1x64xf32>
    %div3A = vector.broadcast %get3A_12 : vector<1x64xf32> to vector<2000x64xf32>
    %div3A_13 = arith.divf %mul3A_9, %div3A : vector<2000x64xf32>
    %get3A_14 = arith.constant 0 : index
    %get3A_15 = arith.constant 0 : index
    %get3A_16 = vector.load %arg3[%get3A_14, %get3A_15] : memref<1x64xf32, #tpu.memory_space<vmem>>, vector<1x64xf32>
    %add3A = vector.broadcast %get3A_16 : vector<1x64xf32> to vector<2000x64xf32>
    %add3A_17 = arith.addf %div3A_13, %add3A : vector<2000x64xf32>
    %swap3A = arith.constant 0 : index
    %swap3A_18 = arith.constant 0 : index
    %swap3A_19 = vector.load %arg8[%swap3A, %swap3A_18] : memref<2000x64xf32, #tpu.memory_space<vmem>>, vector<2000x64xf32>
    tpu.vector_store %arg8[%swap3A, %swap3A_18], %add3A_17 {strides = array<i32>} : memref<2000x64xf32, #tpu.memory_space<vmem>>, vector<2000x64xf32>,
    %get3A_20 = arith.constant 0 : index
    %get3A_21 = arith.constant 0 : index
    %get3A_22 = vector.load %arg6[%get3A_20, %get3A_21] : memref<64x128xf32, #tpu.memory_space<vmem>>, vector<64x128xf32>
    %dot_general3A = arith.constant dense<0.000000e+00> : vector<2000x128xf32>
    %dot_general3A_23 = tpu.matmul %add3A_17, %get3A_22, %dot_general3A {dimension_numbers = #tpu.dot_dimension_numbers<[1], [0], [0], [1], [0, 0, 1, 1], [], []>, transpose_lhs_hint = false} : vector<2000x64xf32>, vector<64x128xf32>, vector<2000x128xf32> -> vector<2000x128xf32>
    %swap3A_24 = arith.constant 0 : index
    %swap3A_25 = arith.constant 0 : index
    %swap3A_26 = vector.load %arg9[%swap3A_24, %swap3A_25] : memref<2000x128xf32, #tpu.memory_space<vmem>>, vector<2000x128xf32>
    tpu.vector_store %arg9[%swap3A_24, %swap3A_25], %dot_general3A_23 {strides = array<i32>} : memref<2000x128xf32, #tpu.memory_space<vmem>>, vector<2000x128xf32>,
    %get3A_27 = arith.constant 0 : index
    %get3A_28 = arith.constant 0 : index
    %get3A_29 = vector.load %arg7[%get3A_27, %get3A_28] : memref<64x128xf32, #tpu.memory_space<vmem>>, vector<64x128xf32>
    %dot_general3A_30 = arith.constant dense<0.000000e+00> : vector<2000x128xf32>
    %dot_general3A_31 = tpu.matmul %add3A_17, %get3A_29, %dot_general3A_30 {dimension_numbers = #tpu.dot_dimension_numbers<[1], [0], [0], [1], [0, 0, 1, 1], [], []>, transpose_lhs_hint = false} : vector<2000x64xf32>, vector<64x128xf32>, vector<2000x128xf32> -> vector<2000x128xf32>
    %swap3A_32 = arith.constant 0 : index
    %swap3A_33 = arith.constant 0 : index
    %swap3A_34 = vector.load %arg10[%swap3A_32, %swap3A_33] : memref<2000x128xf32, #tpu.memory_space<vmem>>, vector<2000x128xf32>
    tpu.vector_store %arg10[%swap3A_32, %swap3A_33], %dot_general3A_31 {strides = array<i32>} : memref<2000x128xf32, #tpu.memory_space<vmem>>, vector<2000x128xf32>,
    return
  }
  func.func @transform_0(%arg0: i32) -> (i32, i32) {
    %c0_i32 = arith.constant 0 : i32
    %c0_i32_0 = arith.constant 0 : i32
    return %arg0, %c0_i32 : i32, i32
  }
  func.func @transform_1(%arg0: i32) -> (i32, i32) {
    %c0_i32 = arith.constant 0 : i32
    %c0_i32_0 = arith.constant 0 : i32
    %c0_i32_1 = arith.constant 0 : i32
    return %c0_i32, %c0_i32_0 : i32, i32
  }
  func.func @transform_2(%arg0: i32) -> (i32, i32) {
    %c0_i32 = arith.constant 0 : i32
    %c0_i32_0 = arith.constant 0 : i32
    %c0_i32_1 = arith.constant 0 : i32
    return %c0_i32, %c0_i32_0 : i32, i32
  }
  func.func @transform_3(%arg0: i32) -> (i32, i32) {
    %c0_i32 = arith.constant 0 : i32
    %c0_i32_0 = arith.constant 0 : i32
    %c0_i32_1 = arith.constant 0 : i32
    return %c0_i32, %c0_i32_0 : i32, i32
  }
  func.func @transform_4(%arg0: i32) -> (i32, i32) {
    %c0_i32 = arith.constant 0 : i32
    %c0_i32_0 = arith.constant 0 : i32
    %c0_i32_1 = arith.constant 0 : i32
    return %c0_i32, %c0_i32_0 : i32, i32
  }
  func.func @transform_5(%arg0: i32) -> (i32, i32) {
    %c0_i32 = arith.constant 0 : i32
    %c0_i32_0 = arith.constant 0 : i32
    %c0_i32_1 = arith.constant 0 : i32
    return %c0_i32, %c0_i32_0 : i32, i32
  }
  func.func @transform_6(%arg0: i32) -> (i32, i32) {
    %c0_i32 = arith.constant 0 : i32
    %c0_i32_0 = arith.constant 0 : i32
    %c0_i32_1 = arith.constant 0 : i32
    return %c0_i32, %c0_i32_0 : i32, i32
  }
  func.func @transform_7(%arg0: i32) -> (i32, i32) {
    %c0_i32 = arith.constant 0 : i32
    %c0_i32_0 = arith.constant 0 : i32
    return %arg0, %c0_i32 : i32, i32
  }
  func.func @transform_8(%arg0: i32) -> (i32, i32) {
    %c0_i32 = arith.constant 0 : i32
    %c0_i32_0 = arith.constant 0 : i32
    return %arg0, %c0_i32 : i32, i32
  }
  func.func @transform_9(%arg0: i32) -> (i32, i32) {
    %c0_i32 = arith.constant 0 : i32
    %c0_i32_0 = arith.constant 0 : i32
    return %arg0, %c0_i32 : i32, i32
  }
}

module attributes {stable_mosaic.version = 14 : i64} {
  func.func @_edge_body(%arg0: i32, %arg1: memref<4000x128xf32, #tpu.memory_space<vmem>>, %arg2: memref<4000x128xf32, #tpu.memory_space<vmem>>, %arg3: memref<1x1x4000xf32, #tpu.memory_space<vmem>>, %arg4: memref<1x1x4000xf32, #tpu.memory_space<vmem>>, %arg5: memref<32x2xf32, #tpu.memory_space<vmem>>, %arg6: memref<32x1xf32, #tpu.memory_space<vmem>>, %arg7: memref<32x64xf32, #tpu.memory_space<vmem>>, %arg8: memref<1x64xf32, #tpu.memory_space<vmem>>, %arg9: memref<32x64xf32, #tpu.memory_space<vmem>>, %arg10: memref<1x64xf32, #tpu.memory_space<vmem>>, %arg11: memref<4000x128xf32, #tpu.memory_space<vmem>>) attributes {dimension_semantics = [#tpu.dimension_semantics<parallel>], iteration_bounds = array<i64: 200>, scalar_prefetch = 0 : i64, scratch_operands = 0 : i64, tpu.core_type = #tpu.core_type<tc>, window_params = [{transform_indices = @transform_0, window_bounds = array<i64: 4000, 128>}, {transform_indices = @transform_1, window_bounds = array<i64: 4000, 128>}, {transform_indices = @transform_2, window_bounds = array<i64: 1, 1, 4000>}, {transform_indices = @transform_3, window_bounds = array<i64: 1, 1, 4000>}, {pipeline_mode = #tpu.pipeline_mode<synchronous>, transform_indices = @transform_4, window_bounds = array<i64: 32, 2>}, {pipeline_mode = #tpu.pipeline_mode<synchronous>, transform_indices = @transform_5, window_bounds = array<i64: 32, 1>}, {pipeline_mode = #tpu.pipeline_mode<synchronous>, transform_indices = @transform_6, window_bounds = array<i64: 32, 64>}, {pipeline_mode = #tpu.pipeline_mode<synchronous>, transform_indices = @transform_7, window_bounds = array<i64: 1, 64>}, {pipeline_mode = #tpu.pipeline_mode<synchronous>, transform_indices = @transform_8, window_bounds = array<i64: 32, 64>}, {pipeline_mode = #tpu.pipeline_mode<synchronous>, transform_indices = @transform_9, window_bounds = array<i64: 1, 64>}, {transform_indices = @transform_10, window_bounds = array<i64: 4000, 128>}]} {
    %get3A = arith.constant 0 : index
    %get3A_0 = arith.constant 0 : index
    %get3A_1 = arith.constant 0 : index
    %get3A_2 = vector.load %arg3[%get3A, %get3A_0, %get3A_1] : memref<1x1x4000xf32, #tpu.memory_space<vmem>>, vector<1x1x4000xf32>
    %get3A_3 = vector.shape_cast %get3A_2 : vector<1x1x4000xf32> to vector<1x4000xf32>
    %convert_element_type3A = arith.truncf %get3A_3 : vector<1x4000xf32> to vector<1x4000xbf16>
    %convert_element_type3A_4 = arith.extf %convert_element_type3A : vector<1x4000xbf16> to vector<1x4000xf32>
    %get3A_5 = arith.constant 0 : index
    %get3A_6 = arith.constant 0 : index
    %get3A_7 = arith.constant 0 : index
    %get3A_8 = vector.load %arg4[%get3A_5, %get3A_6, %get3A_7] : memref<1x1x4000xf32, #tpu.memory_space<vmem>>, vector<1x1x4000xf32>
    %get3A_9 = vector.shape_cast %get3A_8 : vector<1x1x4000xf32> to vector<1x4000xf32>
    %convert_element_type3A_10 = arith.truncf %get3A_9 : vector<1x4000xf32> to vector<1x4000xbf16>
    %convert_element_type3A_11 = arith.extf %convert_element_type3A_10 : vector<1x4000xbf16> to vector<1x4000xf32>
    %get3A_12 = arith.constant 0 : index
    %get3A_13 = arith.constant 0 : index
    %get3A_14 = vector.load %arg5[%get3A_12, %get3A_13] : memref<32x2xf32, #tpu.memory_space<vmem>>, vector<32x2xf32>
    %slice3A = vector.extract_strided_slice %get3A_14 {offsets = [0, 0], sizes = [32, 1], strides = [1, 1]} : vector<32x2xf32> to vector<32x1xf32>
    %convert_element_type3A_15 = arith.truncf %slice3A : vector<32x1xf32> to vector<32x1xbf16>
    %convert_element_type3A_16 = arith.extf %convert_element_type3A_15 : vector<32x1xbf16> to vector<32x1xf32>
    %mul3A = vector.broadcast %convert_element_type3A_16 : vector<32x1xf32> to vector<32x4000xf32>
    %mul3A_17 = vector.broadcast %convert_element_type3A_4 : vector<1x4000xf32> to vector<32x4000xf32>
    %mul3A_18 = arith.mulf %mul3A, %mul3A_17 : vector<32x4000xf32>
    %slice3A_19 = vector.extract_strided_slice %get3A_14 {offsets = [0, 1], sizes = [32, 1], strides = [1, 1]} : vector<32x2xf32> to vector<32x1xf32>
    %convert_element_type3A_20 = arith.truncf %slice3A_19 : vector<32x1xf32> to vector<32x1xbf16>
    %convert_element_type3A_21 = arith.extf %convert_element_type3A_20 : vector<32x1xbf16> to vector<32x1xf32>
    %mul3A_22 = vector.broadcast %convert_element_type3A_21 : vector<32x1xf32> to vector<32x4000xf32>
    %mul3A_23 = vector.broadcast %convert_element_type3A_11 : vector<1x4000xf32> to vector<32x4000xf32>
    %mul3A_24 = arith.mulf %mul3A_22, %mul3A_23 : vector<32x4000xf32>
    %add3A = arith.addf %mul3A_18, %mul3A_24 : vector<32x4000xf32>
    %get3A_25 = arith.constant 0 : index
    %get3A_26 = arith.constant 0 : index
    %get3A_27 = vector.load %arg6[%get3A_25, %get3A_26] : memref<32x1xf32, #tpu.memory_space<vmem>>, vector<32x1xf32>
    %add3A_28 = vector.broadcast %get3A_27 : vector<32x1xf32> to vector<32x4000xf32>
    %add3A_29 = arith.addf %add3A, %add3A_28 : vector<32x4000xf32>
    %custom_jvp_call3A = arith.constant 0.000000e+00 : f32
    %max3A = vector.broadcast %custom_jvp_call3A : f32 to vector<32x4000xf32>
    %max3A_30 = arith.maximumf %add3A_29, %max3A : vector<32x4000xf32>
    %sub3A = vector.broadcast %custom_jvp_call3A : f32 to vector<32x4000xf32>
    %sub3A_31 = arith.subf %add3A_29, %sub3A : vector<32x4000xf32>
    %ne3A = arith.cmpf one, %sub3A_31, %sub3A_31 : vector<32x4000xf32>
    %add3A_32 = vector.broadcast %custom_jvp_call3A : f32 to vector<32x4000xf32>
    %add3A_33 = arith.addf %add3A_29, %add3A_32 : vector<32x4000xf32>
    %abs3A = math.absf %sub3A_31 : vector<32x4000xf32>
    %neg3A = arith.constant 0.000000e+00 : f32
    %neg3A_34 = vector.broadcast %neg3A : f32 to vector<32x4000xf32>
    %neg3A_35 = arith.subf %neg3A_34, %abs3A : vector<32x4000xf32>
    %exp3A = math.exp %neg3A_35 : vector<32x4000xf32>
    %log1p3A = math.log1p %exp3A : vector<32x4000xf32>
    %add3A_36 = arith.addf %max3A_30, %log1p3A : vector<32x4000xf32>
    %select_n3A = arith.select %ne3A, %add3A_33, %add3A_36 : vector<32x4000xi1>, vector<32x4000xf32>
    %get3A_37 = arith.constant 0 : index
    %get3A_38 = arith.constant 0 : index
    %get3A_39 = vector.load %arg1[%get3A_37, %get3A_38] : memref<4000x128xf32, #tpu.memory_space<vmem>>, vector<4000x128xf32>
    %get3A_40 = arith.constant 0 : index
    %get3A_41 = arith.constant 0 : index
    %get3A_42 = vector.load %arg2[%get3A_40, %get3A_41] : memref<4000x128xf32, #tpu.memory_space<vmem>>, vector<4000x128xf32>
    %add3A_43 = arith.addf %get3A_39, %get3A_42 : vector<4000x128xf32>
    %slice3A_44 = vector.extract_strided_slice %add3A_43 {offsets = [0, 0], sizes = [4000, 64], strides = [1, 1]} : vector<4000x128xf32> to vector<4000x64xf32>
    %get3A_45 = arith.constant 0 : index
    %get3A_46 = arith.constant 0 : index
    %get3A_47 = vector.load %arg7[%get3A_45, %get3A_46] : memref<32x64xf32, #tpu.memory_space<vmem>>, vector<32x64xf32>
    %dot_general3A = arith.constant dense<0.000000e+00> : vector<4000x64xf32>
    %dot_general3A_48 = tpu.matmul %select_n3A, %get3A_47, %dot_general3A {dimension_numbers = #tpu.dot_dimension_numbers<[0], [0], [1], [1], [0, 1, 1, 1], [], []>, transpose_lhs_hint = false} : vector<32x4000xf32>, vector<32x64xf32>, vector<4000x64xf32> -> vector<4000x64xf32>
    %add3A_49 = arith.addf %slice3A_44, %dot_general3A_48 : vector<4000x64xf32>
    %get3A_50 = arith.constant 0 : index
    %get3A_51 = arith.constant 0 : index
    %get3A_52 = vector.load %arg8[%get3A_50, %get3A_51] : memref<1x64xf32, #tpu.memory_space<vmem>>, vector<1x64xf32>
    %add3A_53 = vector.broadcast %get3A_52 : vector<1x64xf32> to vector<4000x64xf32>
    %add3A_54 = arith.addf %add3A_49, %add3A_53 : vector<4000x64xf32>
    %slice3A_55 = vector.extract_strided_slice %add3A_43 {offsets = [0, 64], sizes = [4000, 64], strides = [1, 1]} : vector<4000x128xf32> to vector<4000x64xf32>
    %get3A_56 = arith.constant 0 : index
    %get3A_57 = arith.constant 0 : index
    %get3A_58 = vector.load %arg9[%get3A_56, %get3A_57] : memref<32x64xf32, #tpu.memory_space<vmem>>, vector<32x64xf32>
    %dot_general3A_59 = arith.constant dense<0.000000e+00> : vector<4000x64xf32>
    %dot_general3A_60 = tpu.matmul %select_n3A, %get3A_58, %dot_general3A_59 {dimension_numbers = #tpu.dot_dimension_numbers<[0], [0], [1], [1], [0, 1, 1, 1], [], []>, transpose_lhs_hint = false} : vector<32x4000xf32>, vector<32x64xf32>, vector<4000x64xf32> -> vector<4000x64xf32>
    %add3A_61 = arith.addf %slice3A_55, %dot_general3A_60 : vector<4000x64xf32>
    %get3A_62 = arith.constant 0 : index
    %get3A_63 = arith.constant 0 : index
    %get3A_64 = vector.load %arg10[%get3A_62, %get3A_63] : memref<1x64xf32, #tpu.memory_space<vmem>>, vector<1x64xf32>
    %add3A_65 = vector.broadcast %get3A_64 : vector<1x64xf32> to vector<4000x64xf32>
    %add3A_66 = arith.addf %add3A_61, %add3A_65 : vector<4000x64xf32>
    %logistic3A = arith.negf %add3A_54 : vector<4000x64xf32>
    %logistic3A_67 = math.exp %logistic3A : vector<4000x64xf32>
    %logistic3A_68 = arith.constant 1.000000e+00 : f32
    %logistic3A_69 = vector.broadcast %logistic3A_68 : f32 to vector<4000x64xf32>
    %logistic3A_70 = arith.addf %logistic3A_69, %logistic3A_67 : vector<4000x64xf32>
    %logistic3A_71 = arith.divf %logistic3A_69, %logistic3A_70 : vector<4000x64xf32>
    %custom_jvp_call3A_72 = arith.constant 0.000000e+00 : f32
    %max3A_73 = vector.broadcast %custom_jvp_call3A_72 : f32 to vector<4000x64xf32>
    %max3A_74 = arith.maximumf %add3A_66, %max3A_73 : vector<4000x64xf32>
    %sub3A_75 = vector.broadcast %custom_jvp_call3A_72 : f32 to vector<4000x64xf32>
    %sub3A_76 = arith.subf %add3A_66, %sub3A_75 : vector<4000x64xf32>
    %ne3A_77 = arith.cmpf one, %sub3A_76, %sub3A_76 : vector<4000x64xf32>
    %add3A_78 = vector.broadcast %custom_jvp_call3A_72 : f32 to vector<4000x64xf32>
    %add3A_79 = arith.addf %add3A_66, %add3A_78 : vector<4000x64xf32>
    %abs3A_80 = math.absf %sub3A_76 : vector<4000x64xf32>
    %neg3A_81 = arith.constant 0.000000e+00 : f32
    %neg3A_82 = vector.broadcast %neg3A_81 : f32 to vector<4000x64xf32>
    %neg3A_83 = arith.subf %neg3A_82, %abs3A_80 : vector<4000x64xf32>
    %exp3A_84 = math.exp %neg3A_83 : vector<4000x64xf32>
    %log1p3A_85 = math.log1p %exp3A_84 : vector<4000x64xf32>
    %add3A_86 = arith.addf %max3A_74, %log1p3A_85 : vector<4000x64xf32>
    %select_n3A_87 = arith.select %ne3A_77, %add3A_79, %add3A_86 : vector<4000x64xi1>, vector<4000x64xf32>
    %mul3A_88 = arith.mulf %logistic3A_71, %select_n3A_87 : vector<4000x64xf32>
    %concatenate3A = tpu.concatenate %mul3A_88, %mul3A_88 in 1 : vector<4000x64xf32>, vector<4000x64xf32> -> vector<4000x128xf32>
    %swap3A = arith.constant 0 : index
    %swap3A_89 = arith.constant 0 : index
    %swap3A_90 = vector.load %arg11[%swap3A, %swap3A_89] : memref<4000x128xf32, #tpu.memory_space<vmem>>, vector<4000x128xf32>
    tpu.vector_store %arg11[%swap3A, %swap3A_89], %concatenate3A {strides = array<i32>} : memref<4000x128xf32, #tpu.memory_space<vmem>>, vector<4000x128xf32>,
    return
  }
  func.func @transform_0(%arg0: i32) -> (i32, i32) {
    %c0_i32 = arith.constant 0 : i32
    %c0_i32_0 = arith.constant 0 : i32
    return %arg0, %c0_i32 : i32, i32
  }
  func.func @transform_1(%arg0: i32) -> (i32, i32) {
    %c0_i32 = arith.constant 0 : i32
    %c0_i32_0 = arith.constant 0 : i32
    return %arg0, %c0_i32 : i32, i32
  }
  func.func @transform_2(%arg0: i32) -> (i32, i32, i32) {
    %c0_i32 = arith.constant 0 : i32
    %c0_i32_0 = arith.constant 0 : i32
    %c0_i32_1 = arith.constant 0 : i32
    return %arg0, %c0_i32, %c0_i32_0 : i32, i32, i32
  }
  func.func @transform_3(%arg0: i32) -> (i32, i32, i32) {
    %c0_i32 = arith.constant 0 : i32
    %c0_i32_0 = arith.constant 0 : i32
    %c0_i32_1 = arith.constant 0 : i32
    return %arg0, %c0_i32, %c0_i32_0 : i32, i32, i32
  }
  func.func @transform_4(%arg0: i32) -> (i32, i32) {
    %c0_i32 = arith.constant 0 : i32
    %c0_i32_0 = arith.constant 0 : i32
    %c0_i32_1 = arith.constant 0 : i32
    return %c0_i32, %c0_i32_0 : i32, i32
  }
  func.func @transform_5(%arg0: i32) -> (i32, i32) {
    %c0_i32 = arith.constant 0 : i32
    %c0_i32_0 = arith.constant 0 : i32
    %c0_i32_1 = arith.constant 0 : i32
    return %c0_i32, %c0_i32_0 : i32, i32
  }
  func.func @transform_6(%arg0: i32) -> (i32, i32) {
    %c0_i32 = arith.constant 0 : i32
    %c0_i32_0 = arith.constant 0 : i32
    %c0_i32_1 = arith.constant 0 : i32
    return %c0_i32, %c0_i32_0 : i32, i32
  }
  func.func @transform_7(%arg0: i32) -> (i32, i32) {
    %c0_i32 = arith.constant 0 : i32
    %c0_i32_0 = arith.constant 0 : i32
    %c0_i32_1 = arith.constant 0 : i32
    return %c0_i32, %c0_i32_0 : i32, i32
  }
  func.func @transform_8(%arg0: i32) -> (i32, i32) {
    %c0_i32 = arith.constant 0 : i32
    %c0_i32_0 = arith.constant 0 : i32
    %c0_i32_1 = arith.constant 0 : i32
    return %c0_i32, %c0_i32_0 : i32, i32
  }
  func.func @transform_9(%arg0: i32) -> (i32, i32) {
    %c0_i32 = arith.constant 0 : i32
    %c0_i32_0 = arith.constant 0 : i32
    %c0_i32_1 = arith.constant 0 : i32
    return %c0_i32, %c0_i32_0 : i32, i32
  }
  func.func @transform_10(%arg0: i32) -> (i32, i32) {
    %c0_i32 = arith.constant 0 : i32
    %c0_i32_0 = arith.constant 0 : i32
    return %arg0, %c0_i32 : i32, i32
  }
}

module attributes {stable_mosaic.version = 14 : i64} {
  func.func @_add_stats_body(%arg0: i32, %arg1: memref<2000x64xf32, #tpu.memory_space<vmem>>, %arg2: memref<2x2000x32xf32, #tpu.memory_space<vmem>>, %arg3: memref<2000x64xf32, #tpu.memory_space<vmem>>, %arg4: memref<1x64xf32, #tpu.memory_space<vmem>>) attributes {dimension_semantics = [#tpu.dimension_semantics<arbitrary>], iteration_bounds = array<i64: 25>, scalar_prefetch = 0 : i64, scratch_operands = 0 : i64, tpu.core_type = #tpu.core_type<tc>, window_params = [{transform_indices = @transform_0, window_bounds = array<i64: 2000, 64>}, {transform_indices = @transform_1, window_bounds = array<i64: 2, 2000, 32>}, {transform_indices = @transform_2, window_bounds = array<i64: 2000, 64>}, {pipeline_mode = #tpu.pipeline_mode<synchronous>, transform_indices = @transform_3, window_bounds = array<i64: 1, 64>}]} {
    %get3A = arith.constant 0 : index
    %get3A_0 = arith.constant 0 : index
    %get3A_1 = arith.constant 0 : index
    %get3A_2 = vector.load %arg2[%get3A, %get3A_0, %get3A_1] : memref<2x2000x32xf32, #tpu.memory_space<vmem>>, vector<2x2000x32xf32>
    %get3A_3 = arith.constant 0 : index
    %get3A_4 = arith.constant 0 : index
    %get3A_5 = vector.load %arg1[%get3A_3, %get3A_4] : memref<2000x64xf32, #tpu.memory_space<vmem>>, vector<2000x64xf32>
    %slice3A = vector.extract_strided_slice %get3A_2 {offsets = [0, 0, 0], sizes = [1, 2000, 32], strides = [1, 1, 1]} : vector<2x2000x32xf32> to vector<1x2000x32xf32>
    %squeeze3A = vector.shape_cast %slice3A : vector<1x2000x32xf32> to vector<2000x32xf32>
    %slice3A_6 = vector.extract_strided_slice %get3A_2 {offsets = [1, 0, 0], sizes = [1, 2000, 32], strides = [1, 1, 1]} : vector<2x2000x32xf32> to vector<1x2000x32xf32>
    %squeeze3A_7 = vector.shape_cast %slice3A_6 : vector<1x2000x32xf32> to vector<2000x32xf32>
    %concatenate3A = tpu.concatenate %squeeze3A, %squeeze3A_7 in 1 : vector<2000x32xf32>, vector<2000x32xf32> -> vector<2000x64xf32>
    %add3A = arith.addf %get3A_5, %concatenate3A : vector<2000x64xf32>
    %swap3A = arith.constant 0 : index
    %swap3A_8 = arith.constant 0 : index
    %swap3A_9 = vector.load %arg3[%swap3A, %swap3A_8] : memref<2000x64xf32, #tpu.memory_space<vmem>>, vector<2000x64xf32>
    tpu.vector_store %arg3[%swap3A, %swap3A_8], %add3A {strides = array<i32>} : memref<2000x64xf32, #tpu.memory_space<vmem>>, vector<2000x64xf32>,
    %reduce_sum3A = arith.constant dense<0.000000e+00> : vector<64xf32>
    %reduce_sum3A_10 = vector.multi_reduction <add>, %add3A, %reduce_sum3A [0] : vector<2000x64xf32> to vector<64xf32>
    %broadcast_in_dim3A = vector.shape_cast %reduce_sum3A_10 : vector<64xf32> to vector<1x64xf32>
    %eq3A = arith.constant 0 : i32
    %eq3A_11 = arith.cmpi eq, %arg0, %eq3A : i32
    %convert_element_type3A = arith.extui %eq3A_11 : i1 to i32
    %cond3A = arith.constant 0 : i32
    %cond3A_12 = arith.cmpi ne, %convert_element_type3A, %cond3A : i32
    scf.if %cond3A_12 {
      %swap3A_17 = arith.constant 0 : index
      %swap3A_18 = arith.constant 0 : index
      %swap3A_19 = vector.load %arg4[%swap3A_17, %swap3A_18] : memref<1x64xf32, #tpu.memory_space<vmem>>, vector<1x64xf32>
      tpu.vector_store %arg4[%swap3A_17, %swap3A_18], %broadcast_in_dim3A {strides = array<i32>} : memref<1x64xf32, #tpu.memory_space<vmem>>, vector<1x64xf32>,
    } else {
    }
    %ne3A = arith.constant 0 : i32
    %ne3A_13 = arith.cmpi ne, %arg0, %ne3A : i32
    %convert_element_type3A_14 = arith.extui %ne3A_13 : i1 to i32
    %cond3A_15 = arith.constant 0 : i32
    %cond3A_16 = arith.cmpi ne, %convert_element_type3A_14, %cond3A_15 : i32
    scf.if %cond3A_16 {
      %get3A_17 = arith.constant 0 : index
      %get3A_18 = arith.constant 0 : index
      %get3A_19 = vector.load %arg4[%get3A_17, %get3A_18] : memref<1x64xf32, #tpu.memory_space<vmem>>, vector<1x64xf32>
      %add3A_20 = arith.addf %get3A_19, %broadcast_in_dim3A : vector<1x64xf32>
      %swap3A_21 = arith.constant 0 : index
      %swap3A_22 = arith.constant 0 : index
      %swap3A_23 = vector.load %arg4[%swap3A_21, %swap3A_22] : memref<1x64xf32, #tpu.memory_space<vmem>>, vector<1x64xf32>
      tpu.vector_store %arg4[%swap3A_21, %swap3A_22], %add3A_20 {strides = array<i32>} : memref<1x64xf32, #tpu.memory_space<vmem>>, vector<1x64xf32>,
    } else {
    }
    return
  }
  func.func @transform_0(%arg0: i32) -> (i32, i32) {
    %c0_i32 = arith.constant 0 : i32
    %c0_i32_0 = arith.constant 0 : i32
    return %arg0, %c0_i32 : i32, i32
  }
  func.func @transform_1(%arg0: i32) -> (i32, i32, i32) {
    %c0_i32 = arith.constant 0 : i32
    %c0_i32_0 = arith.constant 0 : i32
    %c0_i32_1 = arith.constant 0 : i32
    return %c0_i32, %arg0, %c0_i32_0 : i32, i32, i32
  }
  func.func @transform_2(%arg0: i32) -> (i32, i32) {
    %c0_i32 = arith.constant 0 : i32
    %c0_i32_0 = arith.constant 0 : i32
    return %arg0, %c0_i32 : i32, i32
  }
  func.func @transform_3(%arg0: i32) -> (i32, i32) {
    %c0_i32 = arith.constant 0 : i32
    %c0_i32_0 = arith.constant 0 : i32
    %c0_i32_1 = arith.constant 0 : i32
    return %c0_i32, %c0_i32_0 : i32, i32
  }
}

module attributes {stable_mosaic.version = 14 : i64} {
  func.func @_affine_body(%arg0: i32, %arg1: memref<2000x64xf32, #tpu.memory_space<vmem>>, %arg2: memref<1x64xf32, #tpu.memory_space<vmem>>, %arg3: memref<1x64xf32, #tpu.memory_space<vmem>>, %arg4: memref<1x64xf32, #tpu.memory_space<vmem>>, %arg5: memref<1x64xf32, #tpu.memory_space<vmem>>, %arg6: memref<2000x64xf32, #tpu.memory_space<vmem>>) attributes {dimension_semantics = [#tpu.dimension_semantics<arbitrary>], iteration_bounds = array<i64: 25>, scalar_prefetch = 0 : i64, scratch_operands = 0 : i64, tpu.core_type = #tpu.core_type<tc>, window_params = [{transform_indices = @transform_0, window_bounds = array<i64: 2000, 64>}, {pipeline_mode = #tpu.pipeline_mode<synchronous>, transform_indices = @transform_1, window_bounds = array<i64: 1, 64>}, {pipeline_mode = #tpu.pipeline_mode<synchronous>, transform_indices = @transform_2, window_bounds = array<i64: 1, 64>}, {pipeline_mode = #tpu.pipeline_mode<synchronous>, transform_indices = @transform_3, window_bounds = array<i64: 1, 64>}, {pipeline_mode = #tpu.pipeline_mode<synchronous>, transform_indices = @transform_4, window_bounds = array<i64: 1, 64>}, {transform_indices = @transform_5, window_bounds = array<i64: 2000, 64>}]} {
    %get3A = arith.constant 0 : index
    %get3A_0 = arith.constant 0 : index
    %get3A_1 = vector.load %arg2[%get3A, %get3A_0] : memref<1x64xf32, #tpu.memory_space<vmem>>, vector<1x64xf32>
    %get3A_2 = arith.constant 0 : index
    %get3A_3 = arith.constant 0 : index
    %get3A_4 = vector.load %arg1[%get3A_2, %get3A_3] : memref<2000x64xf32, #tpu.memory_space<vmem>>, vector<2000x64xf32>
    %get3A_5 = arith.constant 0 : index
    %get3A_6 = arith.constant 0 : index
    %get3A_7 = vector.load %arg4[%get3A_5, %get3A_6] : memref<1x64xf32, #tpu.memory_space<vmem>>, vector<1x64xf32>
    %sub3A = vector.broadcast %get3A_7 : vector<1x64xf32> to vector<2000x64xf32>
    %sub3A_8 = arith.subf %get3A_4, %sub3A : vector<2000x64xf32>
    %mul3A = vector.broadcast %get3A_1 : vector<1x64xf32> to vector<2000x64xf32>
    %mul3A_9 = arith.mulf %mul3A, %sub3A_8 : vector<2000x64xf32>
    %get3A_10 = arith.constant 0 : index
    %get3A_11 = arith.constant 0 : index
    %get3A_12 = vector.load %arg5[%get3A_10, %get3A_11] : memref<1x64xf32, #tpu.memory_space<vmem>>, vector<1x64xf32>
    %div3A = vector.broadcast %get3A_12 : vector<1x64xf32> to vector<2000x64xf32>
    %div3A_13 = arith.divf %mul3A_9, %div3A : vector<2000x64xf32>
    %get3A_14 = arith.constant 0 : index
    %get3A_15 = arith.constant 0 : index
    %get3A_16 = vector.load %arg3[%get3A_14, %get3A_15] : memref<1x64xf32, #tpu.memory_space<vmem>>, vector<1x64xf32>
    %add3A = vector.broadcast %get3A_16 : vector<1x64xf32> to vector<2000x64xf32>
    %add3A_17 = arith.addf %div3A_13, %add3A : vector<2000x64xf32>
    %swap3A = arith.constant 0 : index
    %swap3A_18 = arith.constant 0 : index
    %swap3A_19 = vector.load %arg6[%swap3A, %swap3A_18] : memref<2000x64xf32, #tpu.memory_space<vmem>>, vector<2000x64xf32>
    tpu.vector_store %arg6[%swap3A, %swap3A_18], %add3A_17 {strides = array<i32>} : memref<2000x64xf32, #tpu.memory_space<vmem>>, vector<2000x64xf32>,
    return
  }
  func.func @transform_0(%arg0: i32) -> (i32, i32) {
    %c0_i32 = arith.constant 0 : i32
    %c0_i32_0 = arith.constant 0 : i32
    return %arg0, %c0_i32 : i32, i32
  }
  func.func @transform_1(%arg0: i32) -> (i32, i32) {
    %c0_i32 = arith.constant 0 : i32
    %c0_i32_0 = arith.constant 0 : i32
    %c0_i32_1 = arith.constant 0 : i32
    return %c0_i32, %c0_i32_0 : i32, i32
  }
  func.func @transform_2(%arg0: i32) -> (i32, i32) {
    %c0_i32 = arith.constant 0 : i32
    %c0_i32_0 = arith.constant 0 : i32
    %c0_i32_1 = arith.constant 0 : i32
    return %c0_i32, %c0_i32_0 : i32, i32
  }
  func.func @transform_3(%arg0: i32) -> (i32, i32) {
    %c0_i32 = arith.constant 0 : i32
    %c0_i32_0 = arith.constant 0 : i32
    %c0_i32_1 = arith.constant 0 : i32
    return %c0_i32, %c0_i32_0 : i32, i32
  }
  func.func @transform_4(%arg0: i32) -> (i32, i32) {
    %c0_i32 = arith.constant 0 : i32
    %c0_i32_0 = arith.constant 0 : i32
    %c0_i32_1 = arith.constant 0 : i32
    return %c0_i32, %c0_i32_0 : i32, i32
  }
  func.func @transform_5(%arg0: i32) -> (i32, i32) {
    %c0_i32 = arith.constant 0 : i32
    %c0_i32_0 = arith.constant 0 : i32
    return %arg0, %c0_i32 : i32, i32
  }
}

module attributes {stable_mosaic.version = 14 : i64} {
  func.func @_pool_body(%arg0: i32, %arg1: memref<2000x64xf32, #tpu.memory_space<vmem>>, %arg2: memref<1x1x2000xi32, #tpu.memory_space<vmem>>, %arg3: memref<64x128xf32, #tpu.memory_space<vmem>>, %arg4: memref<1x128xf32, #tpu.memory_space<vmem>>, %arg5: memref<128x128xf32, #tpu.memory_space<vmem>>, %arg6: memref<1x128xf32, #tpu.memory_space<vmem>>, %arg7: memref<128x3xf32, #tpu.memory_space<vmem>>, %arg8: memref<1x3xf32, #tpu.memory_space<vmem>>, %arg9: memref<256x3xf32, #tpu.memory_space<vmem>>, %arg10: memref<256x65xf32, #tpu.memory_space<vmem>>) attributes {dimension_semantics = [#tpu.dimension_semantics<arbitrary>], iteration_bounds = array<i64: 25>, scalar_prefetch = 0 : i64, scratch_operands = 1 : i64, tpu.core_type = #tpu.core_type<tc>, window_params = [{transform_indices = @transform_0, window_bounds = array<i64: 2000, 64>}, {transform_indices = @transform_1, window_bounds = array<i64: 1, 1, 2000>}, {pipeline_mode = #tpu.pipeline_mode<synchronous>, transform_indices = @transform_2, window_bounds = array<i64: 64, 128>}, {pipeline_mode = #tpu.pipeline_mode<synchronous>, transform_indices = @transform_3, window_bounds = array<i64: 1, 128>}, {pipeline_mode = #tpu.pipeline_mode<synchronous>, transform_indices = @transform_4, window_bounds = array<i64: 128, 128>}, {pipeline_mode = #tpu.pipeline_mode<synchronous>, transform_indices = @transform_5, window_bounds = array<i64: 1, 128>}, {pipeline_mode = #tpu.pipeline_mode<synchronous>, transform_indices = @transform_6, window_bounds = array<i64: 128, 3>}, {pipeline_mode = #tpu.pipeline_mode<synchronous>, transform_indices = @transform_7, window_bounds = array<i64: 1, 3>}, {pipeline_mode = #tpu.pipeline_mode<synchronous>, transform_indices = @transform_8, window_bounds = array<i64: 256, 3>}]} {
    %get3A = arith.constant 0 : index
    %get3A_0 = arith.constant 0 : index
    %get3A_1 = arith.constant 0 : index
    %get3A_2 = vector.load %arg2[%get3A, %get3A_0, %get3A_1] : memref<1x1x2000xi32, #tpu.memory_space<vmem>>, vector<1x1x2000xi32>
    %get3A_3 = vector.shape_cast %get3A_2 : vector<1x1x2000xi32> to vector<2000xi32>
    %iota3A = tpu.iota {dimensions = array<i32: 0>} : vector<256x2000xi32>
    %broadcast_in_dim3A = vector.shape_cast %get3A_3 : vector<2000xi32> to vector<1x2000xi32>
    %eq3A = vector.broadcast %broadcast_in_dim3A : vector<1x2000xi32> to vector<256x2000xi32>
    %eq3A_4 = arith.cmpi eq, %iota3A, %eq3A : vector<256x2000xi32>
    %convert_element_type3A = arith.extui %eq3A_4 : vector<256x2000xi1> to vector<256x2000xi32>
    %convert_element_type3A_5 = arith.sitofp %convert_element_type3A : vector<256x2000xi32> to vector<256x2000xf32>
    %get3A_6 = arith.constant 0 : index
    %get3A_7 = arith.constant 0 : index
    %get3A_8 = vector.load %arg1[%get3A_6, %get3A_7] : memref<2000x64xf32, #tpu.memory_space<vmem>>, vector<2000x64xf32>
    %broadcast_in_dim3A_9 = arith.constant 1.000000e+00 : f32
    %broadcast_in_dim3A_10 = vector.broadcast %broadcast_in_dim3A_9 : f32 to vector<2000x1xf32>
    %concatenate3A = tpu.concatenate %get3A_8, %broadcast_in_dim3A_10 in 1 : vector<2000x64xf32>, vector<2000x1xf32> -> vector<2000x65xf32>
    %dot_general3A = arith.constant dense<0.000000e+00> : vector<256x65xf32>
    %dot_general3A_11 = tpu.matmul %convert_element_type3A_5, %concatenate3A, %dot_general3A {dimension_numbers = #tpu.dot_dimension_numbers<[1], [0], [0], [1], [0, 0, 1, 1], [], []>, precision = #tpu.contract_precision<fp32>, transpose_lhs_hint = false} : vector<256x2000xf32>, vector<2000x65xf32>, vector<256x65xf32> -> vector<256x65xf32>
    %eq3A_12 = arith.constant 0 : i32
    %eq3A_13 = arith.cmpi eq, %arg0, %eq3A_12 : i32
    %convert_element_type3A_14 = arith.extui %eq3A_13 : i1 to i32
    %cond3A = arith.constant 0 : i32
    %cond3A_15 = arith.cmpi ne, %convert_element_type3A_14, %cond3A : i32
    scf.if %cond3A_15 {
      %swap3A = arith.constant 0 : index
      %swap3A_25 = arith.constant 0 : index
      %swap3A_26 = vector.load %arg10[%swap3A, %swap3A_25] : memref<256x65xf32, #tpu.memory_space<vmem>>, vector<256x65xf32>
      tpu.vector_store %arg10[%swap3A, %swap3A_25], %dot_general3A_11 {strides = array<i32>} : memref<256x65xf32, #tpu.memory_space<vmem>>, vector<256x65xf32>,
    } else {
    }
    %ne3A = arith.constant 0 : i32
    %ne3A_16 = arith.cmpi ne, %arg0, %ne3A : i32
    %convert_element_type3A_17 = arith.extui %ne3A_16 : i1 to i32
    %cond3A_18 = arith.constant 0 : i32
    %cond3A_19 = arith.cmpi ne, %convert_element_type3A_17, %cond3A_18 : i32
    scf.if %cond3A_19 {
      %get3A_25 = arith.constant 0 : index
      %get3A_26 = arith.constant 0 : index
      %get3A_27 = vector.load %arg10[%get3A_25, %get3A_26] : memref<256x65xf32, #tpu.memory_space<vmem>>, vector<256x65xf32>
      %add3A = arith.addf %get3A_27, %dot_general3A_11 : vector<256x65xf32>
      %swap3A = arith.constant 0 : index
      %swap3A_28 = arith.constant 0 : index
      %swap3A_29 = vector.load %arg10[%swap3A, %swap3A_28] : memref<256x65xf32, #tpu.memory_space<vmem>>, vector<256x65xf32>
      tpu.vector_store %arg10[%swap3A, %swap3A_28], %add3A {strides = array<i32>} : memref<256x65xf32, #tpu.memory_space<vmem>>, vector<256x65xf32>,
    } else {
    }
    %eq3A_20 = arith.constant 24 : i32
    %eq3A_21 = arith.cmpi eq, %arg0, %eq3A_20 : i32
    %convert_element_type3A_22 = arith.extui %eq3A_21 : i1 to i32
    %cond3A_23 = arith.constant 0 : i32
    %cond3A_24 = arith.cmpi ne, %convert_element_type3A_22, %cond3A_23 : i32
    scf.if %cond3A_24 {
      %get3A_25 = arith.constant 0 : index
      %get3A_26 = arith.constant 0 : index
      %get3A_27 = vector.load %arg10[%get3A_25, %get3A_26] : memref<256x65xf32, #tpu.memory_space<vmem>>, vector<256x65xf32>
      %slice3A = vector.extract_strided_slice %get3A_27 {offsets = [0, 0], sizes = [256, 64], strides = [1, 1]} : vector<256x65xf32> to vector<256x64xf32>
      %slice3A_28 = vector.extract_strided_slice %get3A_27 {offsets = [0, 64], sizes = [256, 1], strides = [1, 1]} : vector<256x65xf32> to vector<256x1xf32>
      %max3A = arith.constant 1.000000e+00 : f32
      %max3A_29 = vector.broadcast %max3A : f32 to vector<256x1xf32>
      %max3A_30 = arith.maximumf %slice3A_28, %max3A_29 : vector<256x1xf32>
      %div3A = vector.broadcast %max3A_30 : vector<256x1xf32> to vector<256x64xf32>
      %div3A_31 = arith.divf %slice3A, %div3A : vector<256x64xf32>
      %get3A_32 = arith.constant 0 : index
      %get3A_33 = arith.constant 0 : index
      %get3A_34 = vector.load %arg3[%get3A_32, %get3A_33] : memref<64x128xf32, #tpu.memory_space<vmem>>, vector<64x128xf32>
      %dot_general3A_35 = arith.constant dense<0.000000e+00> : vector<256x128xf32>
      %dot_general3A_36 = tpu.matmul %div3A_31, %get3A_34, %dot_general3A_35 {dimension_numbers = #tpu.dot_dimension_numbers<[1], [0], [0], [1], [0, 0, 1, 1], [], []>, transpose_lhs_hint = false} : vector<256x64xf32>, vector<64x128xf32>, vector<256x128xf32> -> vector<256x128xf32>
      %get3A_37 = arith.constant 0 : index
      %get3A_38 = arith.constant 0 : index
      %get3A_39 = vector.load %arg4[%get3A_37, %get3A_38] : memref<1x128xf32, #tpu.memory_space<vmem>>, vector<1x128xf32>
      %add3A = vector.broadcast %get3A_39 : vector<1x128xf32> to vector<256x128xf32>
      %add3A_40 = arith.addf %dot_general3A_36, %add3A : vector<256x128xf32>
      %custom_jvp_call3A = arith.constant 0.000000e+00 : f32
      %max3A_41 = vector.broadcast %custom_jvp_call3A : f32 to vector<256x128xf32>
      %max3A_42 = arith.maximumf %add3A_40, %max3A_41 : vector<256x128xf32>
      %sub3A = vector.broadcast %custom_jvp_call3A : f32 to vector<256x128xf32>
      %sub3A_43 = arith.subf %add3A_40, %sub3A : vector<256x128xf32>
      %ne3A_44 = arith.cmpf one, %sub3A_43, %sub3A_43 : vector<256x128xf32>
      %add3A_45 = vector.broadcast %custom_jvp_call3A : f32 to vector<256x128xf32>
      %add3A_46 = arith.addf %add3A_40, %add3A_45 : vector<256x128xf32>
      %abs3A = math.absf %sub3A_43 : vector<256x128xf32>
      %neg3A = arith.constant 0.000000e+00 : f32
      %neg3A_47 = vector.broadcast %neg3A : f32 to vector<256x128xf32>
      %neg3A_48 = arith.subf %neg3A_47, %abs3A : vector<256x128xf32>
      %exp3A = math.exp %neg3A_48 : vector<256x128xf32>
      %log1p3A = math.log1p %exp3A : vector<256x128xf32>
      %add3A_49 = arith.addf %max3A_42, %log1p3A : vector<256x128xf32>
      %select_n3A = arith.select %ne3A_44, %add3A_46, %add3A_49 : vector<256x128xi1>, vector<256x128xf32>
      %get3A_50 = arith.constant 0 : index
      %get3A_51 = arith.constant 0 : index
      %get3A_52 = vector.load %arg5[%get3A_50, %get3A_51] : memref<128x128xf32, #tpu.memory_space<vmem>>, vector<128x128xf32>
      %dot_general3A_53 = arith.constant dense<0.000000e+00> : vector<256x128xf32>
      %dot_general3A_54 = tpu.matmul %select_n3A, %get3A_52, %dot_general3A_53 {dimension_numbers = #tpu.dot_dimension_numbers<[1], [0], [0], [1], [0, 0, 1, 1], [], []>, transpose_lhs_hint = false} : vector<256x128xf32>, vector<128x128xf32>, vector<256x128xf32> -> vector<256x128xf32>
      %get3A_55 = arith.constant 0 : index
      %get3A_56 = arith.constant 0 : index
      %get3A_57 = vector.load %arg6[%get3A_55, %get3A_56] : memref<1x128xf32, #tpu.memory_space<vmem>>, vector<1x128xf32>
      %add3A_58 = vector.broadcast %get3A_57 : vector<1x128xf32> to vector<256x128xf32>
      %add3A_59 = arith.addf %dot_general3A_54, %add3A_58 : vector<256x128xf32>
      %custom_jvp_call3A_60 = arith.constant 0.000000e+00 : f32
      %max3A_61 = vector.broadcast %custom_jvp_call3A_60 : f32 to vector<256x128xf32>
      %max3A_62 = arith.maximumf %add3A_59, %max3A_61 : vector<256x128xf32>
      %sub3A_63 = vector.broadcast %custom_jvp_call3A_60 : f32 to vector<256x128xf32>
      %sub3A_64 = arith.subf %add3A_59, %sub3A_63 : vector<256x128xf32>
      %ne3A_65 = arith.cmpf one, %sub3A_64, %sub3A_64 : vector<256x128xf32>
      %add3A_66 = vector.broadcast %custom_jvp_call3A_60 : f32 to vector<256x128xf32>
      %add3A_67 = arith.addf %add3A_59, %add3A_66 : vector<256x128xf32>
      %abs3A_68 = math.absf %sub3A_64 : vector<256x128xf32>
      %neg3A_69 = arith.constant 0.000000e+00 : f32
      %neg3A_70 = vector.broadcast %neg3A_69 : f32 to vector<256x128xf32>
      %neg3A_71 = arith.subf %neg3A_70, %abs3A_68 : vector<256x128xf32>
      %exp3A_72 = math.exp %neg3A_71 : vector<256x128xf32>
      %log1p3A_73 = math.log1p %exp3A_72 : vector<256x128xf32>
      %add3A_74 = arith.addf %max3A_62, %log1p3A_73 : vector<256x128xf32>
      %select_n3A_75 = arith.select %ne3A_65, %add3A_67, %add3A_74 : vector<256x128xi1>, vector<256x128xf32>
      %get3A_76 = arith.constant 0 : index
      %get3A_77 = arith.constant 0 : index
      %get3A_78 = vector.load %arg7[%get3A_76, %get3A_77] : memref<128x3xf32, #tpu.memory_space<vmem>>, vector<128x3xf32>
      %dot_general3A_79 = arith.constant dense<0.000000e+00> : vector<256x3xf32>
      %dot_general3A_80 = tpu.matmul %select_n3A_75, %get3A_78, %dot_general3A_79 {dimension_numbers = #tpu.dot_dimension_numbers<[1], [0], [0], [1], [0, 0, 1, 1], [], []>, transpose_lhs_hint = false} : vector<256x128xf32>, vector<128x3xf32>, vector<256x3xf32> -> vector<256x3xf32>
      %get3A_81 = arith.constant 0 : index
      %get3A_82 = arith.constant 0 : index
      %get3A_83 = vector.load %arg8[%get3A_81, %get3A_82] : memref<1x3xf32, #tpu.memory_space<vmem>>, vector<1x3xf32>
      %add3A_84 = vector.broadcast %get3A_83 : vector<1x3xf32> to vector<256x3xf32>
      %add3A_85 = arith.addf %dot_general3A_80, %add3A_84 : vector<256x3xf32>
      %swap3A = arith.constant 0 : index
      %swap3A_86 = arith.constant 0 : index
      %swap3A_87 = vector.load %arg9[%swap3A, %swap3A_86] : memref<256x3xf32, #tpu.memory_space<vmem>>, vector<256x3xf32>
      tpu.vector_store %arg9[%swap3A, %swap3A_86], %add3A_85 {strides = array<i32>} : memref<256x3xf32, #tpu.memory_space<vmem>>, vector<256x3xf32>,
    } else {
    }
    return
  }
  func.func @transform_0(%arg0: i32) -> (i32, i32) {
    %c0_i32 = arith.constant 0 : i32
    %c0_i32_0 = arith.constant 0 : i32
    return %arg0, %c0_i32 : i32, i32
  }
  func.func @transform_1(%arg0: i32) -> (i32, i32, i32) {
    %c0_i32 = arith.constant 0 : i32
    %c0_i32_0 = arith.constant 0 : i32
    %c0_i32_1 = arith.constant 0 : i32
    return %arg0, %c0_i32, %c0_i32_0 : i32, i32, i32
  }
  func.func @transform_2(%arg0: i32) -> (i32, i32) {
    %c0_i32 = arith.constant 0 : i32
    %c0_i32_0 = arith.constant 0 : i32
    %c0_i32_1 = arith.constant 0 : i32
    return %c0_i32, %c0_i32_0 : i32, i32
  }
  func.func @transform_3(%arg0: i32) -> (i32, i32) {
    %c0_i32 = arith.constant 0 : i32
    %c0_i32_0 = arith.constant 0 : i32
    %c0_i32_1 = arith.constant 0 : i32
    return %c0_i32, %c0_i32_0 : i32, i32
  }
  func.func @transform_4(%arg0: i32) -> (i32, i32) {
    %c0_i32 = arith.constant 0 : i32
    %c0_i32_0 = arith.constant 0 : i32
    %c0_i32_1 = arith.constant 0 : i32
    return %c0_i32, %c0_i32_0 : i32, i32
  }
  func.func @transform_5(%arg0: i32) -> (i32, i32) {
    %c0_i32 = arith.constant 0 : i32
    %c0_i32_0 = arith.constant 0 : i32
    %c0_i32_1 = arith.constant 0 : i32
    return %c0_i32, %c0_i32_0 : i32, i32
  }
  func.func @transform_6(%arg0: i32) -> (i32, i32) {
    %c0_i32 = arith.constant 0 : i32
    %c0_i32_0 = arith.constant 0 : i32
    %c0_i32_1 = arith.constant 0 : i32
    return %c0_i32, %c0_i32_0 : i32, i32
  }
  func.func @transform_7(%arg0: i32) -> (i32, i32) {
    %c0_i32 = arith.constant 0 : i32
    %c0_i32_0 = arith.constant 0 : i32
    %c0_i32_1 = arith.constant 0 : i32
    return %c0_i32, %c0_i32_0 : i32, i32
  }
  func.func @transform_8(%arg0: i32) -> (i32, i32) {
    %c0_i32 = arith.constant 0 : i32
    %c0_i32_0 = arith.constant 0 : i32
    %c0_i32_1 = arith.constant 0 : i32
    return %c0_i32, %c0_i32_0 : i32, i32
  }
}

</mosaic_0001>

<sc_bundles>
// kernel: kernel.24.cloned.1.call-start
scs
__scs_entry_jumppad:
0x0: {  	(pc) =	sbr.rel $0x88, $3  }
0x1: {  	(tag) =	ssettag $0x0;
	lr =	simm.s32 $0x1  }
0x2: {  	[smem:$0x3F87] =	sst lr;
	_ =	strace $0xD0000000  }
0x3: {  	_ = 	snop  }
0x4: {  	_ = 	snop  }
0x5: {  	_ = 	snop  }
0x6: {  	_ = 	snop  }
0x7: {  	_ = 	snop  }
__scs_overlays_trampoline_lowered:
0x8: {  	[smem:$0x3F96] =	sst s0  }
0x9: {  	[smem:$0x3F97] =	sst s1  }
0xa: {  	[smem:$0x3F98] =	sst s2  }
0xb: {  	[smem:$0x3F99] =	sst s3  }
0xc: {  	[smem:$0x3F9A] =	sst s4  }
0xd: {  	[smem:$0x3F9B] =	sst s5  }
0xe: {  	[smem:$0x3F9C] =	sst s6  }
0xf: {  	[smem:$0x3F9D] =	sst s7  }
0x10: {  	[smem:$0x3F9E] =	sst s8  }
0x11: {  	[smem:$0x3F9F] =	sst s9;
	s0 =	simm.s32 @!p0 $0x0  }
0x12: {  	s1 =	sld [smem:$0x3F85];
	s0 =	simm.s32 @p0 $0x1  }
0x13: {  	[smem:$0x3FA0] =	sst s0;
	s0 =	simm.s32 @!p1 $0x0  }
0x14: {  	s2 =	sld [smem:$0x3F84];
	s0 =	simm.s32 @p1 $0x1  }
0x15: {  	[smem:$0x3FA1] =	sst s0;
	s0 =	simm.s32 @!p2 $0x0  }
0x16: {  	s3 =	sld [smem:$0x3FDB];
	s0 =	simm.s32 @p2 $0x1  }
0x17: {  	s4 =	simm.s32 $0x1BF5;
	[smem:$0x3FA3] =	sst s0  }
0x18: {  	s0 =	sld [smem:$0x3F86];
	_ =	swait.ge [sflag:s4], $0x0  }
0x19: {  	s7 =	sld [smem:$0x3F87]  }
0x1a: {  	s8 =	sadd.s32 $0xFFFFE003, lr  }
0x1b: {  	s9 =	sadd.s32 $0xFFFFFEF7, lr;
	s5 =	simm.s32 $0xFFFFFFFF;
	p2 =	slt.u32 s8, $0xFFFFF086  }
0x1c: {  	p1 =	slt.u32 s9, $0xF7A;
	s5 =	simm.s32 @!p2 $0x0  }
0x1d: {  	s5 =	simm.s32 @p1 $0x1;
	p0 =	seq.s32 s7, s2  }
0x1e: {  	s7 =	smul.u32 @!p0 $0xF7A, s2;
	p2 =	seq.s32 @!p0 s5, $0x0  }
0x1f: {  	s9 =	smul.u32 $0xF7A, s1;
	s8 =	simm.s32 @!p0 $0x1BF5;
	p2 =	por !p2, p0  }
0x20: {  	[sflag:s8] =	ssyncset.s32 @!p0 $0xFFFFF086;
	s6 =	sadd.s32 @!p0 s3, s7;
	s7 =	simm.s32 @!p0 $0x108  }
0x21: {  	s3 =	sadd.s32 s3, s9;
	s6 =	sadd.s32 @!p0 $0x88, s6;
	s7 =	simm.s32 @p2 $0x1082  }
0x22: {  	[simem:s7], [sflag:s8] =	dma.local @!p0 [hbm:s6], $0xF7A  }
0x23: {  	s9 =	sor.u32 $0xD0000000, s2;
	s6 =	simm.s32 $0x108;
	_ =	swait.ge @!p0 [sflag:s8], $0x0  }
0x24: {  	s3 =	sadd.s32 $0x88, s3;
	s6 =	simm.s32 @!p1 $0x1082;
	[sflag:s4] =	ssyncset.s32 $0xFFFFF086  }
0x25: {  	[simem:s6], [sflag:s4] =	dma.local [hbm:s3], $0xF7A  }
0x26: {  	[smem:$0x3F87] =	sst s1;
	(tag) =	ssettag s2;
	_ =	strace s9  }
0x27: {  	s1 =	sld [smem:$0x3F97]  }
0x28: {  	s2 =	sld [smem:$0x3F98]  }
0x29: {  	s4 =	sld [smem:$0x3F9A]  }
0x2a: {  	p0 =	seq.s32 s5, $0x0;
	s5 =	sld [smem:$0x3F9B]  }
0x2b: {  	s6 =	sld [smem:$0x3F9C]  }
0x2c: {  	s7 =	sld [smem:$0x3F9D]  }
0x2d: {  	s3 =	simm.s32 $0x108;
	s8 =	sld [smem:$0x3F9E]  }
0x2e: {  	s3 =	simm.s32 @!p0 $0x1082;
	s9 =	sld [smem:$0x3F9F]  }
0x2f: {  	lr =	sadd.s32 s0, s3;
	s0 =	sld [smem:$0x3F96]  }
0x30: {  	s3 =	sld [smem:$0x3F99]  }
0x31: {  	[smem:$0x3FA2] =	sst s10  }
0x32: {  	s10 =	sld [smem:$0x3FA0];
	_ =	sdelay $0x3  }
0x33: {  	p0 =	seq.s32 s10, $0x1;
	s10 =	sld [smem:$0x3FA2];
	_ =	sdelay $0x3  }
0x34: {  	[smem:$0x3FA2] =	sst s10  }
0x35: {  	s10 =	sld [smem:$0x3FA1];
	_ =	sdelay $0x3  }
0x36: {  	p1 =	seq.s32 s10, $0x1;
	s10 =	sld [smem:$0x3FA2];
	_ =	sdelay $0x3  }
0x37: {  	[smem:$0x3FA2] =	sst s10  }
0x38: {  	s10 =	sld [smem:$0x3FA3]  }
0x39: {  	_ = 	snop;
	(pc) =	sbr.ind lr, $3  }
0x3a: {  	_ = 	snop  }
0x3b: {  	_ = 	snop  }
0x3c: {  	p2 =	seq.s32 s10, $0x1;
	s10 =	sld [smem:$0x3FA2]  }
0x3d: {  	_ =	shalt  }
0x3e: {  	_ =	shalt  }
0x3f: {  	_ =	shalt  }
0x40: {  	_ =	shalt  }
0x41: {  	_ =	shalt  }
0x42: {  	_ =	shalt  }
0x43: {  	_ =	shalt  }
0x44: {  	_ =	shalt  }
0x45: {  	_ =	shalt  }
0x46: {  	_ =	shalt  }
0x47: {  	_ =	shalt  }
0x48: {  	_ =	shalt  }
0x49: {  	_ =	shalt  }
0x4a: {  	_ =	shalt  }
0x4b: {  	_ =	shalt  }
0x4c: {  	_ =	shalt  }
0x4d: {  	_ =	shalt  }
0x4e: {  	_ =	shalt  }
0x4f: {  	_ =	shalt  }
0x50: {  	_ =	shalt  }
0x51: {  	_ =	shalt  }
0x52: {  	_ =	shalt  }
0x53: {  	_ =	shalt  }
0x54: {  	_ =	shalt  }
0x55: {  	_ =	shalt  }
0x56: {  	_ =	shalt  }
0x57: {  	_ =	shalt  }
0x58: {  	_ =	shalt  }
0x59: {  	_ =	shalt  }
0x5a: {  	_ =	shalt  }
0x5b: {  	_ =	shalt  }
0x5c: {  	_ =	shalt  }
0x5d: {  	_ =	shalt  }
0x5e: {  	_ =	shalt  }
0x5f: {  	_ =	shalt  }
0x60: {  	_ =	shalt  }
0x61: {  	_ =	shalt  }
0x62: {  	_ =	shalt  }
0x63: {  	_ =	shalt  }
0x64: {  	_ =	shalt  }
0x65: {  	_ =	shalt  }
0x66: {  	_ =	shalt  }
0x67: {  	_ =	shalt  }
0x68: {  	_ =	shalt  }
0x69: {  	_ =	shalt  }
0x6a: {  	_ =	shalt  }
0x6b: {  	_ =	shalt  }
0x6c: {  	_ =	shalt  }
0x6d: {  	_ =	shalt  }
0x6e: {  	_ =	shalt  }
0x6f: {  	_ =	shalt  }
0x70: {  	_ =	shalt  }
0x71: {  	_ =	shalt  }
0x72: {  	_ =	shalt  }
0x73: {  	_ =	shalt  }
0x74: {  	_ =	shalt  }
0x75: {  	_ =	shalt  }
0x76: {  	_ =	shalt  }
0x77: {  	_ =	shalt  }
0x78: {  	_ =	shalt  }
0x79: {  	_ =	shalt  }
0x7a: {  	_ =	shalt  }
0x7b: {  	_ =	shalt  }
0x7c: {  	_ =	shalt  }
0x7d: {  	_ =	shalt  }
0x7e: {  	_ =	shalt  }
0x7f: {  	_ =	shalt  }
0x80: {  	_ =	shalt  }
0x81: {  	_ =	shalt  }
0x82: {  	_ =	shalt  }
0x83: {  	_ =	shalt  }
0x84: {  	_ =	shalt  }
0x85: {  	_ =	shalt  }
0x86: {  	_ =	shalt  }
0x87: {  	_ =	shalt  }
.Lfunc_end0:
.L_simem_size_0:
called_computation_lowered:
.L_overlay_start_0:
0x88: {  	s2 =	sld [smem:$0x3FD9]  }
0x89: {  	s3 =	sld [smem:$0x3FFE];
	_ =	sdelay $0x1  }
0x8a: {  	s1 =	srdreg.scid  }
0x8b: {  	s0 =	sand.u32 $0x1, s1  }
0x8c: {  	s16 =	sshll.u32 s0, $0xA;
	s2 =	sadd.s32 s3, s2  }
0x8d: {  	s2 =	sadd.s32 s2, s16  }
0x8e: {  	[smem:$0x3FAE] =	sst s2  }
0x8f: {  	_ = 	snop  }
0x90: {  	(tm) =	ssettm $0x1  }
0x91: {  	s17 =	sld [smem:$0x3FFB];
	_ =	sdelay $0x3  }
0x92: {  	_ =	strace s17  }
0x93: {  	s2 =	sld [smem:$0x3FFC];
	_ =	sdelay $0x3  }
0x94: {  	_ =	strace s2  }
0x95: {  	s2 =	sld [smem:$0x3FFD];
	_ =	sdelay $0x3  }
0x96: {  	_ =	strace s2  }
0x97: {  	_ =	strace $0x8FFFFFFF  }
0x98: {  	s18 =	sld [smem:$0x3FDB];
	_ =	sdelay $0x1  }
0x99: {  	s19 =	simm.s32 $_scs_section_size  }
0x9a: {  	s4 =	simm.s32 $_size__tile_overlayer_lowered;
	s5 =	simm.s32 $_tile_overlayer_lowered  }
0x9b: {  	s22 =	simm.s32 $0x1BFF;
	s21 =	sshll.u32 s5, $0x1;
	s2 =	sadd.s32 s19, s18  }
0x9c: {  	s6 =	simm.s32 $0x0;
	s20 =	sshll.u32 s4, $0x1;
	s4 =	sadd.s32 s21, s2  }
0x9d: {  	[timem:s6], [sflag:s22] =	dma.local [hbm:s4], s20  }
0x9e: {  	_ =	swait.ge [sflag:s22], s20  }
0x9f: {  	s3 =	ssub.s32 $0x0, s20;
	[sflag:s22] =	ssyncset.done $0x0  }
0xa0: {  	[sflag:s22] =	ssyncadd.s32 s3;
	_ =	sdelay $0x1  }
0xa1: {  	s23 =	simm.s32 $0x1B8B  }
0xa2: {  	_ =	swait.ge [sflag:s23], $0x1  }
0xa3: {  	[sflag:s23] =	ssyncset.done $0x0  }
0xa4: {  	s25 =	simm.s32 $0x1B8E;
	s24 =	sld [smem:$0x3FFE];
	[sflag:s23] =	ssyncadd.s32 $0xFFFFFFFF  }
0xa5: {  	s26 =	simm.s32 $execute0_lowered;
	[smem:$0x3FD2] =	sst s25  }
0xa6: {  	s4 =	sshll.u32 s26, $0x1;
	_ =	strace $0x80000046;
	[dreg:$0x1] =	wrdreg $0xFFFFFFFF  }
0xa7: {  	s28 =	simm.s32 $_size_execute0_lowered;
	s2 =	sadd.s32 s2, s4;
	[dreg:$0x0] =	wrdreg $0x0  }
0xa8: {  	s4 =	sshll.u32 s28, $0x1;
	[dreg:$0x2] =	wrdreg s2  }
0xa9: {  	[dreg:$0x3] =	wrdreg s4  }
0xaa: {  	[dreg:$0x4] =	wrdreg $0xC0  }
0xab: {  	_ =	task [dreg:s6], $0x5FFFF  }
0xac: {  	[dreg:$0x1] =	wrdreg $0xFFFFFFFF  }
0xad: {  	[dreg:$0x0] =	wrdreg $0x60  }
0xae: {  	[dreg:$0x2] =	wrdreg s24  }
0xaf: {  	[dreg:$0x3] =	wrdreg $0x9  }
0xb0: {  	_ =	task.clear_ibuf [dreg:s6], $0x4FFFF;
	_ =	strace $0x90000046  }
0xb1: {  	s29 =	simm.s32 $0x9;
	_ =	strace $0x80000048  }
0xb2: {  	_ =	swait.ge [sflag:s29], $0x1  }
0xb3: {  	[sflag:s29] =	ssyncadd.s32 $0xFFFFFFFF  }
0xb4: {  	_ =	strace $0x90000048  }
0xb5: {  	_ =	sfence  }
0xb6: {  	s30 =	sld [smem:$0x0];
	_ =	sdelay $0x2  }
0xb7: {  	s31 =	sshll.u32 s1, $0xD;
	s1 =	sshrl.u32 s1, $0x2  }
0xb8: {  	s3 =	sand.u32 $0x4000, s31;
	s1 =	sadd.s32 s1, s30  }
0xb9: {  	s0 =	sor.u32 s3, s0;
	s1 =	sshll.u32 s1, $0x11  }
0xba: {  	s0 =	sor.u32 s1, s0  }
0xbb: {  	s0 =	sadd.s32 $0x8F2B, s0  }
0xbc: {  	[sflag:s0] =	ssyncadd.remote.s32 $0x1  }
0xbd: {  	_ =	sfence.sel $0xFFFF  }
0xbe: {  	[dreg:$0x0] =	wrdreg $0xFFFFFFFF;
	(pc) =	sbr.abs _section_cstart, $3  }
0xbf: {  	[dreg:$0x1] =	wrdreg $0xFFFFFFFF  }
0xc0: {  	_ =	task.clear_ibuf [dreg:s6], $0x2FFFF;
	_ =	strace $0x9FFFFFFF  }
0xc1: {  	(tm) =	ssettm $0x7FFFFFFF  }
tec
execute0_lowered:
.L_overlay_start_1:
0x0: {  	(tag) =	ssettag $0x1  }
0x1: {  	s0 =	rddreg [dreg:$0x0];
	s1 =	simm.s32 $0x0  }
0x2: {  	s2 =	srdreg.scid;
	s16 =	stileid.u32;
	s17 =	simm.s32 $0xC8  }
0x3: {  	s18 =	simm.s32 $0x400;
	s19 =	simm.s32 $0xCC00;
	s28 =	simm.s32 $0x4  }
0x4: {  	s29 =	simm.s32 $0x0;
	[smem:$0x7FF] =	sst s1;
	s3 =	sadd.s32 $0x192A00, s0  }
0x5: {  	s4 =	sadd.s32 $0x256000, s0;
	s2 =	sand.u32 $0x1, s2;
	s14 =	smul.u32 $0xC350, s16  }
0x6: {  	s7 =	sshll.u32 s16, $0x1;
	s5 =	sadd.s32 $0x24600, s0;
	s16 =	smul.u32 $0xC3500, s16  }
0x7: {  	s6 =	sadd.s32 $0xBE00, s0;
	s12 =	sadd.s32 $0x3DCC00, s0;
	s15 =	smul.u32 $0x61A8, s2  }
0x8: {  	s7 =	sor.u32 s2, s7;
	s8 =	ssub.s32 $0x2, s2;
	s2 =	smul.u32 $0x61A80, s2  }
0x9: {  	s0 =	sadd.s32 $0x1011C00, s0;
	s9 =	smul.u32 $0x61A8, s7;
	s10 =	sshrl.u32 s8, $0x1  }
0xa: {  	_ =	strace $0x80000047;
	s11 =	smul.u32 $0x30D400, s7;
	s13 =	ssub.s32 s8, s10  }
0xb: {  	s30 =	sadd.s32 s15, s14;
	s15 =	simm.s32 $0x5;
	s20 =	sshrl.u32 s9, $0x3  }
0xc: {  	s22 =	sshrl.u32 s11, $0x3;
	s11 =	smax.u32 s13, $0x1;
	s14 =	sadd.s32 $0xC8, s30  }
0xd: {  	s21 =	sadd.s32 s5, s20;
	s23 =	sadd.s32 s6, s20;
	s24 =	sadd.s32 $0x60E00, s22  }
0xe: {  	s31 =	sshrl.u32 s14, $0x3;
	s20 =	simm.s32 $0x100;
	[dreg:$0x4] =	wrdreg s21  }
0xf: {  	s22 =	simm.s32 $0x6800;
	[dreg:$0x5] =	wrdreg s23;
	s25 =	sadd.s32 s12, s24  }
0x10: {  	s26 =	sadd.s32 s0, s24;
	s12 =	sadd.s32 s16, s12;
	s0 =	sadd.s32 s16, s0  }
0x11: {  	s14 =	sadd.s32 s31, s5;
	s16 =	simm.s32 $0x200;
	s21 =	simm.s32 $0x300  }
0x12: {  	s23 =	simm.s32 $0x13000;
	s24 =	simm.s32 $0x1;
	[dreg:$0x6] =	wrdreg s25  }
0x13: {  	[dreg:$0x7] =	wrdreg s26;
	s12 =	sadd.s32 s2, s12;
	s2 =	sadd.s32 s2, s0  }
0x14: {  	s0 =	sadd.s32 $0x190, s30;
	s25 =	simm.s32 $0x3;
	[dreg:$0x2] =	wrdreg s12  }
0x15: {  	s26 =	simm.s32 $0x2;
	[dreg:$0x3] =	wrdreg s2;
	s2 =	sadd.s32 s31, s6  }
.LBB2_1:
0x16: {  	s7 =	rddreg [dreg:$0x4]  }
0x17: {  	[tilespmem:s1], [sflag:$0x5] =	stream.linear.gather [hbm4b:s7+s1], $0xC8, $0x38;
	[tilespmem:$0x19400] =	vst v63  }
0x18: {  	_ =	swait.ge [sflag:s15], $0xC8  }
0x19: {  	[sflag:s15] =	ssyncset.done $0x0  }
0x1a: {  	s12 =	rddreg [dreg:$0x5];
	[sflag:s15] =	ssyncadd.s32 $0xFFFFFF38  }
0x1b: {  	[tilespmem:s16], [sflag:$0x5] =	stream.linear.gather [hbm4b:s12+s1], $0xC8, $0x38;
	[tilespmem:$0x19400] =	vst v63  }
0x1c: {  	_ =	swait.ge [sflag:s15], $0xC8  }
0x1d: {  	[sflag:s15] =	ssyncset.done $0x0  }
0x1e: {  	[sflag:s15] =	ssyncadd.s32 $0xFFFFFF38  }
0x1f: {  	[tilespmem:s18], [sflag:$0x1] =	stream.indirect.gather [hbm4b:s3+s17], $0x80, s1, s17, $0xb8;
	[tilespmem:$0x19400] =	vst v63  }
0x20: {  	_ = 	snop  }
0x21: {  	[tilespmem:s19], [sflag:$0x3] =	stream.indirect.gather [hbm4b:s4+s17], $0x80, s16, s17, $0xb8;
	[tilespmem:$0x19400] =	vst v63  }
0x22: {  	_ = 	snop  }
0x23: {  	[tilespmem:s20], [sflag:$0x5] =	stream.linear.gather [hbm4b:s14+s1], $0xC8, $0x38;
	[tilespmem:$0x19400] =	vst v63  }
0x24: {  	_ =	swait.ge [sflag:s15], $0xC8  }
0x25: {  	[sflag:s15] =	ssyncset.done $0x0  }
0x26: {  	[sflag:s15] =	ssyncadd.s32 $0xFFFFFF38  }
0x27: {  	[tilespmem:s21], [sflag:$0x5] =	stream.linear.gather [hbm4b:s2+s1], $0xC8, $0x38;
	[tilespmem:$0x19400] =	vst v63  }
0x28: {  	_ =	swait.ge [sflag:s15], $0xC8  }
0x29: {  	[sflag:s15] =	ssyncset.done $0x0  }
0x2a: {  	[sflag:s15] =	ssyncadd.s32 $0xFFFFFF38  }
0x2b: {  	[tilespmem:s22], [sflag:$0x2] =	stream.indirect.gather [hbm4b:s3+s17], $0x80, s20, s17, $0xb8;
	[tilespmem:$0x19400] =	vst v63  }
0x2c: {  	_ = 	snop  }
0x2d: {  	[tilespmem:s23], [sflag:$0x4] =	stream.indirect.gather [hbm4b:s4+s17], $0x80, s21, s17, $0xb8;
	[tilespmem:$0x19400] =	vst v63  }
0x2e: {  	_ =	swait.ge [sflag:s24], $0x6400  }
0x2f: {  	[sflag:s24] =	ssyncset.done $0x0  }
0x30: {  	[sflag:s24] =	ssyncadd.s32 $0xFFFF9C00  }
0x31: {  	_ =	swait.ge [sflag:s25], $0x6400  }
0x32: {  	s12 =	rddreg [dreg:$0x2];
	[sflag:s25] =	ssyncset.done $0x0  }
0x33: {  	[sflag:s25] =	ssyncadd.s32 $0xFFFF9C00;
	s12 =	sadd.s32 $0x0, s12  }
0x34: {  	[hbm4b:s12+s1] =	stream.linear.scatter [tilespmem:s18], [sflag:$0x5], $0x6400, $0x38;
	[tilespmem:$0x19400] =	vst v63  }
0x35: {  	_ =	swait.ge [sflag:s15], $0x6400  }
0x36: {  	s13 =	rddreg [dreg:$0x3];
	[sflag:s15] =	ssyncset.done $0x0  }
0x37: {  	[sflag:s15] =	ssyncadd.s32 $0xFFFF9C00;
	s13 =	sadd.s32 $0x0, s13  }
0x38: {  	[hbm4b:s13+s1] =	stream.linear.scatter [tilespmem:s19], [sflag:$0x5], $0x6400, $0x38;
	[tilespmem:$0x19400] =	vst v63  }
0x39: {  	_ =	swait.ge [sflag:s15], $0x6400  }
0x3a: {  	s30 =	sshrl.u32 s0, $0x3;
	[sflag:s15] =	ssyncset.done $0x0  }
0x3b: {  	s31 =	sadd.s32 s5, s30;
	[sflag:s15] =	ssyncadd.s32 $0xFFFF9C00  }
0x3c: {  	[tilespmem:s1], [sflag:$0x5] =	stream.linear.gather [hbm4b:s31+s1], $0xC8, $0x38;
	[tilespmem:$0x19400] =	vst v63  }
0x3d: {  	_ =	swait.ge [sflag:s15], $0xC8  }
0x3e: {  	[sflag:s15] =	ssyncset.done $0x0  }
0x3f: {  	s30 =	sadd.s32 s6, s30;
	[sflag:s15] =	ssyncadd.s32 $0xFFFFFF38  }
0x40: {  	[tilespmem:s16], [sflag:$0x5] =	stream.linear.gather [hbm4b:s30+s1], $0xC8, $0x38;
	[tilespmem:$0x19400] =	vst v63  }
0x41: {  	_ =	swait.ge [sflag:s15], $0xC8  }
0x42: {  	[sflag:s15] =	ssyncset.done $0x0  }
0x43: {  	[sflag:s15] =	ssyncadd.s32 $0xFFFFFF38  }
0x44: {  	[tilespmem:s18], [sflag:$0x1] =	stream.indirect.gather [hbm4b:s3+s17], $0x80, s1, s17, $0xb8;
	[tilespmem:$0x19400] =	vst v63  }
0x45: {  	_ = 	snop  }
0x46: {  	[tilespmem:s19], [sflag:$0x3] =	stream.indirect.gather [hbm4b:s4+s17], $0x80, s16, s17, $0xb8;
	[tilespmem:$0x19400] =	vst v63  }
0x47: {  	_ =	swait.ge [sflag:s26], $0x6400  }
0x48: {  	[sflag:s26] =	ssyncset.done $0x0  }
0x49: {  	[sflag:s26] =	ssyncadd.s32 $0xFFFF9C00  }
0x4a: {  	_ =	swait.ge [sflag:s28], $0x6400  }
0x4b: {  	[sflag:s28] =	ssyncset.done $0x0  }
0x4c: {  	s12 =	sadd.s32 $0xC80, s12;
	[sflag:s28] =	ssyncadd.s32 $0xFFFF9C00  }
0x4d: {  	[hbm4b:s12+s1] =	stream.linear.scatter [tilespmem:s22], [sflag:$0x5], $0x6400, $0x38;
	[tilespmem:$0x19400] =	vst v63  }
0x4e: {  	_ =	swait.ge [sflag:s15], $0x6400  }
0x4f: {  	[sflag:s15] =	ssyncset.done $0x0  }
0x50: {  	s13 =	sadd.s32 $0xC80, s13;
	[sflag:s15] =	ssyncadd.s32 $0xFFFF9C00  }
0x51: {  	[hbm4b:s13+s1] =	stream.linear.scatter [tilespmem:s23], [sflag:$0x5], $0x6400, $0x38;
	[tilespmem:$0x19400] =	vst v63  }
0x52: {  	s31 =	sadd.s32 $0x32, s14;
	s30 =	simm.s32 $0x1900;
	_ =	swait.ge [sflag:s15], $0x6400  }
0x53: {  	s12 =	smov.u32 s0;
	s13 =	smov.u32 s2;
	[sflag:s15] =	ssyncset.done $0x0  }
.LBB2_2:
0x54: {  	[sflag:s15] =	ssyncadd.s32 $0xFFFF9C00  }
0x55: {  	[tilespmem:s20], [sflag:$0x5] =	stream.linear.gather [hbm4b:s31+s1], $0xC8, $0x38;
	[tilespmem:$0x19400] =	vst v63  }
0x56: {  	_ =	swait.ge [sflag:s15], $0xC8  }
0x57: {  	[sflag:s15] =	ssyncset.done $0x0  }
0x58: {  	s13 =	sadd.s32 $0x32, s13;
	[sflag:s15] =	ssyncadd.s32 $0xFFFFFF38  }
0x59: {  	[tilespmem:s21], [sflag:$0x5] =	stream.linear.gather [hbm4b:s13+s1], $0xC8, $0x38;
	[tilespmem:$0x19400] =	vst v63  }
0x5a: {  	_ =	swait.ge [sflag:s15], $0xC8  }
0x5b: {  	[sflag:s15] =	ssyncset.done $0x0  }
0x5c: {  	[sflag:s15] =	ssyncadd.s32 $0xFFFFFF38  }
0x5d: {  	[tilespmem:s22], [sflag:$0x2] =	stream.indirect.gather [hbm4b:s3+s17], $0x80, s20, s17, $0xb8;
	[tilespmem:$0x19400] =	vst v63  }
0x5e: {  	_ = 	snop  }
0x5f: {  	[tilespmem:s23], [sflag:$0x4] =	stream.indirect.gather [hbm4b:s4+s17], $0x80, s21, s17, $0xb8;
	[tilespmem:$0x19400] =	vst v63  }
0x60: {  	_ =	swait.ge [sflag:s24], $0x6400  }
0x61: {  	[sflag:s24] =	ssyncset.done $0x0  }
0x62: {  	[sflag:s24] =	ssyncadd.s32 $0xFFFF9C00  }
0x63: {  	_ =	swait.ge [sflag:s25], $0x6400  }
0x64: {  	s7 =	smov.u32 s30;
	s8 =	rddreg [dreg:$0x2];
	[sflag:s25] =	ssyncset.done $0x0  }
0x65: {  	[sflag:s25] =	ssyncadd.s32 $0xFFFF9C00;
	s8 =	sadd.s32 s7, s8  }
0x66: {  	[hbm4b:s8+s1] =	stream.linear.scatter [tilespmem:s18], [sflag:$0x5], $0x6400, $0x38;
	[tilespmem:$0x19400] =	vst v63  }
0x67: {  	_ =	swait.ge [sflag:s15], $0x6400  }
0x68: {  	s9 =	rddreg [dreg:$0x3];
	[sflag:s15] =	ssyncset.done $0x0  }
0x69: {  	[sflag:s15] =	ssyncadd.s32 $0xFFFF9C00;
	s7 =	sadd.s32 s7, s9  }
0x6a: {  	[hbm4b:s7+s1] =	stream.linear.scatter [tilespmem:s19], [sflag:$0x5], $0x6400, $0x38;
	[tilespmem:$0x19400] =	vst v63  }
0x6b: {  	s12 =	sadd.s32 $0x190, s12;
	_ =	swait.ge [sflag:s15], $0x6400  }
0x6c: {  	s9 =	sshrl.u32 s12, $0x3;
	[sflag:s15] =	ssyncset.done $0x0  }
0x6d: {  	s10 =	sadd.s32 s5, s9;
	[sflag:s15] =	ssyncadd.s32 $0xFFFF9C00  }
0x6e: {  	[tilespmem:s1], [sflag:$0x5] =	stream.linear.gather [hbm4b:s10+s1], $0xC8, $0x38;
	[tilespmem:$0x19400] =	vst v63  }
0x6f: {  	_ =	swait.ge [sflag:s15], $0xC8  }
0x70: {  	[sflag:s15] =	ssyncset.done $0x0  }
0x71: {  	s9 =	sadd.s32 s6, s9;
	[sflag:s15] =	ssyncadd.s32 $0xFFFFFF38  }
0x72: {  	[tilespmem:s16], [sflag:$0x5] =	stream.linear.gather [hbm4b:s9+s1], $0xC8, $0x38;
	[tilespmem:$0x19400] =	vst v63  }
0x73: {  	_ =	swait.ge [sflag:s15], $0xC8  }
0x74: {  	[sflag:s15] =	ssyncset.done $0x0  }
0x75: {  	[sflag:s15] =	ssyncadd.s32 $0xFFFFFF38  }
0x76: {  	[tilespmem:s18], [sflag:$0x1] =	stream.indirect.gather [hbm4b:s3+s17], $0x80, s1, s17, $0xb8;
	[tilespmem:$0x19400] =	vst v63  }
0x77: {  	_ = 	snop  }
0x78: {  	[tilespmem:s19], [sflag:$0x3] =	stream.indirect.gather [hbm4b:s4+s17], $0x80, s16, s17, $0xb8;
	[tilespmem:$0x19400] =	vst v63  }
0x79: {  	_ =	swait.ge [sflag:s26], $0x6400  }
0x7a: {  	[sflag:s26] =	ssyncset.done $0x0  }
0x7b: {  	[sflag:s26] =	ssyncadd.s32 $0xFFFF9C00  }
0x7c: {  	_ =	swait.ge [sflag:s28], $0x6400  }
0x7d: {  	[sflag:s28] =	ssyncset.done $0x0  }
0x7e: {  	s8 =	sadd.s32 $0xC80, s8;
	[sflag:s28] =	ssyncadd.s32 $0xFFFF9C00  }
0x7f: {  	[hbm4b:s8+s1] =	stream.linear.scatter [tilespmem:s22], [sflag:$0x5], $0x6400, $0x38;
	[tilespmem:$0x19400] =	vst v63  }
0x80: {  	p0 =	sne.s32 s30, $0x5F500;
	_ =	swait.ge [sflag:s15], $0x6400  }
.Ltmp0:
0x81: {  	[sflag:s15] =	ssyncset.done $0x0;
	(pc) =	sbr.rel @p0 .LBB2_2-.Ltmp0, $4  }
0x82: {  	s7 =	sadd.s32 $0xC80, s7;
	[sflag:s15] =	ssyncadd.s32 $0xFFFF9C00  }
0x83: {  	[hbm4b:s7+s1] =	stream.linear.scatter [tilespmem:s23], [sflag:$0x5], $0x6400, $0x38;
	[tilespmem:$0x19400] =	vst v63  }
0x84: {  	_ =	swait.ge [sflag:s15], $0x6400  }
0x85: {  	s30 =	sadd.s32 $0x1900, s30;
	s31 =	sadd.s32 $0x32, s31;
	[sflag:s15] =	ssyncset.done $0x0  }
0x86: {  	[sflag:s15] =	ssyncadd.s32 $0xFFFF9C00  }
0x87: {  	_ =	swait.ge [sflag:s24], $0x6400  }
0x88: {  	[sflag:s24] =	ssyncset.done $0x0  }
0x89: {  	[sflag:s24] =	ssyncadd.s32 $0xFFFF9C00  }
0x8a: {  	_ =	swait.ge [sflag:s25], $0x6400  }
0x8b: {  	[sflag:s25] =	ssyncset.done $0x0  }
0x8c: {  	s7 =	rddreg [dreg:$0x6];
	[sflag:s25] =	ssyncadd.s32 $0xFFFF9C00  }
0x8d: {  	[hbm4b:s7+s1] =	stream.linear.scatter [tilespmem:s18], [sflag:$0x5], $0x6400, $0x38;
	[tilespmem:$0x19400] =	vst v63  }
0x8e: {  	s29 =	sadd.s32 $0x1, s29;
	_ =	swait.ge [sflag:s15], $0x6400  }
0x8f: {  	p0 =	sne.s32 s29, s11;
	[sflag:s15] =	ssyncset.done $0x0  }
.Ltmp1:
0x90: {  	s31 =	rddreg [dreg:$0x7];
	[sflag:s15] =	ssyncadd.s32 $0xFFFF9C00;
	(pc) =	sbr.rel @p0 .LBB2_1-.Ltmp1, $4  }
0x91: {  	[hbm4b:s31+s1] =	stream.linear.scatter [tilespmem:s19], [sflag:$0x5], $0x6400, $0x38;
	[tilespmem:$0x19400] =	vst v63  }
0x92: {  	_ =	swait.ge [sflag:s15], $0x6400  }
0x93: {  	[sflag:s15] =	ssyncset.done $0x0  }
0x94: {  	[sflag:s15] =	ssyncadd.s32 $0xFFFF9C00  }
0x95: {  	_ =	sfence.sel $0x180000  }
0x96: {  	[bflag:$0x0] =	sbarrier.arrive $0xFFFF  }
0x97: {  	_ =	strace $0x90000047  }
0x98: {  	s0 =	stileid.u32;
	[bflag:$0x2] =	sbarrier.arrive $0xFFFF  }
0x99: {  	p0 =	sne.s32 s0, $0x0;
	s0 =	rddreg [dreg:$0x1]  }
0x9a: {  	s0 =	sadd.s32 @!p0 $0x100000, s0  }
0x9b: {  	[sflag:s0] =	ssyncadd.tile.s32 @!p0 $0x1;
	_ =	shalt  }
.Lfunc_end2:
_tile_overlayer_lowered:
.L_overlay_start_2:
0x9c: {  	(tag) =	ssettag $0x2  }
0x9d: {  	s0 =	rddreg [dreg:$0x0];
	s2 =	stileid.u32  }
0x9e: {  	s1 =	rddreg [dreg:$0x1];
	p0 =	sne.s32 s2, $0x0  }
0x9f: {  	s3 =	rddreg [dreg:$0x2];
	[bflag:$0x3] =	sbarrier.arrive $0xFFFF;
	s2 =	simm.s32 @!p0 $0x1C05  }
0xa0: {  	[timem:s3], [sflag:s2] =	dma.local @!p0 [hbm:s0], s1  }
0xa1: {  	s0 =	simm.s32 @!p0 $0x5  }
0xa2: {  	_ =	swait.ge @!p0 [sflag:s0], s1  }
0xa3: {  	s1 =	ssub.s32 @!p0 $0x0, s1;
	[sflag:s0] =	ssyncset.done @!p0 $0x0  }
0xa4: {  	[sflag:s0] =	ssyncadd.s32 @!p0 s1  }
0xa5: {  	[bflag:$0x3] =	sbarrier.arrive $0xFFFF  }
0xa6: {  	_ =	shalt  }

// kernel: kernel.27.cloned.1.call-start
scs
__scs_entry_jumppad:
0x0: {  	(pc) =	sbr.rel $0x88, $3  }
0x1: {  	(tag) =	ssettag $0x0;
	lr =	simm.s32 $0x1  }
0x2: {  	[smem:$0x3F87] =	sst lr;
	_ =	strace $0xD0000000  }
0x3: {  	_ = 	snop  }
0x4: {  	_ = 	snop  }
0x5: {  	_ = 	snop  }
0x6: {  	_ = 	snop  }
0x7: {  	_ = 	snop  }
__scs_overlays_trampoline_lowered:
0x8: {  	[smem:$0x3F96] =	sst s0  }
0x9: {  	[smem:$0x3F97] =	sst s1  }
0xa: {  	[smem:$0x3F98] =	sst s2  }
0xb: {  	[smem:$0x3F99] =	sst s3  }
0xc: {  	[smem:$0x3F9A] =	sst s4  }
0xd: {  	[smem:$0x3F9B] =	sst s5  }
0xe: {  	[smem:$0x3F9C] =	sst s6  }
0xf: {  	[smem:$0x3F9D] =	sst s7  }
0x10: {  	[smem:$0x3F9E] =	sst s8  }
0x11: {  	[smem:$0x3F9F] =	sst s9;
	s0 =	simm.s32 @!p0 $0x0  }
0x12: {  	s1 =	sld [smem:$0x3F85];
	s0 =	simm.s32 @p0 $0x1  }
0x13: {  	[smem:$0x3FA0] =	sst s0;
	s0 =	simm.s32 @!p1 $0x0  }
0x14: {  	s2 =	sld [smem:$0x3F84];
	s0 =	simm.s32 @p1 $0x1  }
0x15: {  	[smem:$0x3FA1] =	sst s0;
	s0 =	simm.s32 @!p2 $0x0  }
0x16: {  	s3 =	sld [smem:$0x3FDB];
	s0 =	simm.s32 @p2 $0x1  }
0x17: {  	s4 =	simm.s32 $0x1BF5;
	[smem:$0x3FA3] =	sst s0  }
0x18: {  	s0 =	sld [smem:$0x3F86];
	_ =	swait.ge [sflag:s4], $0x0  }
0x19: {  	s7 =	sld [smem:$0x3F87]  }
0x1a: {  	s8 =	sadd.s32 $0xFFFFE003, lr  }
0x1b: {  	s9 =	sadd.s32 $0xFFFFFEF7, lr;
	s5 =	simm.s32 $0xFFFFFFFF;
	p2 =	slt.u32 s8, $0xFFFFF086  }
0x1c: {  	p1 =	slt.u32 s9, $0xF7A;
	s5 =	simm.s32 @!p2 $0x0  }
0x1d: {  	s5 =	simm.s32 @p1 $0x1;
	p0 =	seq.s32 s7, s2  }
0x1e: {  	s7 =	smul.u32 @!p0 $0xF7A, s2;
	p2 =	seq.s32 @!p0 s5, $0x0  }
0x1f: {  	s9 =	smul.u32 $0xF7A, s1;
	s8 =	simm.s32 @!p0 $0x1BF5;
	p2 =	por !p2, p0  }
0x20: {  	[sflag:s8] =	ssyncset.s32 @!p0 $0xFFFFF086;
	s6 =	sadd.s32 @!p0 s3, s7;
	s7 =	simm.s32 @!p0 $0x108  }
0x21: {  	s3 =	sadd.s32 s3, s9;
	s6 =	sadd.s32 @!p0 $0x88, s6;
	s7 =	simm.s32 @p2 $0x1082  }
0x22: {  	[simem:s7], [sflag:s8] =	dma.local @!p0 [hbm:s6], $0xF7A  }
0x23: {  	s9 =	sor.u32 $0xD0000000, s2;
	s6 =	simm.s32 $0x108;
	_ =	swait.ge @!p0 [sflag:s8], $0x0  }
0x24: {  	s3 =	sadd.s32 $0x88, s3;
	s6 =	simm.s32 @!p1 $0x1082;
	[sflag:s4] =	ssyncset.s32 $0xFFFFF086  }
0x25: {  	[simem:s6], [sflag:s4] =	dma.local [hbm:s3], $0xF7A  }
0x26: {  	[smem:$0x3F87] =	sst s1;
	(tag) =	ssettag s2;
	_ =	strace s9  }
0x27: {  	s1 =	sld [smem:$0x3F97]  }
0x28: {  	s2 =	sld [smem:$0x3F98]  }
0x29: {  	s4 =	sld [smem:$0x3F9A]  }
0x2a: {  	p0 =	seq.s32 s5, $0x0;
	s5 =	sld [smem:$0x3F9B]  }
0x2b: {  	s6 =	sld [smem:$0x3F9C]  }
0x2c: {  	s7 =	sld [smem:$0x3F9D]  }
0x2d: {  	s3 =	simm.s32 $0x108;
	s8 =	sld [smem:$0x3F9E]  }
0x2e: {  	s3 =	simm.s32 @!p0 $0x1082;
	s9 =	sld [smem:$0x3F9F]  }
0x2f: {  	lr =	sadd.s32 s0, s3;
	s0 =	sld [smem:$0x3F96]  }
0x30: {  	s3 =	sld [smem:$0x3F99]  }
0x31: {  	[smem:$0x3FA2] =	sst s10  }
0x32: {  	s10 =	sld [smem:$0x3FA0];
	_ =	sdelay $0x3  }
0x33: {  	p0 =	seq.s32 s10, $0x1;
	s10 =	sld [smem:$0x3FA2];
	_ =	sdelay $0x3  }
0x34: {  	[smem:$0x3FA2] =	sst s10  }
0x35: {  	s10 =	sld [smem:$0x3FA1];
	_ =	sdelay $0x3  }
0x36: {  	p1 =	seq.s32 s10, $0x1;
	s10 =	sld [smem:$0x3FA2];
	_ =	sdelay $0x3  }
0x37: {  	[smem:$0x3FA2] =	sst s10  }
0x38: {  	s10 =	sld [smem:$0x3FA3]  }
0x39: {  	_ = 	snop;
	(pc) =	sbr.ind lr, $3  }
0x3a: {  	_ = 	snop  }
0x3b: {  	_ = 	snop  }
0x3c: {  	p2 =	seq.s32 s10, $0x1;
	s10 =	sld [smem:$0x3FA2]  }
0x3d: {  	_ =	shalt  }
0x3e: {  	_ =	shalt  }
0x3f: {  	_ =	shalt  }
0x40: {  	_ =	shalt  }
0x41: {  	_ =	shalt  }
0x42: {  	_ =	shalt  }
0x43: {  	_ =	shalt  }
0x44: {  	_ =	shalt  }
0x45: {  	_ =	shalt  }
0x46: {  	_ =	shalt  }
0x47: {  	_ =	shalt  }
0x48: {  	_ =	shalt  }
0x49: {  	_ =	shalt  }
0x4a: {  	_ =	shalt  }
0x4b: {  	_ =	shalt  }
0x4c: {  	_ =	shalt  }
0x4d: {  	_ =	shalt  }
0x4e: {  	_ =	shalt  }
0x4f: {  	_ =	shalt  }
0x50: {  	_ =	shalt  }
0x51: {  	_ =	shalt  }
0x52: {  	_ =	shalt  }
0x53: {  	_ =	shalt  }
0x54: {  	_ =	shalt  }
0x55: {  	_ =	shalt  }
0x56: {  	_ =	shalt  }
0x57: {  	_ =	shalt  }
0x58: {  	_ =	shalt  }
0x59: {  	_ =	shalt  }
0x5a: {  	_ =	shalt  }
0x5b: {  	_ =	shalt  }
0x5c: {  	_ =	shalt  }
0x5d: {  	_ =	shalt  }
0x5e: {  	_ =	shalt  }
0x5f: {  	_ =	shalt  }
0x60: {  	_ =	shalt  }
0x61: {  	_ =	shalt  }
0x62: {  	_ =	shalt  }
0x63: {  	_ =	shalt  }
0x64: {  	_ =	shalt  }
0x65: {  	_ =	shalt  }
0x66: {  	_ =	shalt  }
0x67: {  	_ =	shalt  }
0x68: {  	_ =	shalt  }
0x69: {  	_ =	shalt  }
0x6a: {  	_ =	shalt  }
0x6b: {  	_ =	shalt  }
0x6c: {  	_ =	shalt  }
0x6d: {  	_ =	shalt  }
0x6e: {  	_ =	shalt  }
0x6f: {  	_ =	shalt  }
0x70: {  	_ =	shalt  }
0x71: {  	_ =	shalt  }
0x72: {  	_ =	shalt  }
0x73: {  	_ =	shalt  }
0x74: {  	_ =	shalt  }
0x75: {  	_ =	shalt  }
0x76: {  	_ =	shalt  }
0x77: {  	_ =	shalt  }
0x78: {  	_ =	shalt  }
0x79: {  	_ =	shalt  }
0x7a: {  	_ =	shalt  }
0x7b: {  	_ =	shalt  }
0x7c: {  	_ =	shalt  }
0x7d: {  	_ =	shalt  }
0x7e: {  	_ =	shalt  }
0x7f: {  	_ =	shalt  }
0x80: {  	_ =	shalt  }
0x81: {  	_ =	shalt  }
0x82: {  	_ =	shalt  }
0x83: {  	_ =	shalt  }
0x84: {  	_ =	shalt  }
0x85: {  	_ =	shalt  }
0x86: {  	_ =	shalt  }
0x87: {  	_ =	shalt  }
.Lfunc_end0:
.L_simem_size_0:
called_computation.1_lowered:
.L_overlay_start_0:
0x88: {  	s2 =	sld [smem:$0x3FD9]  }
0x89: {  	s3 =	sld [smem:$0x3FFE];
	_ =	sdelay $0x1  }
0x8a: {  	s1 =	srdreg.scid  }
0x8b: {  	s0 =	sand.u32 $0x1, s1  }
0x8c: {  	s16 =	sshll.u32 s0, $0xA;
	s2 =	sadd.s32 s3, s2  }
0x8d: {  	s2 =	sadd.s32 s2, s16  }
0x8e: {  	[smem:$0x3FAE] =	sst s2  }
0x8f: {  	_ = 	snop  }
0x90: {  	(tm) =	ssettm $0x1  }
0x91: {  	s17 =	sld [smem:$0x3FFB];
	_ =	sdelay $0x3  }
0x92: {  	_ =	strace s17  }
0x93: {  	s2 =	sld [smem:$0x3FFC];
	_ =	sdelay $0x3  }
0x94: {  	_ =	strace s2  }
0x95: {  	s2 =	sld [smem:$0x3FFD];
	_ =	sdelay $0x3  }
0x96: {  	_ =	strace s2  }
0x97: {  	_ =	strace $0x8FFFFFFF  }
0x98: {  	s18 =	sld [smem:$0x3FDB];
	_ =	sdelay $0x1  }
0x99: {  	s19 =	simm.s32 $_scs_section_size  }
0x9a: {  	s4 =	simm.s32 $_size__tile_overlayer_lowered;
	s5 =	simm.s32 $_tile_overlayer_lowered  }
0x9b: {  	s22 =	simm.s32 $0x1BFF;
	s21 =	sshll.u32 s5, $0x1;
	s2 =	sadd.s32 s19, s18  }
0x9c: {  	s6 =	simm.s32 $0x0;
	s20 =	sshll.u32 s4, $0x1;
	s4 =	sadd.s32 s21, s2  }
0x9d: {  	[timem:s6], [sflag:s22] =	dma.local [hbm:s4], s20  }
0x9e: {  	_ =	swait.ge [sflag:s22], s20  }
0x9f: {  	s3 =	ssub.s32 $0x0, s20;
	[sflag:s22] =	ssyncset.done $0x0  }
0xa0: {  	[sflag:s22] =	ssyncadd.s32 s3;
	_ =	sdelay $0x1  }
0xa1: {  	s23 =	simm.s32 $0x1B8B  }
0xa2: {  	_ =	swait.ge [sflag:s23], $0x1  }
0xa3: {  	[sflag:s23] =	ssyncset.done $0x0  }
0xa4: {  	s25 =	simm.s32 $0x1B8E;
	s24 =	sld [smem:$0x3FFE];
	[sflag:s23] =	ssyncadd.s32 $0xFFFFFFFF  }
0xa5: {  	s26 =	simm.s32 $execute0_lowered;
	[smem:$0x3FD2] =	sst s25  }
0xa6: {  	s4 =	sshll.u32 s26, $0x1;
	_ =	strace $0x80000049;
	[dreg:$0x1] =	wrdreg $0xFFFFFFFF  }
0xa7: {  	s28 =	simm.s32 $_size_execute0_lowered;
	s2 =	sadd.s32 s2, s4;
	[dreg:$0x0] =	wrdreg $0x0  }
0xa8: {  	s4 =	sshll.u32 s28, $0x1;
	[dreg:$0x2] =	wrdreg s2  }
0xa9: {  	[dreg:$0x3] =	wrdreg s4  }
0xaa: {  	[dreg:$0x4] =	wrdreg $0xC0  }
0xab: {  	_ =	task [dreg:s6], $0x5FFFF  }
0xac: {  	[dreg:$0x1] =	wrdreg $0xFFFFFFFF  }
0xad: {  	[dreg:$0x0] =	wrdreg $0x60  }
0xae: {  	[dreg:$0x2] =	wrdreg s24  }
0xaf: {  	[dreg:$0x3] =	wrdreg $0x33900  }
0xb0: {  	[dreg:$0x4] =	wrdreg $0x9  }
0xb1: {  	_ =	task.clear_ibuf [dreg:s6], $0x5FFFF;
	_ =	strace $0x90000049  }
0xb2: {  	s29 =	simm.s32 $0x9;
	_ =	strace $0x8000004B  }
0xb3: {  	_ =	swait.ge [sflag:s29], $0x1  }
0xb4: {  	[sflag:s29] =	ssyncadd.s32 $0xFFFFFFFF  }
0xb5: {  	_ =	strace $0x9000004B  }
0xb6: {  	_ =	sfence  }
0xb7: {  	s30 =	sld [smem:$0x0];
	_ =	sdelay $0x2  }
0xb8: {  	s31 =	sshll.u32 s1, $0xD;
	s1 =	sshrl.u32 s1, $0x2  }
0xb9: {  	s3 =	sand.u32 $0x4000, s31;
	s1 =	sadd.s32 s1, s30  }
0xba: {  	s0 =	sor.u32 s3, s0;
	s1 =	sshll.u32 s1, $0x11  }
0xbb: {  	s0 =	sor.u32 s1, s0  }
0xbc: {  	s0 =	sadd.s32 $0x8F2B, s0  }
0xbd: {  	[sflag:s0] =	ssyncadd.remote.s32 $0x1  }
0xbe: {  	_ =	sfence.sel $0xFFFF  }
0xbf: {  	[dreg:$0x0] =	wrdreg $0xFFFFFFFF;
	(pc) =	sbr.abs _section_cstart, $3  }
0xc0: {  	[dreg:$0x1] =	wrdreg $0xFFFFFFFF  }
0xc1: {  	_ =	task.clear_ibuf [dreg:s6], $0x2FFFF;
	_ =	strace $0x9FFFFFFF  }
0xc2: {  	(tm) =	ssettm $0x7FFFFFFF  }
0xc3: {  	_ =	shalt  }
tec
execute0_lowered:
.L_overlay_start_1:
0x0: {  	(tag) =	ssettag $0x1  }
0x1: {  	s0 =	rddreg [dreg:$0x0]  }
0x2: {  	s18 =	stileid.u32;
	s2 =	srdreg.scid  }
0x3: {  	s1 =	simm.s32 $0x0;
	s31 =	simm.s32 $0x20;
	s3 =	smul.u32 $0xC350, s18  }
0x4: {  	s2 =	sand.u32 $0x1, s2;
	s4 =	smul.u32 $0x61A800, s18;
	[smem:$0x7FF] =	sst s1  }
0x5: {  	s7 =	sadd.s32 $0xA0200, s0;
	s9 =	smul.u32 $0x3200, s18;
	s14 =	sor.u32 $0x70, s18  }
0x6: {  	p1 =	sne.s32 s18, $0x0;
	s5 =	ssub.s32 $0x2, s2;
	s6 =	smul.u32 $0x186A00, s2  }
0x7: {  	s15 =	sshll.u32 s2, $0x5;
	p0 =	sgt.u32 s14, $0x7C;
	s8 =	sshrl.u32 s5, $0x1  }
0x8: {  	s10 =	sadd.s32 $0xC288, s3;
	s2 =	sor.u32 s15, s4;
	s12 =	sadd.s32 $0x64000, s9  }
0x9: {  	s3 =	sshrl.u32 s3, $0x3;
	s5 =	ssub.s32 s5, s8;
	s16 =	sshll.u32 s10, $0x7  }
0xa: {  	s11 =	sadd.s32 s6, s9;
	s13 =	sadd.s32 s6, s12;
	s4 =	sor.u32 s15, s16  }
0xb: {  	s17 =	sshrl.u32 s11, $0x3;
	s11 =	sadd.s32 $0x32000, s9;
	s15 =	sadd.s32 $0x96000, s9  }
0xc: {  	s20 =	sshrl.u32 s13, $0x3;
	s16 =	sadd.s32 $0xC8000, s9;
	s13 =	sshrl.u32 s10, $0x3  }
0xd: {  	s8 =	sadd.s32 s7, s17;
	s19 =	sadd.s32 s6, s11;
	s21 =	sadd.s32 s6, s15  }
0xe: {  	s23 =	sadd.s32 s6, s16;
	s17 =	sadd.s32 $0xFA000, s9;
	[dreg:$0x3] =	wrdreg s8  }
0xf: {  	s8 =	sshrl.u32 s19, $0x3;
	s22 =	sshrl.u32 s21, $0x3;
	s19 =	smul.u32 $0x3200, s14  }
0x10: {  	s24 =	sadd.s32 s6, s17;
	s21 =	smul.u32 $0x186A, s18;
	s8 =	sadd.s32 s7, s8  }
0x11: {  	[dreg:$0x4] =	wrdreg s8;
	s8 =	sadd.s32 s7, s20;
	s20 =	sadd.s32 $0x12C000, s9  }
0x12: {  	[dreg:$0x5] =	wrdreg s8;
	s8 =	sadd.s32 s7, s22;
	s25 =	sadd.s32 s6, s20  }
0x13: {  	s6 =	sadd.s32 s6, s19;
	[dreg:$0x6] =	wrdreg s8;
	s8 =	sshrl.u32 s23, $0x3  }
0x14: {  	s14 =	sadd.s32 $0x1C46C00, s0;
	s6 =	sshrl.u32 s6, $0x3;
	s8 =	sadd.s32 s7, s8  }
0x15: {  	s26 =	sshrl.u32 s25, $0x3;
	s6 =	sadd.s32 s7, s6;
	[dreg:$0x7] =	wrdreg s8  }
0x16: {  	s8 =	sshrl.u32 s24, $0x3;
	[dreg:$0xa] =	wrdreg s6;
	s24 =	sshrl.u32 s2, $0x3  }
0x17: {  	s6 =	smax.u32 s5, $0x1;
	s5 =	simm.s32 $0x3;
	s8 =	sadd.s32 s7, s8  }
0x18: {  	s25 =	sadd.s32 s14, s24;
	[dreg:$0x8] =	wrdreg s8;
	s8 =	sadd.s32 s7, s26  }
0x19: {  	s26 =	sshrl.u32 s4, $0x3;
	[dreg:$0x9] =	wrdreg s8;
	s8 =	sadd.s32 $0x24600, s0  }
0x1a: {  	s3 =	sadd.s32 s8, s3;
	s22 =	sadd.s32 s8, s13;
	s13 =	rddreg [dreg:$0x1]  }
0x1b: {  	s4 =	simm.s32 $0x1;
	s0 =	sadd.s32 $0x6F400, s0;
	[dreg:$0xb] =	wrdreg s3  }
0x1c: {  	s23 =	sadd.s32 s21, s8;
	s21 =	sadd.s32 $0x6400, s2;
	[dreg:$0xc] =	wrdreg s22  }
0x1d: {  	s7 =	sadd.s32 s9, s13;
	s8 =	sadd.s32 s11, s13;
	s10 =	sadd.s32 s12, s13  }
0x1e: {  	s12 =	sadd.s32 s15, s13;
	s16 =	sadd.s32 s16, s13;
	s17 =	sadd.s32 s17, s13  }
0x1f: {  	s22 =	sadd.s32 s20, s13;
	s11 =	sadd.s32 s19, s13;
	s9 =	sshrl.u32 s21, $0x3  }
0x20: {  	s15 =	sadd.s32 $0xC800, s2;
	_ =	strace $0x8000004A;
	[dreg:$0xd] =	wrdreg s0  }
0x21: {  	s20 =	sadd.s32 $0x32, s23;
	s2 =	simm.s32 $0xC8;
	[dreg:$0xe] =	wrdreg s25  }
0x22: {  	s3 =	simm.s32 $0x1A90;
	[dreg:$0xf] =	wrdreg s6;
	s0 =	sadd.s32 s14, s26  }
0x23: {  	s21 =	sadd.s32 s9, s14;
	s23 =	sshrl.u32 s8, $0x3;
	s24 =	sshrl.u32 s10, $0x3  }
0x24: {  	s25 =	sshrl.u32 s12, $0x3;
	s26 =	sshrl.u32 s16, $0x3;
	s28 =	sshrl.u32 s17, $0x3  }
0x25: {  	s29 =	sshrl.u32 s22, $0x3;
	s30 =	sshrl.u32 @!p0 s11, $0x3;
	s10 =	simm.s32 $0x80  }
0x26: {  	s6 =	simm.s32 $0x6;
	s8 =	simm.s32 $0x4;
	s9 =	simm.s32 $0x5  }
0x27: {  	s11 =	simm.s32 $0x0;
	[dreg:$0x10] =	wrdreg s0;
	s0 =	sshrl.u32 s7, $0x3  }
0x28: {  	s7 =	simm.s32 $0x2;
	[dreg:$0x11] =	wrdreg s0;
	s0 =	simm.s32 $0x190  }
.LBB2_1:
0x29: {  	s12 =	sshrl.u32 @!p1 s13, $0x3;
	s16 =	simm.s32 @!p1 $0x1C05;
	s17 =	rddreg [dreg:$0xd]  }
0x2a: {  	[spmem:s12], [sflag:s16] =	dma.local @!p1 [hbm:s17], $0x30D40  }
0x2b: {  	s12 =	simm.s32 @!p1 $0x5  }
0x2c: {  	_ =	swait.ge @!p1 [sflag:s12], $0x30D40  }
0x2d: {  	[sflag:s12] =	ssyncset.done @!p1 $0x0  }
0x2e: {  	[sflag:s12] =	ssyncadd.s32 @!p1 $0xFFFCF2C0  }
0x2f: {  	[bflag:$0x0] =	sbarrier.arrive $0xFFFF  }
0x30: {  	s16 =	rddreg [dreg:$0xb]  }
0x31: {  	[tilespmem:s1], [sflag:$0x1] =	stream.linear.gather [hbm4b:s16+s1], $0xC8, $0x38;
	[tilespmem:$0x1BA30] =	vst v63  }
0x32: {  	s17 =	rddreg [dreg:$0xe]  }
0x33: {  	[tilespmem:s0], [sflag:$0x3] =	stream.strided.gather [hbm4b:s17+s31], $0x1900, s10, s31, $0x38;
	[tilespmem:$0x1BA30] =	vst v63  }
0x34: {  	s18 =	sadd.s32 $0xFFFFFFE7, s20  }
0x35: {  	[tilespmem:s2], [sflag:$0x2] =	stream.linear.gather [hbm4b:s18+s1], $0xC8, $0x38;
	[tilespmem:$0x1BA30] =	vst v63  }
0x36: {  	s19 =	sadd.s32 $0x0, s21  }
0x37: {  	[tilespmem:s3], [sflag:$0x4] =	stream.strided.gather [hbm4b:s19+s31], $0x1900, s10, s31, $0x38;
	[tilespmem:$0x1BA30] =	vst v63  }
0x38: {  	_ =	swait.ge [sflag:s4], $0xC8  }
0x39: {  	[sflag:s4] =	ssyncset.done $0x0  }
0x3a: {  	[sflag:s4] =	ssyncadd.s32 $0xFFFFFF38  }
0x3b: {  	_ =	swait.ge [sflag:s5], $0x1900  }
0x3c: {  	[sflag:s5] =	ssyncset.done $0x0  }
0x3d: {  	[sflag:s5] =	ssyncadd.s32 $0xFFFFE700  }
0x3e: {  	[spmem:s13] =	stream.indirect.scatter.add.f32 [tilespmem:s0], [sflag:$0x6], $0x20, s1, s2, $0xb8;
	[tilespmem:$0x1BA30] =	vst v63  }
0x3f: {  	_ =	swait.ge [sflag:s6], $0x1900  }
0x40: {  	[sflag:s6] =	ssyncset.done $0x0  }
0x41: {  	s22 =	sshrl.u32 s15, $0x3;
	[sflag:s6] =	ssyncadd.s32 $0xFFFFE700  }
0x42: {  	[tilespmem:s1], [sflag:$0x1] =	stream.linear.gather [hbm4b:s20+s1], $0xC8, $0x38;
	[tilespmem:$0x1BA30] =	vst v63  }
0x43: {  	s12 =	sadd.s32 s14, s22  }
0x44: {  	[tilespmem:s0], [sflag:$0x3] =	stream.strided.gather [hbm4b:s12+s31], $0x1900, s10, s31, $0x38;
	[tilespmem:$0x1BA30] =	vst v63  }
0x45: {  	_ =	swait.ge [sflag:s7], $0xC8  }
0x46: {  	[sflag:s7] =	ssyncset.done $0x0  }
0x47: {  	[sflag:s7] =	ssyncadd.s32 $0xFFFFFF38  }
0x48: {  	_ =	swait.ge [sflag:s8], $0x1900  }
0x49: {  	[sflag:s8] =	ssyncset.done $0x0  }
0x4a: {  	[sflag:s8] =	ssyncadd.s32 $0xFFFFE700  }
0x4b: {  	[spmem:s13] =	stream.indirect.scatter.add.f32 [tilespmem:s3], [sflag:$0x5], $0x20, s2, s2, $0xb8;
	[tilespmem:$0x1BA30] =	vst v63  }
0x4c: {  	s16 =	simm.s32 $0x1900;
	s17 =	simm.s32 $0x3200;
	_ =	swait.ge [sflag:s9], $0x1900  }
0x4d: {  	s19 =	smov.u32 s15;
	s12 =	sadd.s32 $0x32, s20;
	[sflag:s9] =	ssyncset.done $0x0  }
.LBB2_2:
0x4e: {  	s18 =	sadd.s32 $0xFFFFFFE7, s12  }
0x4f: {  	[sflag:s9] =	ssyncadd.s32 $0xFFFFE700;
	s19 =	sadd.s32 $0xC800, s19;
	s22 =	smov.u32 s17  }
0x50: {  	[tilespmem:s2], [sflag:$0x2] =	stream.linear.gather [hbm4b:s18+s1], $0xC8, $0x38;
	[tilespmem:$0x1BA30] =	vst v63  }
0x51: {  	p2 =	sne.s32 s17, $0xC0300;
	s17 =	sadd.s32 $0x1900, s17;
	s16 =	sadd.s32 s16, s21  }
0x52: {  	[tilespmem:s3], [sflag:$0x4] =	stream.strided.gather [hbm4b:s16+s31], $0x1900, s10, s31, $0x38;
	[tilespmem:$0x1BA30] =	vst v63  }
0x53: {  	s16 =	smov.u32 s22;
	_ =	swait.ge [sflag:s4], $0xC8  }
0x54: {  	[sflag:s4] =	ssyncset.done $0x0  }
0x55: {  	[sflag:s4] =	ssyncadd.s32 $0xFFFFFF38  }
0x56: {  	_ =	swait.ge [sflag:s5], $0x1900  }
0x57: {  	[sflag:s5] =	ssyncset.done $0x0  }
0x58: {  	[sflag:s5] =	ssyncadd.s32 $0xFFFFE700  }
0x59: {  	[spmem:s13] =	stream.indirect.scatter.add.f32 [tilespmem:s0], [sflag:$0x6], $0x20, s1, s2, $0xb8;
	[tilespmem:$0x1BA30] =	vst v63  }
0x5a: {  	_ =	swait.ge [sflag:s6], $0x1900  }
0x5b: {  	[sflag:s6] =	ssyncset.done $0x0  }
0x5c: {  	s18 =	sshrl.u32 s19, $0x3;
	[sflag:s6] =	ssyncadd.s32 $0xFFFFE700  }
0x5d: {  	[tilespmem:s1], [sflag:$0x1] =	stream.linear.gather [hbm4b:s12+s1], $0xC8, $0x38;
	[tilespmem:$0x1BA30] =	vst v63  }
0x5e: {  	s18 =	sadd.s32 s14, s18  }
0x5f: {  	[tilespmem:s0], [sflag:$0x3] =	stream.strided.gather [hbm4b:s18+s31], $0x1900, s10, s31, $0x38;
	[tilespmem:$0x1BA30] =	vst v63  }
0x60: {  	_ =	swait.ge [sflag:s7], $0xC8  }
0x61: {  	[sflag:s7] =	ssyncset.done $0x0  }
0x62: {  	[sflag:s7] =	ssyncadd.s32 $0xFFFFFF38  }
0x63: {  	_ =	swait.ge [sflag:s8], $0x1900  }
.Ltmp0:
0x64: {  	[sflag:s8] =	ssyncset.done $0x0;
	(pc) =	sbr.rel @p2 .LBB2_2-.Ltmp0, $4  }
0x65: {  	[sflag:s8] =	ssyncadd.s32 $0xFFFFE700  }
0x66: {  	[spmem:s13] =	stream.indirect.scatter.add.f32 [tilespmem:s3], [sflag:$0x5], $0x20, s2, s2, $0xb8;
	[tilespmem:$0x1BA30] =	vst v63  }
0x67: {  	_ =	swait.ge [sflag:s9], $0x1900  }
0x68: {  	s12 =	sadd.s32 $0x32, s12;
	[sflag:s9] =	ssyncset.done $0x0  }
0x69: {  	s17 =	sadd.s32 $0xFFFFFFE7, s12;
	[sflag:s9] =	ssyncadd.s32 $0xFFFFE700  }
0x6a: {  	[tilespmem:s2], [sflag:$0x2] =	stream.linear.gather [hbm4b:s17+s1], $0xC8, $0x38;
	[tilespmem:$0x1BA30] =	vst v63  }
0x6b: {  	s16 =	sadd.s32 s16, s21  }
0x6c: {  	[tilespmem:s3], [sflag:$0x4] =	stream.strided.gather [hbm4b:s16+s31], $0x1900, s10, s31, $0x38;
	[tilespmem:$0x1BA30] =	vst v63  }
0x6d: {  	_ =	swait.ge [sflag:s4], $0xC8  }
0x6e: {  	[sflag:s4] =	ssyncset.done $0x0  }
0x6f: {  	[sflag:s4] =	ssyncadd.s32 $0xFFFFFF38  }
0x70: {  	_ =	swait.ge [sflag:s5], $0x1900  }
0x71: {  	[sflag:s5] =	ssyncset.done $0x0  }
0x72: {  	[sflag:s5] =	ssyncadd.s32 $0xFFFFE700  }
0x73: {  	[spmem:s13] =	stream.indirect.scatter.add.f32 [tilespmem:s0], [sflag:$0x6], $0x20, s1, s2, $0xb8;
	[tilespmem:$0x1BA30] =	vst v63  }
0x74: {  	_ =	swait.ge [sflag:s6], $0x1900  }
0x75: {  	[sflag:s6] =	ssyncset.done $0x0  }
0x76: {  	s22 =	sadd.s32 $0xC800, s19;
	[sflag:s6] =	ssyncadd.s32 $0xFFFFE700  }
0x77: {  	[tilespmem:s1], [sflag:$0x1] =	stream.linear.gather [hbm4b:s12+s1], $0xC8, $0x38;
	[tilespmem:$0x1BA30] =	vst v63  }
0x78: {  	s12 =	sshrl.u32 s22, $0x3  }
0x79: {  	s12 =	sadd.s32 s14, s12  }
0x7a: {  	[tilespmem:s0], [sflag:$0x3] =	stream.strided.gather [hbm4b:s12+s31], $0x1900, s10, s31, $0x38;
	[tilespmem:$0x1BA30] =	vst v63  }
0x7b: {  	_ =	swait.ge [sflag:s7], $0xC8  }
0x7c: {  	[sflag:s7] =	ssyncset.done $0x0  }
0x7d: {  	[sflag:s7] =	ssyncadd.s32 $0xFFFFFF38  }
0x7e: {  	_ =	swait.ge [sflag:s8], $0x1900  }
0x7f: {  	[sflag:s8] =	ssyncset.done $0x0  }
0x80: {  	[sflag:s8] =	ssyncadd.s32 $0xFFFFE700  }
0x81: {  	[spmem:s13] =	stream.indirect.scatter.add.f32 [tilespmem:s3], [sflag:$0x5], $0x20, s2, s2, $0xb8;
	[tilespmem:$0x1BA30] =	vst v63  }
0x82: {  	_ =	swait.ge [sflag:s9], $0x1900  }
0x83: {  	[sflag:s9] =	ssyncset.done $0x0  }
0x84: {  	s16 =	rddreg [dreg:$0xc];
	[sflag:s9] =	ssyncadd.s32 $0xFFFFE700  }
0x85: {  	[tilespmem:s2], [sflag:$0x2] =	stream.linear.gather [hbm4b:s16+s1], $0xC8, $0x38;
	[tilespmem:$0x1BA30] =	vst v63  }
0x86: {  	s17 =	rddreg [dreg:$0x10]  }
0x87: {  	[tilespmem:s3], [sflag:$0x4] =	stream.strided.gather [hbm4b:s17+s31], $0x1900, s10, s31, $0x38;
	[tilespmem:$0x1BA30] =	vst v63  }
0x88: {  	_ =	swait.ge [sflag:s4], $0xC8  }
0x89: {  	[sflag:s4] =	ssyncset.done $0x0  }
0x8a: {  	[sflag:s4] =	ssyncadd.s32 $0xFFFFFF38  }
0x8b: {  	_ =	swait.ge [sflag:s5], $0x1900  }
0x8c: {  	[sflag:s5] =	ssyncset.done $0x0  }
0x8d: {  	[sflag:s5] =	ssyncadd.s32 $0xFFFFE700  }
0x8e: {  	[spmem:s13] =	stream.indirect.scatter.add.f32 [tilespmem:s0], [sflag:$0x6], $0x20, s1, s2, $0xb8;
	[tilespmem:$0x1BA30] =	vst v63  }
0x8f: {  	_ =	swait.ge [sflag:s6], $0x1900  }
0x90: {  	[sflag:s6] =	ssyncset.done $0x0  }
0x91: {  	[sflag:s6] =	ssyncadd.s32 $0xFFFFE700  }
0x92: {  	_ =	swait.ge [sflag:s7], $0xC8  }
0x93: {  	[sflag:s7] =	ssyncset.done $0x0  }
0x94: {  	[sflag:s7] =	ssyncadd.s32 $0xFFFFFF38  }
0x95: {  	_ =	swait.ge [sflag:s8], $0x1900  }
0x96: {  	[sflag:s8] =	ssyncset.done $0x0  }
0x97: {  	[sflag:s8] =	ssyncadd.s32 $0xFFFFE700  }
0x98: {  	[spmem:s13] =	stream.indirect.scatter.add.f32 [tilespmem:s3], [sflag:$0x5], $0x20, s2, s2, $0xb8;
	[tilespmem:$0x1BA30] =	vst v63  }
0x99: {  	_ =	swait.ge [sflag:s9], $0x1900  }
0x9a: {  	[sflag:s9] =	ssyncset.done $0x0  }
0x9b: {  	[sflag:s9] =	ssyncadd.s32 $0xFFFFE700  }
0x9c: {  	s18 =	stileid.u32;
	[bflag:$0x0] =	sbarrier.arrive $0xFFFF  }
0x9d: {  	s12 =	sshll.u32 s18, $0x6;
	s19 =	rddreg [dreg:$0x3]  }
0x9e: {  	s12 =	sor.u32 $0x1C05, s12;
	s22 =	rddreg [dreg:$0x11]  }
0x9f: {  	[hbm:s19], [sflag:s12] =	dma.local [spmem:s22], $0x640  }
0xa0: {  	_ =	swait.ge [sflag:s9], $0x640  }
0xa1: {  	[sflag:s9] =	ssyncset.done $0x0  }
0xa2: {  	s18 =	rddreg [dreg:$0x4];
	[sflag:s9] =	ssyncadd.s32 $0xFFFFF9C0  }
0xa3: {  	[hbm:s18], [sflag:s12] =	dma.local [spmem:s23], $0x640  }
0xa4: {  	_ =	swait.ge [sflag:s9], $0x640  }
0xa5: {  	[sflag:s9] =	ssyncset.done $0x0  }
0xa6: {  	s19 =	rddreg [dreg:$0x5];
	[sflag:s9] =	ssyncadd.s32 $0xFFFFF9C0  }
0xa7: {  	[hbm:s19], [sflag:s12] =	dma.local [spmem:s24], $0x640  }
0xa8: {  	_ =	swait.ge [sflag:s9], $0x640  }
0xa9: {  	[sflag:s9] =	ssyncset.done $0x0  }
0xaa: {  	s22 =	rddreg [dreg:$0x6];
	[sflag:s9] =	ssyncadd.s32 $0xFFFFF9C0  }
0xab: {  	[hbm:s22], [sflag:s12] =	dma.local [spmem:s25], $0x640  }
0xac: {  	_ =	swait.ge [sflag:s9], $0x640  }
0xad: {  	[sflag:s9] =	ssyncset.done $0x0  }
0xae: {  	s17 =	rddreg [dreg:$0x7];
	[sflag:s9] =	ssyncadd.s32 $0xFFFFF9C0  }
0xaf: {  	[hbm:s17], [sflag:s12] =	dma.local [spmem:s26], $0x640  }
0xb0: {  	_ =	swait.ge [sflag:s9], $0x640  }
0xb1: {  	[sflag:s9] =	ssyncset.done $0x0  }
0xb2: {  	s18 =	rddreg [dreg:$0x8];
	[sflag:s9] =	ssyncadd.s32 $0xFFFFF9C0  }
0xb3: {  	[hbm:s18], [sflag:s12] =	dma.local [spmem:s28], $0x640  }
0xb4: {  	_ =	swait.ge [sflag:s9], $0x640  }
0xb5: {  	[sflag:s9] =	ssyncset.done $0x0  }
0xb6: {  	s19 =	rddreg [dreg:$0x9];
	[sflag:s9] =	ssyncadd.s32 $0xFFFFF9C0  }
0xb7: {  	[hbm:s19], [sflag:s12] =	dma.local [spmem:s29], $0x640  }
0xb8: {  	_ =	swait.ge [sflag:s9], $0x640  }
0xb9: {  	[sflag:s9] =	ssyncset.done $0x0  }
0xba: {  	s16 =	rddreg [dreg:$0xa];
	[sflag:s9] =	ssyncadd.s32 $0xFFFFF9C0  }
0xbb: {  	[hbm:s16], [sflag:s12] =	dma.local @!p0 [spmem:s30], $0x640  }
0xbc: {  	s12 =	simm.s32 @!p0 $0x5  }
0xbd: {  	_ =	swait.ge @!p0 [sflag:s12], $0x640  }
0xbe: {  	s11 =	sadd.s32 $0x1, s11;
	s22 =	rddreg [dreg:$0xf]  }
0xbf: {  	p2 =	sne.s32 s11, s22  }
.Ltmp1:
0xc0: {  	_ = 	snop;
	(pc) =	sbr.rel @p2 .LBB2_1-.Ltmp1, $3  }
0xc1: {  	_ =	sdelay $0x1  }
0xc2: {  	[sflag:s12] =	ssyncset.done @!p0 $0x0  }
0xc3: {  	[sflag:s12] =	ssyncadd.s32 @!p0 $0xFFFFF9C0  }
0xc4: {  	_ =	sfence.sel $0x180000  }
0xc5: {  	[bflag:$0x0] =	sbarrier.arrive $0xFFFF  }
0xc6: {  	_ =	strace $0x9000004A  }
0xc7: {  	[bflag:$0x2] =	sbarrier.arrive $0xFFFF  }
0xc8: {  	s0 =	rddreg [dreg:$0x2]  }
0xc9: {  	s0 =	sadd.s32 @!p1 $0x100000, s0  }
0xca: {  	[sflag:s0] =	ssyncadd.tile.s32 @!p1 $0x1;
	_ =	shalt  }
.Lfunc_end2:
_tile_overlayer_lowered:
.L_overlay_start_2:
0xcb: {  	(tag) =	ssettag $0x2  }
0xcc: {  	s0 =	rddreg [dreg:$0x0];
	s2 =	stileid.u32  }
0xcd: {  	s1 =	rddreg [dreg:$0x1];
	p0 =	sne.s32 s2, $0x0  }
0xce: {  	s3 =	rddreg [dreg:$0x2];
	[bflag:$0x3] =	sbarrier.arrive $0xFFFF;
	s2 =	simm.s32 @!p0 $0x1C05  }
0xcf: {  	[timem:s3], [sflag:s2] =	dma.local @!p0 [hbm:s0], s1  }
0xd0: {  	s0 =	simm.s32 @!p0 $0x5  }
0xd1: {  	_ =	swait.ge @!p0 [sflag:s0], s1  }
0xd2: {  	s1 =	ssub.s32 @!p0 $0x0, s1;
	[sflag:s0] =	ssyncset.done @!p0 $0x0  }
0xd3: {  	[sflag:s0] =	ssyncadd.s32 @!p0 s1  }
0xd4: {  	[bflag:$0x3] =	sbarrier.arrive $0xFFFF  }
0xd5: {  	_ =	shalt  }

// kernel: kernel.30.cloned.1.call-start
scs
__scs_entry_jumppad:
0x0: {  	(pc) =	sbr.rel $0x88, $3  }
0x1: {  	(tag) =	ssettag $0x0;
	lr =	simm.s32 $0x1  }
0x2: {  	[smem:$0x3F87] =	sst lr;
	_ =	strace $0xD0000000  }
0x3: {  	_ = 	snop  }
0x4: {  	_ = 	snop  }
0x5: {  	_ = 	snop  }
0x6: {  	_ = 	snop  }
0x7: {  	_ = 	snop  }
__scs_overlays_trampoline_lowered:
0x8: {  	[smem:$0x3F96] =	sst s0  }
0x9: {  	[smem:$0x3F97] =	sst s1  }
0xa: {  	[smem:$0x3F98] =	sst s2  }
0xb: {  	[smem:$0x3F99] =	sst s3  }
0xc: {  	[smem:$0x3F9A] =	sst s4  }
0xd: {  	[smem:$0x3F9B] =	sst s5  }
0xe: {  	[smem:$0x3F9C] =	sst s6  }
0xf: {  	[smem:$0x3F9D] =	sst s7  }
0x10: {  	[smem:$0x3F9E] =	sst s8  }
0x11: {  	[smem:$0x3F9F] =	sst s9;
	s0 =	simm.s32 @!p0 $0x0  }
0x12: {  	s1 =	sld [smem:$0x3F85];
	s0 =	simm.s32 @p0 $0x1  }
0x13: {  	[smem:$0x3FA0] =	sst s0;
	s0 =	simm.s32 @!p1 $0x0  }
0x14: {  	s2 =	sld [smem:$0x3F84];
	s0 =	simm.s32 @p1 $0x1  }
0x15: {  	[smem:$0x3FA1] =	sst s0;
	s0 =	simm.s32 @!p2 $0x0  }
0x16: {  	s3 =	sld [smem:$0x3FDB];
	s0 =	simm.s32 @p2 $0x1  }
0x17: {  	s4 =	simm.s32 $0x1BF5;
	[smem:$0x3FA3] =	sst s0  }
0x18: {  	s0 =	sld [smem:$0x3F86];
	_ =	swait.ge [sflag:s4], $0x0  }
0x19: {  	s7 =	sld [smem:$0x3F87]  }
0x1a: {  	s8 =	sadd.s32 $0xFFFFE003, lr  }
0x1b: {  	s9 =	sadd.s32 $0xFFFFFEF7, lr;
	s5 =	simm.s32 $0xFFFFFFFF;
	p2 =	slt.u32 s8, $0xFFFFF086  }
0x1c: {  	p1 =	slt.u32 s9, $0xF7A;
	s5 =	simm.s32 @!p2 $0x0  }
0x1d: {  	s5 =	simm.s32 @p1 $0x1;
	p0 =	seq.s32 s7, s2  }
0x1e: {  	s7 =	smul.u32 @!p0 $0xF7A, s2;
	p2 =	seq.s32 @!p0 s5, $0x0  }
0x1f: {  	s9 =	smul.u32 $0xF7A, s1;
	s8 =	simm.s32 @!p0 $0x1BF5;
	p2 =	por !p2, p0  }
0x20: {  	[sflag:s8] =	ssyncset.s32 @!p0 $0xFFFFF086;
	s6 =	sadd.s32 @!p0 s3, s7;
	s7 =	simm.s32 @!p0 $0x108  }
0x21: {  	s3 =	sadd.s32 s3, s9;
	s6 =	sadd.s32 @!p0 $0x88, s6;
	s7 =	simm.s32 @p2 $0x1082  }
0x22: {  	[simem:s7], [sflag:s8] =	dma.local @!p0 [hbm:s6], $0xF7A  }
0x23: {  	s9 =	sor.u32 $0xD0000000, s2;
	s6 =	simm.s32 $0x108;
	_ =	swait.ge @!p0 [sflag:s8], $0x0  }
0x24: {  	s3 =	sadd.s32 $0x88, s3;
	s6 =	simm.s32 @!p1 $0x1082;
	[sflag:s4] =	ssyncset.s32 $0xFFFFF086  }
0x25: {  	[simem:s6], [sflag:s4] =	dma.local [hbm:s3], $0xF7A  }
0x26: {  	[smem:$0x3F87] =	sst s1;
	(tag) =	ssettag s2;
	_ =	strace s9  }
0x27: {  	s1 =	sld [smem:$0x3F97]  }
0x28: {  	s2 =	sld [smem:$0x3F98]  }
0x29: {  	s4 =	sld [smem:$0x3F9A]  }
0x2a: {  	p0 =	seq.s32 s5, $0x0;
	s5 =	sld [smem:$0x3F9B]  }
0x2b: {  	s6 =	sld [smem:$0x3F9C]  }
0x2c: {  	s7 =	sld [smem:$0x3F9D]  }
0x2d: {  	s3 =	simm.s32 $0x108;
	s8 =	sld [smem:$0x3F9E]  }
0x2e: {  	s3 =	simm.s32 @!p0 $0x1082;
	s9 =	sld [smem:$0x3F9F]  }
0x2f: {  	lr =	sadd.s32 s0, s3;
	s0 =	sld [smem:$0x3F96]  }
0x30: {  	s3 =	sld [smem:$0x3F99]  }
0x31: {  	[smem:$0x3FA2] =	sst s10  }
0x32: {  	s10 =	sld [smem:$0x3FA0];
	_ =	sdelay $0x3  }
0x33: {  	p0 =	seq.s32 s10, $0x1;
	s10 =	sld [smem:$0x3FA2];
	_ =	sdelay $0x3  }
0x34: {  	[smem:$0x3FA2] =	sst s10  }
0x35: {  	s10 =	sld [smem:$0x3FA1];
	_ =	sdelay $0x3  }
0x36: {  	p1 =	seq.s32 s10, $0x1;
	s10 =	sld [smem:$0x3FA2];
	_ =	sdelay $0x3  }
0x37: {  	[smem:$0x3FA2] =	sst s10  }
0x38: {  	s10 =	sld [smem:$0x3FA3]  }
0x39: {  	_ = 	snop;
	(pc) =	sbr.ind lr, $3  }
0x3a: {  	_ = 	snop  }
0x3b: {  	_ = 	snop  }
0x3c: {  	p2 =	seq.s32 s10, $0x1;
	s10 =	sld [smem:$0x3FA2]  }
0x3d: {  	_ =	shalt  }
0x3e: {  	_ =	shalt  }
0x3f: {  	_ =	shalt  }
0x40: {  	_ =	shalt  }
0x41: {  	_ =	shalt  }
0x42: {  	_ =	shalt  }
0x43: {  	_ =	shalt  }
0x44: {  	_ =	shalt  }
0x45: {  	_ =	shalt  }
0x46: {  	_ =	shalt  }
0x47: {  	_ =	shalt  }
0x48: {  	_ =	shalt  }
0x49: {  	_ =	shalt  }
0x4a: {  	_ =	shalt  }
0x4b: {  	_ =	shalt  }
0x4c: {  	_ =	shalt  }
0x4d: {  	_ =	shalt  }
0x4e: {  	_ =	shalt  }
0x4f: {  	_ =	shalt  }
0x50: {  	_ =	shalt  }
0x51: {  	_ =	shalt  }
0x52: {  	_ =	shalt  }
0x53: {  	_ =	shalt  }
0x54: {  	_ =	shalt  }
0x55: {  	_ =	shalt  }
0x56: {  	_ =	shalt  }
0x57: {  	_ =	shalt  }
0x58: {  	_ =	shalt  }
0x59: {  	_ =	shalt  }
0x5a: {  	_ =	shalt  }
0x5b: {  	_ =	shalt  }
0x5c: {  	_ =	shalt  }
0x5d: {  	_ =	shalt  }
0x5e: {  	_ =	shalt  }
0x5f: {  	_ =	shalt  }
0x60: {  	_ =	shalt  }
0x61: {  	_ =	shalt  }
0x62: {  	_ =	shalt  }
0x63: {  	_ =	shalt  }
0x64: {  	_ =	shalt  }
0x65: {  	_ =	shalt  }
0x66: {  	_ =	shalt  }
0x67: {  	_ =	shalt  }
0x68: {  	_ =	shalt  }
0x69: {  	_ =	shalt  }
0x6a: {  	_ =	shalt  }
0x6b: {  	_ =	shalt  }
0x6c: {  	_ =	shalt  }
0x6d: {  	_ =	shalt  }
0x6e: {  	_ =	shalt  }
0x6f: {  	_ =	shalt  }
0x70: {  	_ =	shalt  }
0x71: {  	_ =	shalt  }
0x72: {  	_ =	shalt  }
0x73: {  	_ =	shalt  }
0x74: {  	_ =	shalt  }
0x75: {  	_ =	shalt  }
0x76: {  	_ =	shalt  }
0x77: {  	_ =	shalt  }
0x78: {  	_ =	shalt  }
0x79: {  	_ =	shalt  }
0x7a: {  	_ =	shalt  }
0x7b: {  	_ =	shalt  }
0x7c: {  	_ =	shalt  }
0x7d: {  	_ =	shalt  }
0x7e: {  	_ =	shalt  }
0x7f: {  	_ =	shalt  }
0x80: {  	_ =	shalt  }
0x81: {  	_ =	shalt  }
0x82: {  	_ =	shalt  }
0x83: {  	_ =	shalt  }
0x84: {  	_ =	shalt  }
0x85: {  	_ =	shalt  }
0x86: {  	_ =	shalt  }
0x87: {  	_ =	shalt  }
.Lfunc_end0:
.L_simem_size_0:
called_computation.2_lowered:
.L_overlay_start_0:
0x88: {  	s2 =	sld [smem:$0x3FD9]  }
0x89: {  	s3 =	sld [smem:$0x3FFE];
	_ =	sdelay $0x1  }
0x8a: {  	s1 =	srdreg.scid  }
0x8b: {  	s0 =	sand.u32 $0x1, s1  }
0x8c: {  	s16 =	sshll.u32 s0, $0xA;
	s2 =	sadd.s32 s3, s2  }
0x8d: {  	s2 =	sadd.s32 s2, s16  }
0x8e: {  	[smem:$0x3FAE] =	sst s2  }
0x8f: {  	_ = 	snop  }
0x90: {  	(tm) =	ssettm $0x1  }
0x91: {  	s17 =	sld [smem:$0x3FFB];
	_ =	sdelay $0x3  }
0x92: {  	_ =	strace s17  }
0x93: {  	s2 =	sld [smem:$0x3FFC];
	_ =	sdelay $0x3  }
0x94: {  	_ =	strace s2  }
0x95: {  	s2 =	sld [smem:$0x3FFD];
	_ =	sdelay $0x3  }
0x96: {  	_ =	strace s2  }
0x97: {  	_ =	strace $0x8FFFFFFF  }
0x98: {  	s18 =	sld [smem:$0x3FDB];
	_ =	sdelay $0x1  }
0x99: {  	s19 =	simm.s32 $_scs_section_size  }
0x9a: {  	s4 =	simm.s32 $_size__tile_overlayer_lowered;
	s5 =	simm.s32 $_tile_overlayer_lowered  }
0x9b: {  	s22 =	simm.s32 $0x1BFF;
	s21 =	sshll.u32 s5, $0x1;
	s2 =	sadd.s32 s19, s18  }
0x9c: {  	s6 =	simm.s32 $0x0;
	s20 =	sshll.u32 s4, $0x1;
	s4 =	sadd.s32 s21, s2  }
0x9d: {  	[timem:s6], [sflag:s22] =	dma.local [hbm:s4], s20  }
0x9e: {  	_ =	swait.ge [sflag:s22], s20  }
0x9f: {  	s3 =	ssub.s32 $0x0, s20;
	[sflag:s22] =	ssyncset.done $0x0  }
0xa0: {  	[sflag:s22] =	ssyncadd.s32 s3;
	_ =	sdelay $0x1  }
0xa1: {  	s23 =	simm.s32 $0x1B8B  }
0xa2: {  	_ =	swait.ge [sflag:s23], $0x1  }
0xa3: {  	[sflag:s23] =	ssyncset.done $0x0  }
0xa4: {  	s25 =	simm.s32 $0x1B8E;
	s24 =	sld [smem:$0x3FFE];
	[sflag:s23] =	ssyncadd.s32 $0xFFFFFFFF  }
0xa5: {  	s26 =	simm.s32 $execute0_lowered;
	[smem:$0x3FD2] =	sst s25  }
0xa6: {  	s4 =	sshll.u32 s26, $0x1;
	_ =	strace $0x8000004C;
	[dreg:$0x1] =	wrdreg $0xFFFFFFFF  }
0xa7: {  	s28 =	simm.s32 $_size_execute0_lowered;
	s2 =	sadd.s32 s2, s4;
	[dreg:$0x0] =	wrdreg $0x0  }
0xa8: {  	s4 =	sshll.u32 s28, $0x1;
	[dreg:$0x2] =	wrdreg s2  }
0xa9: {  	[dreg:$0x3] =	wrdreg s4  }
0xaa: {  	[dreg:$0x4] =	wrdreg $0xC0  }
0xab: {  	_ =	task [dreg:s6], $0x5FFFF  }
0xac: {  	[dreg:$0x1] =	wrdreg $0xFFFFFFFF  }
0xad: {  	[dreg:$0x0] =	wrdreg $0x60  }
0xae: {  	[dreg:$0x2] =	wrdreg s24  }
0xaf: {  	[dreg:$0x3] =	wrdreg $0x9  }
0xb0: {  	_ =	task.clear_ibuf [dreg:s6], $0x4FFFF;
	_ =	strace $0x9000004C  }
0xb1: {  	s29 =	simm.s32 $0x9;
	_ =	strace $0x8000004E  }
0xb2: {  	_ =	swait.ge [sflag:s29], $0x1  }
0xb3: {  	[sflag:s29] =	ssyncadd.s32 $0xFFFFFFFF  }
0xb4: {  	_ =	strace $0x9000004E  }
0xb5: {  	_ =	sfence  }
0xb6: {  	s30 =	sld [smem:$0x0];
	_ =	sdelay $0x2  }
0xb7: {  	s31 =	sshll.u32 s1, $0xD;
	s1 =	sshrl.u32 s1, $0x2  }
0xb8: {  	s3 =	sand.u32 $0x4000, s31;
	s1 =	sadd.s32 s1, s30  }
0xb9: {  	s0 =	sor.u32 s3, s0;
	s1 =	sshll.u32 s1, $0x11  }
0xba: {  	s0 =	sor.u32 s1, s0  }
0xbb: {  	s0 =	sadd.s32 $0x8F2B, s0  }
0xbc: {  	[sflag:s0] =	ssyncadd.remote.s32 $0x1  }
0xbd: {  	_ =	sfence.sel $0xFFFF  }
0xbe: {  	[dreg:$0x0] =	wrdreg $0xFFFFFFFF;
	(pc) =	sbr.abs _section_cstart, $3  }
0xbf: {  	[dreg:$0x1] =	wrdreg $0xFFFFFFFF  }
0xc0: {  	_ =	task.clear_ibuf [dreg:s6], $0x2FFFF;
	_ =	strace $0x9FFFFFFF  }
0xc1: {  	(tm) =	ssettm $0x7FFFFFFF  }
tec
execute0_lowered:
.L_overlay_start_1:
0x0: {  	(tag) =	ssettag $0x1  }
0x1: {  	s0 =	rddreg [dreg:$0x0];
	s1 =	simm.s32 $0x0  }
0x2: {  	s2 =	srdreg.scid;
	s16 =	stileid.u32;
	s17 =	simm.s32 $0xC8  }
0x3: {  	s18 =	simm.s32 $0x400;
	s19 =	simm.s32 $0xCC00;
	s28 =	simm.s32 $0x4  }
0x4: {  	s29 =	simm.s32 $0x0;
	[smem:$0x7FF] =	sst s1;
	s3 =	sadd.s32 $0xA0200, s0  }
0x5: {  	s4 =	sadd.s32 $0x163800, s0;
	s2 =	sand.u32 $0x1, s2;
	s14 =	smul.u32 $0xC350, s16  }
0x6: {  	s7 =	sshll.u32 s16, $0x1;
	s5 =	sadd.s32 $0x24600, s0;
	s16 =	smul.u32 $0xC3500, s16  }
0x7: {  	s6 =	sadd.s32 $0xBE00, s0;
	s12 =	sadd.s32 $0x2EA400, s0;
	s15 =	smul.u32 $0x61A8, s2  }
0x8: {  	s7 =	sor.u32 s2, s7;
	s8 =	ssub.s32 $0x2, s2;
	s2 =	smul.u32 $0x61A80, s2  }
0x9: {  	s0 =	sadd.s32 $0xF1F400, s0;
	s9 =	smul.u32 $0x61A8, s7;
	s10 =	sshrl.u32 s8, $0x1  }
0xa: {  	_ =	strace $0x8000004D;
	s11 =	smul.u32 $0x30D400, s7;
	s13 =	ssub.s32 s8, s10  }
0xb: {  	s30 =	sadd.s32 s15, s14;
	s15 =	simm.s32 $0x5;
	s20 =	sshrl.u32 s9, $0x3  }
0xc: {  	s22 =	sshrl.u32 s11, $0x3;
	s11 =	smax.u32 s13, $0x1;
	s14 =	sadd.s32 $0xC8, s30  }
0xd: {  	s21 =	sadd.s32 s5, s20;
	s23 =	sadd.s32 s6, s20;
	s24 =	sadd.s32 $0x60E00, s22  }
0xe: {  	s31 =	sshrl.u32 s14, $0x3;
	s20 =	simm.s32 $0x100;
	[dreg:$0x4] =	wrdreg s21  }
0xf: {  	s22 =	simm.s32 $0x6800;
	[dreg:$0x5] =	wrdreg s23;
	s25 =	sadd.s32 s12, s24  }
0x10: {  	s26 =	sadd.s32 s0, s24;
	s12 =	sadd.s32 s16, s12;
	s0 =	sadd.s32 s16, s0  }
0x11: {  	s14 =	sadd.s32 s31, s5;
	s16 =	simm.s32 $0x200;
	s21 =	simm.s32 $0x300  }
0x12: {  	s23 =	simm.s32 $0x13000;
	s24 =	simm.s32 $0x1;
	[dreg:$0x6] =	wrdreg s25  }
0x13: {  	[dreg:$0x7] =	wrdreg s26;
	s12 =	sadd.s32 s2, s12;
	s2 =	sadd.s32 s2, s0  }
0x14: {  	s0 =	sadd.s32 $0x190, s30;
	s25 =	simm.s32 $0x3;
	[dreg:$0x2] =	wrdreg s12  }
0x15: {  	s26 =	simm.s32 $0x2;
	[dreg:$0x3] =	wrdreg s2;
	s2 =	sadd.s32 s31, s6  }
.LBB2_1:
0x16: {  	s7 =	rddreg [dreg:$0x4]  }
0x17: {  	[tilespmem:s1], [sflag:$0x5] =	stream.linear.gather [hbm4b:s7+s1], $0xC8, $0x38;
	[tilespmem:$0x19400] =	vst v63  }
0x18: {  	_ =	swait.ge [sflag:s15], $0xC8  }
0x19: {  	[sflag:s15] =	ssyncset.done $0x0  }
0x1a: {  	s12 =	rddreg [dreg:$0x5];
	[sflag:s15] =	ssyncadd.s32 $0xFFFFFF38  }
0x1b: {  	[tilespmem:s16], [sflag:$0x5] =	stream.linear.gather [hbm4b:s12+s1], $0xC8, $0x38;
	[tilespmem:$0x19400] =	vst v63  }
0x1c: {  	_ =	swait.ge [sflag:s15], $0xC8  }
0x1d: {  	[sflag:s15] =	ssyncset.done $0x0  }
0x1e: {  	[sflag:s15] =	ssyncadd.s32 $0xFFFFFF38  }
0x1f: {  	[tilespmem:s18], [sflag:$0x1] =	stream.indirect.gather [hbm4b:s3+s17], $0x80, s1, s17, $0xb8;
	[tilespmem:$0x19400] =	vst v63  }
0x20: {  	_ = 	snop  }
0x21: {  	[tilespmem:s19], [sflag:$0x3] =	stream.indirect.gather [hbm4b:s4+s17], $0x80, s16, s17, $0xb8;
	[tilespmem:$0x19400] =	vst v63  }
0x22: {  	_ = 	snop  }
0x23: {  	[tilespmem:s20], [sflag:$0x5] =	stream.linear.gather [hbm4b:s14+s1], $0xC8, $0x38;
	[tilespmem:$0x19400] =	vst v63  }
0x24: {  	_ =	swait.ge [sflag:s15], $0xC8  }
0x25: {  	[sflag:s15] =	ssyncset.done $0x0  }
0x26: {  	[sflag:s15] =	ssyncadd.s32 $0xFFFFFF38  }
0x27: {  	[tilespmem:s21], [sflag:$0x5] =	stream.linear.gather [hbm4b:s2+s1], $0xC8, $0x38;
	[tilespmem:$0x19400] =	vst v63  }
0x28: {  	_ =	swait.ge [sflag:s15], $0xC8  }
0x29: {  	[sflag:s15] =	ssyncset.done $0x0  }
0x2a: {  	[sflag:s15] =	ssyncadd.s32 $0xFFFFFF38  }
0x2b: {  	[tilespmem:s22], [sflag:$0x2] =	stream.indirect.gather [hbm4b:s3+s17], $0x80, s20, s17, $0xb8;
	[tilespmem:$0x19400] =	vst v63  }
0x2c: {  	_ = 	snop  }
0x2d: {  	[tilespmem:s23], [sflag:$0x4] =	stream.indirect.gather [hbm4b:s4+s17], $0x80, s21, s17, $0xb8;
	[tilespmem:$0x19400] =	vst v63  }
0x2e: {  	_ =	swait.ge [sflag:s24], $0x6400  }
0x2f: {  	[sflag:s24] =	ssyncset.done $0x0  }
0x30: {  	[sflag:s24] =	ssyncadd.s32 $0xFFFF9C00  }
0x31: {  	_ =	swait.ge [sflag:s25], $0x6400  }
0x32: {  	s12 =	rddreg [dreg:$0x2];
	[sflag:s25] =	ssyncset.done $0x0  }
0x33: {  	[sflag:s25] =	ssyncadd.s32 $0xFFFF9C00;
	s12 =	sadd.s32 $0x0, s12  }
0x34: {  	[hbm4b:s12+s1] =	stream.linear.scatter [tilespmem:s18], [sflag:$0x5], $0x6400, $0x38;
	[tilespmem:$0x19400] =	vst v63  }
0x35: {  	_ =	swait.ge [sflag:s15], $0x6400  }
0x36: {  	s13 =	rddreg [dreg:$0x3];
	[sflag:s15] =	ssyncset.done $0x0  }
0x37: {  	[sflag:s15] =	ssyncadd.s32 $0xFFFF9C00;
	s13 =	sadd.s32 $0x0, s13  }
0x38: {  	[hbm4b:s13+s1] =	stream.linear.scatter [tilespmem:s19], [sflag:$0x5], $0x6400, $0x38;
	[tilespmem:$0x19400] =	vst v63  }
0x39: {  	_ =	swait.ge [sflag:s15], $0x6400  }
0x3a: {  	s30 =	sshrl.u32 s0, $0x3;
	[sflag:s15] =	ssyncset.done $0x0  }
0x3b: {  	s31 =	sadd.s32 s5, s30;
	[sflag:s15] =	ssyncadd.s32 $0xFFFF9C00  }
0x3c: {  	[tilespmem:s1], [sflag:$0x5] =	stream.linear.gather [hbm4b:s31+s1], $0xC8, $0x38;
	[tilespmem:$0x19400] =	vst v63  }
0x3d: {  	_ =	swait.ge [sflag:s15], $0xC8  }
0x3e: {  	[sflag:s15] =	ssyncset.done $0x0  }
0x3f: {  	s30 =	sadd.s32 s6, s30;
	[sflag:s15] =	ssyncadd.s32 $0xFFFFFF38  }
0x40: {  	[tilespmem:s16], [sflag:$0x5] =	stream.linear.gather [hbm4b:s30+s1], $0xC8, $0x38;
	[tilespmem:$0x19400] =	vst v63  }
0x41: {  	_ =	swait.ge [sflag:s15], $0xC8  }
0x42: {  	[sflag:s15] =	ssyncset.done $0x0  }
0x43: {  	[sflag:s15] =	ssyncadd.s32 $0xFFFFFF38  }
0x44: {  	[tilespmem:s18], [sflag:$0x1] =	stream.indirect.gather [hbm4b:s3+s17], $0x80, s1, s17, $0xb8;
	[tilespmem:$0x19400] =	vst v63  }
0x45: {  	_ = 	snop  }
0x46: {  	[tilespmem:s19], [sflag:$0x3] =	stream.indirect.gather [hbm4b:s4+s17], $0x80, s16, s17, $0xb8;
	[tilespmem:$0x19400] =	vst v63  }
0x47: {  	_ =	swait.ge [sflag:s26], $0x6400  }
0x48: {  	[sflag:s26] =	ssyncset.done $0x0  }
0x49: {  	[sflag:s26] =	ssyncadd.s32 $0xFFFF9C00  }
0x4a: {  	_ =	swait.ge [sflag:s28], $0x6400  }
0x4b: {  	[sflag:s28] =	ssyncset.done $0x0  }
0x4c: {  	s12 =	sadd.s32 $0xC80, s12;
	[sflag:s28] =	ssyncadd.s32 $0xFFFF9C00  }
0x4d: {  	[hbm4b:s12+s1] =	stream.linear.scatter [tilespmem:s22], [sflag:$0x5], $0x6400, $0x38;
	[tilespmem:$0x19400] =	vst v63  }
0x4e: {  	_ =	swait.ge [sflag:s15], $0x6400  }
0x4f: {  	[sflag:s15] =	ssyncset.done $0x0  }
0x50: {  	s13 =	sadd.s32 $0xC80, s13;
	[sflag:s15] =	ssyncadd.s32 $0xFFFF9C00  }
0x51: {  	[hbm4b:s13+s1] =	stream.linear.scatter [tilespmem:s23], [sflag:$0x5], $0x6400, $0x38;
	[tilespmem:$0x19400] =	vst v63  }
0x52: {  	s31 =	sadd.s32 $0x32, s14;
	s30 =	simm.s32 $0x1900;
	_ =	swait.ge [sflag:s15], $0x6400  }
0x53: {  	s12 =	smov.u32 s0;
	s13 =	smov.u32 s2;
	[sflag:s15] =	ssyncset.done $0x0  }
.LBB2_2:
0x54: {  	[sflag:s15] =	ssyncadd.s32 $0xFFFF9C00  }
0x55: {  	[tilespmem:s20], [sflag:$0x5] =	stream.linear.gather [hbm4b:s31+s1], $0xC8, $0x38;
	[tilespmem:$0x19400] =	vst v63  }
0x56: {  	_ =	swait.ge [sflag:s15], $0xC8  }
0x57: {  	[sflag:s15] =	ssyncset.done $0x0  }
0x58: {  	s13 =	sadd.s32 $0x32, s13;
	[sflag:s15] =	ssyncadd.s32 $0xFFFFFF38  }
0x59: {  	[tilespmem:s21], [sflag:$0x5] =	stream.linear.gather [hbm4b:s13+s1], $0xC8, $0x38;
	[tilespmem:$0x19400] =	vst v63  }
0x5a: {  	_ =	swait.ge [sflag:s15], $0xC8  }
0x5b: {  	[sflag:s15] =	ssyncset.done $0x0  }
0x5c: {  	[sflag:s15] =	ssyncadd.s32 $0xFFFFFF38  }
0x5d: {  	[tilespmem:s22], [sflag:$0x2] =	stream.indirect.gather [hbm4b:s3+s17], $0x80, s20, s17, $0xb8;
	[tilespmem:$0x19400] =	vst v63  }
0x5e: {  	_ = 	snop  }
0x5f: {  	[tilespmem:s23], [sflag:$0x4] =	stream.indirect.gather [hbm4b:s4+s17], $0x80, s21, s17, $0xb8;
	[tilespmem:$0x19400] =	vst v63  }
0x60: {  	_ =	swait.ge [sflag:s24], $0x6400  }
0x61: {  	[sflag:s24] =	ssyncset.done $0x0  }
0x62: {  	[sflag:s24] =	ssyncadd.s32 $0xFFFF9C00  }
0x63: {  	_ =	swait.ge [sflag:s25], $0x6400  }
0x64: {  	s7 =	smov.u32 s30;
	s8 =	rddreg [dreg:$0x2];
	[sflag:s25] =	ssyncset.done $0x0  }
0x65: {  	[sflag:s25] =	ssyncadd.s32 $0xFFFF9C00;
	s8 =	sadd.s32 s7, s8  }
0x66: {  	[hbm4b:s8+s1] =	stream.linear.scatter [tilespmem:s18], [sflag:$0x5], $0x6400, $0x38;
	[tilespmem:$0x19400] =	vst v63  }
0x67: {  	_ =	swait.ge [sflag:s15], $0x6400  }
0x68: {  	s9 =	rddreg [dreg:$0x3];
	[sflag:s15] =	ssyncset.done $0x0  }
0x69: {  	[sflag:s15] =	ssyncadd.s32 $0xFFFF9C00;
	s7 =	sadd.s32 s7, s9  }
0x6a: {  	[hbm4b:s7+s1] =	stream.linear.scatter [tilespmem:s19], [sflag:$0x5], $0x6400, $0x38;
	[tilespmem:$0x19400] =	vst v63  }
0x6b: {  	s12 =	sadd.s32 $0x190, s12;
	_ =	swait.ge [sflag:s15], $0x6400  }
0x6c: {  	s9 =	sshrl.u32 s12, $0x3;
	[sflag:s15] =	ssyncset.done $0x0  }
0x6d: {  	s10 =	sadd.s32 s5, s9;
	[sflag:s15] =	ssyncadd.s32 $0xFFFF9C00  }
0x6e: {  	[tilespmem:s1], [sflag:$0x5] =	stream.linear.gather [hbm4b:s10+s1], $0xC8, $0x38;
	[tilespmem:$0x19400] =	vst v63  }
0x6f: {  	_ =	swait.ge [sflag:s15], $0xC8  }
0x70: {  	[sflag:s15] =	ssyncset.done $0x0  }
0x71: {  	s9 =	sadd.s32 s6, s9;
	[sflag:s15] =	ssyncadd.s32 $0xFFFFFF38  }
0x72: {  	[tilespmem:s16], [sflag:$0x5] =	stream.linear.gather [hbm4b:s9+s1], $0xC8, $0x38;
	[tilespmem:$0x19400] =	vst v63  }
0x73: {  	_ =	swait.ge [sflag:s15], $0xC8  }
0x74: {  	[sflag:s15] =	ssyncset.done $0x0  }
0x75: {  	[sflag:s15] =	ssyncadd.s32 $0xFFFFFF38  }
0x76: {  	[tilespmem:s18], [sflag:$0x1] =	stream.indirect.gather [hbm4b:s3+s17], $0x80, s1, s17, $0xb8;
	[tilespmem:$0x19400] =	vst v63  }
0x77: {  	_ = 	snop  }
0x78: {  	[tilespmem:s19], [sflag:$0x3] =	stream.indirect.gather [hbm4b:s4+s17], $0x80, s16, s17, $0xb8;
	[tilespmem:$0x19400] =	vst v63  }
0x79: {  	_ =	swait.ge [sflag:s26], $0x6400  }
0x7a: {  	[sflag:s26] =	ssyncset.done $0x0  }
0x7b: {  	[sflag:s26] =	ssyncadd.s32 $0xFFFF9C00  }
0x7c: {  	_ =	swait.ge [sflag:s28], $0x6400  }
0x7d: {  	[sflag:s28] =	ssyncset.done $0x0  }
0x7e: {  	s8 =	sadd.s32 $0xC80, s8;
	[sflag:s28] =	ssyncadd.s32 $0xFFFF9C00  }
0x7f: {  	[hbm4b:s8+s1] =	stream.linear.scatter [tilespmem:s22], [sflag:$0x5], $0x6400, $0x38;
	[tilespmem:$0x19400] =	vst v63  }
0x80: {  	p0 =	sne.s32 s30, $0x5F500;
	_ =	swait.ge [sflag:s15], $0x6400  }
.Ltmp0:
0x81: {  	[sflag:s15] =	ssyncset.done $0x0;
	(pc) =	sbr.rel @p0 .LBB2_2-.Ltmp0, $4  }
0x82: {  	s7 =	sadd.s32 $0xC80, s7;
	[sflag:s15] =	ssyncadd.s32 $0xFFFF9C00  }
0x83: {  	[hbm4b:s7+s1] =	stream.linear.scatter [tilespmem:s23], [sflag:$0x5], $0x6400, $0x38;
	[tilespmem:$0x19400] =	vst v63  }
0x84: {  	_ =	swait.ge [sflag:s15], $0x6400  }
0x85: {  	s30 =	sadd.s32 $0x1900, s30;
	s31 =	sadd.s32 $0x32, s31;
	[sflag:s15] =	ssyncset.done $0x0  }
0x86: {  	[sflag:s15] =	ssyncadd.s32 $0xFFFF9C00  }
0x87: {  	_ =	swait.ge [sflag:s24], $0x6400  }
0x88: {  	[sflag:s24] =	ssyncset.done $0x0  }
0x89: {  	[sflag:s24] =	ssyncadd.s32 $0xFFFF9C00  }
0x8a: {  	_ =	swait.ge [sflag:s25], $0x6400  }
0x8b: {  	[sflag:s25] =	ssyncset.done $0x0  }
0x8c: {  	s7 =	rddreg [dreg:$0x6];
	[sflag:s25] =	ssyncadd.s32 $0xFFFF9C00  }
0x8d: {  	[hbm4b:s7+s1] =	stream.linear.scatter [tilespmem:s18], [sflag:$0x5], $0x6400, $0x38;
	[tilespmem:$0x19400] =	vst v63  }
0x8e: {  	s29 =	sadd.s32 $0x1, s29;
	_ =	swait.ge [sflag:s15], $0x6400  }
0x8f: {  	p0 =	sne.s32 s29, s11;
	[sflag:s15] =	ssyncset.done $0x0  }
.Ltmp1:
0x90: {  	s31 =	rddreg [dreg:$0x7];
	[sflag:s15] =	ssyncadd.s32 $0xFFFF9C00;
	(pc) =	sbr.rel @p0 .LBB2_1-.Ltmp1, $4  }
0x91: {  	[hbm4b:s31+s1] =	stream.linear.scatter [tilespmem:s19], [sflag:$0x5], $0x6400, $0x38;
	[tilespmem:$0x19400] =	vst v63  }
0x92: {  	_ =	swait.ge [sflag:s15], $0x6400  }
0x93: {  	[sflag:s15] =	ssyncset.done $0x0  }
0x94: {  	[sflag:s15] =	ssyncadd.s32 $0xFFFF9C00  }
0x95: {  	_ =	sfence.sel $0x180000  }
0x96: {  	[bflag:$0x0] =	sbarrier.arrive $0xFFFF  }
0x97: {  	_ =	strace $0x9000004D  }
0x98: {  	s0 =	stileid.u32;
	[bflag:$0x2] =	sbarrier.arrive $0xFFFF  }
0x99: {  	p0 =	sne.s32 s0, $0x0;
	s0 =	rddreg [dreg:$0x1]  }
0x9a: {  	s0 =	sadd.s32 @!p0 $0x100000, s0  }
0x9b: {  	[sflag:s0] =	ssyncadd.tile.s32 @!p0 $0x1;
	_ =	shalt  }
.Lfunc_end2:
_tile_overlayer_lowered:
.L_overlay_start_2:
0x9c: {  	(tag) =	ssettag $0x2  }
0x9d: {  	s0 =	rddreg [dreg:$0x0];
	s2 =	stileid.u32  }
0x9e: {  	s1 =	rddreg [dreg:$0x1];
	p0 =	sne.s32 s2, $0x0  }
0x9f: {  	s3 =	rddreg [dreg:$0x2];
	[bflag:$0x3] =	sbarrier.arrive $0xFFFF;
	s2 =	simm.s32 @!p0 $0x1C05  }
0xa0: {  	[timem:s3], [sflag:s2] =	dma.local @!p0 [hbm:s0], s1  }
0xa1: {  	s0 =	simm.s32 @!p0 $0x5  }
0xa2: {  	_ =	swait.ge @!p0 [sflag:s0], s1  }
0xa3: {  	s1 =	ssub.s32 @!p0 $0x0, s1;
	[sflag:s0] =	ssyncset.done @!p0 $0x0  }
0xa4: {  	[sflag:s0] =	ssyncadd.s32 @!p0 s1  }
0xa5: {  	[bflag:$0x3] =	sbarrier.arrive $0xFFFF  }
0xa6: {  	_ =	shalt  }

// kernel: kernel.33.cloned.1.call-start
scs
__scs_entry_jumppad:
0x0: {  	(pc) =	sbr.rel $0x88, $3  }
0x1: {  	(tag) =	ssettag $0x0;
	lr =	simm.s32 $0x1  }
0x2: {  	[smem:$0x3F87] =	sst lr;
	_ =	strace $0xD0000000  }
0x3: {  	_ = 	snop  }
0x4: {  	_ = 	snop  }
0x5: {  	_ = 	snop  }
0x6: {  	_ = 	snop  }
0x7: {  	_ = 	snop  }
__scs_overlays_trampoline_lowered:
0x8: {  	[smem:$0x3F96] =	sst s0  }
0x9: {  	[smem:$0x3F97] =	sst s1  }
0xa: {  	[smem:$0x3F98] =	sst s2  }
0xb: {  	[smem:$0x3F99] =	sst s3  }
0xc: {  	[smem:$0x3F9A] =	sst s4  }
0xd: {  	[smem:$0x3F9B] =	sst s5  }
0xe: {  	[smem:$0x3F9C] =	sst s6  }
0xf: {  	[smem:$0x3F9D] =	sst s7  }
0x10: {  	[smem:$0x3F9E] =	sst s8  }
0x11: {  	[smem:$0x3F9F] =	sst s9;
	s0 =	simm.s32 @!p0 $0x0  }
0x12: {  	s1 =	sld [smem:$0x3F85];
	s0 =	simm.s32 @p0 $0x1  }
0x13: {  	[smem:$0x3FA0] =	sst s0;
	s0 =	simm.s32 @!p1 $0x0  }
0x14: {  	s2 =	sld [smem:$0x3F84];
	s0 =	simm.s32 @p1 $0x1  }
0x15: {  	[smem:$0x3FA1] =	sst s0;
	s0 =	simm.s32 @!p2 $0x0  }
0x16: {  	s3 =	sld [smem:$0x3FDB];
	s0 =	simm.s32 @p2 $0x1  }
0x17: {  	s4 =	simm.s32 $0x1BF5;
	[smem:$0x3FA3] =	sst s0  }
0x18: {  	s0 =	sld [smem:$0x3F86];
	_ =	swait.ge [sflag:s4], $0x0  }
0x19: {  	s7 =	sld [smem:$0x3F87]  }
0x1a: {  	s8 =	sadd.s32 $0xFFFFE003, lr  }
0x1b: {  	s9 =	sadd.s32 $0xFFFFFEF7, lr;
	s5 =	simm.s32 $0xFFFFFFFF;
	p2 =	slt.u32 s8, $0xFFFFF086  }
0x1c: {  	p1 =	slt.u32 s9, $0xF7A;
	s5 =	simm.s32 @!p2 $0x0  }
0x1d: {  	s5 =	simm.s32 @p1 $0x1;
	p0 =	seq.s32 s7, s2  }
0x1e: {  	s7 =	smul.u32 @!p0 $0xF7A, s2;
	p2 =	seq.s32 @!p0 s5, $0x0  }
0x1f: {  	s9 =	smul.u32 $0xF7A, s1;
	s8 =	simm.s32 @!p0 $0x1BF5;
	p2 =	por !p2, p0  }
0x20: {  	[sflag:s8] =	ssyncset.s32 @!p0 $0xFFFFF086;
	s6 =	sadd.s32 @!p0 s3, s7;
	s7 =	simm.s32 @!p0 $0x108  }
0x21: {  	s3 =	sadd.s32 s3, s9;
	s6 =	sadd.s32 @!p0 $0x88, s6;
	s7 =	simm.s32 @p2 $0x1082  }
0x22: {  	[simem:s7], [sflag:s8] =	dma.local @!p0 [hbm:s6], $0xF7A  }
0x23: {  	s9 =	sor.u32 $0xD0000000, s2;
	s6 =	simm.s32 $0x108;
	_ =	swait.ge @!p0 [sflag:s8], $0x0  }
0x24: {  	s3 =	sadd.s32 $0x88, s3;
	s6 =	simm.s32 @!p1 $0x1082;
	[sflag:s4] =	ssyncset.s32 $0xFFFFF086  }
0x25: {  	[simem:s6], [sflag:s4] =	dma.local [hbm:s3], $0xF7A  }
0x26: {  	[smem:$0x3F87] =	sst s1;
	(tag) =	ssettag s2;
	_ =	strace s9  }
0x27: {  	s1 =	sld [smem:$0x3F97]  }
0x28: {  	s2 =	sld [smem:$0x3F98]  }
0x29: {  	s4 =	sld [smem:$0x3F9A]  }
0x2a: {  	p0 =	seq.s32 s5, $0x0;
	s5 =	sld [smem:$0x3F9B]  }
0x2b: {  	s6 =	sld [smem:$0x3F9C]  }
0x2c: {  	s7 =	sld [smem:$0x3F9D]  }
0x2d: {  	s3 =	simm.s32 $0x108;
	s8 =	sld [smem:$0x3F9E]  }
0x2e: {  	s3 =	simm.s32 @!p0 $0x1082;
	s9 =	sld [smem:$0x3F9F]  }
0x2f: {  	lr =	sadd.s32 s0, s3;
	s0 =	sld [smem:$0x3F96]  }
0x30: {  	s3 =	sld [smem:$0x3F99]  }
0x31: {  	[smem:$0x3FA2] =	sst s10  }
0x32: {  	s10 =	sld [smem:$0x3FA0];
	_ =	sdelay $0x3  }
0x33: {  	p0 =	seq.s32 s10, $0x1;
	s10 =	sld [smem:$0x3FA2];
	_ =	sdelay $0x3  }
0x34: {  	[smem:$0x3FA2] =	sst s10  }
0x35: {  	s10 =	sld [smem:$0x3FA1];
	_ =	sdelay $0x3  }
0x36: {  	p1 =	seq.s32 s10, $0x1;
	s10 =	sld [smem:$0x3FA2];
	_ =	sdelay $0x3  }
0x37: {  	[smem:$0x3FA2] =	sst s10  }
0x38: {  	s10 =	sld [smem:$0x3FA3]  }
0x39: {  	_ = 	snop;
	(pc) =	sbr.ind lr, $3  }
0x3a: {  	_ = 	snop  }
0x3b: {  	_ = 	snop  }
0x3c: {  	p2 =	seq.s32 s10, $0x1;
	s10 =	sld [smem:$0x3FA2]  }
0x3d: {  	_ =	shalt  }
0x3e: {  	_ =	shalt  }
0x3f: {  	_ =	shalt  }
0x40: {  	_ =	shalt  }
0x41: {  	_ =	shalt  }
0x42: {  	_ =	shalt  }
0x43: {  	_ =	shalt  }
0x44: {  	_ =	shalt  }
0x45: {  	_ =	shalt  }
0x46: {  	_ =	shalt  }
0x47: {  	_ =	shalt  }
0x48: {  	_ =	shalt  }
0x49: {  	_ =	shalt  }
0x4a: {  	_ =	shalt  }
0x4b: {  	_ =	shalt  }
0x4c: {  	_ =	shalt  }
0x4d: {  	_ =	shalt  }
0x4e: {  	_ =	shalt  }
0x4f: {  	_ =	shalt  }
0x50: {  	_ =	shalt  }
0x51: {  	_ =	shalt  }
0x52: {  	_ =	shalt  }
0x53: {  	_ =	shalt  }
0x54: {  	_ =	shalt  }
0x55: {  	_ =	shalt  }
0x56: {  	_ =	shalt  }
0x57: {  	_ =	shalt  }
0x58: {  	_ =	shalt  }
0x59: {  	_ =	shalt  }
0x5a: {  	_ =	shalt  }
0x5b: {  	_ =	shalt  }
0x5c: {  	_ =	shalt  }
0x5d: {  	_ =	shalt  }
0x5e: {  	_ =	shalt  }
0x5f: {  	_ =	shalt  }
0x60: {  	_ =	shalt  }
0x61: {  	_ =	shalt  }
0x62: {  	_ =	shalt  }
0x63: {  	_ =	shalt  }
0x64: {  	_ =	shalt  }
0x65: {  	_ =	shalt  }
0x66: {  	_ =	shalt  }
0x67: {  	_ =	shalt  }
0x68: {  	_ =	shalt  }
0x69: {  	_ =	shalt  }
0x6a: {  	_ =	shalt  }
0x6b: {  	_ =	shalt  }
0x6c: {  	_ =	shalt  }
0x6d: {  	_ =	shalt  }
0x6e: {  	_ =	shalt  }
0x6f: {  	_ =	shalt  }
0x70: {  	_ =	shalt  }
0x71: {  	_ =	shalt  }
0x72: {  	_ =	shalt  }
0x73: {  	_ =	shalt  }
0x74: {  	_ =	shalt  }
0x75: {  	_ =	shalt  }
0x76: {  	_ =	shalt  }
0x77: {  	_ =	shalt  }
0x78: {  	_ =	shalt  }
0x79: {  	_ =	shalt  }
0x7a: {  	_ =	shalt  }
0x7b: {  	_ =	shalt  }
0x7c: {  	_ =	shalt  }
0x7d: {  	_ =	shalt  }
0x7e: {  	_ =	shalt  }
0x7f: {  	_ =	shalt  }
0x80: {  	_ =	shalt  }
0x81: {  	_ =	shalt  }
0x82: {  	_ =	shalt  }
0x83: {  	_ =	shalt  }
0x84: {  	_ =	shalt  }
0x85: {  	_ =	shalt  }
0x86: {  	_ =	shalt  }
0x87: {  	_ =	shalt  }
.Lfunc_end0:
.L_simem_size_0:
called_computation.3_lowered:
.L_overlay_start_0:
0x88: {  	s2 =	sld [smem:$0x3FD9]  }
0x89: {  	s3 =	sld [smem:$0x3FFE];
	_ =	sdelay $0x1  }
0x8a: {  	s1 =	srdreg.scid  }
0x8b: {  	s0 =	sand.u32 $0x1, s1  }
0x8c: {  	s16 =	sshll.u32 s0, $0xA;
	s2 =	sadd.s32 s3, s2  }
0x8d: {  	s2 =	sadd.s32 s2, s16  }
0x8e: {  	[smem:$0x3FAE] =	sst s2  }
0x8f: {  	_ = 	snop  }
0x90: {  	(tm) =	ssettm $0x1  }
0x91: {  	s17 =	sld [smem:$0x3FFB];
	_ =	sdelay $0x3  }
0x92: {  	_ =	strace s17  }
0x93: {  	s2 =	sld [smem:$0x3FFC];
	_ =	sdelay $0x3  }
0x94: {  	_ =	strace s2  }
0x95: {  	s2 =	sld [smem:$0x3FFD];
	_ =	sdelay $0x3  }
0x96: {  	_ =	strace s2  }
0x97: {  	_ =	strace $0x8FFFFFFF  }
0x98: {  	s18 =	sld [smem:$0x3FDB];
	_ =	sdelay $0x1  }
0x99: {  	s19 =	simm.s32 $_scs_section_size  }
0x9a: {  	s4 =	simm.s32 $_size__tile_overlayer_lowered;
	s5 =	simm.s32 $_tile_overlayer_lowered  }
0x9b: {  	s22 =	simm.s32 $0x1BFF;
	s21 =	sshll.u32 s5, $0x1;
	s2 =	sadd.s32 s19, s18  }
0x9c: {  	s6 =	simm.s32 $0x0;
	s20 =	sshll.u32 s4, $0x1;
	s4 =	sadd.s32 s21, s2  }
0x9d: {  	[timem:s6], [sflag:s22] =	dma.local [hbm:s4], s20  }
0x9e: {  	_ =	swait.ge [sflag:s22], s20  }
0x9f: {  	s3 =	ssub.s32 $0x0, s20;
	[sflag:s22] =	ssyncset.done $0x0  }
0xa0: {  	[sflag:s22] =	ssyncadd.s32 s3;
	_ =	sdelay $0x1  }
0xa1: {  	s23 =	simm.s32 $0x1B8B  }
0xa2: {  	_ =	swait.ge [sflag:s23], $0x1  }
0xa3: {  	[sflag:s23] =	ssyncset.done $0x0  }
0xa4: {  	s25 =	simm.s32 $0x1B8E;
	s24 =	sld [smem:$0x3FFE];
	[sflag:s23] =	ssyncadd.s32 $0xFFFFFFFF  }
0xa5: {  	s26 =	simm.s32 $execute0_lowered;
	[smem:$0x3FD2] =	sst s25  }
0xa6: {  	s4 =	sshll.u32 s26, $0x1;
	_ =	strace $0x8000004F;
	[dreg:$0x1] =	wrdreg $0xFFFFFFFF  }
0xa7: {  	s28 =	simm.s32 $_size_execute0_lowered;
	s2 =	sadd.s32 s2, s4;
	[dreg:$0x0] =	wrdreg $0x0  }
0xa8: {  	s4 =	sshll.u32 s28, $0x1;
	[dreg:$0x2] =	wrdreg s2  }
0xa9: {  	[dreg:$0x3] =	wrdreg s4  }
0xaa: {  	[dreg:$0x4] =	wrdreg $0xC0  }
0xab: {  	_ =	task [dreg:s6], $0x5FFFF  }
0xac: {  	[dreg:$0x1] =	wrdreg $0xFFFFFFFF  }
0xad: {  	[dreg:$0x0] =	wrdreg $0x60  }
0xae: {  	[dreg:$0x2] =	wrdreg s24  }
0xaf: {  	[dreg:$0x3] =	wrdreg $0x33900  }
0xb0: {  	[dreg:$0x4] =	wrdreg $0x9  }
0xb1: {  	_ =	task.clear_ibuf [dreg:s6], $0x5FFFF;
	_ =	strace $0x9000004F  }
0xb2: {  	s29 =	simm.s32 $0x9;
	_ =	strace $0x80000051  }
0xb3: {  	_ =	swait.ge [sflag:s29], $0x1  }
0xb4: {  	[sflag:s29] =	ssyncadd.s32 $0xFFFFFFFF  }
0xb5: {  	_ =	strace $0x90000051  }
0xb6: {  	_ =	sfence  }
0xb7: {  	s30 =	sld [smem:$0x0];
	_ =	sdelay $0x2  }
0xb8: {  	s31 =	sshll.u32 s1, $0xD;
	s1 =	sshrl.u32 s1, $0x2  }
0xb9: {  	s3 =	sand.u32 $0x4000, s31;
	s1 =	sadd.s32 s1, s30  }
0xba: {  	s0 =	sor.u32 s3, s0;
	s1 =	sshll.u32 s1, $0x11  }
0xbb: {  	s0 =	sor.u32 s1, s0  }
0xbc: {  	s0 =	sadd.s32 $0x8F2B, s0  }
0xbd: {  	[sflag:s0] =	ssyncadd.remote.s32 $0x1  }
0xbe: {  	_ =	sfence.sel $0xFFFF  }
0xbf: {  	[dreg:$0x0] =	wrdreg $0xFFFFFFFF;
	(pc) =	sbr.abs _section_cstart, $3  }
0xc0: {  	[dreg:$0x1] =	wrdreg $0xFFFFFFFF  }
0xc1: {  	_ =	task.clear_ibuf [dreg:s6], $0x2FFFF;
	_ =	strace $0x9FFFFFFF  }
0xc2: {  	(tm) =	ssettm $0x7FFFFFFF  }
0xc3: {  	_ =	shalt  }
tec
execute0_lowered:
.L_overlay_start_1:
0x0: {  	(tag) =	ssettag $0x1  }
0x1: {  	s0 =	rddreg [dreg:$0x0]  }
0x2: {  	s18 =	stileid.u32;
	s2 =	srdreg.scid  }
0x3: {  	s1 =	simm.s32 $0x0;
	s31 =	simm.s32 $0x20;
	s3 =	smul.u32 $0xC350, s18  }
0x4: {  	s2 =	sand.u32 $0x1, s2;
	s4 =	smul.u32 $0x61A800, s18;
	[smem:$0x7FF] =	sst s1  }
0x5: {  	s7 =	sadd.s32 $0xA0200, s0;
	s9 =	smul.u32 $0x3200, s18;
	s14 =	sor.u32 $0x70, s18  }
0x6: {  	p1 =	sne.s32 s18, $0x0;
	s5 =	ssub.s32 $0x2, s2;
	s6 =	smul.u32 $0x186A00, s2  }
0x7: {  	s15 =	sshll.u32 s2, $0x5;
	p0 =	sgt.u32 s14, $0x7C;
	s8 =	sshrl.u32 s5, $0x1  }
0x8: {  	s10 =	sadd.s32 $0xC288, s3;
	s2 =	sor.u32 s15, s4;
	s12 =	sadd.s32 $0x64000, s9  }
0x9: {  	s3 =	sshrl.u32 s3, $0x3;
	s5 =	ssub.s32 s5, s8;
	s16 =	sshll.u32 s10, $0x7  }
0xa: {  	s11 =	sadd.s32 s6, s9;
	s13 =	sadd.s32 s6, s12;
	s4 =	sor.u32 s15, s16  }
0xb: {  	s17 =	sshrl.u32 s11, $0x3;
	s11 =	sadd.s32 $0x32000, s9;
	s15 =	sadd.s32 $0x96000, s9  }
0xc: {  	s20 =	sshrl.u32 s13, $0x3;
	s16 =	sadd.s32 $0xC8000, s9;
	s13 =	sshrl.u32 s10, $0x3  }
0xd: {  	s8 =	sadd.s32 s7, s17;
	s19 =	sadd.s32 s6, s11;
	s21 =	sadd.s32 s6, s15  }
0xe: {  	s23 =	sadd.s32 s6, s16;
	s17 =	sadd.s32 $0xFA000, s9;
	[dreg:$0x3] =	wrdreg s8  }
0xf: {  	s8 =	sshrl.u32 s19, $0x3;
	s22 =	sshrl.u32 s21, $0x3;
	s19 =	smul.u32 $0x3200, s14  }
0x10: {  	s24 =	sadd.s32 s6, s17;
	s21 =	smul.u32 $0x186A, s18;
	s8 =	sadd.s32 s7, s8  }
0x11: {  	[dreg:$0x4] =	wrdreg s8;
	s8 =	sadd.s32 s7, s20;
	s20 =	sadd.s32 $0x12C000, s9  }
0x12: {  	[dreg:$0x5] =	wrdreg s8;
	s8 =	sadd.s32 s7, s22;
	s25 =	sadd.s32 s6, s20  }
0x13: {  	s6 =	sadd.s32 s6, s19;
	[dreg:$0x6] =	wrdreg s8;
	s8 =	sshrl.u32 s23, $0x3  }
0x14: {  	s14 =	sadd.s32 $0x1B54400, s0;
	s6 =	sshrl.u32 s6, $0x3;
	s8 =	sadd.s32 s7, s8  }
0x15: {  	s26 =	sshrl.u32 s25, $0x3;
	s6 =	sadd.s32 s7, s6;
	[dreg:$0x7] =	wrdreg s8  }
0x16: {  	s8 =	sshrl.u32 s24, $0x3;
	[dreg:$0xa] =	wrdreg s6;
	s24 =	sshrl.u32 s2, $0x3  }
0x17: {  	s6 =	smax.u32 s5, $0x1;
	s5 =	simm.s32 $0x3;
	s8 =	sadd.s32 s7, s8  }
0x18: {  	s25 =	sadd.s32 s14, s24;
	[dreg:$0x8] =	wrdreg s8;
	s8 =	sadd.s32 s7, s26  }
0x19: {  	s26 =	sshrl.u32 s4, $0x3;
	[dreg:$0x9] =	wrdreg s8;
	s8 =	sadd.s32 $0x24600, s0  }
0x1a: {  	s3 =	sadd.s32 s8, s3;
	s22 =	sadd.s32 s8, s13;
	s13 =	rddreg [dreg:$0x1]  }
0x1b: {  	s4 =	simm.s32 $0x1;
	s0 =	sadd.s32 $0x6F400, s0;
	[dreg:$0xb] =	wrdreg s3  }
0x1c: {  	s23 =	sadd.s32 s21, s8;
	s21 =	sadd.s32 $0x6400, s2;
	[dreg:$0xc] =	wrdreg s22  }
0x1d: {  	s7 =	sadd.s32 s9, s13;
	s8 =	sadd.s32 s11, s13;
	s10 =	sadd.s32 s12, s13  }
0x1e: {  	s12 =	sadd.s32 s15, s13;
	s16 =	sadd.s32 s16, s13;
	s17 =	sadd.s32 s17, s13  }
0x1f: {  	s22 =	sadd.s32 s20, s13;
	s11 =	sadd.s32 s19, s13;
	s9 =	sshrl.u32 s21, $0x3  }
0x20: {  	s15 =	sadd.s32 $0xC800, s2;
	_ =	strace $0x80000050;
	[dreg:$0xd] =	wrdreg s0  }
0x21: {  	s20 =	sadd.s32 $0x32, s23;
	s2 =	simm.s32 $0xC8;
	[dreg:$0xe] =	wrdreg s25  }
0x22: {  	s3 =	simm.s32 $0x1A90;
	[dreg:$0xf] =	wrdreg s6;
	s0 =	sadd.s32 s14, s26  }
0x23: {  	s21 =	sadd.s32 s9, s14;
	s23 =	sshrl.u32 s8, $0x3;
	s24 =	sshrl.u32 s10, $0x3  }
0x24: {  	s25 =	sshrl.u32 s12, $0x3;
	s26 =	sshrl.u32 s16, $0x3;
	s28 =	sshrl.u32 s17, $0x3  }
0x25: {  	s29 =	sshrl.u32 s22, $0x3;
	s30 =	sshrl.u32 @!p0 s11, $0x3;
	s10 =	simm.s32 $0x80  }
0x26: {  	s6 =	simm.s32 $0x6;
	s8 =	simm.s32 $0x4;
	s9 =	simm.s32 $0x5  }
0x27: {  	s11 =	simm.s32 $0x0;
	[dreg:$0x10] =	wrdreg s0;
	s0 =	sshrl.u32 s7, $0x3  }
0x28: {  	s7 =	simm.s32 $0x2;
	[dreg:$0x11] =	wrdreg s0;
	s0 =	simm.s32 $0x190  }
.LBB2_1:
0x29: {  	s12 =	sshrl.u32 @!p1 s13, $0x3;
	s16 =	simm.s32 @!p1 $0x1C05;
	s17 =	rddreg [dreg:$0xd]  }
0x2a: {  	[spmem:s12], [sflag:s16] =	dma.local @!p1 [hbm:s17], $0x30D40  }
0x2b: {  	s12 =	simm.s32 @!p1 $0x5  }
0x2c: {  	_ =	swait.ge @!p1 [sflag:s12], $0x30D40  }
0x2d: {  	[sflag:s12] =	ssyncset.done @!p1 $0x0  }
0x2e: {  	[sflag:s12] =	ssyncadd.s32 @!p1 $0xFFFCF2C0  }
0x2f: {  	[bflag:$0x0] =	sbarrier.arrive $0xFFFF  }
0x30: {  	s16 =	rddreg [dreg:$0xb]  }
0x31: {  	[tilespmem:s1], [sflag:$0x1] =	stream.linear.gather [hbm4b:s16+s1], $0xC8, $0x38;
	[tilespmem:$0x1BA30] =	vst v63  }
0x32: {  	s17 =	rddreg [dreg:$0xe]  }
0x33: {  	[tilespmem:s0], [sflag:$0x3] =	stream.strided.gather [hbm4b:s17+s31], $0x1900, s10, s31, $0x38;
	[tilespmem:$0x1BA30] =	vst v63  }
0x34: {  	s18 =	sadd.s32 $0xFFFFFFE7, s20  }
0x35: {  	[tilespmem:s2], [sflag:$0x2] =	stream.linear.gather [hbm4b:s18+s1], $0xC8, $0x38;
	[tilespmem:$0x1BA30] =	vst v63  }
0x36: {  	s19 =	sadd.s32 $0x0, s21  }
0x37: {  	[tilespmem:s3], [sflag:$0x4] =	stream.strided.gather [hbm4b:s19+s31], $0x1900, s10, s31, $0x38;
	[tilespmem:$0x1BA30] =	vst v63  }
0x38: {  	_ =	swait.ge [sflag:s4], $0xC8  }
0x39: {  	[sflag:s4] =	ssyncset.done $0x0  }
0x3a: {  	[sflag:s4] =	ssyncadd.s32 $0xFFFFFF38  }
0x3b: {  	_ =	swait.ge [sflag:s5], $0x1900  }
0x3c: {  	[sflag:s5] =	ssyncset.done $0x0  }
0x3d: {  	[sflag:s5] =	ssyncadd.s32 $0xFFFFE700  }
0x3e: {  	[spmem:s13] =	stream.indirect.scatter.add.f32 [tilespmem:s0], [sflag:$0x6], $0x20, s1, s2, $0xb8;
	[tilespmem:$0x1BA30] =	vst v63  }
0x3f: {  	_ =	swait.ge [sflag:s6], $0x1900  }
0x40: {  	[sflag:s6] =	ssyncset.done $0x0  }
0x41: {  	s22 =	sshrl.u32 s15, $0x3;
	[sflag:s6] =	ssyncadd.s32 $0xFFFFE700  }
0x42: {  	[tilespmem:s1], [sflag:$0x1] =	stream.linear.gather [hbm4b:s20+s1], $0xC8, $0x38;
	[tilespmem:$0x1BA30] =	vst v63  }
0x43: {  	s12 =	sadd.s32 s14, s22  }
0x44: {  	[tilespmem:s0], [sflag:$0x3] =	stream.strided.gather [hbm4b:s12+s31], $0x1900, s10, s31, $0x38;
	[tilespmem:$0x1BA30] =	vst v63  }
0x45: {  	_ =	swait.ge [sflag:s7], $0xC8  }
0x46: {  	[sflag:s7] =	ssyncset.done $0x0  }
0x47: {  	[sflag:s7] =	ssyncadd.s32 $0xFFFFFF38  }
0x48: {  	_ =	swait.ge [sflag:s8], $0x1900  }
0x49: {  	[sflag:s8] =	ssyncset.done $0x0  }
0x4a: {  	[sflag:s8] =	ssyncadd.s32 $0xFFFFE700  }
0x4b: {  	[spmem:s13] =	stream.indirect.scatter.add.f32 [tilespmem:s3], [sflag:$0x5], $0x20, s2, s2, $0xb8;
	[tilespmem:$0x1BA30] =	vst v63  }
0x4c: {  	s16 =	simm.s32 $0x1900;
	s17 =	simm.s32 $0x3200;
	_ =	swait.ge [sflag:s9], $0x1900  }
0x4d: {  	s19 =	smov.u32 s15;
	s12 =	sadd.s32 $0x32, s20;
	[sflag:s9] =	ssyncset.done $0x0  }
.LBB2_2:
0x4e: {  	s18 =	sadd.s32 $0xFFFFFFE7, s12  }
0x4f: {  	[sflag:s9] =	ssyncadd.s32 $0xFFFFE700;
	s19 =	sadd.s32 $0xC800, s19;
	s22 =	smov.u32 s17  }
0x50: {  	[tilespmem:s2], [sflag:$0x2] =	stream.linear.gather [hbm4b:s18+s1], $0xC8, $0x38;
	[tilespmem:$0x1BA30] =	vst v63  }
0x51: {  	p2 =	sne.s32 s17, $0xC0300;
	s17 =	sadd.s32 $0x1900, s17;
	s16 =	sadd.s32 s16, s21  }
0x52: {  	[tilespmem:s3], [sflag:$0x4] =	stream.strided.gather [hbm4b:s16+s31], $0x1900, s10, s31, $0x38;
	[tilespmem:$0x1BA30] =	vst v63  }
0x53: {  	s16 =	smov.u32 s22;
	_ =	swait.ge [sflag:s4], $0xC8  }
0x54: {  	[sflag:s4] =	ssyncset.done $0x0  }
0x55: {  	[sflag:s4] =	ssyncadd.s32 $0xFFFFFF38  }
0x56: {  	_ =	swait.ge [sflag:s5], $0x1900  }
0x57: {  	[sflag:s5] =	ssyncset.done $0x0  }
0x58: {  	[sflag:s5] =	ssyncadd.s32 $0xFFFFE700  }
0x59: {  	[spmem:s13] =	stream.indirect.scatter.add.f32 [tilespmem:s0], [sflag:$0x6], $0x20, s1, s2, $0xb8;
	[tilespmem:$0x1BA30] =	vst v63  }
0x5a: {  	_ =	swait.ge [sflag:s6], $0x1900  }
0x5b: {  	[sflag:s6] =	ssyncset.done $0x0  }
0x5c: {  	s18 =	sshrl.u32 s19, $0x3;
	[sflag:s6] =	ssyncadd.s32 $0xFFFFE700  }
0x5d: {  	[tilespmem:s1], [sflag:$0x1] =	stream.linear.gather [hbm4b:s12+s1], $0xC8, $0x38;
	[tilespmem:$0x1BA30] =	vst v63  }
0x5e: {  	s18 =	sadd.s32 s14, s18  }
0x5f: {  	[tilespmem:s0], [sflag:$0x3] =	stream.strided.gather [hbm4b:s18+s31], $0x1900, s10, s31, $0x38;
	[tilespmem:$0x1BA30] =	vst v63  }
0x60: {  	_ =	swait.ge [sflag:s7], $0xC8  }
0x61: {  	[sflag:s7] =	ssyncset.done $0x0  }
0x62: {  	[sflag:s7] =	ssyncadd.s32 $0xFFFFFF38  }
0x63: {  	_ =	swait.ge [sflag:s8], $0x1900  }
.Ltmp0:
0x64: {  	[sflag:s8] =	ssyncset.done $0x0;
	(pc) =	sbr.rel @p2 .LBB2_2-.Ltmp0, $4  }
0x65: {  	[sflag:s8] =	ssyncadd.s32 $0xFFFFE700  }
0x66: {  	[spmem:s13] =	stream.indirect.scatter.add.f32 [tilespmem:s3], [sflag:$0x5], $0x20, s2, s2, $0xb8;
	[tilespmem:$0x1BA30] =	vst v63  }
0x67: {  	_ =	swait.ge [sflag:s9], $0x1900  }
0x68: {  	s12 =	sadd.s32 $0x32, s12;
	[sflag:s9] =	ssyncset.done $0x0  }
0x69: {  	s17 =	sadd.s32 $0xFFFFFFE7, s12;
	[sflag:s9] =	ssyncadd.s32 $0xFFFFE700  }
0x6a: {  	[tilespmem:s2], [sflag:$0x2] =	stream.linear.gather [hbm4b:s17+s1], $0xC8, $0x38;
	[tilespmem:$0x1BA30] =	vst v63  }
0x6b: {  	s16 =	sadd.s32 s16, s21  }
0x6c: {  	[tilespmem:s3], [sflag:$0x4] =	stream.strided.gather [hbm4b:s16+s31], $0x1900, s10, s31, $0x38;
	[tilespmem:$0x1BA30] =	vst v63  }
0x6d: {  	_ =	swait.ge [sflag:s4], $0xC8  }
0x6e: {  	[sflag:s4] =	ssyncset.done $0x0  }
0x6f: {  	[sflag:s4] =	ssyncadd.s32 $0xFFFFFF38  }
0x70: {  	_ =	swait.ge [sflag:s5], $0x1900  }
0x71: {  	[sflag:s5] =	ssyncset.done $0x0  }
0x72: {  	[sflag:s5] =	ssyncadd.s32 $0xFFFFE700  }
0x73: {  	[spmem:s13] =	stream.indirect.scatter.add.f32 [tilespmem:s0], [sflag:$0x6], $0x20, s1, s2, $0xb8;
	[tilespmem:$0x1BA30] =	vst v63  }
0x74: {  	_ =	swait.ge [sflag:s6], $0x1900  }
0x75: {  	[sflag:s6] =	ssyncset.done $0x0  }
0x76: {  	s22 =	sadd.s32 $0xC800, s19;
	[sflag:s6] =	ssyncadd.s32 $0xFFFFE700  }
0x77: {  	[tilespmem:s1], [sflag:$0x1] =	stream.linear.gather [hbm4b:s12+s1], $0xC8, $0x38;
	[tilespmem:$0x1BA30] =	vst v63  }
0x78: {  	s12 =	sshrl.u32 s22, $0x3  }
0x79: {  	s12 =	sadd.s32 s14, s12  }
0x7a: {  	[tilespmem:s0], [sflag:$0x3] =	stream.strided.gather [hbm4b:s12+s31], $0x1900, s10, s31, $0x38;
	[tilespmem:$0x1BA30] =	vst v63  }
0x7b: {  	_ =	swait.ge [sflag:s7], $0xC8  }
0x7c: {  	[sflag:s7] =	ssyncset.done $0x0  }
0x7d: {  	[sflag:s7] =	ssyncadd.s32 $0xFFFFFF38  }
0x7e: {  	_ =	swait.ge [sflag:s8], $0x1900  }
0x7f: {  	[sflag:s8] =	ssyncset.done $0x0  }
0x80: {  	[sflag:s8] =	ssyncadd.s32 $0xFFFFE700  }
0x81: {  	[spmem:s13] =	stream.indirect.scatter.add.f32 [tilespmem:s3], [sflag:$0x5], $0x20, s2, s2, $0xb8;
	[tilespmem:$0x1BA30] =	vst v63  }
0x82: {  	_ =	swait.ge [sflag:s9], $0x1900  }
0x83: {  	[sflag:s9] =	ssyncset.done $0x0  }
0x84: {  	s16 =	rddreg [dreg:$0xc];
	[sflag:s9] =	ssyncadd.s32 $0xFFFFE700  }
0x85: {  	[tilespmem:s2], [sflag:$0x2] =	stream.linear.gather [hbm4b:s16+s1], $0xC8, $0x38;
	[tilespmem:$0x1BA30] =	vst v63  }
0x86: {  	s17 =	rddreg [dreg:$0x10]  }
0x87: {  	[tilespmem:s3], [sflag:$0x4] =	stream.strided.gather [hbm4b:s17+s31], $0x1900, s10, s31, $0x38;
	[tilespmem:$0x1BA30] =	vst v63  }
0x88: {  	_ =	swait.ge [sflag:s4], $0xC8  }
0x89: {  	[sflag:s4] =	ssyncset.done $0x0  }
0x8a: {  	[sflag:s4] =	ssyncadd.s32 $0xFFFFFF38  }
0x8b: {  	_ =	swait.ge [sflag:s5], $0x1900  }
0x8c: {  	[sflag:s5] =	ssyncset.done $0x0  }
0x8d: {  	[sflag:s5] =	ssyncadd.s32 $0xFFFFE700  }
0x8e: {  	[spmem:s13] =	stream.indirect.scatter.add.f32 [tilespmem:s0], [sflag:$0x6], $0x20, s1, s2, $0xb8;
	[tilespmem:$0x1BA30] =	vst v63  }
0x8f: {  	_ =	swait.ge [sflag:s6], $0x1900  }
0x90: {  	[sflag:s6] =	ssyncset.done $0x0  }
0x91: {  	[sflag:s6] =	ssyncadd.s32 $0xFFFFE700  }
0x92: {  	_ =	swait.ge [sflag:s7], $0xC8  }
0x93: {  	[sflag:s7] =	ssyncset.done $0x0  }
0x94: {  	[sflag:s7] =	ssyncadd.s32 $0xFFFFFF38  }
0x95: {  	_ =	swait.ge [sflag:s8], $0x1900  }
0x96: {  	[sflag:s8] =	ssyncset.done $0x0  }
0x97: {  	[sflag:s8] =	ssyncadd.s32 $0xFFFFE700  }
0x98: {  	[spmem:s13] =	stream.indirect.scatter.add.f32 [tilespmem:s3], [sflag:$0x5], $0x20, s2, s2, $0xb8;
	[tilespmem:$0x1BA30] =	vst v63  }
0x99: {  	_ =	swait.ge [sflag:s9], $0x1900  }
0x9a: {  	[sflag:s9] =	ssyncset.done $0x0  }
0x9b: {  	[sflag:s9] =	ssyncadd.s32 $0xFFFFE700  }
0x9c: {  	s18 =	stileid.u32;
	[bflag:$0x0] =	sbarrier.arrive $0xFFFF  }
0x9d: {  	s12 =	sshll.u32 s18, $0x6;
	s19 =	rddreg [dreg:$0x3]  }
0x9e: {  	s12 =	sor.u32 $0x1C05, s12;
	s22 =	rddreg [dreg:$0x11]  }
0x9f: {  	[hbm:s19], [sflag:s12] =	dma.local [spmem:s22], $0x640  }
0xa0: {  	_ =	swait.ge [sflag:s9], $0x640  }
0xa1: {  	[sflag:s9] =	ssyncset.done $0x0  }
0xa2: {  	s18 =	rddreg [dreg:$0x4];
	[sflag:s9] =	ssyncadd.s32 $0xFFFFF9C0  }
0xa3: {  	[hbm:s18], [sflag:s12] =	dma.local [spmem:s23], $0x640  }
0xa4: {  	_ =	swait.ge [sflag:s9], $0x640  }
0xa5: {  	[sflag:s9] =	ssyncset.done $0x0  }
0xa6: {  	s19 =	rddreg [dreg:$0x5];
	[sflag:s9] =	ssyncadd.s32 $0xFFFFF9C0  }
0xa7: {  	[hbm:s19], [sflag:s12] =	dma.local [spmem:s24], $0x640  }
0xa8: {  	_ =	swait.ge [sflag:s9], $0x640  }
0xa9: {  	[sflag:s9] =	ssyncset.done $0x0  }
0xaa: {  	s22 =	rddreg [dreg:$0x6];
	[sflag:s9] =	ssyncadd.s32 $0xFFFFF9C0  }
0xab: {  	[hbm:s22], [sflag:s12] =	dma.local [spmem:s25], $0x640  }
0xac: {  	_ =	swait.ge [sflag:s9], $0x640  }
0xad: {  	[sflag:s9] =	ssyncset.done $0x0  }
0xae: {  	s17 =	rddreg [dreg:$0x7];
	[sflag:s9] =	ssyncadd.s32 $0xFFFFF9C0  }
0xaf: {  	[hbm:s17], [sflag:s12] =	dma.local [spmem:s26], $0x640  }
0xb0: {  	_ =	swait.ge [sflag:s9], $0x640  }
0xb1: {  	[sflag:s9] =	ssyncset.done $0x0  }
0xb2: {  	s18 =	rddreg [dreg:$0x8];
	[sflag:s9] =	ssyncadd.s32 $0xFFFFF9C0  }
0xb3: {  	[hbm:s18], [sflag:s12] =	dma.local [spmem:s28], $0x640  }
0xb4: {  	_ =	swait.ge [sflag:s9], $0x640  }
0xb5: {  	[sflag:s9] =	ssyncset.done $0x0  }
0xb6: {  	s19 =	rddreg [dreg:$0x9];
	[sflag:s9] =	ssyncadd.s32 $0xFFFFF9C0  }
0xb7: {  	[hbm:s19], [sflag:s12] =	dma.local [spmem:s29], $0x640  }
0xb8: {  	_ =	swait.ge [sflag:s9], $0x640  }
0xb9: {  	[sflag:s9] =	ssyncset.done $0x0  }
0xba: {  	s16 =	rddreg [dreg:$0xa];
	[sflag:s9] =	ssyncadd.s32 $0xFFFFF9C0  }
0xbb: {  	[hbm:s16], [sflag:s12] =	dma.local @!p0 [spmem:s30], $0x640  }
0xbc: {  	s12 =	simm.s32 @!p0 $0x5  }
0xbd: {  	_ =	swait.ge @!p0 [sflag:s12], $0x640  }
0xbe: {  	s11 =	sadd.s32 $0x1, s11;
	s22 =	rddreg [dreg:$0xf]  }
0xbf: {  	p2 =	sne.s32 s11, s22  }
.Ltmp1:
0xc0: {  	_ = 	snop;
	(pc) =	sbr.rel @p2 .LBB2_1-.Ltmp1, $3  }
0xc1: {  	_ =	sdelay $0x1  }
0xc2: {  	[sflag:s12] =	ssyncset.done @!p0 $0x0  }
0xc3: {  	[sflag:s12] =	ssyncadd.s32 @!p0 $0xFFFFF9C0  }
0xc4: {  	_ =	sfence.sel $0x180000  }
0xc5: {  	[bflag:$0x0] =	sbarrier.arrive $0xFFFF  }
0xc6: {  	_ =	strace $0x90000050  }
0xc7: {  	[bflag:$0x2] =	sbarrier.arrive $0xFFFF  }
0xc8: {  	s0 =	rddreg [dreg:$0x2]  }
0xc9: {  	s0 =	sadd.s32 @!p1 $0x100000, s0  }
0xca: {  	[sflag:s0] =	ssyncadd.tile.s32 @!p1 $0x1;
	_ =	shalt  }
.Lfunc_end2:
_tile_overlayer_lowered:
.L_overlay_start_2:
0xcb: {  	(tag) =	ssettag $0x2  }
0xcc: {  	s0 =	rddreg [dreg:$0x0];
	s2 =	stileid.u32  }
0xcd: {  	s1 =	rddreg [dreg:$0x1];
	p0 =	sne.s32 s2, $0x0  }
0xce: {  	s3 =	rddreg [dreg:$0x2];
	[bflag:$0x3] =	sbarrier.arrive $0xFFFF;
	s2 =	simm.s32 @!p0 $0x1C05  }
0xcf: {  	[timem:s3], [sflag:s2] =	dma.local @!p0 [hbm:s0], s1  }
0xd0: {  	s0 =	simm.s32 @!p0 $0x5  }
0xd1: {  	_ =	swait.ge @!p0 [sflag:s0], s1  }
0xd2: {  	s1 =	ssub.s32 @!p0 $0x0, s1;
	[sflag:s0] =	ssyncset.done @!p0 $0x0  }
0xd3: {  	[sflag:s0] =	ssyncadd.s32 @!p0 s1  }
0xd4: {  	[bflag:$0x3] =	sbarrier.arrive $0xFFFF  }
0xd5: {  	_ =	shalt  }

// kernel: kernel.36.cloned.1.call-start
scs
__scs_entry_jumppad:
0x0: {  	(pc) =	sbr.rel $0x88, $3  }
0x1: {  	(tag) =	ssettag $0x0;
	lr =	simm.s32 $0x1  }
0x2: {  	[smem:$0x3F87] =	sst lr;
	_ =	strace $0xD0000000  }
0x3: {  	_ = 	snop  }
0x4: {  	_ = 	snop  }
0x5: {  	_ = 	snop  }
0x6: {  	_ = 	snop  }
0x7: {  	_ = 	snop  }
__scs_overlays_trampoline_lowered:
0x8: {  	[smem:$0x3F96] =	sst s0  }
0x9: {  	[smem:$0x3F97] =	sst s1  }
0xa: {  	[smem:$0x3F98] =	sst s2  }
0xb: {  	[smem:$0x3F99] =	sst s3  }
0xc: {  	[smem:$0x3F9A] =	sst s4  }
0xd: {  	[smem:$0x3F9B] =	sst s5  }
0xe: {  	[smem:$0x3F9C] =	sst s6  }
0xf: {  	[smem:$0x3F9D] =	sst s7  }
0x10: {  	[smem:$0x3F9E] =	sst s8  }
0x11: {  	[smem:$0x3F9F] =	sst s9;
	s0 =	simm.s32 @!p0 $0x0  }
0x12: {  	s1 =	sld [smem:$0x3F85];
	s0 =	simm.s32 @p0 $0x1  }
0x13: {  	[smem:$0x3FA0] =	sst s0;
	s0 =	simm.s32 @!p1 $0x0  }
0x14: {  	s2 =	sld [smem:$0x3F84];
	s0 =	simm.s32 @p1 $0x1  }
0x15: {  	[smem:$0x3FA1] =	sst s0;
	s0 =	simm.s32 @!p2 $0x0  }
0x16: {  	s3 =	sld [smem:$0x3FDB];
	s0 =	simm.s32 @p2 $0x1  }
0x17: {  	s4 =	simm.s32 $0x1BF5;
	[smem:$0x3FA3] =	sst s0  }
0x18: {  	s0 =	sld [smem:$0x3F86];
	_ =	swait.ge [sflag:s4], $0x0  }
0x19: {  	s7 =	sld [smem:$0x3F87]  }
0x1a: {  	s8 =	sadd.s32 $0xFFFFE003, lr  }
0x1b: {  	s9 =	sadd.s32 $0xFFFFFEF7, lr;
	s5 =	simm.s32 $0xFFFFFFFF;
	p2 =	slt.u32 s8, $0xFFFFF086  }
0x1c: {  	p1 =	slt.u32 s9, $0xF7A;
	s5 =	simm.s32 @!p2 $0x0  }
0x1d: {  	s5 =	simm.s32 @p1 $0x1;
	p0 =	seq.s32 s7, s2  }
0x1e: {  	s7 =	smul.u32 @!p0 $0xF7A, s2;
	p2 =	seq.s32 @!p0 s5, $0x0  }
0x1f: {  	s9 =	smul.u32 $0xF7A, s1;
	s8 =	simm.s32 @!p0 $0x1BF5;
	p2 =	por !p2, p0  }
0x20: {  	[sflag:s8] =	ssyncset.s32 @!p0 $0xFFFFF086;
	s6 =	sadd.s32 @!p0 s3, s7;
	s7 =	simm.s32 @!p0 $0x108  }
0x21: {  	s3 =	sadd.s32 s3, s9;
	s6 =	sadd.s32 @!p0 $0x88, s6;
	s7 =	simm.s32 @p2 $0x1082  }
0x22: {  	[simem:s7], [sflag:s8] =	dma.local @!p0 [hbm:s6], $0xF7A  }
0x23: {  	s9 =	sor.u32 $0xD0000000, s2;
	s6 =	simm.s32 $0x108;
	_ =	swait.ge @!p0 [sflag:s8], $0x0  }
0x24: {  	s3 =	sadd.s32 $0x88, s3;
	s6 =	simm.s32 @!p1 $0x1082;
	[sflag:s4] =	ssyncset.s32 $0xFFFFF086  }
0x25: {  	[simem:s6], [sflag:s4] =	dma.local [hbm:s3], $0xF7A  }
0x26: {  	[smem:$0x3F87] =	sst s1;
	(tag) =	ssettag s2;
	_ =	strace s9  }
0x27: {  	s1 =	sld [smem:$0x3F97]  }
0x28: {  	s2 =	sld [smem:$0x3F98]  }
0x29: {  	s4 =	sld [smem:$0x3F9A]  }
0x2a: {  	p0 =	seq.s32 s5, $0x0;
	s5 =	sld [smem:$0x3F9B]  }
0x2b: {  	s6 =	sld [smem:$0x3F9C]  }
0x2c: {  	s7 =	sld [smem:$0x3F9D]  }
0x2d: {  	s3 =	simm.s32 $0x108;
	s8 =	sld [smem:$0x3F9E]  }
0x2e: {  	s3 =	simm.s32 @!p0 $0x1082;
	s9 =	sld [smem:$0x3F9F]  }
0x2f: {  	lr =	sadd.s32 s0, s3;
	s0 =	sld [smem:$0x3F96]  }
0x30: {  	s3 =	sld [smem:$0x3F99]  }
0x31: {  	[smem:$0x3FA2] =	sst s10  }
0x32: {  	s10 =	sld [smem:$0x3FA0];
	_ =	sdelay $0x3  }
0x33: {  	p0 =	seq.s32 s10, $0x1;
	s10 =	sld [smem:$0x3FA2];
	_ =	sdelay $0x3  }
0x34: {  	[smem:$0x3FA2] =	sst s10  }
0x35: {  	s10 =	sld [smem:$0x3FA1];
	_ =	sdelay $0x3  }
0x36: {  	p1 =	seq.s32 s10, $0x1;
	s10 =	sld [smem:$0x3FA2];
	_ =	sdelay $0x3  }
0x37: {  	[smem:$0x3FA2] =	sst s10  }
0x38: {  	s10 =	sld [smem:$0x3FA3]  }
0x39: {  	_ = 	snop;
	(pc) =	sbr.ind lr, $3  }
0x3a: {  	_ = 	snop  }
0x3b: {  	_ = 	snop  }
0x3c: {  	p2 =	seq.s32 s10, $0x1;
	s10 =	sld [smem:$0x3FA2]  }
0x3d: {  	_ =	shalt  }
0x3e: {  	_ =	shalt  }
0x3f: {  	_ =	shalt  }
0x40: {  	_ =	shalt  }
0x41: {  	_ =	shalt  }
0x42: {  	_ =	shalt  }
0x43: {  	_ =	shalt  }
0x44: {  	_ =	shalt  }
0x45: {  	_ =	shalt  }
0x46: {  	_ =	shalt  }
0x47: {  	_ =	shalt  }
0x48: {  	_ =	shalt  }
0x49: {  	_ =	shalt  }
0x4a: {  	_ =	shalt  }
0x4b: {  	_ =	shalt  }
0x4c: {  	_ =	shalt  }
0x4d: {  	_ =	shalt  }
0x4e: {  	_ =	shalt  }
0x4f: {  	_ =	shalt  }
0x50: {  	_ =	shalt  }
0x51: {  	_ =	shalt  }
0x52: {  	_ =	shalt  }
0x53: {  	_ =	shalt  }
0x54: {  	_ =	shalt  }
0x55: {  	_ =	shalt  }
0x56: {  	_ =	shalt  }
0x57: {  	_ =	shalt  }
0x58: {  	_ =	shalt  }
0x59: {  	_ =	shalt  }
0x5a: {  	_ =	shalt  }
0x5b: {  	_ =	shalt  }
0x5c: {  	_ =	shalt  }
0x5d: {  	_ =	shalt  }
0x5e: {  	_ =	shalt  }
0x5f: {  	_ =	shalt  }
0x60: {  	_ =	shalt  }
0x61: {  	_ =	shalt  }
0x62: {  	_ =	shalt  }
0x63: {  	_ =	shalt  }
0x64: {  	_ =	shalt  }
0x65: {  	_ =	shalt  }
0x66: {  	_ =	shalt  }
0x67: {  	_ =	shalt  }
0x68: {  	_ =	shalt  }
0x69: {  	_ =	shalt  }
0x6a: {  	_ =	shalt  }
0x6b: {  	_ =	shalt  }
0x6c: {  	_ =	shalt  }
0x6d: {  	_ =	shalt  }
0x6e: {  	_ =	shalt  }
0x6f: {  	_ =	shalt  }
0x70: {  	_ =	shalt  }
0x71: {  	_ =	shalt  }
0x72: {  	_ =	shalt  }
0x73: {  	_ =	shalt  }
0x74: {  	_ =	shalt  }
0x75: {  	_ =	shalt  }
0x76: {  	_ =	shalt  }
0x77: {  	_ =	shalt  }
0x78: {  	_ =	shalt  }
0x79: {  	_ =	shalt  }
0x7a: {  	_ =	shalt  }
0x7b: {  	_ =	shalt  }
0x7c: {  	_ =	shalt  }
0x7d: {  	_ =	shalt  }
0x7e: {  	_ =	shalt  }
0x7f: {  	_ =	shalt  }
0x80: {  	_ =	shalt  }
0x81: {  	_ =	shalt  }
0x82: {  	_ =	shalt  }
0x83: {  	_ =	shalt  }
0x84: {  	_ =	shalt  }
0x85: {  	_ =	shalt  }
0x86: {  	_ =	shalt  }
0x87: {  	_ =	shalt  }
.Lfunc_end0:
.L_simem_size_0:
called_computation.4_lowered:
.L_overlay_start_0:
0x88: {  	s2 =	sld [smem:$0x3FD9]  }
0x89: {  	s3 =	sld [smem:$0x3FFE];
	_ =	sdelay $0x1  }
0x8a: {  	s1 =	srdreg.scid  }
0x8b: {  	s0 =	sand.u32 $0x1, s1  }
0x8c: {  	s16 =	sshll.u32 s0, $0xA;
	s2 =	sadd.s32 s3, s2  }
0x8d: {  	s2 =	sadd.s32 s2, s16  }
0x8e: {  	[smem:$0x3FAE] =	sst s2  }
0x8f: {  	_ = 	snop  }
0x90: {  	(tm) =	ssettm $0x1  }
0x91: {  	s17 =	sld [smem:$0x3FFB];
	_ =	sdelay $0x3  }
0x92: {  	_ =	strace s17  }
0x93: {  	s2 =	sld [smem:$0x3FFC];
	_ =	sdelay $0x3  }
0x94: {  	_ =	strace s2  }
0x95: {  	s2 =	sld [smem:$0x3FFD];
	_ =	sdelay $0x3  }
0x96: {  	_ =	strace s2  }
0x97: {  	_ =	strace $0x8FFFFFFF  }
0x98: {  	s18 =	sld [smem:$0x3FDB];
	_ =	sdelay $0x1  }
0x99: {  	s19 =	simm.s32 $_scs_section_size  }
0x9a: {  	s4 =	simm.s32 $_size__tile_overlayer_lowered;
	s5 =	simm.s32 $_tile_overlayer_lowered  }
0x9b: {  	s22 =	simm.s32 $0x1BFF;
	s21 =	sshll.u32 s5, $0x1;
	s2 =	sadd.s32 s19, s18  }
0x9c: {  	s6 =	simm.s32 $0x0;
	s20 =	sshll.u32 s4, $0x1;
	s4 =	sadd.s32 s21, s2  }
0x9d: {  	[timem:s6], [sflag:s22] =	dma.local [hbm:s4], s20  }
0x9e: {  	_ =	swait.ge [sflag:s22], s20  }
0x9f: {  	s3 =	ssub.s32 $0x0, s20;
	[sflag:s22] =	ssyncset.done $0x0  }
0xa0: {  	[sflag:s22] =	ssyncadd.s32 s3;
	_ =	sdelay $0x1  }
0xa1: {  	s23 =	simm.s32 $0x1B8B  }
0xa2: {  	_ =	swait.ge [sflag:s23], $0x1  }
0xa3: {  	[sflag:s23] =	ssyncset.done $0x0  }
0xa4: {  	s25 =	simm.s32 $0x1B8E;
	s24 =	sld [smem:$0x3FFE];
	[sflag:s23] =	ssyncadd.s32 $0xFFFFFFFF  }
0xa5: {  	s26 =	simm.s32 $execute0_lowered;
	[smem:$0x3FD2] =	sst s25  }
0xa6: {  	s4 =	sshll.u32 s26, $0x1;
	_ =	strace $0x80000052;
	[dreg:$0x1] =	wrdreg $0xFFFFFFFF  }
0xa7: {  	s28 =	simm.s32 $_size_execute0_lowered;
	s2 =	sadd.s32 s2, s4;
	[dreg:$0x0] =	wrdreg $0x0  }
0xa8: {  	s4 =	sshll.u32 s28, $0x1;
	[dreg:$0x2] =	wrdreg s2  }
0xa9: {  	[dreg:$0x3] =	wrdreg s4  }
0xaa: {  	[dreg:$0x4] =	wrdreg $0xC0  }
0xab: {  	_ =	task [dreg:s6], $0x5FFFF  }
0xac: {  	[dreg:$0x1] =	wrdreg $0xFFFFFFFF  }
0xad: {  	[dreg:$0x0] =	wrdreg $0x60  }
0xae: {  	[dreg:$0x2] =	wrdreg s24  }
0xaf: {  	[dreg:$0x3] =	wrdreg $0x9  }
0xb0: {  	_ =	task.clear_ibuf [dreg:s6], $0x4FFFF;
	_ =	strace $0x90000052  }
0xb1: {  	s29 =	simm.s32 $0x9;
	_ =	strace $0x80000054  }
0xb2: {  	_ =	swait.ge [sflag:s29], $0x1  }
0xb3: {  	[sflag:s29] =	ssyncadd.s32 $0xFFFFFFFF  }
0xb4: {  	_ =	strace $0x90000054  }
0xb5: {  	_ =	sfence  }
0xb6: {  	s30 =	sld [smem:$0x0];
	_ =	sdelay $0x2  }
0xb7: {  	s31 =	sshll.u32 s1, $0xD;
	s1 =	sshrl.u32 s1, $0x2  }
0xb8: {  	s3 =	sand.u32 $0x4000, s31;
	s1 =	sadd.s32 s1, s30  }
0xb9: {  	s0 =	sor.u32 s3, s0;
	s1 =	sshll.u32 s1, $0x11  }
0xba: {  	s0 =	sor.u32 s1, s0  }
0xbb: {  	s0 =	sadd.s32 $0x8F2B, s0  }
0xbc: {  	[sflag:s0] =	ssyncadd.remote.s32 $0x1  }
0xbd: {  	_ =	sfence.sel $0xFFFF  }
0xbe: {  	[dreg:$0x0] =	wrdreg $0xFFFFFFFF;
	(pc) =	sbr.abs _section_cstart, $3  }
0xbf: {  	[dreg:$0x1] =	wrdreg $0xFFFFFFFF  }
0xc0: {  	_ =	task.clear_ibuf [dreg:s6], $0x2FFFF;
	_ =	strace $0x9FFFFFFF  }
0xc1: {  	(tm) =	ssettm $0x7FFFFFFF  }
tec
execute0_lowered:
.L_overlay_start_1:
0x0: {  	(tag) =	ssettag $0x1  }
0x1: {  	s0 =	rddreg [dreg:$0x0];
	s1 =	simm.s32 $0x0  }
0x2: {  	s2 =	srdreg.scid;
	s16 =	stileid.u32;
	s17 =	simm.s32 $0xC8  }
0x3: {  	s18 =	simm.s32 $0x400;
	s19 =	simm.s32 $0xCC00;
	s28 =	simm.s32 $0x4  }
0x4: {  	s29 =	simm.s32 $0x0;
	[smem:$0x7FF] =	sst s1;
	s3 =	sadd.s32 $0x163800, s0  }
0x5: {  	s4 =	sadd.s32 $0x226E00, s0;
	s2 =	sand.u32 $0x1, s2;
	s14 =	smul.u32 $0xC350, s16  }
0x6: {  	s7 =	sshll.u32 s16, $0x1;
	s5 =	sadd.s32 $0x24600, s0;
	s16 =	smul.u32 $0xC3500, s16  }
0x7: {  	s6 =	sadd.s32 $0xBE00, s0;
	s12 =	sadd.s32 $0x3ADA00, s0;
	s15 =	smul.u32 $0x61A8, s2  }
0x8: {  	s7 =	sor.u32 s2, s7;
	s8 =	ssub.s32 $0x2, s2;
	s2 =	smul.u32 $0x61A80, s2  }
0x9: {  	s0 =	sadd.s32 $0xFE2A00, s0;
	s9 =	smul.u32 $0x61A8, s7;
	s10 =	sshrl.u32 s8, $0x1  }
0xa: {  	_ =	strace $0x80000053;
	s11 =	smul.u32 $0x30D400, s7;
	s13 =	ssub.s32 s8, s10  }
0xb: {  	s30 =	sadd.s32 s15, s14;
	s15 =	simm.s32 $0x5;
	s20 =	sshrl.u32 s9, $0x3  }
0xc: {  	s22 =	sshrl.u32 s11, $0x3;
	s11 =	smax.u32 s13, $0x1;
	s14 =	sadd.s32 $0xC8, s30  }
0xd: {  	s21 =	sadd.s32 s5, s20;
	s23 =	sadd.s32 s6, s20;
	s24 =	sadd.s32 $0x60E00, s22  }
0xe: {  	s31 =	sshrl.u32 s14, $0x3;
	s20 =	simm.s32 $0x100;
	[dreg:$0x4] =	wrdreg s21  }
0xf: {  	s22 =	simm.s32 $0x6800;
	[dreg:$0x5] =	wrdreg s23;
	s25 =	sadd.s32 s12, s24  }
0x10: {  	s26 =	sadd.s32 s0, s24;
	s12 =	sadd.s32 s16, s12;
	s0 =	sadd.s32 s16, s0  }
0x11: {  	s14 =	sadd.s32 s31, s5;
	s16 =	simm.s32 $0x200;
	s21 =	simm.s32 $0x300  }
0x12: {  	s23 =	simm.s32 $0x13000;
	s24 =	simm.s32 $0x1;
	[dreg:$0x6] =	wrdreg s25  }
0x13: {  	[dreg:$0x7] =	wrdreg s26;
	s12 =	sadd.s32 s2, s12;
	s2 =	sadd.s32 s2, s0  }
0x14: {  	s0 =	sadd.s32 $0x190, s30;
	s25 =	simm.s32 $0x3;
	[dreg:$0x2] =	wrdreg s12  }
0x15: {  	s26 =	simm.s32 $0x2;
	[dreg:$0x3] =	wrdreg s2;
	s2 =	sadd.s32 s31, s6  }
.LBB2_1:
0x16: {  	s7 =	rddreg [dreg:$0x4]  }
0x17: {  	[tilespmem:s1], [sflag:$0x5] =	stream.linear.gather [hbm4b:s7+s1], $0xC8, $0x38;
	[tilespmem:$0x19400] =	vst v63  }
0x18: {  	_ =	swait.ge [sflag:s15], $0xC8  }
0x19: {  	[sflag:s15] =	ssyncset.done $0x0  }
0x1a: {  	s12 =	rddreg [dreg:$0x5];
	[sflag:s15] =	ssyncadd.s32 $0xFFFFFF38  }
0x1b: {  	[tilespmem:s16], [sflag:$0x5] =	stream.linear.gather [hbm4b:s12+s1], $0xC8, $0x38;
	[tilespmem:$0x19400] =	vst v63  }
0x1c: {  	_ =	swait.ge [sflag:s15], $0xC8  }
0x1d: {  	[sflag:s15] =	ssyncset.done $0x0  }
0x1e: {  	[sflag:s15] =	ssyncadd.s32 $0xFFFFFF38  }
0x1f: {  	[tilespmem:s18], [sflag:$0x1] =	stream.indirect.gather [hbm4b:s3+s17], $0x80, s1, s17, $0xb8;
	[tilespmem:$0x19400] =	vst v63  }
0x20: {  	_ = 	snop  }
0x21: {  	[tilespmem:s19], [sflag:$0x3] =	stream.indirect.gather [hbm4b:s4+s17], $0x80, s16, s17, $0xb8;
	[tilespmem:$0x19400] =	vst v63  }
0x22: {  	_ = 	snop  }
0x23: {  	[tilespmem:s20], [sflag:$0x5] =	stream.linear.gather [hbm4b:s14+s1], $0xC8, $0x38;
	[tilespmem:$0x19400] =	vst v63  }
0x24: {  	_ =	swait.ge [sflag:s15], $0xC8  }
0x25: {  	[sflag:s15] =	ssyncset.done $0x0  }
0x26: {  	[sflag:s15] =	ssyncadd.s32 $0xFFFFFF38  }
0x27: {  	[tilespmem:s21], [sflag:$0x5] =	stream.linear.gather [hbm4b:s2+s1], $0xC8, $0x38;
	[tilespmem:$0x19400] =	vst v63  }
0x28: {  	_ =	swait.ge [sflag:s15], $0xC8  }
0x29: {  	[sflag:s15] =	ssyncset.done $0x0  }
0x2a: {  	[sflag:s15] =	ssyncadd.s32 $0xFFFFFF38  }
0x2b: {  	[tilespmem:s22], [sflag:$0x2] =	stream.indirect.gather [hbm4b:s3+s17], $0x80, s20, s17, $0xb8;
	[tilespmem:$0x19400] =	vst v63  }
0x2c: {  	_ = 	snop  }
0x2d: {  	[tilespmem:s23], [sflag:$0x4] =	stream.indirect.gather [hbm4b:s4+s17], $0x80, s21, s17, $0xb8;
	[tilespmem:$0x19400] =	vst v63  }
0x2e: {  	_ =	swait.ge [sflag:s24], $0x6400  }
0x2f: {  	[sflag:s24] =	ssyncset.done $0x0  }
0x30: {  	[sflag:s24] =	ssyncadd.s32 $0xFFFF9C00  }
0x31: {  	_ =	swait.ge [sflag:s25], $0x6400  }
0x32: {  	s12 =	rddreg [dreg:$0x2];
	[sflag:s25] =	ssyncset.done $0x0  }
0x33: {  	[sflag:s25] =	ssyncadd.s32 $0xFFFF9C00;
	s12 =	sadd.s32 $0x0, s12  }
0x34: {  	[hbm4b:s12+s1] =	stream.linear.scatter [tilespmem:s18], [sflag:$0x5], $0x6400, $0x38;
	[tilespmem:$0x19400] =	vst v63  }
0x35: {  	_ =	swait.ge [sflag:s15], $0x6400  }
0x36: {  	s13 =	rddreg [dreg:$0x3];
	[sflag:s15] =	ssyncset.done $0x0  }
0x37: {  	[sflag:s15] =	ssyncadd.s32 $0xFFFF9C00;
	s13 =	sadd.s32 $0x0, s13  }
0x38: {  	[hbm4b:s13+s1] =	stream.linear.scatter [tilespmem:s19], [sflag:$0x5], $0x6400, $0x38;
	[tilespmem:$0x19400] =	vst v63  }
0x39: {  	_ =	swait.ge [sflag:s15], $0x6400  }
0x3a: {  	s30 =	sshrl.u32 s0, $0x3;
	[sflag:s15] =	ssyncset.done $0x0  }
0x3b: {  	s31 =	sadd.s32 s5, s30;
	[sflag:s15] =	ssyncadd.s32 $0xFFFF9C00  }
0x3c: {  	[tilespmem:s1], [sflag:$0x5] =	stream.linear.gather [hbm4b:s31+s1], $0xC8, $0x38;
	[tilespmem:$0x19400] =	vst v63  }
0x3d: {  	_ =	swait.ge [sflag:s15], $0xC8  }
0x3e: {  	[sflag:s15] =	ssyncset.done $0x0  }
0x3f: {  	s30 =	sadd.s32 s6, s30;
	[sflag:s15] =	ssyncadd.s32 $0xFFFFFF38  }
0x40: {  	[tilespmem:s16], [sflag:$0x5] =	stream.linear.gather [hbm4b:s30+s1], $0xC8, $0x38;
	[tilespmem:$0x19400] =	vst v63  }
0x41: {  	_ =	swait.ge [sflag:s15], $0xC8  }
0x42: {  	[sflag:s15] =	ssyncset.done $0x0  }
0x43: {  	[sflag:s15] =	ssyncadd.s32 $0xFFFFFF38  }
0x44: {  	[tilespmem:s18], [sflag:$0x1] =	stream.indirect.gather [hbm4b:s3+s17], $0x80, s1, s17, $0xb8;
	[tilespmem:$0x19400] =	vst v63  }
0x45: {  	_ = 	snop  }
0x46: {  	[tilespmem:s19], [sflag:$0x3] =	stream.indirect.gather [hbm4b:s4+s17], $0x80, s16, s17, $0xb8;
	[tilespmem:$0x19400] =	vst v63  }
0x47: {  	_ =	swait.ge [sflag:s26], $0x6400  }
0x48: {  	[sflag:s26] =	ssyncset.done $0x0  }
0x49: {  	[sflag:s26] =	ssyncadd.s32 $0xFFFF9C00  }
0x4a: {  	_ =	swait.ge [sflag:s28], $0x6400  }
0x4b: {  	[sflag:s28] =	ssyncset.done $0x0  }
0x4c: {  	s12 =	sadd.s32 $0xC80, s12;
	[sflag:s28] =	ssyncadd.s32 $0xFFFF9C00  }
0x4d: {  	[hbm4b:s12+s1] =	stream.linear.scatter [tilespmem:s22], [sflag:$0x5], $0x6400, $0x38;
	[tilespmem:$0x19400] =	vst v63  }
0x4e: {  	_ =	swait.ge [sflag:s15], $0x6400  }
0x4f: {  	[sflag:s15] =	ssyncset.done $0x0  }
0x50: {  	s13 =	sadd.s32 $0xC80, s13;
	[sflag:s15] =	ssyncadd.s32 $0xFFFF9C00  }
0x51: {  	[hbm4b:s13+s1] =	stream.linear.scatter [tilespmem:s23], [sflag:$0x5], $0x6400, $0x38;
	[tilespmem:$0x19400] =	vst v63  }
0x52: {  	s31 =	sadd.s32 $0x32, s14;
	s30 =	simm.s32 $0x1900;
	_ =	swait.ge [sflag:s15], $0x6400  }
0x53: {  	s12 =	smov.u32 s0;
	s13 =	smov.u32 s2;
	[sflag:s15] =	ssyncset.done $0x0  }
.LBB2_2:
0x54: {  	[sflag:s15] =	ssyncadd.s32 $0xFFFF9C00  }
0x55: {  	[tilespmem:s20], [sflag:$0x5] =	stream.linear.gather [hbm4b:s31+s1], $0xC8, $0x38;
	[tilespmem:$0x19400] =	vst v63  }
0x56: {  	_ =	swait.ge [sflag:s15], $0xC8  }
0x57: {  	[sflag:s15] =	ssyncset.done $0x0  }
0x58: {  	s13 =	sadd.s32 $0x32, s13;
	[sflag:s15] =	ssyncadd.s32 $0xFFFFFF38  }
0x59: {  	[tilespmem:s21], [sflag:$0x5] =	stream.linear.gather [hbm4b:s13+s1], $0xC8, $0x38;
	[tilespmem:$0x19400] =	vst v63  }
0x5a: {  	_ =	swait.ge [sflag:s15], $0xC8  }
0x5b: {  	[sflag:s15] =	ssyncset.done $0x0  }
0x5c: {  	[sflag:s15] =	ssyncadd.s32 $0xFFFFFF38  }
0x5d: {  	[tilespmem:s22], [sflag:$0x2] =	stream.indirect.gather [hbm4b:s3+s17], $0x80, s20, s17, $0xb8;
	[tilespmem:$0x19400] =	vst v63  }
0x5e: {  	_ = 	snop  }
0x5f: {  	[tilespmem:s23], [sflag:$0x4] =	stream.indirect.gather [hbm4b:s4+s17], $0x80, s21, s17, $0xb8;
	[tilespmem:$0x19400] =	vst v63  }
0x60: {  	_ =	swait.ge [sflag:s24], $0x6400  }
0x61: {  	[sflag:s24] =	ssyncset.done $0x0  }
0x62: {  	[sflag:s24] =	ssyncadd.s32 $0xFFFF9C00  }
0x63: {  	_ =	swait.ge [sflag:s25], $0x6400  }
0x64: {  	s7 =	smov.u32 s30;
	s8 =	rddreg [dreg:$0x2];
	[sflag:s25] =	ssyncset.done $0x0  }
0x65: {  	[sflag:s25] =	ssyncadd.s32 $0xFFFF9C00;
	s8 =	sadd.s32 s7, s8  }
0x66: {  	[hbm4b:s8+s1] =	stream.linear.scatter [tilespmem:s18], [sflag:$0x5], $0x6400, $0x38;
	[tilespmem:$0x19400] =	vst v63  }
0x67: {  	_ =	swait.ge [sflag:s15], $0x6400  }
0x68: {  	s9 =	rddreg [dreg:$0x3];
	[sflag:s15] =	ssyncset.done $0x0  }
0x69: {  	[sflag:s15] =	ssyncadd.s32 $0xFFFF9C00;
	s7 =	sadd.s32 s7, s9  }
0x6a: {  	[hbm4b:s7+s1] =	stream.linear.scatter [tilespmem:s19], [sflag:$0x5], $0x6400, $0x38;
	[tilespmem:$0x19400] =	vst v63  }
0x6b: {  	s12 =	sadd.s32 $0x190, s12;
	_ =	swait.ge [sflag:s15], $0x6400  }
0x6c: {  	s9 =	sshrl.u32 s12, $0x3;
	[sflag:s15] =	ssyncset.done $0x0  }
0x6d: {  	s10 =	sadd.s32 s5, s9;
	[sflag:s15] =	ssyncadd.s32 $0xFFFF9C00  }
0x6e: {  	[tilespmem:s1], [sflag:$0x5] =	stream.linear.gather [hbm4b:s10+s1], $0xC8, $0x38;
	[tilespmem:$0x19400] =	vst v63  }
0x6f: {  	_ =	swait.ge [sflag:s15], $0xC8  }
0x70: {  	[sflag:s15] =	ssyncset.done $0x0  }
0x71: {  	s9 =	sadd.s32 s6, s9;
	[sflag:s15] =	ssyncadd.s32 $0xFFFFFF38  }
0x72: {  	[tilespmem:s16], [sflag:$0x5] =	stream.linear.gather [hbm4b:s9+s1], $0xC8, $0x38;
	[tilespmem:$0x19400] =	vst v63  }
0x73: {  	_ =	swait.ge [sflag:s15], $0xC8  }
0x74: {  	[sflag:s15] =	ssyncset.done $0x0  }
0x75: {  	[sflag:s15] =	ssyncadd.s32 $0xFFFFFF38  }
0x76: {  	[tilespmem:s18], [sflag:$0x1] =	stream.indirect.gather [hbm4b:s3+s17], $0x80, s1, s17, $0xb8;
	[tilespmem:$0x19400] =	vst v63  }
0x77: {  	_ = 	snop  }
0x78: {  	[tilespmem:s19], [sflag:$0x3] =	stream.indirect.gather [hbm4b:s4+s17], $0x80, s16, s17, $0xb8;
	[tilespmem:$0x19400] =	vst v63  }
0x79: {  	_ =	swait.ge [sflag:s26], $0x6400  }
0x7a: {  	[sflag:s26] =	ssyncset.done $0x0  }
0x7b: {  	[sflag:s26] =	ssyncadd.s32 $0xFFFF9C00  }
0x7c: {  	_ =	swait.ge [sflag:s28], $0x6400  }
0x7d: {  	[sflag:s28] =	ssyncset.done $0x0  }
0x7e: {  	s8 =	sadd.s32 $0xC80, s8;
	[sflag:s28] =	ssyncadd.s32 $0xFFFF9C00  }
0x7f: {  	[hbm4b:s8+s1] =	stream.linear.scatter [tilespmem:s22], [sflag:$0x5], $0x6400, $0x38;
	[tilespmem:$0x19400] =	vst v63  }
0x80: {  	p0 =	sne.s32 s30, $0x5F500;
	_ =	swait.ge [sflag:s15], $0x6400  }
.Ltmp0:
0x81: {  	[sflag:s15] =	ssyncset.done $0x0;
	(pc) =	sbr.rel @p0 .LBB2_2-.Ltmp0, $4  }
0x82: {  	s7 =	sadd.s32 $0xC80, s7;
	[sflag:s15] =	ssyncadd.s32 $0xFFFF9C00  }
0x83: {  	[hbm4b:s7+s1] =	stream.linear.scatter [tilespmem:s23], [sflag:$0x5], $0x6400, $0x38;
	[tilespmem:$0x19400] =	vst v63  }
0x84: {  	_ =	swait.ge [sflag:s15], $0x6400  }
0x85: {  	s30 =	sadd.s32 $0x1900, s30;
	s31 =	sadd.s32 $0x32, s31;
	[sflag:s15] =	ssyncset.done $0x0  }
0x86: {  	[sflag:s15] =	ssyncadd.s32 $0xFFFF9C00  }
0x87: {  	_ =	swait.ge [sflag:s24], $0x6400  }
0x88: {  	[sflag:s24] =	ssyncset.done $0x0  }
0x89: {  	[sflag:s24] =	ssyncadd.s32 $0xFFFF9C00  }
0x8a: {  	_ =	swait.ge [sflag:s25], $0x6400  }
0x8b: {  	[sflag:s25] =	ssyncset.done $0x0  }
0x8c: {  	s7 =	rddreg [dreg:$0x6];
	[sflag:s25] =	ssyncadd.s32 $0xFFFF9C00  }
0x8d: {  	[hbm4b:s7+s1] =	stream.linear.scatter [tilespmem:s18], [sflag:$0x5], $0x6400, $0x38;
	[tilespmem:$0x19400] =	vst v63  }
0x8e: {  	s29 =	sadd.s32 $0x1, s29;
	_ =	swait.ge [sflag:s15], $0x6400  }
0x8f: {  	p0 =	sne.s32 s29, s11;
	[sflag:s15] =	ssyncset.done $0x0  }
.Ltmp1:
0x90: {  	s31 =	rddreg [dreg:$0x7];
	[sflag:s15] =	ssyncadd.s32 $0xFFFF9C00;
	(pc) =	sbr.rel @p0 .LBB2_1-.Ltmp1, $4  }
0x91: {  	[hbm4b:s31+s1] =	stream.linear.scatter [tilespmem:s19], [sflag:$0x5], $0x6400, $0x38;
	[tilespmem:$0x19400] =	vst v63  }
0x92: {  	_ =	swait.ge [sflag:s15], $0x6400  }
0x93: {  	[sflag:s15] =	ssyncset.done $0x0  }
0x94: {  	[sflag:s15] =	ssyncadd.s32 $0xFFFF9C00  }
0x95: {  	_ =	sfence.sel $0x180000  }
0x96: {  	[bflag:$0x0] =	sbarrier.arrive $0xFFFF  }
0x97: {  	_ =	strace $0x90000053  }
0x98: {  	s0 =	stileid.u32;
	[bflag:$0x2] =	sbarrier.arrive $0xFFFF  }
0x99: {  	p0 =	sne.s32 s0, $0x0;
	s0 =	rddreg [dreg:$0x1]  }
0x9a: {  	s0 =	sadd.s32 @!p0 $0x100000, s0  }
0x9b: {  	[sflag:s0] =	ssyncadd.tile.s32 @!p0 $0x1;
	_ =	shalt  }
.Lfunc_end2:
_tile_overlayer_lowered:
.L_overlay_start_2:
0x9c: {  	(tag) =	ssettag $0x2  }
0x9d: {  	s0 =	rddreg [dreg:$0x0];
	s2 =	stileid.u32  }
0x9e: {  	s1 =	rddreg [dreg:$0x1];
	p0 =	sne.s32 s2, $0x0  }
0x9f: {  	s3 =	rddreg [dreg:$0x2];
	[bflag:$0x3] =	sbarrier.arrive $0xFFFF;
	s2 =	simm.s32 @!p0 $0x1C05  }
0xa0: {  	[timem:s3], [sflag:s2] =	dma.local @!p0 [hbm:s0], s1  }
0xa1: {  	s0 =	simm.s32 @!p0 $0x5  }
0xa2: {  	_ =	swait.ge @!p0 [sflag:s0], s1  }
0xa3: {  	s1 =	ssub.s32 @!p0 $0x0, s1;
	[sflag:s0] =	ssyncset.done @!p0 $0x0  }
0xa4: {  	[sflag:s0] =	ssyncadd.s32 @!p0 s1  }
0xa5: {  	[bflag:$0x3] =	sbarrier.arrive $0xFFFF  }
0xa6: {  	_ =	shalt  }

// kernel: kernel.39.cloned.1.call-start
scs
__scs_entry_jumppad:
0x0: {  	(pc) =	sbr.rel $0x88, $3  }
0x1: {  	(tag) =	ssettag $0x0;
	lr =	simm.s32 $0x1  }
0x2: {  	[smem:$0x3F87] =	sst lr;
	_ =	strace $0xD0000000  }
0x3: {  	_ = 	snop  }
0x4: {  	_ = 	snop  }
0x5: {  	_ = 	snop  }
0x6: {  	_ = 	snop  }
0x7: {  	_ = 	snop  }
__scs_overlays_trampoline_lowered:
0x8: {  	[smem:$0x3F96] =	sst s0  }
0x9: {  	[smem:$0x3F97] =	sst s1  }
0xa: {  	[smem:$0x3F98] =	sst s2  }
0xb: {  	[smem:$0x3F99] =	sst s3  }
0xc: {  	[smem:$0x3F9A] =	sst s4  }
0xd: {  	[smem:$0x3F9B] =	sst s5  }
0xe: {  	[smem:$0x3F9C] =	sst s6  }
0xf: {  	[smem:$0x3F9D] =	sst s7  }
0x10: {  	[smem:$0x3F9E] =	sst s8  }
0x11: {  	[smem:$0x3F9F] =	sst s9;
	s0 =	simm.s32 @!p0 $0x0  }
0x12: {  	s1 =	sld [smem:$0x3F85];
	s0 =	simm.s32 @p0 $0x1  }
0x13: {  	[smem:$0x3FA0] =	sst s0;
	s0 =	simm.s32 @!p1 $0x0  }
0x14: {  	s2 =	sld [smem:$0x3F84];
	s0 =	simm.s32 @p1 $0x1  }
0x15: {  	[smem:$0x3FA1] =	sst s0;
	s0 =	simm.s32 @!p2 $0x0  }
0x16: {  	s3 =	sld [smem:$0x3FDB];
	s0 =	simm.s32 @p2 $0x1  }
0x17: {  	s4 =	simm.s32 $0x1BF5;
	[smem:$0x3FA3] =	sst s0  }
0x18: {  	s0 =	sld [smem:$0x3F86];
	_ =	swait.ge [sflag:s4], $0x0  }
0x19: {  	s7 =	sld [smem:$0x3F87]  }
0x1a: {  	s8 =	sadd.s32 $0xFFFFE003, lr  }
0x1b: {  	s9 =	sadd.s32 $0xFFFFFEF7, lr;
	s5 =	simm.s32 $0xFFFFFFFF;
	p2 =	slt.u32 s8, $0xFFFFF086  }
0x1c: {  	p1 =	slt.u32 s9, $0xF7A;
	s5 =	simm.s32 @!p2 $0x0  }
0x1d: {  	s5 =	simm.s32 @p1 $0x1;
	p0 =	seq.s32 s7, s2  }
0x1e: {  	s7 =	smul.u32 @!p0 $0xF7A, s2;
	p2 =	seq.s32 @!p0 s5, $0x0  }
0x1f: {  	s9 =	smul.u32 $0xF7A, s1;
	s8 =	simm.s32 @!p0 $0x1BF5;
	p2 =	por !p2, p0  }
0x20: {  	[sflag:s8] =	ssyncset.s32 @!p0 $0xFFFFF086;
	s6 =	sadd.s32 @!p0 s3, s7;
	s7 =	simm.s32 @!p0 $0x108  }
0x21: {  	s3 =	sadd.s32 s3, s9;
	s6 =	sadd.s32 @!p0 $0x88, s6;
	s7 =	simm.s32 @p2 $0x1082  }
0x22: {  	[simem:s7], [sflag:s8] =	dma.local @!p0 [hbm:s6], $0xF7A  }
0x23: {  	s9 =	sor.u32 $0xD0000000, s2;
	s6 =	simm.s32 $0x108;
	_ =	swait.ge @!p0 [sflag:s8], $0x0  }
0x24: {  	s3 =	sadd.s32 $0x88, s3;
	s6 =	simm.s32 @!p1 $0x1082;
	[sflag:s4] =	ssyncset.s32 $0xFFFFF086  }
0x25: {  	[simem:s6], [sflag:s4] =	dma.local [hbm:s3], $0xF7A  }
0x26: {  	[smem:$0x3F87] =	sst s1;
	(tag) =	ssettag s2;
	_ =	strace s9  }
0x27: {  	s1 =	sld [smem:$0x3F97]  }
0x28: {  	s2 =	sld [smem:$0x3F98]  }
0x29: {  	s4 =	sld [smem:$0x3F9A]  }
0x2a: {  	p0 =	seq.s32 s5, $0x0;
	s5 =	sld [smem:$0x3F9B]  }
0x2b: {  	s6 =	sld [smem:$0x3F9C]  }
0x2c: {  	s7 =	sld [smem:$0x3F9D]  }
0x2d: {  	s3 =	simm.s32 $0x108;
	s8 =	sld [smem:$0x3F9E]  }
0x2e: {  	s3 =	simm.s32 @!p0 $0x1082;
	s9 =	sld [smem:$0x3F9F]  }
0x2f: {  	lr =	sadd.s32 s0, s3;
	s0 =	sld [smem:$0x3F96]  }
0x30: {  	s3 =	sld [smem:$0x3F99]  }
0x31: {  	[smem:$0x3FA2] =	sst s10  }
0x32: {  	s10 =	sld [smem:$0x3FA0];
	_ =	sdelay $0x3  }
0x33: {  	p0 =	seq.s32 s10, $0x1;
	s10 =	sld [smem:$0x3FA2];
	_ =	sdelay $0x3  }
0x34: {  	[smem:$0x3FA2] =	sst s10  }
0x35: {  	s10 =	sld [smem:$0x3FA1];
	_ =	sdelay $0x3  }
0x36: {  	p1 =	seq.s32 s10, $0x1;
	s10 =	sld [smem:$0x3FA2];
	_ =	sdelay $0x3  }
0x37: {  	[smem:$0x3FA2] =	sst s10  }
0x38: {  	s10 =	sld [smem:$0x3FA3]  }
0x39: {  	_ = 	snop;
	(pc) =	sbr.ind lr, $3  }
0x3a: {  	_ = 	snop  }
0x3b: {  	_ = 	snop  }
0x3c: {  	p2 =	seq.s32 s10, $0x1;
	s10 =	sld [smem:$0x3FA2]  }
0x3d: {  	_ =	shalt  }
0x3e: {  	_ =	shalt  }
0x3f: {  	_ =	shalt  }
0x40: {  	_ =	shalt  }
0x41: {  	_ =	shalt  }
0x42: {  	_ =	shalt  }
0x43: {  	_ =	shalt  }
0x44: {  	_ =	shalt  }
0x45: {  	_ =	shalt  }
0x46: {  	_ =	shalt  }
0x47: {  	_ =	shalt  }
0x48: {  	_ =	shalt  }
0x49: {  	_ =	shalt  }
0x4a: {  	_ =	shalt  }
0x4b: {  	_ =	shalt  }
0x4c: {  	_ =	shalt  }
0x4d: {  	_ =	shalt  }
0x4e: {  	_ =	shalt  }
0x4f: {  	_ =	shalt  }
0x50: {  	_ =	shalt  }
0x51: {  	_ =	shalt  }
0x52: {  	_ =	shalt  }
0x53: {  	_ =	shalt  }
0x54: {  	_ =	shalt  }
0x55: {  	_ =	shalt  }
0x56: {  	_ =	shalt  }
0x57: {  	_ =	shalt  }
0x58: {  	_ =	shalt  }
0x59: {  	_ =	shalt  }
0x5a: {  	_ =	shalt  }
0x5b: {  	_ =	shalt  }
0x5c: {  	_ =	shalt  }
0x5d: {  	_ =	shalt  }
0x5e: {  	_ =	shalt  }
0x5f: {  	_ =	shalt  }
0x60: {  	_ =	shalt  }
0x61: {  	_ =	shalt  }
0x62: {  	_ =	shalt  }
0x63: {  	_ =	shalt  }
0x64: {  	_ =	shalt  }
0x65: {  	_ =	shalt  }
0x66: {  	_ =	shalt  }
0x67: {  	_ =	shalt  }
0x68: {  	_ =	shalt  }
0x69: {  	_ =	shalt  }
0x6a: {  	_ =	shalt  }
0x6b: {  	_ =	shalt  }
0x6c: {  	_ =	shalt  }
0x6d: {  	_ =	shalt  }
0x6e: {  	_ =	shalt  }
0x6f: {  	_ =	shalt  }
0x70: {  	_ =	shalt  }
0x71: {  	_ =	shalt  }
0x72: {  	_ =	shalt  }
0x73: {  	_ =	shalt  }
0x74: {  	_ =	shalt  }
0x75: {  	_ =	shalt  }
0x76: {  	_ =	shalt  }
0x77: {  	_ =	shalt  }
0x78: {  	_ =	shalt  }
0x79: {  	_ =	shalt  }
0x7a: {  	_ =	shalt  }
0x7b: {  	_ =	shalt  }
0x7c: {  	_ =	shalt  }
0x7d: {  	_ =	shalt  }
0x7e: {  	_ =	shalt  }
0x7f: {  	_ =	shalt  }
0x80: {  	_ =	shalt  }
0x81: {  	_ =	shalt  }
0x82: {  	_ =	shalt  }
0x83: {  	_ =	shalt  }
0x84: {  	_ =	shalt  }
0x85: {  	_ =	shalt  }
0x86: {  	_ =	shalt  }
0x87: {  	_ =	shalt  }
.Lfunc_end0:
.L_simem_size_0:
called_computation.5_lowered:
.L_overlay_start_0:
0x88: {  	s2 =	sld [smem:$0x3FD9]  }
0x89: {  	s3 =	sld [smem:$0x3FFE];
	_ =	sdelay $0x1  }
0x8a: {  	s1 =	srdreg.scid  }
0x8b: {  	s0 =	sand.u32 $0x1, s1  }
0x8c: {  	s16 =	sshll.u32 s0, $0xA;
	s2 =	sadd.s32 s3, s2  }
0x8d: {  	s2 =	sadd.s32 s2, s16  }
0x8e: {  	[smem:$0x3FAE] =	sst s2  }
0x8f: {  	_ = 	snop  }
0x90: {  	(tm) =	ssettm $0x1  }
0x91: {  	s17 =	sld [smem:$0x3FFB];
	_ =	sdelay $0x3  }
0x92: {  	_ =	strace s17  }
0x93: {  	s2 =	sld [smem:$0x3FFC];
	_ =	sdelay $0x3  }
0x94: {  	_ =	strace s2  }
0x95: {  	s2 =	sld [smem:$0x3FFD];
	_ =	sdelay $0x3  }
0x96: {  	_ =	strace s2  }
0x97: {  	_ =	strace $0x8FFFFFFF  }
0x98: {  	s18 =	sld [smem:$0x3FDB];
	_ =	sdelay $0x1  }
0x99: {  	s19 =	simm.s32 $_scs_section_size  }
0x9a: {  	s4 =	simm.s32 $_size__tile_overlayer_lowered;
	s5 =	simm.s32 $_tile_overlayer_lowered  }
0x9b: {  	s22 =	simm.s32 $0x1BFF;
	s21 =	sshll.u32 s5, $0x1;
	s2 =	sadd.s32 s19, s18  }
0x9c: {  	s6 =	simm.s32 $0x0;
	s20 =	sshll.u32 s4, $0x1;
	s4 =	sadd.s32 s21, s2  }
0x9d: {  	[timem:s6], [sflag:s22] =	dma.local [hbm:s4], s20  }
0x9e: {  	_ =	swait.ge [sflag:s22], s20  }
0x9f: {  	s3 =	ssub.s32 $0x0, s20;
	[sflag:s22] =	ssyncset.done $0x0  }
0xa0: {  	[sflag:s22] =	ssyncadd.s32 s3;
	_ =	sdelay $0x1  }
0xa1: {  	s23 =	simm.s32 $0x1B8B  }
0xa2: {  	_ =	swait.ge [sflag:s23], $0x1  }
0xa3: {  	[sflag:s23] =	ssyncset.done $0x0  }
0xa4: {  	s25 =	simm.s32 $0x1B8E;
	s24 =	sld [smem:$0x3FFE];
	[sflag:s23] =	ssyncadd.s32 $0xFFFFFFFF  }
0xa5: {  	s26 =	simm.s32 $execute0_lowered;
	[smem:$0x3FD2] =	sst s25  }
0xa6: {  	s4 =	sshll.u32 s26, $0x1;
	_ =	strace $0x80000055;
	[dreg:$0x1] =	wrdreg $0xFFFFFFFF  }
0xa7: {  	s28 =	simm.s32 $_size_execute0_lowered;
	s2 =	sadd.s32 s2, s4;
	[dreg:$0x0] =	wrdreg $0x0  }
0xa8: {  	s4 =	sshll.u32 s28, $0x1;
	[dreg:$0x2] =	wrdreg s2  }
0xa9: {  	[dreg:$0x3] =	wrdreg s4  }
0xaa: {  	[dreg:$0x4] =	wrdreg $0xC0  }
0xab: {  	_ =	task [dreg:s6], $0x5FFFF  }
0xac: {  	[dreg:$0x1] =	wrdreg $0xFFFFFFFF  }
0xad: {  	[dreg:$0x0] =	wrdreg $0x60  }
0xae: {  	[dreg:$0x2] =	wrdreg s24  }
0xaf: {  	[dreg:$0x3] =	wrdreg $0x33900  }
0xb0: {  	[dreg:$0x4] =	wrdreg $0x9  }
0xb1: {  	_ =	task.clear_ibuf [dreg:s6], $0x5FFFF;
	_ =	strace $0x90000055  }
0xb2: {  	s29 =	simm.s32 $0x9;
	_ =	strace $0x80000057  }
0xb3: {  	_ =	swait.ge [sflag:s29], $0x1  }
0xb4: {  	[sflag:s29] =	ssyncadd.s32 $0xFFFFFFFF  }
0xb5: {  	_ =	strace $0x90000057  }
0xb6: {  	_ =	sfence  }
0xb7: {  	s30 =	sld [smem:$0x0];
	_ =	sdelay $0x2  }
0xb8: {  	s31 =	sshll.u32 s1, $0xD;
	s1 =	sshrl.u32 s1, $0x2  }
0xb9: {  	s3 =	sand.u32 $0x4000, s31;
	s1 =	sadd.s32 s1, s30  }
0xba: {  	s0 =	sor.u32 s3, s0;
	s1 =	sshll.u32 s1, $0x11  }
0xbb: {  	s0 =	sor.u32 s1, s0  }
0xbc: {  	s0 =	sadd.s32 $0x8F2B, s0  }
0xbd: {  	[sflag:s0] =	ssyncadd.remote.s32 $0x1  }
0xbe: {  	_ =	sfence.sel $0xFFFF  }
0xbf: {  	[dreg:$0x0] =	wrdreg $0xFFFFFFFF;
	(pc) =	sbr.abs _section_cstart, $3  }
0xc0: {  	[dreg:$0x1] =	wrdreg $0xFFFFFFFF  }
0xc1: {  	_ =	task.clear_ibuf [dreg:s6], $0x2FFFF;
	_ =	strace $0x9FFFFFFF  }
0xc2: {  	(tm) =	ssettm $0x7FFFFFFF  }
0xc3: {  	_ =	shalt  }
tec
execute0_lowered:
.L_overlay_start_1:
0x0: {  	(tag) =	ssettag $0x1  }
0x1: {  	s0 =	rddreg [dreg:$0x0]  }
0x2: {  	s18 =	stileid.u32;
	s2 =	srdreg.scid  }
0x3: {  	s1 =	simm.s32 $0x0;
	s31 =	simm.s32 $0x20;
	s3 =	smul.u32 $0xC350, s18  }
0x4: {  	s2 =	sand.u32 $0x1, s2;
	s4 =	smul.u32 $0x61A800, s18;
	[smem:$0x7FF] =	sst s1  }
0x5: {  	s7 =	sadd.s32 $0xA0200, s0;
	s9 =	smul.u32 $0x3200, s18;
	s14 =	sor.u32 $0x70, s18  }
0x6: {  	p1 =	sne.s32 s18, $0x0;
	s5 =	ssub.s32 $0x2, s2;
	s6 =	smul.u32 $0x186A00, s2  }
0x7: {  	s15 =	sshll.u32 s2, $0x5;
	p0 =	sgt.u32 s14, $0x7C;
	s8 =	sshrl.u32 s5, $0x1  }
0x8: {  	s10 =	sadd.s32 $0xC288, s3;
	s2 =	sor.u32 s15, s4;
	s12 =	sadd.s32 $0x64000, s9  }
0x9: {  	s3 =	sshrl.u32 s3, $0x3;
	s5 =	ssub.s32 s5, s8;
	s16 =	sshll.u32 s10, $0x7  }
0xa: {  	s11 =	sadd.s32 s6, s9;
	s13 =	sadd.s32 s6, s12;
	s4 =	sor.u32 s15, s16  }
0xb: {  	s17 =	sshrl.u32 s11, $0x3;
	s11 =	sadd.s32 $0x32000, s9;
	s15 =	sadd.s32 $0x96000, s9  }
0xc: {  	s20 =	sshrl.u32 s13, $0x3;
	s16 =	sadd.s32 $0xC8000, s9;
	s13 =	sshrl.u32 s10, $0x3  }
0xd: {  	s8 =	sadd.s32 s7, s17;
	s19 =	sadd.s32 s6, s11;
	s21 =	sadd.s32 s6, s15  }
0xe: {  	s23 =	sadd.s32 s6, s16;
	s17 =	sadd.s32 $0xFA000, s9;
	[dreg:$0x3] =	wrdreg s8  }
0xf: {  	s8 =	sshrl.u32 s19, $0x3;
	s22 =	sshrl.u32 s21, $0x3;
	s19 =	smul.u32 $0x3200, s14  }
0x10: {  	s24 =	sadd.s32 s6, s17;
	s21 =	smul.u32 $0x186A, s18;
	s8 =	sadd.s32 s7, s8  }
0x11: {  	[dreg:$0x4] =	wrdreg s8;
	s8 =	sadd.s32 s7, s20;
	s20 =	sadd.s32 $0x12C000, s9  }
0x12: {  	[dreg:$0x5] =	wrdreg s8;
	s8 =	sadd.s32 s7, s22;
	s25 =	sadd.s32 s6, s20  }
0x13: {  	s6 =	sadd.s32 s6, s19;
	[dreg:$0x6] =	wrdreg s8;
	s8 =	sshrl.u32 s23, $0x3  }
0x14: {  	s14 =	sadd.s32 $0x1C17A00, s0;
	s6 =	sshrl.u32 s6, $0x3;
	s8 =	sadd.s32 s7, s8  }
0x15: {  	s26 =	sshrl.u32 s25, $0x3;
	s6 =	sadd.s32 s7, s6;
	[dreg:$0x7] =	wrdreg s8  }
0x16: {  	s8 =	sshrl.u32 s24, $0x3;
	[dreg:$0xa] =	wrdreg s6;
	s24 =	sshrl.u32 s2, $0x3  }
0x17: {  	s6 =	smax.u32 s5, $0x1;
	s5 =	simm.s32 $0x3;
	s8 =	sadd.s32 s7, s8  }
0x18: {  	s25 =	sadd.s32 s14, s24;
	[dreg:$0x8] =	wrdreg s8;
	s8 =	sadd.s32 s7, s26  }
0x19: {  	s26 =	sshrl.u32 s4, $0x3;
	[dreg:$0x9] =	wrdreg s8;
	s8 =	sadd.s32 $0x24600, s0  }
0x1a: {  	s3 =	sadd.s32 s8, s3;
	s22 =	sadd.s32 s8, s13;
	s13 =	rddreg [dreg:$0x1]  }
0x1b: {  	s4 =	simm.s32 $0x1;
	s0 =	sadd.s32 $0x6F400, s0;
	[dreg:$0xb] =	wrdreg s3  }
0x1c: {  	s23 =	sadd.s32 s21, s8;
	s21 =	sadd.s32 $0x6400, s2;
	[dreg:$0xc] =	wrdreg s22  }
0x1d: {  	s7 =	sadd.s32 s9, s13;
	s8 =	sadd.s32 s11, s13;
	s10 =	sadd.s32 s12, s13  }
0x1e: {  	s12 =	sadd.s32 s15, s13;
	s16 =	sadd.s32 s16, s13;
	s17 =	sadd.s32 s17, s13  }
0x1f: {  	s22 =	sadd.s32 s20, s13;
	s11 =	sadd.s32 s19, s13;
	s9 =	sshrl.u32 s21, $0x3  }
0x20: {  	s15 =	sadd.s32 $0xC800, s2;
	_ =	strace $0x80000056;
	[dreg:$0xd] =	wrdreg s0  }
0x21: {  	s20 =	sadd.s32 $0x32, s23;
	s2 =	simm.s32 $0xC8;
	[dreg:$0xe] =	wrdreg s25  }
0x22: {  	s3 =	simm.s32 $0x1A90;
	[dreg:$0xf] =	wrdreg s6;
	s0 =	sadd.s32 s14, s26  }
0x23: {  	s21 =	sadd.s32 s9, s14;
	s23 =	sshrl.u32 s8, $0x3;
	s24 =	sshrl.u32 s10, $0x3  }
0x24: {  	s25 =	sshrl.u32 s12, $0x3;
	s26 =	sshrl.u32 s16, $0x3;
	s28 =	sshrl.u32 s17, $0x3  }
0x25: {  	s29 =	sshrl.u32 s22, $0x3;
	s30 =	sshrl.u32 @!p0 s11, $0x3;
	s10 =	simm.s32 $0x80  }
0x26: {  	s6 =	simm.s32 $0x6;
	s8 =	simm.s32 $0x4;
	s9 =	simm.s32 $0x5  }
0x27: {  	s11 =	simm.s32 $0x0;
	[dreg:$0x10] =	wrdreg s0;
	s0 =	sshrl.u32 s7, $0x3  }
0x28: {  	s7 =	simm.s32 $0x2;
	[dreg:$0x11] =	wrdreg s0;
	s0 =	simm.s32 $0x190  }
.LBB2_1:
0x29: {  	s12 =	sshrl.u32 @!p1 s13, $0x3;
	s16 =	simm.s32 @!p1 $0x1C05;
	s17 =	rddreg [dreg:$0xd]  }
0x2a: {  	[spmem:s12], [sflag:s16] =	dma.local @!p1 [hbm:s17], $0x30D40  }
0x2b: {  	s12 =	simm.s32 @!p1 $0x5  }
0x2c: {  	_ =	swait.ge @!p1 [sflag:s12], $0x30D40  }
0x2d: {  	[sflag:s12] =	ssyncset.done @!p1 $0x0  }
0x2e: {  	[sflag:s12] =	ssyncadd.s32 @!p1 $0xFFFCF2C0  }
0x2f: {  	[bflag:$0x0] =	sbarrier.arrive $0xFFFF  }
0x30: {  	s16 =	rddreg [dreg:$0xb]  }
0x31: {  	[tilespmem:s1], [sflag:$0x1] =	stream.linear.gather [hbm4b:s16+s1], $0xC8, $0x38;
	[tilespmem:$0x1BA30] =	vst v63  }
0x32: {  	s17 =	rddreg [dreg:$0xe]  }
0x33: {  	[tilespmem:s0], [sflag:$0x3] =	stream.strided.gather [hbm4b:s17+s31], $0x1900, s10, s31, $0x38;
	[tilespmem:$0x1BA30] =	vst v63  }
0x34: {  	s18 =	sadd.s32 $0xFFFFFFE7, s20  }
0x35: {  	[tilespmem:s2], [sflag:$0x2] =	stream.linear.gather [hbm4b:s18+s1], $0xC8, $0x38;
	[tilespmem:$0x1BA30] =	vst v63  }
0x36: {  	s19 =	sadd.s32 $0x0, s21  }
0x37: {  	[tilespmem:s3], [sflag:$0x4] =	stream.strided.gather [hbm4b:s19+s31], $0x1900, s10, s31, $0x38;
	[tilespmem:$0x1BA30] =	vst v63  }
0x38: {  	_ =	swait.ge [sflag:s4], $0xC8  }
0x39: {  	[sflag:s4] =	ssyncset.done $0x0  }
0x3a: {  	[sflag:s4] =	ssyncadd.s32 $0xFFFFFF38  }
0x3b: {  	_ =	swait.ge [sflag:s5], $0x1900  }
0x3c: {  	[sflag:s5] =	ssyncset.done $0x0  }
0x3d: {  	[sflag:s5] =	ssyncadd.s32 $0xFFFFE700  }
0x3e: {  	[spmem:s13] =	stream.indirect.scatter.add.f32 [tilespmem:s0], [sflag:$0x6], $0x20, s1, s2, $0xb8;
	[tilespmem:$0x1BA30] =	vst v63  }
0x3f: {  	_ =	swait.ge [sflag:s6], $0x1900  }
0x40: {  	[sflag:s6] =	ssyncset.done $0x0  }
0x41: {  	s22 =	sshrl.u32 s15, $0x3;
	[sflag:s6] =	ssyncadd.s32 $0xFFFFE700  }
0x42: {  	[tilespmem:s1], [sflag:$0x1] =	stream.linear.gather [hbm4b:s20+s1], $0xC8, $0x38;
	[tilespmem:$0x1BA30] =	vst v63  }
0x43: {  	s12 =	sadd.s32 s14, s22  }
0x44: {  	[tilespmem:s0], [sflag:$0x3] =	stream.strided.gather [hbm4b:s12+s31], $0x1900, s10, s31, $0x38;
	[tilespmem:$0x1BA30] =	vst v63  }
0x45: {  	_ =	swait.ge [sflag:s7], $0xC8  }
0x46: {  	[sflag:s7] =	ssyncset.done $0x0  }
0x47: {  	[sflag:s7] =	ssyncadd.s32 $0xFFFFFF38  }
0x48: {  	_ =	swait.ge [sflag:s8], $0x1900  }
0x49: {  	[sflag:s8] =	ssyncset.done $0x0  }
0x4a: {  	[sflag:s8] =	ssyncadd.s32 $0xFFFFE700  }
0x4b: {  	[spmem:s13] =	stream.indirect.scatter.add.f32 [tilespmem:s3], [sflag:$0x5], $0x20, s2, s2, $0xb8;
	[tilespmem:$0x1BA30] =	vst v63  }
0x4c: {  	s16 =	simm.s32 $0x1900;
	s17 =	simm.s32 $0x3200;
	_ =	swait.ge [sflag:s9], $0x1900  }
0x4d: {  	s19 =	smov.u32 s15;
	s12 =	sadd.s32 $0x32, s20;
	[sflag:s9] =	ssyncset.done $0x0  }
.LBB2_2:
0x4e: {  	s18 =	sadd.s32 $0xFFFFFFE7, s12  }
0x4f: {  	[sflag:s9] =	ssyncadd.s32 $0xFFFFE700;
	s19 =	sadd.s32 $0xC800, s19;
	s22 =	smov.u32 s17  }
0x50: {  	[tilespmem:s2], [sflag:$0x2] =	stream.linear.gather [hbm4b:s18+s1], $0xC8, $0x38;
	[tilespmem:$0x1BA30] =	vst v63  }
0x51: {  	p2 =	sne.s32 s17, $0xC0300;
	s17 =	sadd.s32 $0x1900, s17;
	s16 =	sadd.s32 s16, s21  }
0x52: {  	[tilespmem:s3], [sflag:$0x4] =	stream.strided.gather [hbm4b:s16+s31], $0x1900, s10, s31, $0x38;
	[tilespmem:$0x1BA30] =	vst v63  }
0x53: {  	s16 =	smov.u32 s22;
	_ =	swait.ge [sflag:s4], $0xC8  }
0x54: {  	[sflag:s4] =	ssyncset.done $0x0  }
0x55: {  	[sflag:s4] =	ssyncadd.s32 $0xFFFFFF38  }
0x56: {  	_ =	swait.ge [sflag:s5], $0x1900  }
0x57: {  	[sflag:s5] =	ssyncset.done $0x0  }
0x58: {  	[sflag:s5] =	ssyncadd.s32 $0xFFFFE700  }
0x59: {  	[spmem:s13] =	stream.indirect.scatter.add.f32 [tilespmem:s0], [sflag:$0x6], $0x20, s1, s2, $0xb8;
	[tilespmem:$0x1BA30] =	vst v63  }
0x5a: {  	_ =	swait.ge [sflag:s6], $0x1900  }
0x5b: {  	[sflag:s6] =	ssyncset.done $0x0  }
0x5c: {  	s18 =	sshrl.u32 s19, $0x3;
	[sflag:s6] =	ssyncadd.s32 $0xFFFFE700  }
0x5d: {  	[tilespmem:s1], [sflag:$0x1] =	stream.linear.gather [hbm4b:s12+s1], $0xC8, $0x38;
	[tilespmem:$0x1BA30] =	vst v63  }
0x5e: {  	s18 =	sadd.s32 s14, s18  }
0x5f: {  	[tilespmem:s0], [sflag:$0x3] =	stream.strided.gather [hbm4b:s18+s31], $0x1900, s10, s31, $0x38;
	[tilespmem:$0x1BA30] =	vst v63  }
0x60: {  	_ =	swait.ge [sflag:s7], $0xC8  }
0x61: {  	[sflag:s7] =	ssyncset.done $0x0  }
0x62: {  	[sflag:s7] =	ssyncadd.s32 $0xFFFFFF38  }
0x63: {  	_ =	swait.ge [sflag:s8], $0x1900  }
.Ltmp0:
0x64: {  	[sflag:s8] =	ssyncset.done $0x0;
	(pc) =	sbr.rel @p2 .LBB2_2-.Ltmp0, $4  }
0x65: {  	[sflag:s8] =	ssyncadd.s32 $0xFFFFE700  }
0x66: {  	[spmem:s13] =	stream.indirect.scatter.add.f32 [tilespmem:s3], [sflag:$0x5], $0x20, s2, s2, $0xb8;
	[tilespmem:$0x1BA30] =	vst v63  }
0x67: {  	_ =	swait.ge [sflag:s9], $0x1900  }
0x68: {  	s12 =	sadd.s32 $0x32, s12;
	[sflag:s9] =	ssyncset.done $0x0  }
0x69: {  	s17 =	sadd.s32 $0xFFFFFFE7, s12;
	[sflag:s9] =	ssyncadd.s32 $0xFFFFE700  }
0x6a: {  	[tilespmem:s2], [sflag:$0x2] =	stream.linear.gather [hbm4b:s17+s1], $0xC8, $0x38;
	[tilespmem:$0x1BA30] =	vst v63  }
0x6b: {  	s16 =	sadd.s32 s16, s21  }
0x6c: {  	[tilespmem:s3], [sflag:$0x4] =	stream.strided.gather [hbm4b:s16+s31], $0x1900, s10, s31, $0x38;
	[tilespmem:$0x1BA30] =	vst v63  }
0x6d: {  	_ =	swait.ge [sflag:s4], $0xC8  }
0x6e: {  	[sflag:s4] =	ssyncset.done $0x0  }
0x6f: {  	[sflag:s4] =	ssyncadd.s32 $0xFFFFFF38  }
0x70: {  	_ =	swait.ge [sflag:s5], $0x1900  }
0x71: {  	[sflag:s5] =	ssyncset.done $0x0  }
0x72: {  	[sflag:s5] =	ssyncadd.s32 $0xFFFFE700  }
0x73: {  	[spmem:s13] =	stream.indirect.scatter.add.f32 [tilespmem:s0], [sflag:$0x6], $0x20, s1, s2, $0xb8;
	[tilespmem:$0x1BA30] =	vst v63  }
0x74: {  	_ =	swait.ge [sflag:s6], $0x1900  }
0x75: {  	[sflag:s6] =	ssyncset.done $0x0  }
0x76: {  	s22 =	sadd.s32 $0xC800, s19;
	[sflag:s6] =	ssyncadd.s32 $0xFFFFE700  }
0x77: {  	[tilespmem:s1], [sflag:$0x1] =	stream.linear.gather [hbm4b:s12+s1], $0xC8, $0x38;
	[tilespmem:$0x1BA30] =	vst v63  }
0x78: {  	s12 =	sshrl.u32 s22, $0x3  }
0x79: {  	s12 =	sadd.s32 s14, s12  }
0x7a: {  	[tilespmem:s0], [sflag:$0x3] =	stream.strided.gather [hbm4b:s12+s31], $0x1900, s10, s31, $0x38;
	[tilespmem:$0x1BA30] =	vst v63  }
0x7b: {  	_ =	swait.ge [sflag:s7], $0xC8  }
0x7c: {  	[sflag:s7] =	ssyncset.done $0x0  }
0x7d: {  	[sflag:s7] =	ssyncadd.s32 $0xFFFFFF38  }
0x7e: {  	_ =	swait.ge [sflag:s8], $0x1900  }
0x7f: {  	[sflag:s8] =	ssyncset.done $0x0  }
0x80: {  	[sflag:s8] =	ssyncadd.s32 $0xFFFFE700  }
0x81: {  	[spmem:s13] =	stream.indirect.scatter.add.f32 [tilespmem:s3], [sflag:$0x5], $0x20, s2, s2, $0xb8;
	[tilespmem:$0x1BA30] =	vst v63  }
0x82: {  	_ =	swait.ge [sflag:s9], $0x1900  }
0x83: {  	[sflag:s9] =	ssyncset.done $0x0  }
0x84: {  	s16 =	rddreg [dreg:$0xc];
	[sflag:s9] =	ssyncadd.s32 $0xFFFFE700  }
0x85: {  	[tilespmem:s2], [sflag:$0x2] =	stream.linear.gather [hbm4b:s16+s1], $0xC8, $0x38;
	[tilespmem:$0x1BA30] =	vst v63  }
0x86: {  	s17 =	rddreg [dreg:$0x10]  }
0x87: {  	[tilespmem:s3], [sflag:$0x4] =	stream.strided.gather [hbm4b:s17+s31], $0x1900, s10, s31, $0x38;
	[tilespmem:$0x1BA30] =	vst v63  }
0x88: {  	_ =	swait.ge [sflag:s4], $0xC8  }
0x89: {  	[sflag:s4] =	ssyncset.done $0x0  }
0x8a: {  	[sflag:s4] =	ssyncadd.s32 $0xFFFFFF38  }
0x8b: {  	_ =	swait.ge [sflag:s5], $0x1900  }
0x8c: {  	[sflag:s5] =	ssyncset.done $0x0  }
0x8d: {  	[sflag:s5] =	ssyncadd.s32 $0xFFFFE700  }
0x8e: {  	[spmem:s13] =	stream.indirect.scatter.add.f32 [tilespmem:s0], [sflag:$0x6], $0x20, s1, s2, $0xb8;
	[tilespmem:$0x1BA30] =	vst v63  }
0x8f: {  	_ =	swait.ge [sflag:s6], $0x1900  }
0x90: {  	[sflag:s6] =	ssyncset.done $0x0  }
0x91: {  	[sflag:s6] =	ssyncadd.s32 $0xFFFFE700  }
0x92: {  	_ =	swait.ge [sflag:s7], $0xC8  }
0x93: {  	[sflag:s7] =	ssyncset.done $0x0  }
0x94: {  	[sflag:s7] =	ssyncadd.s32 $0xFFFFFF38  }
0x95: {  	_ =	swait.ge [sflag:s8], $0x1900  }
0x96: {  	[sflag:s8] =	ssyncset.done $0x0  }
0x97: {  	[sflag:s8] =	ssyncadd.s32 $0xFFFFE700  }
0x98: {  	[spmem:s13] =	stream.indirect.scatter.add.f32 [tilespmem:s3], [sflag:$0x5], $0x20, s2, s2, $0xb8;
	[tilespmem:$0x1BA30] =	vst v63  }
0x99: {  	_ =	swait.ge [sflag:s9], $0x1900  }
0x9a: {  	[sflag:s9] =	ssyncset.done $0x0  }
0x9b: {  	[sflag:s9] =	ssyncadd.s32 $0xFFFFE700  }
0x9c: {  	s18 =	stileid.u32;
	[bflag:$0x0] =	sbarrier.arrive $0xFFFF  }
0x9d: {  	s12 =	sshll.u32 s18, $0x6;
	s19 =	rddreg [dreg:$0x3]  }
0x9e: {  	s12 =	sor.u32 $0x1C05, s12;
	s22 =	rddreg [dreg:$0x11]  }
0x9f: {  	[hbm:s19], [sflag:s12] =	dma.local [spmem:s22], $0x640  }
0xa0: {  	_ =	swait.ge [sflag:s9], $0x640  }
0xa1: {  	[sflag:s9] =	ssyncset.done $0x0  }
0xa2: {  	s18 =	rddreg [dreg:$0x4];
	[sflag:s9] =	ssyncadd.s32 $0xFFFFF9C0  }
0xa3: {  	[hbm:s18], [sflag:s12] =	dma.local [spmem:s23], $0x640  }
0xa4: {  	_ =	swait.ge [sflag:s9], $0x640  }
0xa5: {  	[sflag:s9] =	ssyncset.done $0x0  }
0xa6: {  	s19 =	rddreg [dreg:$0x5];
	[sflag:s9] =	ssyncadd.s32 $0xFFFFF9C0  }
0xa7: {  	[hbm:s19], [sflag:s12] =	dma.local [spmem:s24], $0x640  }
0xa8: {  	_ =	swait.ge [sflag:s9], $0x640  }
0xa9: {  	[sflag:s9] =	ssyncset.done $0x0  }
0xaa: {  	s22 =	rddreg [dreg:$0x6];
	[sflag:s9] =	ssyncadd.s32 $0xFFFFF9C0  }
0xab: {  	[hbm:s22], [sflag:s12] =	dma.local [spmem:s25], $0x640  }
0xac: {  	_ =	swait.ge [sflag:s9], $0x640  }
0xad: {  	[sflag:s9] =	ssyncset.done $0x0  }
0xae: {  	s17 =	rddreg [dreg:$0x7];
	[sflag:s9] =	ssyncadd.s32 $0xFFFFF9C0  }
0xaf: {  	[hbm:s17], [sflag:s12] =	dma.local [spmem:s26], $0x640  }
0xb0: {  	_ =	swait.ge [sflag:s9], $0x640  }
0xb1: {  	[sflag:s9] =	ssyncset.done $0x0  }
0xb2: {  	s18 =	rddreg [dreg:$0x8];
	[sflag:s9] =	ssyncadd.s32 $0xFFFFF9C0  }
0xb3: {  	[hbm:s18], [sflag:s12] =	dma.local [spmem:s28], $0x640  }
0xb4: {  	_ =	swait.ge [sflag:s9], $0x640  }
0xb5: {  	[sflag:s9] =	ssyncset.done $0x0  }
0xb6: {  	s19 =	rddreg [dreg:$0x9];
	[sflag:s9] =	ssyncadd.s32 $0xFFFFF9C0  }
0xb7: {  	[hbm:s19], [sflag:s12] =	dma.local [spmem:s29], $0x640  }
0xb8: {  	_ =	swait.ge [sflag:s9], $0x640  }
0xb9: {  	[sflag:s9] =	ssyncset.done $0x0  }
0xba: {  	s16 =	rddreg [dreg:$0xa];
	[sflag:s9] =	ssyncadd.s32 $0xFFFFF9C0  }
0xbb: {  	[hbm:s16], [sflag:s12] =	dma.local @!p0 [spmem:s30], $0x640  }
0xbc: {  	s12 =	simm.s32 @!p0 $0x5  }
0xbd: {  	_ =	swait.ge @!p0 [sflag:s12], $0x640  }
0xbe: {  	s11 =	sadd.s32 $0x1, s11;
	s22 =	rddreg [dreg:$0xf]  }
0xbf: {  	p2 =	sne.s32 s11, s22  }
.Ltmp1:
0xc0: {  	_ = 	snop;
	(pc) =	sbr.rel @p2 .LBB2_1-.Ltmp1, $3  }
0xc1: {  	_ =	sdelay $0x1  }
0xc2: {  	[sflag:s12] =	ssyncset.done @!p0 $0x0  }
0xc3: {  	[sflag:s12] =	ssyncadd.s32 @!p0 $0xFFFFF9C0  }
0xc4: {  	_ =	sfence.sel $0x180000  }
0xc5: {  	[bflag:$0x0] =	sbarrier.arrive $0xFFFF  }
0xc6: {  	_ =	strace $0x90000056  }
0xc7: {  	[bflag:$0x2] =	sbarrier.arrive $0xFFFF  }
0xc8: {  	s0 =	rddreg [dreg:$0x2]  }
0xc9: {  	s0 =	sadd.s32 @!p1 $0x100000, s0  }
0xca: {  	[sflag:s0] =	ssyncadd.tile.s32 @!p1 $0x1;
	_ =	shalt  }
.Lfunc_end2:
_tile_overlayer_lowered:
.L_overlay_start_2:
0xcb: {  	(tag) =	ssettag $0x2  }
0xcc: {  	s0 =	rddreg [dreg:$0x0];
	s2 =	stileid.u32  }
0xcd: {  	s1 =	rddreg [dreg:$0x1];
	p0 =	sne.s32 s2, $0x0  }
0xce: {  	s3 =	rddreg [dreg:$0x2];
	[bflag:$0x3] =	sbarrier.arrive $0xFFFF;
	s2 =	simm.s32 @!p0 $0x1C05  }
0xcf: {  	[timem:s3], [sflag:s2] =	dma.local @!p0 [hbm:s0], s1  }
0xd0: {  	s0 =	simm.s32 @!p0 $0x5  }
0xd1: {  	_ =	swait.ge @!p0 [sflag:s0], s1  }
0xd2: {  	s1 =	ssub.s32 @!p0 $0x0, s1;
	[sflag:s0] =	ssyncset.done @!p0 $0x0  }
0xd3: {  	[sflag:s0] =	ssyncadd.s32 @!p0 s1  }
0xd4: {  	[bflag:$0x3] =	sbarrier.arrive $0xFFFF  }
0xd5: {  	_ =	shalt  }

</sc_bundles>
